<compile_context>
chip_gen: v7x
topology: tpu7x:2x2x1
jax: 0.10.2.dev20260603
libtpu: 0.0.44.dev20260713+nightly
codegen_flags: <defaults>
</compile_context>

<pallas_src>
import functools

import jax
import jax.numpy as jnp
from jax import lax
from jax.experimental import pallas as pl
from jax.experimental.pallas import tpu as pltpu
from jax.experimental.pallas import tpu_sc as plsc

B, N = 16, 1024
D_FEAT, D_COORD, COND = 253, 3, 512
DX = D_FEAT + D_COORD
HID = 512
K = 32

_P = lax.Precision.DEFAULT



def _dot_t(a, b, precision=_P):
    return lax.dot_general(a, b, (((1,), (1,)), ((), ())),
                           preferred_element_type=jnp.float32,
                           precision=precision)


def _fused_body(x_ref, cond_ref, W1_ref, b1_ref, W2_ref, b2_ref, out_ref):
    b = pl.program_id(0)
    x = x_ref[0]
    cond = cond_ref[pl.ds(b, 1), :]
    q = jnp.concatenate(
        [x, jnp.broadcast_to(cond, (N, COND))], axis=1)
    h = jnp.maximum(_dot_t(q, W1_ref[...]) + b1_ref[...][None, :], 0.0)
    f = jnp.maximum(_dot_t(h, W2_ref[...]) + b2_ref[...][None, :], 0.0)
    out_ref[0] = _dot_t(f, f)


def _logits(x, cond_feats, W1, b1, W2, b2):
    nb = x.shape[0]
    return pl.pallas_call(
        _fused_body,
        grid=(nb,),
        in_specs=[
            pl.BlockSpec((1, N, DX), lambda b: (b, 0, 0)),
            pl.BlockSpec((nb, COND), lambda b: (0, 0)),
            pl.BlockSpec((HID, DX + COND), lambda b: (0, 0)),
            pl.BlockSpec((HID,), lambda b: (0,)),
            pl.BlockSpec((HID, HID), lambda b: (0, 0)),
            pl.BlockSpec((HID,), lambda b: (0,)),
        ],
        out_specs=pl.BlockSpec((1, N, N), lambda b: (b, 0, 0)),
        out_shape=jax.ShapeDtypeStruct((nb, N, N), jnp.float32),
    )(x, cond_feats, W1, b1, W2, b2)



L = 16
NW = 32
ROWS = B * N
RPW = ROWS // NW
R = 8
NBLK = RPW // R
NCH = N // L
CAP = N + L
_NINF = float("-inf")


def _merge_desc(ak, av, bk, bv):
    rbk = lax.rev(bk, (0,))
    rbv = lax.rev(bv, (0,))
    m = ak >= rbk
    tk = jnp.where(m, ak, rbk)
    tv = jnp.where(m, av, rbv)
    uk = jnp.where(m, rbk, ak)
    uv = jnp.where(m, rbv, av)
    tk, tv = plsc.sort_key_val(tk, tv, descending=True)
    uk, uv = plsc.sort_key_val(uk, uv, descending=True)
    return tk, tv, uk, uv


def _sorted_chunk(cand_v, cand_i, j):
    ck, cv = plsc.sort_key_val(cand_v[pl.ds(j * L, L)],
                               cand_i[pl.ds(j * L, L)], descending=True)
    return ck, cv


def _row_topk(buf, cand_v, cand_i, ow, oi, tv, ti, i):
    ninf = jnp.full((L,), _NINF, jnp.float32)

    def p1(j, carry):
        m1a, m2a, m1b, m2b, m1c, m2c, m1d, m2d = carry
        c0 = buf[i, pl.ds((4 * j) * L, L)]
        c1 = buf[i, pl.ds((4 * j + 1) * L, L)]
        c2 = buf[i, pl.ds((4 * j + 2) * L, L)]
        c3 = buf[i, pl.ds((4 * j + 3) * L, L)]
        m2a = jnp.maximum(m2a, jnp.minimum(m1a, c0))
        m1a = jnp.maximum(m1a, c0)
        m2b = jnp.maximum(m2b, jnp.minimum(m1b, c1))
        m1b = jnp.maximum(m1b, c1)
        m2c = jnp.maximum(m2c, jnp.minimum(m1c, c2))
        m1c = jnp.maximum(m1c, c2)
        m2d = jnp.maximum(m2d, jnp.minimum(m1d, c3))
        m1d = jnp.maximum(m1d, c3)
        return m1a, m2a, m1b, m2b, m1c, m2c, m1d, m2d

    m1a, m2a, m1b, m2b, m1c, m2c, m1d, m2d = lax.fori_loop(
        0, NCH // 4, p1, (ninf,) * 8)

    def comb(m1x, m2x, m1y, m2y):
        return (jnp.maximum(m1x, m1y),
                jnp.maximum(jnp.minimum(m1x, m1y), jnp.maximum(m2x, m2y)))

    m1ab, m2ab = comb(m1a, m2a, m1b, m2b)
    m1cd, m2cd = comb(m1c, m2c, m1d, m2d)
    _, m2 = comb(m1ab, m2ab, m1cd, m2cd)
    t0 = jnp.min(m2)

    iota = lax.iota(jnp.int32, L)

    def one_chunk(j, cntv, c):
        msk = c >= t0
        mi = msk.astype(jnp.int32)
        dst = cntv + plsc.cumsum(mi) - mi
        plsc.store_scatter(cand_v, [dst], c, mask=msk)
        plsc.store_scatter(cand_i, [dst], iota + j * L, mask=msk)
        return cntv + plsc.all_reduce_population_count(msk)

    def p2(j, cntv):
        cntv = one_chunk(4 * j, cntv, buf[i, pl.ds((4 * j) * L, L)])
        cntv = one_chunk(4 * j + 1, cntv, buf[i, pl.ds((4 * j + 1) * L, L)])
        cntv = one_chunk(4 * j + 2, cntv, buf[i, pl.ds((4 * j + 2) * L, L)])
        cntv = one_chunk(4 * j + 3, cntv, buf[i, pl.ds((4 * j + 3) * L, L)])
        return cntv

    cntv = lax.fori_loop(0, NCH // 4, p2, jnp.zeros((L,), jnp.int32))
    cnt = jnp.sum(cntv) // L
    cand_v[pl.ds(cnt, L)] = jnp.full((L,), _NINF, jnp.float32)

    k0, v0 = _sorted_chunk(cand_v, cand_i, 0)
    k1, v1 = _sorted_chunk(cand_v, cand_i, 1)
    hk, hv, lk, lv = _merge_desc(k0, v0, k1, v1)
    nch = (cnt + (L - 1)) // L

    def cond(st):
        return st[0] < nch

    def body(st):
        j, hk, hv, lk, lv = st
        ck, cv = _sorted_chunk(cand_v, cand_i, j)
        yk, yv, _, _ = _merge_desc(lk, lv, ck, cv)
        hk, hv, lk, lv = _merge_desc(hk, hv, yk, yv)
        return j + 1, hk, hv, lk, lv

    _, hk, hv, lk, lv = lax.while_loop(cond, body,
                                       (jnp.int32(2), hk, hv, lk, lv))

    tv[pl.ds(0, L)] = jnp.full((L,), float("inf"), jnp.float32)
    tv[pl.ds(L, L)] = hk
    tv[pl.ds(2 * L, L)] = lk
    tv[pl.ds(3 * L, L)] = jnp.full((L,), _NINF, jnp.float32)
    vp_h = tv[pl.ds(L - 1, L)]
    vn_h = tv[pl.ds(L + 1, L)]
    vp_l = tv[pl.ds(2 * L - 1, L)]
    vn_l = tv[pl.ds(2 * L + 1, L)]
    eqp_h = hk == vp_h
    eqn_h = hk == vn_h
    eqp_l = lk == vp_l
    eqn_l = lk == vn_l
    par = (lax.iota(jnp.int32, L) % 2) == 0
    npar = jnp.logical_not(par)
    ti[pl.ds(0, L)] = lax.iota(jnp.int32, L)
    ti[pl.ds(3 * L, L)] = lax.iota(jnp.int32, L)
    for down in (par, npar, par):
        up = jnp.logical_not(down)
        ti[pl.ds(L, L)] = hv
        ti[pl.ds(2 * L, L)] = lv
        ip_h = ti[pl.ds(L - 1, L)]
        in_h = ti[pl.ds(L + 1, L)]
        ip_l = ti[pl.ds(2 * L - 1, L)]
        in_l = ti[pl.ds(2 * L + 1, L)]
        hv = jnp.where(down & eqn_h & (hv > in_h), in_h,
                       jnp.where(up & eqp_h & (ip_h > hv), ip_h, hv))
        lv = jnp.where(down & eqn_l & (lv > in_l), in_l,
                       jnp.where(up & eqp_l & (ip_l > lv), ip_l, lv))

    mx = jnp.max(hk)
    eh = jnp.exp(hk - mx)
    el = jnp.exp(lk - mx)
    s = jnp.sum(eh) + jnp.sum(el)
    ow[i, pl.ds(0, L)] = eh / s
    ow[i, pl.ds(L, L)] = el / s
    oi[i, pl.ds(0, L)] = hv
    oi[i, pl.ds(L, L)] = lv


def _topk_sc(logits):
    nb = logits.shape[0]
    rows = nb * N
    rpw = rows // NW
    nblk = rpw // R
    lr = logits.reshape(rows, N)
    mesh = plsc.VectorSubcoreMesh(core_axis_name="c", subcore_axis_name="s")

    @functools.partial(
        pl.kernel, mesh=mesh,
        compiler_params=pltpu.CompilerParams(needs_layout_passes=False),
        out_type=[jax.ShapeDtypeStruct((rows, K), jnp.float32),
                  jax.ShapeDtypeStruct((rows, K), jnp.int32)],
        scratch_types=[
            pltpu.VMEM((R, N), jnp.float32),
            pltpu.VMEM((R, N), jnp.float32),
            pltpu.VMEM((CAP,), jnp.float32),
            pltpu.VMEM((CAP,), jnp.int32),
            pltpu.VMEM((R, K), jnp.float32),
            pltpu.VMEM((R, K), jnp.int32),
            pltpu.VMEM((4 * L,), jnp.float32),
            pltpu.VMEM((4 * L,), jnp.int32),
            pltpu.SemaphoreType.DMA,
            pltpu.SemaphoreType.DMA,
        ],
    )
    def topk_kernel(lg, ow_hbm, oi_hbm, bufa, bufb, cand_v, cand_i,
                    ow, oi, tv, ti, sema, semb):
        wid = lax.axis_index("c") * 16 + lax.axis_index("s")
        base = wid * rpw
        pltpu.async_copy(lg.at[pl.ds(base, R)], bufa, sema)

        def pair(g, carry):
            for t in range(2):
                blk = g * 2 + t
                buf, sem = (bufa, sema) if t == 0 else (bufb, semb)
                obuf, osem = (bufb, semb) if t == 0 else (bufa, sema)
                rbase = base + blk * R
                pltpu.make_async_copy(lg.at[pl.ds(rbase, R)], buf, sem).wait()
                if t == 0:
                    pltpu.async_copy(lg.at[pl.ds(rbase + R, R)], obuf, osem)
                else:
                    @pl.when(blk + 1 < nblk)
                    def _issue():
                        pltpu.async_copy(lg.at[pl.ds(rbase + R, R)],
                                         obuf, osem)

                def rows(i, c2):
                    _row_topk(buf, cand_v, cand_i, ow, oi, tv, ti, i)
                    return c2
                lax.fori_loop(0, R, rows, 0)
                pltpu.sync_copy(ow, ow_hbm.at[pl.ds(rbase, R)])
                pltpu.sync_copy(oi, oi_hbm.at[pl.ds(rbase, R)])
            return carry

        lax.fori_loop(0, nblk // 2, pair, 0)

    ow, oi = topk_kernel(lr)
    return ow.reshape(nb, N, K), oi.reshape(nb, N, K)




def _weight_norm_setup(V, g):
    return g[:, None] * V / jnp.linalg.norm(V, axis=1, keepdims=True)


def kernel(node_feats, coords, cond_feats, V1, g1, b1, V2, g2, b2):
    x = jnp.concatenate([node_feats, coords], axis=-1)
    W1 = _weight_norm_setup(V1, g1)
    W2 = _weight_norm_setup(V2, g2)
    hb = B // 2
    l0 = _logits(x[:hb], cond_feats[:hb], W1, b1, W2, b2)
    l1 = _logits(x[hb:], cond_feats[hb:], W1, b1, W2, b2)
    ew0, ti0 = _topk_sc(l0)
    ew1, ti1 = _topk_sc(l1)
    edge_weights = jnp.concatenate([ew0, ew1], axis=0)
    topk_idx = jnp.concatenate([ti0, ti1], axis=0)
    return edge_weights, topk_idx

# --- scband reference (transcript-rebuilt; emitter-appended) ---
"""Pipeline reference for scband-cgs-graph-learner-83476984365384 (READ-ONLY COPY).

The authoritative reference and input builder live on the scoring server;
editing this copy changes nothing except your own understanding.
"""

import jax, jax.numpy as jnp
import numpy as np

B, N = 16, 1024
D_FEAT, D_COORD, COND = 253, 3, 512
HID = 512
K = 32  # reduce_size parsed from method 'softmax^32'


def _weight_norm(V, g):
    # torch nn.utils.weight_norm on Linear: W = g * V / ||V||_row
    return g[:, None] * V / jnp.linalg.norm(V, axis=1, keepdims=True)


def setup_inputs(seed: int = 0) -> dict:
    key = jax.random.key(seed)
    ks = jax.random.split(key, 9)
    node_feats = jax.random.normal(ks[0], (B, N, D_FEAT), dtype=jnp.float32)
    coords = jax.random.normal(ks[1], (B, N, D_COORD), dtype=jnp.float32)
    cond_feats = jax.random.normal(ks[2], (B, COND), dtype=jnp.float32)
    in_dim = D_FEAT + D_COORD + COND  # node_dim + cond_dim = 768
    V1 = jax.random.normal(ks[3], (HID, in_dim), dtype=jnp.float32) * 0.02
    g1 = jnp.ones((HID,), dtype=jnp.float32)
    b1 = jnp.zeros((HID,), dtype=jnp.float32)
    V2 = jax.random.normal(ks[4], (HID, HID), dtype=jnp.float32) * 0.02
    g2 = jnp.ones((HID,), dtype=jnp.float32)
    b2 = jnp.zeros((HID,), dtype=jnp.float32)
    return {"node_feats": node_feats, "coords": coords, "cond_feats": cond_feats,
            "V1": V1, "g1": g1, "b1": b1, "V2": V2, "g2": g2, "b2": b2}


def reference(node_feats, coords, cond_feats, V1, g1, b1, V2, g2, b2):
    # dropout p=0.0 -> identity
    x = jnp.concatenate([node_feats, coords], axis=-1)            # [B,N,node_dim]
    cond = jnp.broadcast_to(cond_feats[:, None, :], (x.shape[0], x.shape[1], cond_feats.shape[-1]))
    q = jnp.concatenate([x, cond], axis=-1)                        # [B,N,node_dim+cond_dim]
    W1 = _weight_norm(V1, g1)
    h = jax.nn.relu(q @ W1.T + b1)
    W2 = _weight_norm(V2, g2)
    f = jax.nn.relu(h @ W2.T + b2)                                 # joint_f [B,N,HID]
    logits = jnp.einsum('bnd,bmd->bnm', f, f)                      # [B,N,N] pairwise edge logits
    logits = 0.5 * (logits + jnp.swapaxes(logits, 1, 2))           # mirror_op: symmetrize
    topk_logits, topk_idx = jax.lax.top_k(logits, K)               # topk_op over dst nodes
    edge_weights = jax.nn.softmax(topk_logits, axis=-1)            # norm 'softmax' over top-k
    return edge_weights, topk_idx

if __name__ == "__main__":
    import jax
    _d = setup_inputs()
    print(jax.jit(kernel)(*tuple(_d.values())))

</pallas_src>

<mosaic_0001>
#map = affine_map<(d0, d1) -> (0, 0)>
module attributes {stable_mosaic.version = 14 : i64} {
  func.func @topk_kernel(%arg0: i32, %arg1: i32, %arg2: memref<8192x1024xf32, #tpu.memory_space<hbm>>, %arg3: memref<8192x32xf32, #tpu.memory_space<hbm>>, %arg4: memref<8192x32xi32, #tpu.memory_space<hbm>>, %arg5: memref<8x1024xf32, #tpu.memory_space<vmem>>, %arg6: memref<8x1024xf32, #tpu.memory_space<vmem>>, %arg7: memref<1040xf32, #tpu.memory_space<vmem>>, %arg8: memref<1040xi32, #tpu.memory_space<vmem>>, %arg9: memref<8x32xf32, #tpu.memory_space<vmem>>, %arg10: memref<8x32xi32, #tpu.memory_space<vmem>>, %arg11: memref<64xf32, #tpu.memory_space<vmem>>, %arg12: memref<64xi32, #tpu.memory_space<vmem>>, %arg13: memref<!tpu.dma_semaphore, #tpu.memory_space<semaphore_mem>>, %arg14: memref<!tpu.dma_semaphore, #tpu.memory_space<semaphore_mem>>) attributes {dimension_semantics = [#tpu.dimension_semantics<core_parallel>, #tpu.dimension_semantics<subcore_parallel>], iteration_bounds = array<i64: 2, 16>, scalar_prefetch = 0 : i64, scratch_operands = 10 : i64, tpu.core_type = #tpu.core_type<sc_vector_subcore>, window_params = [{transform_indices = #map}, {transform_indices = #map}, {transform_indices = #map}]} {
    %mul3A = arith.constant 16 : i32
    %mul3A_0 = arith.muli %arg0, %mul3A : i32
    %add3A = arith.addi %mul3A_0, %arg1 : i32
    %mul3A_1 = arith.constant 256 : i32
    %mul3A_2 = arith.muli %add3A, %mul3A_1 : i32
    %dma_start3A = arith.constant 0 : i32
    %dma_start3A_3 = tpu.memref_slice %arg2[%mul3A_2, %dma_start3A] : memref<8192x1024xf32, #tpu.memory_space<hbm>> -> memref<8x1024xf32, #tpu.memory_space<hbm>>
    %dma_start3A_4 = arith.constant 0 : i32
    %dma_start3A_5 = tpu.memref_slice %arg2[%mul3A_2, %dma_start3A_4] : memref<8192x1024xf32, #tpu.memory_space<hbm>> -> memref<8x1024xf32, #tpu.memory_space<hbm>>
    tpu.enqueue_dma source(%dma_start3A_5 : memref<8x1024xf32, #tpu.memory_space<hbm>>) target(%arg5 : memref<8x1024xf32, #tpu.memory_space<vmem>>) target_semaphore(%arg13 : memref<!tpu.dma_semaphore, #tpu.memory_space<semaphore_mem>>)
    %scan3A = arith.constant 0 : i32
    %scan3A_6 = arith.constant 0 : i32
    %scan3A_7 = arith.constant 16 : i32
    %scan3A_8 = arith.addi %scan3A_6, %scan3A_7 : i32
    %scan3A_9 = arith.constant 1 : i32
    scf.for %scan3A_11 = %scan3A_6 to %scan3A_8 step %scan3A_9  : i32 {
      %mul3A_12 = arith.constant 2 : i32
      %mul3A_13 = arith.muli %scan3A_11, %mul3A_12 : i32
      %add3A_14 = arith.constant 0 : i32
      %add3A_15 = arith.addi %mul3A_13, %add3A_14 : i32
      %mul3A_16 = arith.constant 8 : i32
      %mul3A_17 = arith.muli %add3A_15, %mul3A_16 : i32
      %add3A_18 = arith.addi %mul3A_2, %mul3A_17 : i32
      %dma_wait3A = arith.constant 0 : i32
      %dma_wait3A_19 = tpu.memref_slice %arg2[%add3A_18, %dma_wait3A] : memref<8192x1024xf32, #tpu.memory_space<hbm>> -> memref<8x1024xf32, #tpu.memory_space<hbm>>
      %dma_wait3A_20 = arith.constant 0 : i32
      %dma_wait3A_21 = tpu.memref_slice %arg2[%add3A_18, %dma_wait3A_20] : memref<8192x1024xf32, #tpu.memory_space<hbm>> -> memref<8x1024xf32, #tpu.memory_space<hbm>>
      tpu.wait_dma2 semaphore(%arg13 : memref<!tpu.dma_semaphore, #tpu.memory_space<semaphore_mem>>) src(%dma_wait3A_21 : memref<8x1024xf32, #tpu.memory_space<hbm>>) dst(%arg5 : memref<8x1024xf32, #tpu.memory_space<vmem>>)
      %add3A_22 = arith.constant 8 : i32
      %add3A_23 = arith.addi %add3A_18, %add3A_22 : i32
      %dma_start3A_24 = arith.constant 0 : i32
      %dma_start3A_25 = tpu.memref_slice %arg2[%add3A_23, %dma_start3A_24] : memref<8192x1024xf32, #tpu.memory_space<hbm>> -> memref<8x1024xf32, #tpu.memory_space<hbm>>
      %dma_start3A_26 = arith.constant 0 : i32
      %dma_start3A_27 = tpu.memref_slice %arg2[%add3A_23, %dma_start3A_26] : memref<8192x1024xf32, #tpu.memory_space<hbm>> -> memref<8x1024xf32, #tpu.memory_space<hbm>>
      tpu.enqueue_dma source(%dma_start3A_27 : memref<8x1024xf32, #tpu.memory_space<hbm>>) target(%arg6 : memref<8x1024xf32, #tpu.memory_space<vmem>>) target_semaphore(%arg14 : memref<!tpu.dma_semaphore, #tpu.memory_space<semaphore_mem>>)
      %scan3A_28 = arith.constant 0 : i32
      %scan3A_29 = arith.constant 0 : i32
      %scan3A_30 = arith.constant 8 : i32
      %scan3A_31 = arith.addi %scan3A_29, %scan3A_30 : i32
      %scan3A_32 = arith.constant 1 : i32
      scf.for %scan3A_55 = %scan3A_29 to %scan3A_31 step %scan3A_32  : i32 {
        %broadcast_in_dim3A = arith.constant 0xFF800000 : f32
        %broadcast_in_dim3A_56 = vector.broadcast %broadcast_in_dim3A : f32 to vector<16xf32>
        %scan3A_57 = arith.constant 0 : i32
        %scan3A_58 = arith.constant 16 : i32
        %scan3A_59 = arith.addi %scan3A_57, %scan3A_58 : i32
        %scan3A_60 = arith.constant 1 : i32
        %scan3A_61:8 = scf.for %scan3A_346 = %scan3A_57 to %scan3A_59 step %scan3A_60 iter_args(%scan3A_347 = %broadcast_in_dim3A_56, %scan3A_348 = %broadcast_in_dim3A_56, %scan3A_349 = %broadcast_in_dim3A_56, %scan3A_350 = %broadcast_in_dim3A_56, %scan3A_351 = %broadcast_in_dim3A_56, %scan3A_352 = %broadcast_in_dim3A_56, %scan3A_353 = %broadcast_in_dim3A_56, %scan3A_354 = %broadcast_in_dim3A_56) -> (vector<16xf32>, vector<16xf32>, vector<16xf32>, vector<16xf32>, vector<16xf32>, vector<16xf32>, vector<16xf32>, vector<16xf32>)  : i32 {
          %mul3A_355 = arith.constant 4 : i32
          %mul3A_356 = arith.muli %mul3A_355, %scan3A_346 : i32
          %mul3A_357 = arith.constant 16 : i32
          %mul3A_358 = arith.muli %mul3A_356, %mul3A_357 : i32
          %get3A_359 = arith.index_cast %scan3A_55 : i32 to index
          %get3A_360 = arith.index_cast %mul3A_358 : i32 to index
          %get3A_361 = tpu.vector_load %arg5[%get3A_359, %get3A_360] {strides = array<i32>} : memref<8x1024xf32, #tpu.memory_space<vmem>>, vector<16xf32>,
          %mul3A_362 = arith.constant 4 : i32
          %mul3A_363 = arith.muli %mul3A_362, %scan3A_346 : i32
          %add3A_364 = arith.constant 1 : i32
          %add3A_365 = arith.addi %mul3A_363, %add3A_364 : i32
          %mul3A_366 = arith.constant 16 : i32
          %mul3A_367 = arith.muli %add3A_365, %mul3A_366 : i32
          %get3A_368 = arith.index_cast %scan3A_55 : i32 to index
          %get3A_369 = arith.index_cast %mul3A_367 : i32 to index
          %get3A_370 = tpu.vector_load %arg5[%get3A_368, %get3A_369] {strides = array<i32>} : memref<8x1024xf32, #tpu.memory_space<vmem>>, vector<16xf32>,
          %mul3A_371 = arith.constant 4 : i32
          %mul3A_372 = arith.muli %mul3A_371, %scan3A_346 : i32
          %add3A_373 = arith.constant 2 : i32
          %add3A_374 = arith.addi %mul3A_372, %add3A_373 : i32
          %mul3A_375 = arith.constant 16 : i32
          %mul3A_376 = arith.muli %add3A_374, %mul3A_375 : i32
          %get3A_377 = arith.index_cast %scan3A_55 : i32 to index
          %get3A_378 = arith.index_cast %mul3A_376 : i32 to index
          %get3A_379 = tpu.vector_load %arg5[%get3A_377, %get3A_378] {strides = array<i32>} : memref<8x1024xf32, #tpu.memory_space<vmem>>, vector<16xf32>,
          %mul3A_380 = arith.constant 4 : i32
          %mul3A_381 = arith.muli %mul3A_380, %scan3A_346 : i32
          %add3A_382 = arith.constant 3 : i32
          %add3A_383 = arith.addi %mul3A_381, %add3A_382 : i32
          %mul3A_384 = arith.constant 16 : i32
          %mul3A_385 = arith.muli %add3A_383, %mul3A_384 : i32
          %get3A_386 = arith.index_cast %scan3A_55 : i32 to index
          %get3A_387 = arith.index_cast %mul3A_385 : i32 to index
          %get3A_388 = tpu.vector_load %arg5[%get3A_386, %get3A_387] {strides = array<i32>} : memref<8x1024xf32, #tpu.memory_space<vmem>>, vector<16xf32>,
          %min3A_389 = arith.minimumf %scan3A_347, %get3A_361 : vector<16xf32>
          %max3A_390 = arith.maximumf %scan3A_348, %min3A_389 : vector<16xf32>
          %max3A_391 = arith.maximumf %scan3A_347, %get3A_361 : vector<16xf32>
          %min3A_392 = arith.minimumf %scan3A_349, %get3A_370 : vector<16xf32>
          %max3A_393 = arith.maximumf %scan3A_350, %min3A_392 : vector<16xf32>
          %max3A_394 = arith.maximumf %scan3A_349, %get3A_370 : vector<16xf32>
          %min3A_395 = arith.minimumf %scan3A_351, %get3A_379 : vector<16xf32>
          %max3A_396 = arith.maximumf %scan3A_352, %min3A_395 : vector<16xf32>
          %max3A_397 = arith.maximumf %scan3A_351, %get3A_379 : vector<16xf32>
          %min3A_398 = arith.minimumf %scan3A_353, %get3A_388 : vector<16xf32>
          %max3A_399 = arith.maximumf %scan3A_354, %min3A_398 : vector<16xf32>
          %max3A_400 = arith.maximumf %scan3A_353, %get3A_388 : vector<16xf32>
          scf.yield %max3A_391, %max3A_390, %max3A_394, %max3A_393, %max3A_397, %max3A_396, %max3A_400, %max3A_399 : vector<16xf32>, vector<16xf32>, vector<16xf32>, vector<16xf32>, vector<16xf32>, vector<16xf32>, vector<16xf32>, vector<16xf32>
        }
        %scan3A_62 = arith.constant 16 : i32
        %max3A = arith.maximumf %scan3A_61#0, %scan3A_61#2 : vector<16xf32>
        %min3A = arith.minimumf %scan3A_61#0, %scan3A_61#2 : vector<16xf32>
        %max3A_63 = arith.maximumf %scan3A_61#1, %scan3A_61#3 : vector<16xf32>
        %max3A_64 = arith.maximumf %min3A, %max3A_63 : vector<16xf32>
        %max3A_65 = arith.maximumf %scan3A_61#4, %scan3A_61#6 : vector<16xf32>
        %min3A_66 = arith.minimumf %scan3A_61#4, %scan3A_61#6 : vector<16xf32>
        %max3A_67 = arith.maximumf %scan3A_61#5, %scan3A_61#7 : vector<16xf32>
        %max3A_68 = arith.maximumf %min3A_66, %max3A_67 : vector<16xf32>
        %max3A_69 = arith.maximumf %max3A, %max3A_65 : vector<16xf32>
        %min3A_70 = arith.minimumf %max3A, %max3A_65 : vector<16xf32>
        %max3A_71 = arith.maximumf %max3A_64, %max3A_68 : vector<16xf32>
        %max3A_72 = arith.maximumf %min3A_70, %max3A_71 : vector<16xf32>
        %reduce_min3A = arith.constant true
        %reduce_min3A_73 = vector.broadcast %reduce_min3A : i1 to vector<16xi1>
        %reduce_min3A_74 = tpu.scan <min>, %max3A_72 masked %reduce_min3A_73 : vector<16xf32>, vector<16xi1> -> vector<16xf32>
        %reduce_min3A_75 = vector.extract %reduce_min3A_74[15] : f32 from vector<16xf32>
        %iota3A = tpu.iota {dimensions = array<i32: 0>} : vector<16xi32>
        %broadcast_in_dim3A_76 = arith.constant 0 : i32
        %broadcast_in_dim3A_77 = vector.broadcast %broadcast_in_dim3A_76 : i32 to vector<16xi32>
        %scan3A_78 = arith.constant 0 : i32
        %scan3A_79 = arith.constant 16 : i32
        %scan3A_80 = arith.addi %scan3A_78, %scan3A_79 : i32
        %scan3A_81 = arith.constant 1 : i32
        %scan3A_82 = scf.for %scan3A_346 = %scan3A_78 to %scan3A_80 step %scan3A_81 iter_args(%scan3A_347 = %broadcast_in_dim3A_77) -> (vector<16xi32>)  : i32 {
          %mul3A_348 = arith.constant 4 : i32
          %mul3A_349 = arith.muli %mul3A_348, %scan3A_346 : i32
          %mul3A_350 = arith.constant 4 : i32
          %mul3A_351 = arith.muli %mul3A_350, %scan3A_346 : i32
          %mul3A_352 = arith.constant 16 : i32
          %mul3A_353 = arith.muli %mul3A_351, %mul3A_352 : i32
          %get3A_354 = arith.index_cast %scan3A_55 : i32 to index
          %get3A_355 = arith.index_cast %mul3A_353 : i32 to index
          %get3A_356 = tpu.vector_load %arg5[%get3A_354, %get3A_355] {strides = array<i32>} : memref<8x1024xf32, #tpu.memory_space<vmem>>, vector<16xf32>,
          %ge3A_357 = vector.broadcast %reduce_min3A_75 : f32 to vector<16xf32>
          %ge3A_358 = arith.cmpf oge, %get3A_356, %ge3A_357 : vector<16xf32>
          %convert_element_type3A_359 = arith.extui %ge3A_358 : vector<16xi1> to vector<16xi32>
          %broadcast_in_dim3A_360 = arith.constant true
          %broadcast_in_dim3A_361 = vector.broadcast %broadcast_in_dim3A_360 : i1 to vector<16xi1>
          %masked_cumsum3A = tpu.scan <sum>, %convert_element_type3A_359 masked %broadcast_in_dim3A_361 : vector<16xi32>, vector<16xi1> -> vector<16xi32>
          %add3A_362 = arith.addi %scan3A_347, %masked_cumsum3A : vector<16xi32>
          %sub3A_363 = arith.subi %add3A_362, %convert_element_type3A_359 : vector<16xi32>
          tpu.vector_store_idx %arg7[%sub3A_363], %get3A_356 masked %ge3A_358 : memref<1040xf32, #tpu.memory_space<vmem>>[vector<16xi32>], vector<16xf32>, vector<16xi1>
          %mul3A_364 = arith.constant 16 : i32
          %mul3A_365 = arith.muli %mul3A_349, %mul3A_364 : i32
          %add3A_366 = vector.broadcast %mul3A_365 : i32 to vector<16xi32>
          %add3A_367 = arith.addi %iota3A, %add3A_366 : vector<16xi32>
          tpu.vector_store_idx %arg8[%sub3A_363], %add3A_367 masked %ge3A_358 : memref<1040xi32, #tpu.memory_space<vmem>>[vector<16xi32>], vector<16xi32>, vector<16xi1>
          %all_reduce_population_count3A = tpu.all_reduce %ge3A_358 {dim = 0 : i64, kind = #tpu.reduction_kind<sum>} : vector<16xi1> -> vector<16xi32>
          %add3A_368 = arith.addi %scan3A_347, %all_reduce_population_count3A : vector<16xi32>
          %mul3A_369 = arith.constant 4 : i32
          %mul3A_370 = arith.muli %mul3A_369, %scan3A_346 : i32
          %add3A_371 = arith.constant 1 : i32
          %add3A_372 = arith.addi %mul3A_370, %add3A_371 : i32
          %mul3A_373 = arith.constant 4 : i32
          %mul3A_374 = arith.muli %mul3A_373, %scan3A_346 : i32
          %add3A_375 = arith.constant 1 : i32
          %add3A_376 = arith.addi %mul3A_374, %add3A_375 : i32
          %mul3A_377 = arith.constant 16 : i32
          %mul3A_378 = arith.muli %add3A_376, %mul3A_377 : i32
          %get3A_379 = arith.index_cast %scan3A_55 : i32 to index
          %get3A_380 = arith.index_cast %mul3A_378 : i32 to index
          %get3A_381 = tpu.vector_load %arg5[%get3A_379, %get3A_380] {strides = array<i32>} : memref<8x1024xf32, #tpu.memory_space<vmem>>, vector<16xf32>,
          %ge3A_382 = vector.broadcast %reduce_min3A_75 : f32 to vector<16xf32>
          %ge3A_383 = arith.cmpf oge, %get3A_381, %ge3A_382 : vector<16xf32>
          %convert_element_type3A_384 = arith.extui %ge3A_383 : vector<16xi1> to vector<16xi32>
          %broadcast_in_dim3A_385 = arith.constant true
          %broadcast_in_dim3A_386 = vector.broadcast %broadcast_in_dim3A_385 : i1 to vector<16xi1>
          %masked_cumsum3A_387 = tpu.scan <sum>, %convert_element_type3A_384 masked %broadcast_in_dim3A_386 : vector<16xi32>, vector<16xi1> -> vector<16xi32>
          %add3A_388 = arith.addi %add3A_368, %masked_cumsum3A_387 : vector<16xi32>
          %sub3A_389 = arith.subi %add3A_388, %convert_element_type3A_384 : vector<16xi32>
          tpu.vector_store_idx %arg7[%sub3A_389], %get3A_381 masked %ge3A_383 : memref<1040xf32, #tpu.memory_space<vmem>>[vector<16xi32>], vector<16xf32>, vector<16xi1>
          %mul3A_390 = arith.constant 16 : i32
          %mul3A_391 = arith.muli %add3A_372, %mul3A_390 : i32
          %add3A_392 = vector.broadcast %mul3A_391 : i32 to vector<16xi32>
          %add3A_393 = arith.addi %iota3A, %add3A_392 : vector<16xi32>
          tpu.vector_store_idx %arg8[%sub3A_389], %add3A_393 masked %ge3A_383 : memref<1040xi32, #tpu.memory_space<vmem>>[vector<16xi32>], vector<16xi32>, vector<16xi1>
          %all_reduce_population_count3A_394 = tpu.all_reduce %ge3A_383 {dim = 0 : i64, kind = #tpu.reduction_kind<sum>} : vector<16xi1> -> vector<16xi32>
          %add3A_395 = arith.addi %add3A_368, %all_reduce_population_count3A_394 : vector<16xi32>
          %mul3A_396 = arith.constant 4 : i32
          %mul3A_397 = arith.muli %mul3A_396, %scan3A_346 : i32
          %add3A_398 = arith.constant 2 : i32
          %add3A_399 = arith.addi %mul3A_397, %add3A_398 : i32
          %mul3A_400 = arith.constant 4 : i32
          %mul3A_401 = arith.muli %mul3A_400, %scan3A_346 : i32
          %add3A_402 = arith.constant 2 : i32
          %add3A_403 = arith.addi %mul3A_401, %add3A_402 : i32
          %mul3A_404 = arith.constant 16 : i32
          %mul3A_405 = arith.muli %add3A_403, %mul3A_404 : i32
          %get3A_406 = arith.index_cast %scan3A_55 : i32 to index
          %get3A_407 = arith.index_cast %mul3A_405 : i32 to index
          %get3A_408 = tpu.vector_load %arg5[%get3A_406, %get3A_407] {strides = array<i32>} : memref<8x1024xf32, #tpu.memory_space<vmem>>, vector<16xf32>,
          %ge3A_409 = vector.broadcast %reduce_min3A_75 : f32 to vector<16xf32>
          %ge3A_410 = arith.cmpf oge, %get3A_408, %ge3A_409 : vector<16xf32>
          %convert_element_type3A_411 = arith.extui %ge3A_410 : vector<16xi1> to vector<16xi32>
          %broadcast_in_dim3A_412 = arith.constant true
          %broadcast_in_dim3A_413 = vector.broadcast %broadcast_in_dim3A_412 : i1 to vector<16xi1>
          %masked_cumsum3A_414 = tpu.scan <sum>, %convert_element_type3A_411 masked %broadcast_in_dim3A_413 : vector<16xi32>, vector<16xi1> -> vector<16xi32>
          %add3A_415 = arith.addi %add3A_395, %masked_cumsum3A_414 : vector<16xi32>
          %sub3A_416 = arith.subi %add3A_415, %convert_element_type3A_411 : vector<16xi32>
          tpu.vector_store_idx %arg7[%sub3A_416], %get3A_408 masked %ge3A_410 : memref<1040xf32, #tpu.memory_space<vmem>>[vector<16xi32>], vector<16xf32>, vector<16xi1>
          %mul3A_417 = arith.constant 16 : i32
          %mul3A_418 = arith.muli %add3A_399, %mul3A_417 : i32
          %add3A_419 = vector.broadcast %mul3A_418 : i32 to vector<16xi32>
          %add3A_420 = arith.addi %iota3A, %add3A_419 : vector<16xi32>
          tpu.vector_store_idx %arg8[%sub3A_416], %add3A_420 masked %ge3A_410 : memref<1040xi32, #tpu.memory_space<vmem>>[vector<16xi32>], vector<16xi32>, vector<16xi1>
          %all_reduce_population_count3A_421 = tpu.all_reduce %ge3A_410 {dim = 0 : i64, kind = #tpu.reduction_kind<sum>} : vector<16xi1> -> vector<16xi32>
          %add3A_422 = arith.addi %add3A_395, %all_reduce_population_count3A_421 : vector<16xi32>
          %mul3A_423 = arith.constant 4 : i32
          %mul3A_424 = arith.muli %mul3A_423, %scan3A_346 : i32
          %add3A_425 = arith.constant 3 : i32
          %add3A_426 = arith.addi %mul3A_424, %add3A_425 : i32
          %mul3A_427 = arith.constant 4 : i32
          %mul3A_428 = arith.muli %mul3A_427, %scan3A_346 : i32
          %add3A_429 = arith.constant 3 : i32
          %add3A_430 = arith.addi %mul3A_428, %add3A_429 : i32
          %mul3A_431 = arith.constant 16 : i32
          %mul3A_432 = arith.muli %add3A_430, %mul3A_431 : i32
          %get3A_433 = arith.index_cast %scan3A_55 : i32 to index
          %get3A_434 = arith.index_cast %mul3A_432 : i32 to index
          %get3A_435 = tpu.vector_load %arg5[%get3A_433, %get3A_434] {strides = array<i32>} : memref<8x1024xf32, #tpu.memory_space<vmem>>, vector<16xf32>,
          %ge3A_436 = vector.broadcast %reduce_min3A_75 : f32 to vector<16xf32>
          %ge3A_437 = arith.cmpf oge, %get3A_435, %ge3A_436 : vector<16xf32>
          %convert_element_type3A_438 = arith.extui %ge3A_437 : vector<16xi1> to vector<16xi32>
          %broadcast_in_dim3A_439 = arith.constant true
          %broadcast_in_dim3A_440 = vector.broadcast %broadcast_in_dim3A_439 : i1 to vector<16xi1>
          %masked_cumsum3A_441 = tpu.scan <sum>, %convert_element_type3A_438 masked %broadcast_in_dim3A_440 : vector<16xi32>, vector<16xi1> -> vector<16xi32>
          %add3A_442 = arith.addi %add3A_422, %masked_cumsum3A_441 : vector<16xi32>
          %sub3A_443 = arith.subi %add3A_442, %convert_element_type3A_438 : vector<16xi32>
          tpu.vector_store_idx %arg7[%sub3A_443], %get3A_435 masked %ge3A_437 : memref<1040xf32, #tpu.memory_space<vmem>>[vector<16xi32>], vector<16xf32>, vector<16xi1>
          %mul3A_444 = arith.constant 16 : i32
          %mul3A_445 = arith.muli %add3A_426, %mul3A_444 : i32
          %add3A_446 = vector.broadcast %mul3A_445 : i32 to vector<16xi32>
          %add3A_447 = arith.addi %iota3A, %add3A_446 : vector<16xi32>
          tpu.vector_store_idx %arg8[%sub3A_443], %add3A_447 masked %ge3A_437 : memref<1040xi32, #tpu.memory_space<vmem>>[vector<16xi32>], vector<16xi32>, vector<16xi1>
          %all_reduce_population_count3A_448 = tpu.all_reduce %ge3A_437 {dim = 0 : i64, kind = #tpu.reduction_kind<sum>} : vector<16xi1> -> vector<16xi32>
          %add3A_449 = arith.addi %add3A_422, %all_reduce_population_count3A_448 : vector<16xi32>
          scf.yield %add3A_449 : vector<16xi32>
        }
        %scan3A_83 = arith.constant 16 : i32
        %reduce_sum3A = arith.constant true
        %reduce_sum3A_84 = vector.broadcast %reduce_sum3A : i1 to vector<16xi1>
        %reduce_sum3A_85 = tpu.scan <sum>, %scan3A_82 masked %reduce_sum3A_84 : vector<16xi32>, vector<16xi1> -> vector<16xi32>
        %reduce_sum3A_86 = vector.extract %reduce_sum3A_85[15] : i32 from vector<16xi32>
        %jit3A = arith.constant 16 : i32
        %div3A = arith.divsi %reduce_sum3A_86, %jit3A : i32
        %sign3A = arith.constant 0 : i32
        %sign3A_87 = arith.cmpi sgt, %reduce_sum3A_86, %sign3A : i32
        %sign3A_88 = arith.extui %sign3A_87 : i1 to i32
        %sign3A_89 = arith.constant 0 : i32
        %sign3A_90 = arith.cmpi slt, %reduce_sum3A_86, %sign3A_89 : i32
        %sign3A_91 = arith.extui %sign3A_90 : i1 to i32
        %sign3A_92 = arith.subi %sign3A_88, %sign3A_91 : i32
        %sign3A_93 = arith.constant 0 : i32
        %sign3A_94 = arith.cmpi sgt, %jit3A, %sign3A_93 : i32
        %sign3A_95 = arith.extui %sign3A_94 : i1 to i32
        %sign3A_96 = arith.constant 0 : i32
        %sign3A_97 = arith.cmpi slt, %jit3A, %sign3A_96 : i32
        %sign3A_98 = arith.extui %sign3A_97 : i1 to i32
        %sign3A_99 = arith.subi %sign3A_95, %sign3A_98 : i32
        %ne3A = arith.cmpi ne, %sign3A_92, %sign3A_99 : i32
        %rem3A = arith.remsi %reduce_sum3A_86, %jit3A : i32
        %ne3A_100 = arith.constant 0 : i32
        %ne3A_101 = arith.cmpi ne, %rem3A, %ne3A_100 : i32
        %and3A = arith.andi %ne3A, %ne3A_101 : i1
        %sub3A = arith.constant 1 : i32
        %sub3A_102 = arith.subi %div3A, %sub3A : i32
        %select_n3A = arith.select %and3A, %sub3A_102, %div3A : i32
        %broadcast_in_dim3A_103 = arith.constant 0xFF800000 : f32
        %broadcast_in_dim3A_104 = vector.broadcast %broadcast_in_dim3A_103 : f32 to vector<16xf32>
        %swap3A = arith.index_cast %select_n3A : i32 to index
        %swap3A_105 = tpu.vector_load %arg7[%swap3A] {strides = array<i32>} : memref<1040xf32, #tpu.memory_space<vmem>>, vector<16xf32>,
        tpu.vector_store %arg7[%swap3A], %broadcast_in_dim3A_104 {strides = array<i32>} : memref<1040xf32, #tpu.memory_space<vmem>>, vector<16xf32>,
        %get3A = arith.constant 0 : index
        %get3A_106 = tpu.vector_load %arg7[%get3A] {strides = array<i32>} : memref<1040xf32, #tpu.memory_space<vmem>>, vector<16xf32>,
        %get3A_107 = arith.constant 0 : index
        %get3A_108 = tpu.vector_load %arg8[%get3A_107] {strides = array<i32>} : memref<1040xi32, #tpu.memory_space<vmem>>, vector<16xi32>,
        %masked_sort3A = arith.constant dense<true> : vector<16xi1>
        %masked_sort3A_109, %masked_sort3A_110, %masked_sort3A_111 = tpu.sort %get3A_106, %get3A_108 masked %masked_sort3A {descending = true} : (vector<16xf32>, vector<16xi32>, vector<16xi1>) -> (vector<16xi1>, vector<16xf32>, vector<16xi32>)
        %get3A_112 = arith.constant 16 : index
        %get3A_113 = tpu.vector_load %arg7[%get3A_112] {strides = array<i32>} : memref<1040xf32, #tpu.memory_space<vmem>>, vector<16xf32>,
        %get3A_114 = arith.constant 16 : index
        %get3A_115 = tpu.vector_load %arg8[%get3A_114] {strides = array<i32>} : memref<1040xi32, #tpu.memory_space<vmem>>, vector<16xi32>,
        %masked_sort3A_116 = arith.constant dense<true> : vector<16xi1>
        %masked_sort3A_117, %masked_sort3A_118, %masked_sort3A_119 = tpu.sort %get3A_113, %get3A_115 masked %masked_sort3A_116 {descending = true} : (vector<16xf32>, vector<16xi32>, vector<16xi1>) -> (vector<16xi1>, vector<16xf32>, vector<16xi32>)
        %rev3A = arith.constant 15 : i32
        %rev3A_120 = vector.broadcast %rev3A : i32 to vector<16xi32>
        %rev3A_121 = tpu.iota {dimensions = array<i32: 0>} : vector<16xi32>
        %rev3A_122 = arith.subi %rev3A_120, %rev3A_121 : vector<16xi32>
        %rev3A_123 = tpu.dynamic_gather %masked_sort3A_118[%rev3A_122] in [0] : vector<16xf32>, vector<16xi32> -> vector<16xf32>
        %rev3A_124 = arith.constant 15 : i32
        %rev3A_125 = vector.broadcast %rev3A_124 : i32 to vector<16xi32>
        %rev3A_126 = tpu.iota {dimensions = array<i32: 0>} : vector<16xi32>
        %rev3A_127 = arith.subi %rev3A_125, %rev3A_126 : vector<16xi32>
        %rev3A_128 = tpu.dynamic_gather %masked_sort3A_119[%rev3A_127] in [0] : vector<16xi32>, vector<16xi32> -> vector<16xi32>
        %ge3A = arith.cmpf oge, %masked_sort3A_110, %rev3A_123 : vector<16xf32>
        %select_n3A_129 = arith.select %ge3A, %masked_sort3A_110, %rev3A_123 : vector<16xi1>, vector<16xf32>
        %select_n3A_130 = arith.select %ge3A, %masked_sort3A_111, %rev3A_128 : vector<16xi1>, vector<16xi32>
        %select_n3A_131 = arith.select %ge3A, %rev3A_123, %masked_sort3A_110 : vector<16xi1>, vector<16xf32>
        %select_n3A_132 = arith.select %ge3A, %rev3A_128, %masked_sort3A_111 : vector<16xi1>, vector<16xi32>
        %masked_sort3A_133 = arith.constant dense<true> : vector<16xi1>
        %masked_sort3A_134, %masked_sort3A_135, %masked_sort3A_136 = tpu.sort %select_n3A_129, %select_n3A_130 masked %masked_sort3A_133 {descending = true} : (vector<16xf32>, vector<16xi32>, vector<16xi1>) -> (vector<16xi1>, vector<16xf32>, vector<16xi32>)
        %masked_sort3A_137 = arith.constant dense<true> : vector<16xi1>
        %masked_sort3A_138, %masked_sort3A_139, %masked_sort3A_140 = tpu.sort %select_n3A_131, %select_n3A_132 masked %masked_sort3A_137 {descending = true} : (vector<16xf32>, vector<16xi32>, vector<16xi1>) -> (vector<16xi1>, vector<16xf32>, vector<16xi32>)
        %add3A_141 = arith.constant 15 : i32
        %add3A_142 = arith.addi %select_n3A, %add3A_141 : i32
        %jit3A_143 = arith.constant 16 : i32
        %div3A_144 = arith.divsi %add3A_142, %jit3A_143 : i32
        %sign3A_145 = arith.constant 0 : i32
        %sign3A_146 = arith.cmpi sgt, %add3A_142, %sign3A_145 : i32
        %sign3A_147 = arith.extui %sign3A_146 : i1 to i32
        %sign3A_148 = arith.constant 0 : i32
        %sign3A_149 = arith.cmpi slt, %add3A_142, %sign3A_148 : i32
        %sign3A_150 = arith.extui %sign3A_149 : i1 to i32
        %sign3A_151 = arith.subi %sign3A_147, %sign3A_150 : i32
        %sign3A_152 = arith.constant 0 : i32
        %sign3A_153 = arith.cmpi sgt, %jit3A_143, %sign3A_152 : i32
        %sign3A_154 = arith.extui %sign3A_153 : i1 to i32
        %sign3A_155 = arith.constant 0 : i32
        %sign3A_156 = arith.cmpi slt, %jit3A_143, %sign3A_155 : i32
        %sign3A_157 = arith.extui %sign3A_156 : i1 to i32
        %sign3A_158 = arith.subi %sign3A_154, %sign3A_157 : i32
        %ne3A_159 = arith.cmpi ne, %sign3A_151, %sign3A_158 : i32
        %rem3A_160 = arith.remsi %add3A_142, %jit3A_143 : i32
        %ne3A_161 = arith.constant 0 : i32
        %ne3A_162 = arith.cmpi ne, %rem3A_160, %ne3A_161 : i32
        %and3A_163 = arith.andi %ne3A_159, %ne3A_162 : i1
        %sub3A_164 = arith.constant 1 : i32
        %sub3A_165 = arith.subi %div3A_144, %sub3A_164 : i32
        %select_n3A_166 = arith.select %and3A_163, %sub3A_165, %div3A_144 : i32
        %while3A = arith.constant 2 : i32
        %while3A_167:5 = scf.while (%while3A_346 = %while3A, %while3A_347 = %masked_sort3A_135, %while3A_348 = %masked_sort3A_136, %while3A_349 = %masked_sort3A_139, %while3A_350 = %masked_sort3A_140) : (i32, vector<16xf32>, vector<16xi32>, vector<16xf32>, vector<16xi32>) -> (i32, vector<16xf32>, vector<16xi32>, vector<16xf32>, vector<16xi32>) {
          %lt3A_351 = arith.cmpi slt, %while3A_346, %select_n3A_166 : i32
          scf.condition(%lt3A_351) %while3A_346, %while3A_347, %while3A_348, %while3A_349, %while3A_350 : i32, vector<16xf32>, vector<16xi32>, vector<16xf32>, vector<16xi32>
        } do {
        ^bb0(%while3A_346: i32, %while3A_347: vector<16xf32>, %while3A_348: vector<16xi32>, %while3A_349: vector<16xf32>, %while3A_350: vector<16xi32>):
          %mul3A_351 = arith.constant 16 : i32
          %mul3A_352 = arith.muli %while3A_346, %mul3A_351 : i32
          %get3A_353 = arith.index_cast %mul3A_352 : i32 to index
          %get3A_354 = tpu.vector_load %arg7[%get3A_353] {strides = array<i32>} : memref<1040xf32, #tpu.memory_space<vmem>>, vector<16xf32>,
          %mul3A_355 = arith.constant 16 : i32
          %mul3A_356 = arith.muli %while3A_346, %mul3A_355 : i32
          %get3A_357 = arith.index_cast %mul3A_356 : i32 to index
          %get3A_358 = tpu.vector_load %arg8[%get3A_357] {strides = array<i32>} : memref<1040xi32, #tpu.memory_space<vmem>>, vector<16xi32>,
          %masked_sort3A_359 = arith.constant dense<true> : vector<16xi1>
          %masked_sort3A_360, %masked_sort3A_361, %masked_sort3A_362 = tpu.sort %get3A_354, %get3A_358 masked %masked_sort3A_359 {descending = true} : (vector<16xf32>, vector<16xi32>, vector<16xi1>) -> (vector<16xi1>, vector<16xf32>, vector<16xi32>)
          %rev3A_363 = arith.constant 15 : i32
          %rev3A_364 = vector.broadcast %rev3A_363 : i32 to vector<16xi32>
          %rev3A_365 = tpu.iota {dimensions = array<i32: 0>} : vector<16xi32>
          %rev3A_366 = arith.subi %rev3A_364, %rev3A_365 : vector<16xi32>
          %rev3A_367 = tpu.dynamic_gather %masked_sort3A_361[%rev3A_366] in [0] : vector<16xf32>, vector<16xi32> -> vector<16xf32>
          %rev3A_368 = arith.constant 15 : i32
          %rev3A_369 = vector.broadcast %rev3A_368 : i32 to vector<16xi32>
          %rev3A_370 = tpu.iota {dimensions = array<i32: 0>} : vector<16xi32>
          %rev3A_371 = arith.subi %rev3A_369, %rev3A_370 : vector<16xi32>
          %rev3A_372 = tpu.dynamic_gather %masked_sort3A_362[%rev3A_371] in [0] : vector<16xi32>, vector<16xi32> -> vector<16xi32>
          %ge3A_373 = arith.cmpf oge, %while3A_349, %rev3A_367 : vector<16xf32>
          %select_n3A_374 = arith.select %ge3A_373, %while3A_349, %rev3A_367 : vector<16xi1>, vector<16xf32>
          %select_n3A_375 = arith.select %ge3A_373, %while3A_350, %rev3A_372 : vector<16xi1>, vector<16xi32>
          %select_n3A_376 = arith.select %ge3A_373, %rev3A_367, %while3A_349 : vector<16xi1>, vector<16xf32>
          %select_n3A_377 = arith.select %ge3A_373, %rev3A_372, %while3A_350 : vector<16xi1>, vector<16xi32>
          %masked_sort3A_378 = arith.constant dense<true> : vector<16xi1>
          %masked_sort3A_379, %masked_sort3A_380, %masked_sort3A_381 = tpu.sort %select_n3A_374, %select_n3A_375 masked %masked_sort3A_378 {descending = true} : (vector<16xf32>, vector<16xi32>, vector<16xi1>) -> (vector<16xi1>, vector<16xf32>, vector<16xi32>)
          %masked_sort3A_382 = arith.constant dense<true> : vector<16xi1>
          %masked_sort3A_383, %masked_sort3A_384, %masked_sort3A_385 = tpu.sort %select_n3A_376, %select_n3A_377 masked %masked_sort3A_382 {descending = true} : (vector<16xf32>, vector<16xi32>, vector<16xi1>) -> (vector<16xi1>, vector<16xf32>, vector<16xi32>)
          %rev3A_386 = arith.constant 15 : i32
          %rev3A_387 = vector.broadcast %rev3A_386 : i32 to vector<16xi32>
          %rev3A_388 = tpu.iota {dimensions = array<i32: 0>} : vector<16xi32>
          %rev3A_389 = arith.subi %rev3A_387, %rev3A_388 : vector<16xi32>
          %rev3A_390 = tpu.dynamic_gather %masked_sort3A_380[%rev3A_389] in [0] : vector<16xf32>, vector<16xi32> -> vector<16xf32>
          %rev3A_391 = arith.constant 15 : i32
          %rev3A_392 = vector.broadcast %rev3A_391 : i32 to vector<16xi32>
          %rev3A_393 = tpu.iota {dimensions = array<i32: 0>} : vector<16xi32>
          %rev3A_394 = arith.subi %rev3A_392, %rev3A_393 : vector<16xi32>
          %rev3A_395 = tpu.dynamic_gather %masked_sort3A_381[%rev3A_394] in [0] : vector<16xi32>, vector<16xi32> -> vector<16xi32>
          %ge3A_396 = arith.cmpf oge, %while3A_347, %rev3A_390 : vector<16xf32>
          %select_n3A_397 = arith.select %ge3A_396, %while3A_347, %rev3A_390 : vector<16xi1>, vector<16xf32>
          %select_n3A_398 = arith.select %ge3A_396, %while3A_348, %rev3A_395 : vector<16xi1>, vector<16xi32>
          %select_n3A_399 = arith.select %ge3A_396, %rev3A_390, %while3A_347 : vector<16xi1>, vector<16xf32>
          %select_n3A_400 = arith.select %ge3A_396, %rev3A_395, %while3A_348 : vector<16xi1>, vector<16xi32>
          %masked_sort3A_401 = arith.constant dense<true> : vector<16xi1>
          %masked_sort3A_402, %masked_sort3A_403, %masked_sort3A_404 = tpu.sort %select_n3A_397, %select_n3A_398 masked %masked_sort3A_401 {descending = true} : (vector<16xf32>, vector<16xi32>, vector<16xi1>) -> (vector<16xi1>, vector<16xf32>, vector<16xi32>)
          %masked_sort3A_405 = arith.constant dense<true> : vector<16xi1>
          %masked_sort3A_406, %masked_sort3A_407, %masked_sort3A_408 = tpu.sort %select_n3A_399, %select_n3A_400 masked %masked_sort3A_405 {descending = true} : (vector<16xf32>, vector<16xi32>, vector<16xi1>) -> (vector<16xi1>, vector<16xf32>, vector<16xi32>)
          %add3A_409 = arith.constant 1 : i32
          %add3A_410 = arith.addi %while3A_346, %add3A_409 : i32
          scf.yield %add3A_410, %masked_sort3A_403, %masked_sort3A_404, %masked_sort3A_407, %masked_sort3A_408 : i32, vector<16xf32>, vector<16xi32>, vector<16xf32>, vector<16xi32>
        }
        %broadcast_in_dim3A_168 = arith.constant 0x7F800000 : f32
        %broadcast_in_dim3A_169 = vector.broadcast %broadcast_in_dim3A_168 : f32 to vector<16xf32>
        %swap3A_170 = arith.constant 0 : index
        %swap3A_171 = tpu.vector_load %arg11[%swap3A_170] {strides = array<i32>} : memref<64xf32, #tpu.memory_space<vmem>>, vector<16xf32>,
        tpu.vector_store %arg11[%swap3A_170], %broadcast_in_dim3A_169 {strides = array<i32>} : memref<64xf32, #tpu.memory_space<vmem>>, vector<16xf32>,
        %swap3A_172 = arith.constant 16 : index
        %swap3A_173 = tpu.vector_load %arg11[%swap3A_172] {strides = array<i32>} : memref<64xf32, #tpu.memory_space<vmem>>, vector<16xf32>,
        tpu.vector_store %arg11[%swap3A_172], %while3A_167#1 {strides = array<i32>} : memref<64xf32, #tpu.memory_space<vmem>>, vector<16xf32>,
        %swap3A_174 = arith.constant 32 : index
        %swap3A_175 = tpu.vector_load %arg11[%swap3A_174] {strides = array<i32>} : memref<64xf32, #tpu.memory_space<vmem>>, vector<16xf32>,
        tpu.vector_store %arg11[%swap3A_174], %while3A_167#3 {strides = array<i32>} : memref<64xf32, #tpu.memory_space<vmem>>, vector<16xf32>,
        %broadcast_in_dim3A_176 = arith.constant 0xFF800000 : f32
        %broadcast_in_dim3A_177 = vector.broadcast %broadcast_in_dim3A_176 : f32 to vector<16xf32>
        %swap3A_178 = arith.constant 48 : index
        %swap3A_179 = tpu.vector_load %arg11[%swap3A_178] {strides = array<i32>} : memref<64xf32, #tpu.memory_space<vmem>>, vector<16xf32>,
        tpu.vector_store %arg11[%swap3A_178], %broadcast_in_dim3A_177 {strides = array<i32>} : memref<64xf32, #tpu.memory_space<vmem>>, vector<16xf32>,
        %get3A_180 = arith.constant 15 : index
        %get3A_181 = tpu.vector_load %arg11[%get3A_180] {strides = array<i32>} : memref<64xf32, #tpu.memory_space<vmem>>, vector<16xf32>,
        %get3A_182 = arith.constant 17 : index
        %get3A_183 = tpu.vector_load %arg11[%get3A_182] {strides = array<i32>} : memref<64xf32, #tpu.memory_space<vmem>>, vector<16xf32>,
        %get3A_184 = arith.constant 31 : index
        %get3A_185 = tpu.vector_load %arg11[%get3A_184] {strides = array<i32>} : memref<64xf32, #tpu.memory_space<vmem>>, vector<16xf32>,
        %get3A_186 = arith.constant 33 : index
        %get3A_187 = tpu.vector_load %arg11[%get3A_186] {strides = array<i32>} : memref<64xf32, #tpu.memory_space<vmem>>, vector<16xf32>,
        %eq3A = arith.cmpf oeq, %while3A_167#1, %get3A_181 : vector<16xf32>
        %eq3A_188 = arith.cmpf oeq, %while3A_167#1, %get3A_183 : vector<16xf32>
        %eq3A_189 = arith.cmpf oeq, %while3A_167#3, %get3A_185 : vector<16xf32>
        %eq3A_190 = arith.cmpf oeq, %while3A_167#3, %get3A_187 : vector<16xf32>
        %iota3A_191 = tpu.iota {dimensions = array<i32: 0>} : vector<16xi32>
        %jit3A_192 = arith.constant 2 : i32
        %eq3A_193 = arith.constant 0 : i32
        %eq3A_194 = arith.cmpi eq, %jit3A_192, %eq3A_193 : i32
        %jit3A_195 = arith.constant 1 : i32
        %select_n3A_196 = arith.select %eq3A_194, %jit3A_195, %jit3A_192 : i32
        %rem3A_197 = vector.broadcast %select_n3A_196 : i32 to vector<16xi32>
        %rem3A_198 = arith.remsi %iota3A_191, %rem3A_197 : vector<16xi32>
        %ne3A_199 = arith.constant 0 : i32
        %ne3A_200 = vector.broadcast %ne3A_199 : i32 to vector<16xi32>
        %ne3A_201 = arith.cmpi ne, %rem3A_198, %ne3A_200 : vector<16xi32>
        %lt3A_202 = arith.constant 0 : i32
        %lt3A_203 = vector.broadcast %lt3A_202 : i32 to vector<16xi32>
        %lt3A_204 = arith.cmpi slt, %rem3A_198, %lt3A_203 : vector<16xi32>
        %lt3A_205 = arith.constant 0 : i32
        %lt3A_206 = arith.cmpi slt, %select_n3A_196, %lt3A_205 : i32
        %ne3A_207 = vector.broadcast %lt3A_206 : i1 to vector<16xi1>
        %ne3A_208 = vector.broadcast %ne3A_207 : vector<16xi1> to vector<16xi1>
        %ne3A_209 = arith.xori %lt3A_204, %ne3A_208 : vector<16xi1>
        %and3A_210 = arith.andi %ne3A_209, %ne3A_201 : vector<16xi1>
        %add3A_211 = vector.broadcast %select_n3A_196 : i32 to vector<16xi32>
        %add3A_212 = arith.addi %rem3A_198, %add3A_211 : vector<16xi32>
        %select_n3A_213 = arith.select %and3A_210, %add3A_212, %rem3A_198 : vector<16xi1>, vector<16xi32>
        %eq3A_214 = arith.constant 0 : i32
        %eq3A_215 = vector.broadcast %eq3A_214 : i32 to vector<16xi32>
        %eq3A_216 = arith.cmpi eq, %select_n3A_213, %eq3A_215 : vector<16xi32>
        %not3A = arith.constant dense<true> : vector<16xi1>
        %not3A_217 = arith.xori %eq3A_216, %not3A : vector<16xi1>
        %iota3A_218 = tpu.iota {dimensions = array<i32: 0>} : vector<16xi32>
        %swap3A_219 = arith.constant 0 : index
        %swap3A_220 = tpu.vector_load %arg12[%swap3A_219] {strides = array<i32>} : memref<64xi32, #tpu.memory_space<vmem>>, vector<16xi32>,
        tpu.vector_store %arg12[%swap3A_219], %iota3A_218 {strides = array<i32>} : memref<64xi32, #tpu.memory_space<vmem>>, vector<16xi32>,
        %iota3A_221 = tpu.iota {dimensions = array<i32: 0>} : vector<16xi32>
        %swap3A_222 = arith.constant 48 : index
        %swap3A_223 = tpu.vector_load %arg12[%swap3A_222] {strides = array<i32>} : memref<64xi32, #tpu.memory_space<vmem>>, vector<16xi32>,
        tpu.vector_store %arg12[%swap3A_222], %iota3A_221 {strides = array<i32>} : memref<64xi32, #tpu.memory_space<vmem>>, vector<16xi32>,
        %not3A_224 = arith.constant dense<true> : vector<16xi1>
        %not3A_225 = arith.xori %eq3A_216, %not3A_224 : vector<16xi1>
        %swap3A_226 = arith.constant 16 : index
        %swap3A_227 = tpu.vector_load %arg12[%swap3A_226] {strides = array<i32>} : memref<64xi32, #tpu.memory_space<vmem>>, vector<16xi32>,
        tpu.vector_store %arg12[%swap3A_226], %while3A_167#2 {strides = array<i32>} : memref<64xi32, #tpu.memory_space<vmem>>, vector<16xi32>,
        %swap3A_228 = arith.constant 32 : index
        %swap3A_229 = tpu.vector_load %arg12[%swap3A_228] {strides = array<i32>} : memref<64xi32, #tpu.memory_space<vmem>>, vector<16xi32>,
        tpu.vector_store %arg12[%swap3A_228], %while3A_167#4 {strides = array<i32>} : memref<64xi32, #tpu.memory_space<vmem>>, vector<16xi32>,
        %get3A_230 = arith.constant 15 : index
        %get3A_231 = tpu.vector_load %arg12[%get3A_230] {strides = array<i32>} : memref<64xi32, #tpu.memory_space<vmem>>, vector<16xi32>,
        %get3A_232 = arith.constant 17 : index
        %get3A_233 = tpu.vector_load %arg12[%get3A_232] {strides = array<i32>} : memref<64xi32, #tpu.memory_space<vmem>>, vector<16xi32>,
        %get3A_234 = arith.constant 31 : index
        %get3A_235 = tpu.vector_load %arg12[%get3A_234] {strides = array<i32>} : memref<64xi32, #tpu.memory_space<vmem>>, vector<16xi32>,
        %get3A_236 = arith.constant 33 : index
        %get3A_237 = tpu.vector_load %arg12[%get3A_236] {strides = array<i32>} : memref<64xi32, #tpu.memory_space<vmem>>, vector<16xi32>,
        %and3A_238 = arith.andi %eq3A_216, %eq3A_188 : vector<16xi1>
        %gt3A = arith.cmpi sgt, %while3A_167#2, %get3A_233 : vector<16xi32>
        %and3A_239 = arith.andi %and3A_238, %gt3A : vector<16xi1>
        %and3A_240 = arith.andi %not3A_225, %eq3A : vector<16xi1>
        %gt3A_241 = arith.cmpi sgt, %get3A_231, %while3A_167#2 : vector<16xi32>
        %and3A_242 = arith.andi %and3A_240, %gt3A_241 : vector<16xi1>
        %select_n3A_243 = arith.select %and3A_242, %get3A_231, %while3A_167#2 : vector<16xi1>, vector<16xi32>
        %select_n3A_244 = arith.select %and3A_239, %get3A_233, %select_n3A_243 : vector<16xi1>, vector<16xi32>
        %and3A_245 = arith.andi %eq3A_216, %eq3A_190 : vector<16xi1>
        %gt3A_246 = arith.cmpi sgt, %while3A_167#4, %get3A_237 : vector<16xi32>
        %and3A_247 = arith.andi %and3A_245, %gt3A_246 : vector<16xi1>
        %and3A_248 = arith.andi %not3A_225, %eq3A_189 : vector<16xi1>
        %gt3A_249 = arith.cmpi sgt, %get3A_235, %while3A_167#4 : vector<16xi32>
        %and3A_250 = arith.andi %and3A_248, %gt3A_249 : vector<16xi1>
        %select_n3A_251 = arith.select %and3A_250, %get3A_235, %while3A_167#4 : vector<16xi1>, vector<16xi32>
        %select_n3A_252 = arith.select %and3A_247, %get3A_237, %select_n3A_251 : vector<16xi1>, vector<16xi32>
        %not3A_253 = arith.constant dense<true> : vector<16xi1>
        %not3A_254 = arith.xori %not3A_217, %not3A_253 : vector<16xi1>
        %swap3A_255 = arith.constant 16 : index
        %swap3A_256 = tpu.vector_load %arg12[%swap3A_255] {strides = array<i32>} : memref<64xi32, #tpu.memory_space<vmem>>, vector<16xi32>,
        tpu.vector_store %arg12[%swap3A_255], %select_n3A_244 {strides = array<i32>} : memref<64xi32, #tpu.memory_space<vmem>>, vector<16xi32>,
        %swap3A_257 = arith.constant 32 : index
        %swap3A_258 = tpu.vector_load %arg12[%swap3A_257] {strides = array<i32>} : memref<64xi32, #tpu.memory_space<vmem>>, vector<16xi32>,
        tpu.vector_store %arg12[%swap3A_257], %select_n3A_252 {strides = array<i32>} : memref<64xi32, #tpu.memory_space<vmem>>, vector<16xi32>,
        %get3A_259 = arith.constant 15 : index
        %get3A_260 = tpu.vector_load %arg12[%get3A_259] {strides = array<i32>} : memref<64xi32, #tpu.memory_space<vmem>>, vector<16xi32>,
        %get3A_261 = arith.constant 17 : index
        %get3A_262 = tpu.vector_load %arg12[%get3A_261] {strides = array<i32>} : memref<64xi32, #tpu.memory_space<vmem>>, vector<16xi32>,
        %get3A_263 = arith.constant 31 : index
        %get3A_264 = tpu.vector_load %arg12[%get3A_263] {strides = array<i32>} : memref<64xi32, #tpu.memory_space<vmem>>, vector<16xi32>,
        %get3A_265 = arith.constant 33 : index
        %get3A_266 = tpu.vector_load %arg12[%get3A_265] {strides = array<i32>} : memref<64xi32, #tpu.memory_space<vmem>>, vector<16xi32>,
        %and3A_267 = arith.andi %not3A_217, %eq3A_188 : vector<16xi1>
        %gt3A_268 = arith.cmpi sgt, %select_n3A_244, %get3A_262 : vector<16xi32>
        %and3A_269 = arith.andi %and3A_267, %gt3A_268 : vector<16xi1>
        %and3A_270 = arith.andi %not3A_254, %eq3A : vector<16xi1>
        %gt3A_271 = arith.cmpi sgt, %get3A_260, %select_n3A_244 : vector<16xi32>
        %and3A_272 = arith.andi %and3A_270, %gt3A_271 : vector<16xi1>
        %select_n3A_273 = arith.select %and3A_272, %get3A_260, %select_n3A_244 : vector<16xi1>, vector<16xi32>
        %select_n3A_274 = arith.select %and3A_269, %get3A_262, %select_n3A_273 : vector<16xi1>, vector<16xi32>
        %and3A_275 = arith.andi %not3A_217, %eq3A_190 : vector<16xi1>
        %gt3A_276 = arith.cmpi sgt, %select_n3A_252, %get3A_266 : vector<16xi32>
        %and3A_277 = arith.andi %and3A_275, %gt3A_276 : vector<16xi1>
        %and3A_278 = arith.andi %not3A_254, %eq3A_189 : vector<16xi1>
        %gt3A_279 = arith.cmpi sgt, %get3A_264, %select_n3A_252 : vector<16xi32>
        %and3A_280 = arith.andi %and3A_278, %gt3A_279 : vector<16xi1>
        %select_n3A_281 = arith.select %and3A_280, %get3A_264, %select_n3A_252 : vector<16xi1>, vector<16xi32>
        %select_n3A_282 = arith.select %and3A_277, %get3A_266, %select_n3A_281 : vector<16xi1>, vector<16xi32>
        %not3A_283 = arith.constant dense<true> : vector<16xi1>
        %not3A_284 = arith.xori %eq3A_216, %not3A_283 : vector<16xi1>
        %swap3A_285 = arith.constant 16 : index
        %swap3A_286 = tpu.vector_load %arg12[%swap3A_285] {strides = array<i32>} : memref<64xi32, #tpu.memory_space<vmem>>, vector<16xi32>,
        tpu.vector_store %arg12[%swap3A_285], %select_n3A_274 {strides = array<i32>} : memref<64xi32, #tpu.memory_space<vmem>>, vector<16xi32>,
        %swap3A_287 = arith.constant 32 : index
        %swap3A_288 = tpu.vector_load %arg12[%swap3A_287] {strides = array<i32>} : memref<64xi32, #tpu.memory_space<vmem>>, vector<16xi32>,
        tpu.vector_store %arg12[%swap3A_287], %select_n3A_282 {strides = array<i32>} : memref<64xi32, #tpu.memory_space<vmem>>, vector<16xi32>,
        %get3A_289 = arith.constant 15 : index
        %get3A_290 = tpu.vector_load %arg12[%get3A_289] {strides = array<i32>} : memref<64xi32, #tpu.memory_space<vmem>>, vector<16xi32>,
        %get3A_291 = arith.constant 17 : index
        %get3A_292 = tpu.vector_load %arg12[%get3A_291] {strides = array<i32>} : memref<64xi32, #tpu.memory_space<vmem>>, vector<16xi32>,
        %get3A_293 = arith.constant 31 : index
        %get3A_294 = tpu.vector_load %arg12[%get3A_293] {strides = array<i32>} : memref<64xi32, #tpu.memory_space<vmem>>, vector<16xi32>,
        %get3A_295 = arith.constant 33 : index
        %get3A_296 = tpu.vector_load %arg12[%get3A_295] {strides = array<i32>} : memref<64xi32, #tpu.memory_space<vmem>>, vector<16xi32>,
        %and3A_297 = arith.andi %eq3A_216, %eq3A_188 : vector<16xi1>
        %gt3A_298 = arith.cmpi sgt, %select_n3A_274, %get3A_292 : vector<16xi32>
        %and3A_299 = arith.andi %and3A_297, %gt3A_298 : vector<16xi1>
        %and3A_300 = arith.andi %not3A_284, %eq3A : vector<16xi1>
        %gt3A_301 = arith.cmpi sgt, %get3A_290, %select_n3A_274 : vector<16xi32>
        %and3A_302 = arith.andi %and3A_300, %gt3A_301 : vector<16xi1>
        %select_n3A_303 = arith.select %and3A_302, %get3A_290, %select_n3A_274 : vector<16xi1>, vector<16xi32>
        %select_n3A_304 = arith.select %and3A_299, %get3A_292, %select_n3A_303 : vector<16xi1>, vector<16xi32>
        %and3A_305 = arith.andi %eq3A_216, %eq3A_190 : vector<16xi1>
        %gt3A_306 = arith.cmpi sgt, %select_n3A_282, %get3A_296 : vector<16xi32>
        %and3A_307 = arith.andi %and3A_305, %gt3A_306 : vector<16xi1>
        %and3A_308 = arith.andi %not3A_284, %eq3A_189 : vector<16xi1>
        %gt3A_309 = arith.cmpi sgt, %get3A_294, %select_n3A_282 : vector<16xi32>
        %and3A_310 = arith.andi %and3A_308, %gt3A_309 : vector<16xi1>
        %select_n3A_311 = arith.select %and3A_310, %get3A_294, %select_n3A_282 : vector<16xi1>, vector<16xi32>
        %select_n3A_312 = arith.select %and3A_307, %get3A_296, %select_n3A_311 : vector<16xi1>, vector<16xi32>
        %reduce_max3A = arith.constant true
        %reduce_max3A_313 = vector.broadcast %reduce_max3A : i1 to vector<16xi1>
        %reduce_max3A_314 = tpu.scan <max>, %while3A_167#1 masked %reduce_max3A_313 : vector<16xf32>, vector<16xi1> -> vector<16xf32>
        %reduce_max3A_315 = vector.extract %reduce_max3A_314[15] : f32 from vector<16xf32>
        %sub3A_316 = vector.broadcast %reduce_max3A_315 : f32 to vector<16xf32>
        %sub3A_317 = arith.subf %while3A_167#1, %sub3A_316 : vector<16xf32>
        %exp3A = math.exp %sub3A_317 : vector<16xf32>
        %sub3A_318 = vector.broadcast %reduce_max3A_315 : f32 to vector<16xf32>
        %sub3A_319 = arith.subf %while3A_167#3, %sub3A_318 : vector<16xf32>
        %exp3A_320 = math.exp %sub3A_319 : vector<16xf32>
        %reduce_sum3A_321 = arith.constant true
        %reduce_sum3A_322 = vector.broadcast %reduce_sum3A_321 : i1 to vector<16xi1>
        %reduce_sum3A_323 = tpu.scan <sum>, %exp3A masked %reduce_sum3A_322 : vector<16xf32>, vector<16xi1> -> vector<16xf32>
        %reduce_sum3A_324 = vector.extract %reduce_sum3A_323[15] : f32 from vector<16xf32>
        %reduce_sum3A_325 = arith.constant true
        %reduce_sum3A_326 = vector.broadcast %reduce_sum3A_325 : i1 to vector<16xi1>
        %reduce_sum3A_327 = tpu.scan <sum>, %exp3A_320 masked %reduce_sum3A_326 : vector<16xf32>, vector<16xi1> -> vector<16xf32>
        %reduce_sum3A_328 = vector.extract %reduce_sum3A_327[15] : f32 from vector<16xf32>
        %add3A_329 = arith.addf %reduce_sum3A_324, %reduce_sum3A_328 : f32
        %div3A_330 = vector.broadcast %add3A_329 : f32 to vector<16xf32>
        %div3A_331 = arith.divf %exp3A, %div3A_330 : vector<16xf32>
        %swap3A_332 = arith.index_cast %scan3A_55 : i32 to index
        %swap3A_333 = arith.constant 0 : index
        %swap3A_334 = tpu.vector_load %arg9[%swap3A_332, %swap3A_333] {strides = array<i32>} : memref<8x32xf32, #tpu.memory_space<vmem>>, vector<16xf32>,
        tpu.vector_store %arg9[%swap3A_332, %swap3A_333], %div3A_331 {strides = array<i32>} : memref<8x32xf32, #tpu.memory_space<vmem>>, vector<16xf32>,
        %div3A_335 = vector.broadcast %add3A_329 : f32 to vector<16xf32>
        %div3A_336 = arith.divf %exp3A_320, %div3A_335 : vector<16xf32>
        %swap3A_337 = arith.index_cast %scan3A_55 : i32 to index
        %swap3A_338 = arith.constant 16 : index
        %swap3A_339 = tpu.vector_load %arg9[%swap3A_337, %swap3A_338] {strides = array<i32>} : memref<8x32xf32, #tpu.memory_space<vmem>>, vector<16xf32>,
        tpu.vector_store %arg9[%swap3A_337, %swap3A_338], %div3A_336 {strides = array<i32>} : memref<8x32xf32, #tpu.memory_space<vmem>>, vector<16xf32>,
        %swap3A_340 = arith.index_cast %scan3A_55 : i32 to index
        %swap3A_341 = arith.constant 0 : index
        %swap3A_342 = tpu.vector_load %arg10[%swap3A_340, %swap3A_341] {strides = array<i32>} : memref<8x32xi32, #tpu.memory_space<vmem>>, vector<16xi32>,
        tpu.vector_store %arg10[%swap3A_340, %swap3A_341], %select_n3A_304 {strides = array<i32>} : memref<8x32xi32, #tpu.memory_space<vmem>>, vector<16xi32>,
        %swap3A_343 = arith.index_cast %scan3A_55 : i32 to index
        %swap3A_344 = arith.constant 16 : index
        %swap3A_345 = tpu.vector_load %arg10[%swap3A_343, %swap3A_344] {strides = array<i32>} : memref<8x32xi32, #tpu.memory_space<vmem>>, vector<16xi32>,
        tpu.vector_store %arg10[%swap3A_343, %swap3A_344], %select_n3A_312 {strides = array<i32>} : memref<8x32xi32, #tpu.memory_space<vmem>>, vector<16xi32>,
      }
      %scan3A_33 = arith.constant 8 : i32
      "tpu.region"() ({
        %run_scoped3A = tpu.sem_alloc : memref<!tpu.dma_semaphore, #tpu.memory_space<semaphore_mem>>
        %dma_start3A_55 = arith.constant 0 : i32
        %dma_start3A_56 = tpu.memref_slice %arg3[%add3A_18, %dma_start3A_55] : memref<8192x32xf32, #tpu.memory_space<hbm>> -> memref<8x32xf32, #tpu.memory_space<hbm>>
        %dma_start3A_57 = arith.constant 0 : i32
        %dma_start3A_58 = tpu.memref_slice %arg3[%add3A_18, %dma_start3A_57] : memref<8192x32xf32, #tpu.memory_space<hbm>> -> memref<8x32xf32, #tpu.memory_space<hbm>>
        tpu.enqueue_dma source(%arg9 : memref<8x32xf32, #tpu.memory_space<vmem>>) target(%dma_start3A_58 : memref<8x32xf32, #tpu.memory_space<hbm>>) target_semaphore(%run_scoped3A : memref<!tpu.dma_semaphore, #tpu.memory_space<semaphore_mem>>)
        %dma_wait3A_59 = arith.constant 0 : i32
        %dma_wait3A_60 = tpu.memref_slice %arg3[%add3A_18, %dma_wait3A_59] : memref<8192x32xf32, #tpu.memory_space<hbm>> -> memref<8x32xf32, #tpu.memory_space<hbm>>
        %dma_wait3A_61 = arith.constant 0 : i32
        %dma_wait3A_62 = tpu.memref_slice %arg3[%add3A_18, %dma_wait3A_61] : memref<8192x32xf32, #tpu.memory_space<hbm>> -> memref<8x32xf32, #tpu.memory_space<hbm>>
        tpu.wait_dma2 semaphore(%run_scoped3A : memref<!tpu.dma_semaphore, #tpu.memory_space<semaphore_mem>>) src(%arg9 : memref<8x32xf32, #tpu.memory_space<vmem>>) dst(%dma_wait3A_62 : memref<8x32xf32, #tpu.memory_space<hbm>>)
        tpu.yield
      }) : () -> ()
      "tpu.region"() ({
        %run_scoped3A = tpu.sem_alloc : memref<!tpu.dma_semaphore, #tpu.memory_space<semaphore_mem>>
        %dma_start3A_55 = arith.constant 0 : i32
        %dma_start3A_56 = tpu.memref_slice %arg4[%add3A_18, %dma_start3A_55] : memref<8192x32xi32, #tpu.memory_space<hbm>> -> memref<8x32xi32, #tpu.memory_space<hbm>>
        %dma_start3A_57 = arith.constant 0 : i32
        %dma_start3A_58 = tpu.memref_slice %arg4[%add3A_18, %dma_start3A_57] : memref<8192x32xi32, #tpu.memory_space<hbm>> -> memref<8x32xi32, #tpu.memory_space<hbm>>
        tpu.enqueue_dma source(%arg10 : memref<8x32xi32, #tpu.memory_space<vmem>>) target(%dma_start3A_58 : memref<8x32xi32, #tpu.memory_space<hbm>>) target_semaphore(%run_scoped3A : memref<!tpu.dma_semaphore, #tpu.memory_space<semaphore_mem>>)
        %dma_wait3A_59 = arith.constant 0 : i32
        %dma_wait3A_60 = tpu.memref_slice %arg4[%add3A_18, %dma_wait3A_59] : memref<8192x32xi32, #tpu.memory_space<hbm>> -> memref<8x32xi32, #tpu.memory_space<hbm>>
        %dma_wait3A_61 = arith.constant 0 : i32
        %dma_wait3A_62 = tpu.memref_slice %arg4[%add3A_18, %dma_wait3A_61] : memref<8192x32xi32, #tpu.memory_space<hbm>> -> memref<8x32xi32, #tpu.memory_space<hbm>>
        tpu.wait_dma2 semaphore(%run_scoped3A : memref<!tpu.dma_semaphore, #tpu.memory_space<semaphore_mem>>) src(%arg10 : memref<8x32xi32, #tpu.memory_space<vmem>>) dst(%dma_wait3A_62 : memref<8x32xi32, #tpu.memory_space<hbm>>)
        tpu.yield
      }) : () -> ()
      %mul3A_34 = arith.constant 2 : i32
      %mul3A_35 = arith.muli %scan3A_11, %mul3A_34 : i32
      %add3A_36 = arith.constant 1 : i32
      %add3A_37 = arith.addi %mul3A_35, %add3A_36 : i32
      %mul3A_38 = arith.constant 8 : i32
      %mul3A_39 = arith.muli %add3A_37, %mul3A_38 : i32
      %add3A_40 = arith.addi %mul3A_2, %mul3A_39 : i32
      %dma_wait3A_41 = arith.constant 0 : i32
      %dma_wait3A_42 = tpu.memref_slice %arg2[%add3A_40, %dma_wait3A_41] : memref<8192x1024xf32, #tpu.memory_space<hbm>> -> memref<8x1024xf32, #tpu.memory_space<hbm>>
      %dma_wait3A_43 = arith.constant 0 : i32
      %dma_wait3A_44 = tpu.memref_slice %arg2[%add3A_40, %dma_wait3A_43] : memref<8192x1024xf32, #tpu.memory_space<hbm>> -> memref<8x1024xf32, #tpu.memory_space<hbm>>
      tpu.wait_dma2 semaphore(%arg14 : memref<!tpu.dma_semaphore, #tpu.memory_space<semaphore_mem>>) src(%dma_wait3A_44 : memref<8x1024xf32, #tpu.memory_space<hbm>>) dst(%arg6 : memref<8x1024xf32, #tpu.memory_space<vmem>>)
      %add3A_45 = arith.constant 1 : i32
      %add3A_46 = arith.addi %add3A_37, %add3A_45 : i32
      %lt3A = arith.constant 32 : i32
      %lt3A_47 = arith.cmpi slt, %add3A_46, %lt3A : i32
      %convert_element_type3A = arith.extui %lt3A_47 : i1 to i32
      %cond3A = arith.constant 0 : i32
      %cond3A_48 = arith.cmpi ne, %convert_element_type3A, %cond3A : i32
      scf.if %cond3A_48 {
        %add3A_55 = arith.constant 8 : i32
        %add3A_56 = arith.addi %add3A_40, %add3A_55 : i32
        %dma_start3A_57 = arith.constant 0 : i32
        %dma_start3A_58 = tpu.memref_slice %arg2[%add3A_56, %dma_start3A_57] : memref<8192x1024xf32, #tpu.memory_space<hbm>> -> memref<8x1024xf32, #tpu.memory_space<hbm>>
        %dma_start3A_59 = arith.constant 0 : i32
        %dma_start3A_60 = tpu.memref_slice %arg2[%add3A_56, %dma_start3A_59] : memref<8192x1024xf32, #tpu.memory_space<hbm>> -> memref<8x1024xf32, #tpu.memory_space<hbm>>
        tpu.enqueue_dma source(%dma_start3A_60 : memref<8x1024xf32, #tpu.memory_space<hbm>>) target(%arg5 : memref<8x1024xf32, #tpu.memory_space<vmem>>) target_semaphore(%arg13 : memref<!tpu.dma_semaphore, #tpu.memory_space<semaphore_mem>>)
      } else {
      }
      %scan3A_49 = arith.constant 0 : i32
      %scan3A_50 = arith.constant 0 : i32
      %scan3A_51 = arith.constant 8 : i32
      %scan3A_52 = arith.addi %scan3A_50, %scan3A_51 : i32
      %scan3A_53 = arith.constant 1 : i32
      scf.for %scan3A_55 = %scan3A_50 to %scan3A_52 step %scan3A_53  : i32 {
        %broadcast_in_dim3A = arith.constant 0xFF800000 : f32
        %broadcast_in_dim3A_56 = vector.broadcast %broadcast_in_dim3A : f32 to vector<16xf32>
        %scan3A_57 = arith.constant 0 : i32
        %scan3A_58 = arith.constant 16 : i32
        %scan3A_59 = arith.addi %scan3A_57, %scan3A_58 : i32
        %scan3A_60 = arith.constant 1 : i32
        %scan3A_61:8 = scf.for %scan3A_346 = %scan3A_57 to %scan3A_59 step %scan3A_60 iter_args(%scan3A_347 = %broadcast_in_dim3A_56, %scan3A_348 = %broadcast_in_dim3A_56, %scan3A_349 = %broadcast_in_dim3A_56, %scan3A_350 = %broadcast_in_dim3A_56, %scan3A_351 = %broadcast_in_dim3A_56, %scan3A_352 = %broadcast_in_dim3A_56, %scan3A_353 = %broadcast_in_dim3A_56, %scan3A_354 = %broadcast_in_dim3A_56) -> (vector<16xf32>, vector<16xf32>, vector<16xf32>, vector<16xf32>, vector<16xf32>, vector<16xf32>, vector<16xf32>, vector<16xf32>)  : i32 {
          %mul3A_355 = arith.constant 4 : i32
          %mul3A_356 = arith.muli %mul3A_355, %scan3A_346 : i32
          %mul3A_357 = arith.constant 16 : i32
          %mul3A_358 = arith.muli %mul3A_356, %mul3A_357 : i32
          %get3A_359 = arith.index_cast %scan3A_55 : i32 to index
          %get3A_360 = arith.index_cast %mul3A_358 : i32 to index
          %get3A_361 = tpu.vector_load %arg6[%get3A_359, %get3A_360] {strides = array<i32>} : memref<8x1024xf32, #tpu.memory_space<vmem>>, vector<16xf32>,
          %mul3A_362 = arith.constant 4 : i32
          %mul3A_363 = arith.muli %mul3A_362, %scan3A_346 : i32
          %add3A_364 = arith.constant 1 : i32
          %add3A_365 = arith.addi %mul3A_363, %add3A_364 : i32
          %mul3A_366 = arith.constant 16 : i32
          %mul3A_367 = arith.muli %add3A_365, %mul3A_366 : i32
          %get3A_368 = arith.index_cast %scan3A_55 : i32 to index
          %get3A_369 = arith.index_cast %mul3A_367 : i32 to index
          %get3A_370 = tpu.vector_load %arg6[%get3A_368, %get3A_369] {strides = array<i32>} : memref<8x1024xf32, #tpu.memory_space<vmem>>, vector<16xf32>,
          %mul3A_371 = arith.constant 4 : i32
          %mul3A_372 = arith.muli %mul3A_371, %scan3A_346 : i32
          %add3A_373 = arith.constant 2 : i32
          %add3A_374 = arith.addi %mul3A_372, %add3A_373 : i32
          %mul3A_375 = arith.constant 16 : i32
          %mul3A_376 = arith.muli %add3A_374, %mul3A_375 : i32
          %get3A_377 = arith.index_cast %scan3A_55 : i32 to index
          %get3A_378 = arith.index_cast %mul3A_376 : i32 to index
          %get3A_379 = tpu.vector_load %arg6[%get3A_377, %get3A_378] {strides = array<i32>} : memref<8x1024xf32, #tpu.memory_space<vmem>>, vector<16xf32>,
          %mul3A_380 = arith.constant 4 : i32
          %mul3A_381 = arith.muli %mul3A_380, %scan3A_346 : i32
          %add3A_382 = arith.constant 3 : i32
          %add3A_383 = arith.addi %mul3A_381, %add3A_382 : i32
          %mul3A_384 = arith.constant 16 : i32
          %mul3A_385 = arith.muli %add3A_383, %mul3A_384 : i32
          %get3A_386 = arith.index_cast %scan3A_55 : i32 to index
          %get3A_387 = arith.index_cast %mul3A_385 : i32 to index
          %get3A_388 = tpu.vector_load %arg6[%get3A_386, %get3A_387] {strides = array<i32>} : memref<8x1024xf32, #tpu.memory_space<vmem>>, vector<16xf32>,
          %min3A_389 = arith.minimumf %scan3A_347, %get3A_361 : vector<16xf32>
          %max3A_390 = arith.maximumf %scan3A_348, %min3A_389 : vector<16xf32>
          %max3A_391 = arith.maximumf %scan3A_347, %get3A_361 : vector<16xf32>
          %min3A_392 = arith.minimumf %scan3A_349, %get3A_370 : vector<16xf32>
          %max3A_393 = arith.maximumf %scan3A_350, %min3A_392 : vector<16xf32>
          %max3A_394 = arith.maximumf %scan3A_349, %get3A_370 : vector<16xf32>
          %min3A_395 = arith.minimumf %scan3A_351, %get3A_379 : vector<16xf32>
          %max3A_396 = arith.maximumf %scan3A_352, %min3A_395 : vector<16xf32>
          %max3A_397 = arith.maximumf %scan3A_351, %get3A_379 : vector<16xf32>
          %min3A_398 = arith.minimumf %scan3A_353, %get3A_388 : vector<16xf32>
          %max3A_399 = arith.maximumf %scan3A_354, %min3A_398 : vector<16xf32>
          %max3A_400 = arith.maximumf %scan3A_353, %get3A_388 : vector<16xf32>
          scf.yield %max3A_391, %max3A_390, %max3A_394, %max3A_393, %max3A_397, %max3A_396, %max3A_400, %max3A_399 : vector<16xf32>, vector<16xf32>, vector<16xf32>, vector<16xf32>, vector<16xf32>, vector<16xf32>, vector<16xf32>, vector<16xf32>
        }
        %scan3A_62 = arith.constant 16 : i32
        %max3A = arith.maximumf %scan3A_61#0, %scan3A_61#2 : vector<16xf32>
        %min3A = arith.minimumf %scan3A_61#0, %scan3A_61#2 : vector<16xf32>
        %max3A_63 = arith.maximumf %scan3A_61#1, %scan3A_61#3 : vector<16xf32>
        %max3A_64 = arith.maximumf %min3A, %max3A_63 : vector<16xf32>
        %max3A_65 = arith.maximumf %scan3A_61#4, %scan3A_61#6 : vector<16xf32>
        %min3A_66 = arith.minimumf %scan3A_61#4, %scan3A_61#6 : vector<16xf32>
        %max3A_67 = arith.maximumf %scan3A_61#5, %scan3A_61#7 : vector<16xf32>
        %max3A_68 = arith.maximumf %min3A_66, %max3A_67 : vector<16xf32>
        %max3A_69 = arith.maximumf %max3A, %max3A_65 : vector<16xf32>
        %min3A_70 = arith.minimumf %max3A, %max3A_65 : vector<16xf32>
        %max3A_71 = arith.maximumf %max3A_64, %max3A_68 : vector<16xf32>
        %max3A_72 = arith.maximumf %min3A_70, %max3A_71 : vector<16xf32>
        %reduce_min3A = arith.constant true
        %reduce_min3A_73 = vector.broadcast %reduce_min3A : i1 to vector<16xi1>
        %reduce_min3A_74 = tpu.scan <min>, %max3A_72 masked %reduce_min3A_73 : vector<16xf32>, vector<16xi1> -> vector<16xf32>
        %reduce_min3A_75 = vector.extract %reduce_min3A_74[15] : f32 from vector<16xf32>
        %iota3A = tpu.iota {dimensions = array<i32: 0>} : vector<16xi32>
        %broadcast_in_dim3A_76 = arith.constant 0 : i32
        %broadcast_in_dim3A_77 = vector.broadcast %broadcast_in_dim3A_76 : i32 to vector<16xi32>
        %scan3A_78 = arith.constant 0 : i32
        %scan3A_79 = arith.constant 16 : i32
        %scan3A_80 = arith.addi %scan3A_78, %scan3A_79 : i32
        %scan3A_81 = arith.constant 1 : i32
        %scan3A_82 = scf.for %scan3A_346 = %scan3A_78 to %scan3A_80 step %scan3A_81 iter_args(%scan3A_347 = %broadcast_in_dim3A_77) -> (vector<16xi32>)  : i32 {
          %mul3A_348 = arith.constant 4 : i32
          %mul3A_349 = arith.muli %mul3A_348, %scan3A_346 : i32
          %mul3A_350 = arith.constant 4 : i32
          %mul3A_351 = arith.muli %mul3A_350, %scan3A_346 : i32
          %mul3A_352 = arith.constant 16 : i32
          %mul3A_353 = arith.muli %mul3A_351, %mul3A_352 : i32
          %get3A_354 = arith.index_cast %scan3A_55 : i32 to index
          %get3A_355 = arith.index_cast %mul3A_353 : i32 to index
          %get3A_356 = tpu.vector_load %arg6[%get3A_354, %get3A_355] {strides = array<i32>} : memref<8x1024xf32, #tpu.memory_space<vmem>>, vector<16xf32>,
          %ge3A_357 = vector.broadcast %reduce_min3A_75 : f32 to vector<16xf32>
          %ge3A_358 = arith.cmpf oge, %get3A_356, %ge3A_357 : vector<16xf32>
          %convert_element_type3A_359 = arith.extui %ge3A_358 : vector<16xi1> to vector<16xi32>
          %broadcast_in_dim3A_360 = arith.constant true
          %broadcast_in_dim3A_361 = vector.broadcast %broadcast_in_dim3A_360 : i1 to vector<16xi1>
          %masked_cumsum3A = tpu.scan <sum>, %convert_element_type3A_359 masked %broadcast_in_dim3A_361 : vector<16xi32>, vector<16xi1> -> vector<16xi32>
          %add3A_362 = arith.addi %scan3A_347, %masked_cumsum3A : vector<16xi32>
          %sub3A_363 = arith.subi %add3A_362, %convert_element_type3A_359 : vector<16xi32>
          tpu.vector_store_idx %arg7[%sub3A_363], %get3A_356 masked %ge3A_358 : memref<1040xf32, #tpu.memory_space<vmem>>[vector<16xi32>], vector<16xf32>, vector<16xi1>
          %mul3A_364 = arith.constant 16 : i32
          %mul3A_365 = arith.muli %mul3A_349, %mul3A_364 : i32
          %add3A_366 = vector.broadcast %mul3A_365 : i32 to vector<16xi32>
          %add3A_367 = arith.addi %iota3A, %add3A_366 : vector<16xi32>
          tpu.vector_store_idx %arg8[%sub3A_363], %add3A_367 masked %ge3A_358 : memref<1040xi32, #tpu.memory_space<vmem>>[vector<16xi32>], vector<16xi32>, vector<16xi1>
          %all_reduce_population_count3A = tpu.all_reduce %ge3A_358 {dim = 0 : i64, kind = #tpu.reduction_kind<sum>} : vector<16xi1> -> vector<16xi32>
          %add3A_368 = arith.addi %scan3A_347, %all_reduce_population_count3A : vector<16xi32>
          %mul3A_369 = arith.constant 4 : i32
          %mul3A_370 = arith.muli %mul3A_369, %scan3A_346 : i32
          %add3A_371 = arith.constant 1 : i32
          %add3A_372 = arith.addi %mul3A_370, %add3A_371 : i32
          %mul3A_373 = arith.constant 4 : i32
          %mul3A_374 = arith.muli %mul3A_373, %scan3A_346 : i32
          %add3A_375 = arith.constant 1 : i32
          %add3A_376 = arith.addi %mul3A_374, %add3A_375 : i32
          %mul3A_377 = arith.constant 16 : i32
          %mul3A_378 = arith.muli %add3A_376, %mul3A_377 : i32
          %get3A_379 = arith.index_cast %scan3A_55 : i32 to index
          %get3A_380 = arith.index_cast %mul3A_378 : i32 to index
          %get3A_381 = tpu.vector_load %arg6[%get3A_379, %get3A_380] {strides = array<i32>} : memref<8x1024xf32, #tpu.memory_space<vmem>>, vector<16xf32>,
          %ge3A_382 = vector.broadcast %reduce_min3A_75 : f32 to vector<16xf32>
          %ge3A_383 = arith.cmpf oge, %get3A_381, %ge3A_382 : vector<16xf32>
          %convert_element_type3A_384 = arith.extui %ge3A_383 : vector<16xi1> to vector<16xi32>
          %broadcast_in_dim3A_385 = arith.constant true
          %broadcast_in_dim3A_386 = vector.broadcast %broadcast_in_dim3A_385 : i1 to vector<16xi1>
          %masked_cumsum3A_387 = tpu.scan <sum>, %convert_element_type3A_384 masked %broadcast_in_dim3A_386 : vector<16xi32>, vector<16xi1> -> vector<16xi32>
          %add3A_388 = arith.addi %add3A_368, %masked_cumsum3A_387 : vector<16xi32>
          %sub3A_389 = arith.subi %add3A_388, %convert_element_type3A_384 : vector<16xi32>
          tpu.vector_store_idx %arg7[%sub3A_389], %get3A_381 masked %ge3A_383 : memref<1040xf32, #tpu.memory_space<vmem>>[vector<16xi32>], vector<16xf32>, vector<16xi1>
          %mul3A_390 = arith.constant 16 : i32
          %mul3A_391 = arith.muli %add3A_372, %mul3A_390 : i32
          %add3A_392 = vector.broadcast %mul3A_391 : i32 to vector<16xi32>
          %add3A_393 = arith.addi %iota3A, %add3A_392 : vector<16xi32>
          tpu.vector_store_idx %arg8[%sub3A_389], %add3A_393 masked %ge3A_383 : memref<1040xi32, #tpu.memory_space<vmem>>[vector<16xi32>], vector<16xi32>, vector<16xi1>
          %all_reduce_population_count3A_394 = tpu.all_reduce %ge3A_383 {dim = 0 : i64, kind = #tpu.reduction_kind<sum>} : vector<16xi1> -> vector<16xi32>
          %add3A_395 = arith.addi %add3A_368, %all_reduce_population_count3A_394 : vector<16xi32>
          %mul3A_396 = arith.constant 4 : i32
          %mul3A_397 = arith.muli %mul3A_396, %scan3A_346 : i32
          %add3A_398 = arith.constant 2 : i32
          %add3A_399 = arith.addi %mul3A_397, %add3A_398 : i32
          %mul3A_400 = arith.constant 4 : i32
          %mul3A_401 = arith.muli %mul3A_400, %scan3A_346 : i32
          %add3A_402 = arith.constant 2 : i32
          %add3A_403 = arith.addi %mul3A_401, %add3A_402 : i32
          %mul3A_404 = arith.constant 16 : i32
          %mul3A_405 = arith.muli %add3A_403, %mul3A_404 : i32
          %get3A_406 = arith.index_cast %scan3A_55 : i32 to index
          %get3A_407 = arith.index_cast %mul3A_405 : i32 to index
          %get3A_408 = tpu.vector_load %arg6[%get3A_406, %get3A_407] {strides = array<i32>} : memref<8x1024xf32, #tpu.memory_space<vmem>>, vector<16xf32>,
          %ge3A_409 = vector.broadcast %reduce_min3A_75 : f32 to vector<16xf32>
          %ge3A_410 = arith.cmpf oge, %get3A_408, %ge3A_409 : vector<16xf32>
          %convert_element_type3A_411 = arith.extui %ge3A_410 : vector<16xi1> to vector<16xi32>
          %broadcast_in_dim3A_412 = arith.constant true
          %broadcast_in_dim3A_413 = vector.broadcast %broadcast_in_dim3A_412 : i1 to vector<16xi1>
          %masked_cumsum3A_414 = tpu.scan <sum>, %convert_element_type3A_411 masked %broadcast_in_dim3A_413 : vector<16xi32>, vector<16xi1> -> vector<16xi32>
          %add3A_415 = arith.addi %add3A_395, %masked_cumsum3A_414 : vector<16xi32>
          %sub3A_416 = arith.subi %add3A_415, %convert_element_type3A_411 : vector<16xi32>
          tpu.vector_store_idx %arg7[%sub3A_416], %get3A_408 masked %ge3A_410 : memref<1040xf32, #tpu.memory_space<vmem>>[vector<16xi32>], vector<16xf32>, vector<16xi1>
          %mul3A_417 = arith.constant 16 : i32
          %mul3A_418 = arith.muli %add3A_399, %mul3A_417 : i32
          %add3A_419 = vector.broadcast %mul3A_418 : i32 to vector<16xi32>
          %add3A_420 = arith.addi %iota3A, %add3A_419 : vector<16xi32>
          tpu.vector_store_idx %arg8[%sub3A_416], %add3A_420 masked %ge3A_410 : memref<1040xi32, #tpu.memory_space<vmem>>[vector<16xi32>], vector<16xi32>, vector<16xi1>
          %all_reduce_population_count3A_421 = tpu.all_reduce %ge3A_410 {dim = 0 : i64, kind = #tpu.reduction_kind<sum>} : vector<16xi1> -> vector<16xi32>
          %add3A_422 = arith.addi %add3A_395, %all_reduce_population_count3A_421 : vector<16xi32>
          %mul3A_423 = arith.constant 4 : i32
          %mul3A_424 = arith.muli %mul3A_423, %scan3A_346 : i32
          %add3A_425 = arith.constant 3 : i32
          %add3A_426 = arith.addi %mul3A_424, %add3A_425 : i32
          %mul3A_427 = arith.constant 4 : i32
          %mul3A_428 = arith.muli %mul3A_427, %scan3A_346 : i32
          %add3A_429 = arith.constant 3 : i32
          %add3A_430 = arith.addi %mul3A_428, %add3A_429 : i32
          %mul3A_431 = arith.constant 16 : i32
          %mul3A_432 = arith.muli %add3A_430, %mul3A_431 : i32
          %get3A_433 = arith.index_cast %scan3A_55 : i32 to index
          %get3A_434 = arith.index_cast %mul3A_432 : i32 to index
          %get3A_435 = tpu.vector_load %arg6[%get3A_433, %get3A_434] {strides = array<i32>} : memref<8x1024xf32, #tpu.memory_space<vmem>>, vector<16xf32>,
          %ge3A_436 = vector.broadcast %reduce_min3A_75 : f32 to vector<16xf32>
          %ge3A_437 = arith.cmpf oge, %get3A_435, %ge3A_436 : vector<16xf32>
          %convert_element_type3A_438 = arith.extui %ge3A_437 : vector<16xi1> to vector<16xi32>
          %broadcast_in_dim3A_439 = arith.constant true
          %broadcast_in_dim3A_440 = vector.broadcast %broadcast_in_dim3A_439 : i1 to vector<16xi1>
          %masked_cumsum3A_441 = tpu.scan <sum>, %convert_element_type3A_438 masked %broadcast_in_dim3A_440 : vector<16xi32>, vector<16xi1> -> vector<16xi32>
          %add3A_442 = arith.addi %add3A_422, %masked_cumsum3A_441 : vector<16xi32>
          %sub3A_443 = arith.subi %add3A_442, %convert_element_type3A_438 : vector<16xi32>
          tpu.vector_store_idx %arg7[%sub3A_443], %get3A_435 masked %ge3A_437 : memref<1040xf32, #tpu.memory_space<vmem>>[vector<16xi32>], vector<16xf32>, vector<16xi1>
          %mul3A_444 = arith.constant 16 : i32
          %mul3A_445 = arith.muli %add3A_426, %mul3A_444 : i32
          %add3A_446 = vector.broadcast %mul3A_445 : i32 to vector<16xi32>
          %add3A_447 = arith.addi %iota3A, %add3A_446 : vector<16xi32>
          tpu.vector_store_idx %arg8[%sub3A_443], %add3A_447 masked %ge3A_437 : memref<1040xi32, #tpu.memory_space<vmem>>[vector<16xi32>], vector<16xi32>, vector<16xi1>
          %all_reduce_population_count3A_448 = tpu.all_reduce %ge3A_437 {dim = 0 : i64, kind = #tpu.reduction_kind<sum>} : vector<16xi1> -> vector<16xi32>
          %add3A_449 = arith.addi %add3A_422, %all_reduce_population_count3A_448 : vector<16xi32>
          scf.yield %add3A_449 : vector<16xi32>
        }
        %scan3A_83 = arith.constant 16 : i32
        %reduce_sum3A = arith.constant true
        %reduce_sum3A_84 = vector.broadcast %reduce_sum3A : i1 to vector<16xi1>
        %reduce_sum3A_85 = tpu.scan <sum>, %scan3A_82 masked %reduce_sum3A_84 : vector<16xi32>, vector<16xi1> -> vector<16xi32>
        %reduce_sum3A_86 = vector.extract %reduce_sum3A_85[15] : i32 from vector<16xi32>
        %jit3A = arith.constant 16 : i32
        %div3A = arith.divsi %reduce_sum3A_86, %jit3A : i32
        %sign3A = arith.constant 0 : i32
        %sign3A_87 = arith.cmpi sgt, %reduce_sum3A_86, %sign3A : i32
        %sign3A_88 = arith.extui %sign3A_87 : i1 to i32
        %sign3A_89 = arith.constant 0 : i32
        %sign3A_90 = arith.cmpi slt, %reduce_sum3A_86, %sign3A_89 : i32
        %sign3A_91 = arith.extui %sign3A_90 : i1 to i32
        %sign3A_92 = arith.subi %sign3A_88, %sign3A_91 : i32
        %sign3A_93 = arith.constant 0 : i32
        %sign3A_94 = arith.cmpi sgt, %jit3A, %sign3A_93 : i32
        %sign3A_95 = arith.extui %sign3A_94 : i1 to i32
        %sign3A_96 = arith.constant 0 : i32
        %sign3A_97 = arith.cmpi slt, %jit3A, %sign3A_96 : i32
        %sign3A_98 = arith.extui %sign3A_97 : i1 to i32
        %sign3A_99 = arith.subi %sign3A_95, %sign3A_98 : i32
        %ne3A = arith.cmpi ne, %sign3A_92, %sign3A_99 : i32
        %rem3A = arith.remsi %reduce_sum3A_86, %jit3A : i32
        %ne3A_100 = arith.constant 0 : i32
        %ne3A_101 = arith.cmpi ne, %rem3A, %ne3A_100 : i32
        %and3A = arith.andi %ne3A, %ne3A_101 : i1
        %sub3A = arith.constant 1 : i32
        %sub3A_102 = arith.subi %div3A, %sub3A : i32
        %select_n3A = arith.select %and3A, %sub3A_102, %div3A : i32
        %broadcast_in_dim3A_103 = arith.constant 0xFF800000 : f32
        %broadcast_in_dim3A_104 = vector.broadcast %broadcast_in_dim3A_103 : f32 to vector<16xf32>
        %swap3A = arith.index_cast %select_n3A : i32 to index
        %swap3A_105 = tpu.vector_load %arg7[%swap3A] {strides = array<i32>} : memref<1040xf32, #tpu.memory_space<vmem>>, vector<16xf32>,
        tpu.vector_store %arg7[%swap3A], %broadcast_in_dim3A_104 {strides = array<i32>} : memref<1040xf32, #tpu.memory_space<vmem>>, vector<16xf32>,
        %get3A = arith.constant 0 : index
        %get3A_106 = tpu.vector_load %arg7[%get3A] {strides = array<i32>} : memref<1040xf32, #tpu.memory_space<vmem>>, vector<16xf32>,
        %get3A_107 = arith.constant 0 : index
        %get3A_108 = tpu.vector_load %arg8[%get3A_107] {strides = array<i32>} : memref<1040xi32, #tpu.memory_space<vmem>>, vector<16xi32>,
        %masked_sort3A = arith.constant dense<true> : vector<16xi1>
        %masked_sort3A_109, %masked_sort3A_110, %masked_sort3A_111 = tpu.sort %get3A_106, %get3A_108 masked %masked_sort3A {descending = true} : (vector<16xf32>, vector<16xi32>, vector<16xi1>) -> (vector<16xi1>, vector<16xf32>, vector<16xi32>)
        %get3A_112 = arith.constant 16 : index
        %get3A_113 = tpu.vector_load %arg7[%get3A_112] {strides = array<i32>} : memref<1040xf32, #tpu.memory_space<vmem>>, vector<16xf32>,
        %get3A_114 = arith.constant 16 : index
        %get3A_115 = tpu.vector_load %arg8[%get3A_114] {strides = array<i32>} : memref<1040xi32, #tpu.memory_space<vmem>>, vector<16xi32>,
        %masked_sort3A_116 = arith.constant dense<true> : vector<16xi1>
        %masked_sort3A_117, %masked_sort3A_118, %masked_sort3A_119 = tpu.sort %get3A_113, %get3A_115 masked %masked_sort3A_116 {descending = true} : (vector<16xf32>, vector<16xi32>, vector<16xi1>) -> (vector<16xi1>, vector<16xf32>, vector<16xi32>)
        %rev3A = arith.constant 15 : i32
        %rev3A_120 = vector.broadcast %rev3A : i32 to vector<16xi32>
        %rev3A_121 = tpu.iota {dimensions = array<i32: 0>} : vector<16xi32>
        %rev3A_122 = arith.subi %rev3A_120, %rev3A_121 : vector<16xi32>
        %rev3A_123 = tpu.dynamic_gather %masked_sort3A_118[%rev3A_122] in [0] : vector<16xf32>, vector<16xi32> -> vector<16xf32>
        %rev3A_124 = arith.constant 15 : i32
        %rev3A_125 = vector.broadcast %rev3A_124 : i32 to vector<16xi32>
        %rev3A_126 = tpu.iota {dimensions = array<i32: 0>} : vector<16xi32>
        %rev3A_127 = arith.subi %rev3A_125, %rev3A_126 : vector<16xi32>
        %rev3A_128 = tpu.dynamic_gather %masked_sort3A_119[%rev3A_127] in [0] : vector<16xi32>, vector<16xi32> -> vector<16xi32>
        %ge3A = arith.cmpf oge, %masked_sort3A_110, %rev3A_123 : vector<16xf32>
        %select_n3A_129 = arith.select %ge3A, %masked_sort3A_110, %rev3A_123 : vector<16xi1>, vector<16xf32>
        %select_n3A_130 = arith.select %ge3A, %masked_sort3A_111, %rev3A_128 : vector<16xi1>, vector<16xi32>
        %select_n3A_131 = arith.select %ge3A, %rev3A_123, %masked_sort3A_110 : vector<16xi1>, vector<16xf32>
        %select_n3A_132 = arith.select %ge3A, %rev3A_128, %masked_sort3A_111 : vector<16xi1>, vector<16xi32>
        %masked_sort3A_133 = arith.constant dense<true> : vector<16xi1>
        %masked_sort3A_134, %masked_sort3A_135, %masked_sort3A_136 = tpu.sort %select_n3A_129, %select_n3A_130 masked %masked_sort3A_133 {descending = true} : (vector<16xf32>, vector<16xi32>, vector<16xi1>) -> (vector<16xi1>, vector<16xf32>, vector<16xi32>)
        %masked_sort3A_137 = arith.constant dense<true> : vector<16xi1>
        %masked_sort3A_138, %masked_sort3A_139, %masked_sort3A_140 = tpu.sort %select_n3A_131, %select_n3A_132 masked %masked_sort3A_137 {descending = true} : (vector<16xf32>, vector<16xi32>, vector<16xi1>) -> (vector<16xi1>, vector<16xf32>, vector<16xi32>)
        %add3A_141 = arith.constant 15 : i32
        %add3A_142 = arith.addi %select_n3A, %add3A_141 : i32
        %jit3A_143 = arith.constant 16 : i32
        %div3A_144 = arith.divsi %add3A_142, %jit3A_143 : i32
        %sign3A_145 = arith.constant 0 : i32
        %sign3A_146 = arith.cmpi sgt, %add3A_142, %sign3A_145 : i32
        %sign3A_147 = arith.extui %sign3A_146 : i1 to i32
        %sign3A_148 = arith.constant 0 : i32
        %sign3A_149 = arith.cmpi slt, %add3A_142, %sign3A_148 : i32
        %sign3A_150 = arith.extui %sign3A_149 : i1 to i32
        %sign3A_151 = arith.subi %sign3A_147, %sign3A_150 : i32
        %sign3A_152 = arith.constant 0 : i32
        %sign3A_153 = arith.cmpi sgt, %jit3A_143, %sign3A_152 : i32
        %sign3A_154 = arith.extui %sign3A_153 : i1 to i32
        %sign3A_155 = arith.constant 0 : i32
        %sign3A_156 = arith.cmpi slt, %jit3A_143, %sign3A_155 : i32
        %sign3A_157 = arith.extui %sign3A_156 : i1 to i32
        %sign3A_158 = arith.subi %sign3A_154, %sign3A_157 : i32
        %ne3A_159 = arith.cmpi ne, %sign3A_151, %sign3A_158 : i32
        %rem3A_160 = arith.remsi %add3A_142, %jit3A_143 : i32
        %ne3A_161 = arith.constant 0 : i32
        %ne3A_162 = arith.cmpi ne, %rem3A_160, %ne3A_161 : i32
        %and3A_163 = arith.andi %ne3A_159, %ne3A_162 : i1
        %sub3A_164 = arith.constant 1 : i32
        %sub3A_165 = arith.subi %div3A_144, %sub3A_164 : i32
        %select_n3A_166 = arith.select %and3A_163, %sub3A_165, %div3A_144 : i32
        %while3A = arith.constant 2 : i32
        %while3A_167:5 = scf.while (%while3A_346 = %while3A, %while3A_347 = %masked_sort3A_135, %while3A_348 = %masked_sort3A_136, %while3A_349 = %masked_sort3A_139, %while3A_350 = %masked_sort3A_140) : (i32, vector<16xf32>, vector<16xi32>, vector<16xf32>, vector<16xi32>) -> (i32, vector<16xf32>, vector<16xi32>, vector<16xf32>, vector<16xi32>) {
          %lt3A_351 = arith.cmpi slt, %while3A_346, %select_n3A_166 : i32
          scf.condition(%lt3A_351) %while3A_346, %while3A_347, %while3A_348, %while3A_349, %while3A_350 : i32, vector<16xf32>, vector<16xi32>, vector<16xf32>, vector<16xi32>
        } do {
        ^bb0(%while3A_346: i32, %while3A_347: vector<16xf32>, %while3A_348: vector<16xi32>, %while3A_349: vector<16xf32>, %while3A_350: vector<16xi32>):
          %mul3A_351 = arith.constant 16 : i32
          %mul3A_352 = arith.muli %while3A_346, %mul3A_351 : i32
          %get3A_353 = arith.index_cast %mul3A_352 : i32 to index
          %get3A_354 = tpu.vector_load %arg7[%get3A_353] {strides = array<i32>} : memref<1040xf32, #tpu.memory_space<vmem>>, vector<16xf32>,
          %mul3A_355 = arith.constant 16 : i32
          %mul3A_356 = arith.muli %while3A_346, %mul3A_355 : i32
          %get3A_357 = arith.index_cast %mul3A_356 : i32 to index
          %get3A_358 = tpu.vector_load %arg8[%get3A_357] {strides = array<i32>} : memref<1040xi32, #tpu.memory_space<vmem>>, vector<16xi32>,
          %masked_sort3A_359 = arith.constant dense<true> : vector<16xi1>
          %masked_sort3A_360, %masked_sort3A_361, %masked_sort3A_362 = tpu.sort %get3A_354, %get3A_358 masked %masked_sort3A_359 {descending = true} : (vector<16xf32>, vector<16xi32>, vector<16xi1>) -> (vector<16xi1>, vector<16xf32>, vector<16xi32>)
          %rev3A_363 = arith.constant 15 : i32
          %rev3A_364 = vector.broadcast %rev3A_363 : i32 to vector<16xi32>
          %rev3A_365 = tpu.iota {dimensions = array<i32: 0>} : vector<16xi32>
          %rev3A_366 = arith.subi %rev3A_364, %rev3A_365 : vector<16xi32>
          %rev3A_367 = tpu.dynamic_gather %masked_sort3A_361[%rev3A_366] in [0] : vector<16xf32>, vector<16xi32> -> vector<16xf32>
          %rev3A_368 = arith.constant 15 : i32
          %rev3A_369 = vector.broadcast %rev3A_368 : i32 to vector<16xi32>
          %rev3A_370 = tpu.iota {dimensions = array<i32: 0>} : vector<16xi32>
          %rev3A_371 = arith.subi %rev3A_369, %rev3A_370 : vector<16xi32>
          %rev3A_372 = tpu.dynamic_gather %masked_sort3A_362[%rev3A_371] in [0] : vector<16xi32>, vector<16xi32> -> vector<16xi32>
          %ge3A_373 = arith.cmpf oge, %while3A_349, %rev3A_367 : vector<16xf32>
          %select_n3A_374 = arith.select %ge3A_373, %while3A_349, %rev3A_367 : vector<16xi1>, vector<16xf32>
          %select_n3A_375 = arith.select %ge3A_373, %while3A_350, %rev3A_372 : vector<16xi1>, vector<16xi32>
          %select_n3A_376 = arith.select %ge3A_373, %rev3A_367, %while3A_349 : vector<16xi1>, vector<16xf32>
          %select_n3A_377 = arith.select %ge3A_373, %rev3A_372, %while3A_350 : vector<16xi1>, vector<16xi32>
          %masked_sort3A_378 = arith.constant dense<true> : vector<16xi1>
          %masked_sort3A_379, %masked_sort3A_380, %masked_sort3A_381 = tpu.sort %select_n3A_374, %select_n3A_375 masked %masked_sort3A_378 {descending = true} : (vector<16xf32>, vector<16xi32>, vector<16xi1>) -> (vector<16xi1>, vector<16xf32>, vector<16xi32>)
          %masked_sort3A_382 = arith.constant dense<true> : vector<16xi1>
          %masked_sort3A_383, %masked_sort3A_384, %masked_sort3A_385 = tpu.sort %select_n3A_376, %select_n3A_377 masked %masked_sort3A_382 {descending = true} : (vector<16xf32>, vector<16xi32>, vector<16xi1>) -> (vector<16xi1>, vector<16xf32>, vector<16xi32>)
          %rev3A_386 = arith.constant 15 : i32
          %rev3A_387 = vector.broadcast %rev3A_386 : i32 to vector<16xi32>
          %rev3A_388 = tpu.iota {dimensions = array<i32: 0>} : vector<16xi32>
          %rev3A_389 = arith.subi %rev3A_387, %rev3A_388 : vector<16xi32>
          %rev3A_390 = tpu.dynamic_gather %masked_sort3A_380[%rev3A_389] in [0] : vector<16xf32>, vector<16xi32> -> vector<16xf32>
          %rev3A_391 = arith.constant 15 : i32
          %rev3A_392 = vector.broadcast %rev3A_391 : i32 to vector<16xi32>
          %rev3A_393 = tpu.iota {dimensions = array<i32: 0>} : vector<16xi32>
          %rev3A_394 = arith.subi %rev3A_392, %rev3A_393 : vector<16xi32>
          %rev3A_395 = tpu.dynamic_gather %masked_sort3A_381[%rev3A_394] in [0] : vector<16xi32>, vector<16xi32> -> vector<16xi32>
          %ge3A_396 = arith.cmpf oge, %while3A_347, %rev3A_390 : vector<16xf32>
          %select_n3A_397 = arith.select %ge3A_396, %while3A_347, %rev3A_390 : vector<16xi1>, vector<16xf32>
          %select_n3A_398 = arith.select %ge3A_396, %while3A_348, %rev3A_395 : vector<16xi1>, vector<16xi32>
          %select_n3A_399 = arith.select %ge3A_396, %rev3A_390, %while3A_347 : vector<16xi1>, vector<16xf32>
          %select_n3A_400 = arith.select %ge3A_396, %rev3A_395, %while3A_348 : vector<16xi1>, vector<16xi32>
          %masked_sort3A_401 = arith.constant dense<true> : vector<16xi1>
          %masked_sort3A_402, %masked_sort3A_403, %masked_sort3A_404 = tpu.sort %select_n3A_397, %select_n3A_398 masked %masked_sort3A_401 {descending = true} : (vector<16xf32>, vector<16xi32>, vector<16xi1>) -> (vector<16xi1>, vector<16xf32>, vector<16xi32>)
          %masked_sort3A_405 = arith.constant dense<true> : vector<16xi1>
          %masked_sort3A_406, %masked_sort3A_407, %masked_sort3A_408 = tpu.sort %select_n3A_399, %select_n3A_400 masked %masked_sort3A_405 {descending = true} : (vector<16xf32>, vector<16xi32>, vector<16xi1>) -> (vector<16xi1>, vector<16xf32>, vector<16xi32>)
          %add3A_409 = arith.constant 1 : i32
          %add3A_410 = arith.addi %while3A_346, %add3A_409 : i32
          scf.yield %add3A_410, %masked_sort3A_403, %masked_sort3A_404, %masked_sort3A_407, %masked_sort3A_408 : i32, vector<16xf32>, vector<16xi32>, vector<16xf32>, vector<16xi32>
        }
        %broadcast_in_dim3A_168 = arith.constant 0x7F800000 : f32
        %broadcast_in_dim3A_169 = vector.broadcast %broadcast_in_dim3A_168 : f32 to vector<16xf32>
        %swap3A_170 = arith.constant 0 : index
        %swap3A_171 = tpu.vector_load %arg11[%swap3A_170] {strides = array<i32>} : memref<64xf32, #tpu.memory_space<vmem>>, vector<16xf32>,
        tpu.vector_store %arg11[%swap3A_170], %broadcast_in_dim3A_169 {strides = array<i32>} : memref<64xf32, #tpu.memory_space<vmem>>, vector<16xf32>,
        %swap3A_172 = arith.constant 16 : index
        %swap3A_173 = tpu.vector_load %arg11[%swap3A_172] {strides = array<i32>} : memref<64xf32, #tpu.memory_space<vmem>>, vector<16xf32>,
        tpu.vector_store %arg11[%swap3A_172], %while3A_167#1 {strides = array<i32>} : memref<64xf32, #tpu.memory_space<vmem>>, vector<16xf32>,
        %swap3A_174 = arith.constant 32 : index
        %swap3A_175 = tpu.vector_load %arg11[%swap3A_174] {strides = array<i32>} : memref<64xf32, #tpu.memory_space<vmem>>, vector<16xf32>,
        tpu.vector_store %arg11[%swap3A_174], %while3A_167#3 {strides = array<i32>} : memref<64xf32, #tpu.memory_space<vmem>>, vector<16xf32>,
        %broadcast_in_dim3A_176 = arith.constant 0xFF800000 : f32
        %broadcast_in_dim3A_177 = vector.broadcast %broadcast_in_dim3A_176 : f32 to vector<16xf32>
        %swap3A_178 = arith.constant 48 : index
        %swap3A_179 = tpu.vector_load %arg11[%swap3A_178] {strides = array<i32>} : memref<64xf32, #tpu.memory_space<vmem>>, vector<16xf32>,
        tpu.vector_store %arg11[%swap3A_178], %broadcast_in_dim3A_177 {strides = array<i32>} : memref<64xf32, #tpu.memory_space<vmem>>, vector<16xf32>,
        %get3A_180 = arith.constant 15 : index
        %get3A_181 = tpu.vector_load %arg11[%get3A_180] {strides = array<i32>} : memref<64xf32, #tpu.memory_space<vmem>>, vector<16xf32>,
        %get3A_182 = arith.constant 17 : index
        %get3A_183 = tpu.vector_load %arg11[%get3A_182] {strides = array<i32>} : memref<64xf32, #tpu.memory_space<vmem>>, vector<16xf32>,
        %get3A_184 = arith.constant 31 : index
        %get3A_185 = tpu.vector_load %arg11[%get3A_184] {strides = array<i32>} : memref<64xf32, #tpu.memory_space<vmem>>, vector<16xf32>,
        %get3A_186 = arith.constant 33 : index
        %get3A_187 = tpu.vector_load %arg11[%get3A_186] {strides = array<i32>} : memref<64xf32, #tpu.memory_space<vmem>>, vector<16xf32>,
        %eq3A = arith.cmpf oeq, %while3A_167#1, %get3A_181 : vector<16xf32>
        %eq3A_188 = arith.cmpf oeq, %while3A_167#1, %get3A_183 : vector<16xf32>
        %eq3A_189 = arith.cmpf oeq, %while3A_167#3, %get3A_185 : vector<16xf32>
        %eq3A_190 = arith.cmpf oeq, %while3A_167#3, %get3A_187 : vector<16xf32>
        %iota3A_191 = tpu.iota {dimensions = array<i32: 0>} : vector<16xi32>
        %jit3A_192 = arith.constant 2 : i32
        %eq3A_193 = arith.constant 0 : i32
        %eq3A_194 = arith.cmpi eq, %jit3A_192, %eq3A_193 : i32
        %jit3A_195 = arith.constant 1 : i32
        %select_n3A_196 = arith.select %eq3A_194, %jit3A_195, %jit3A_192 : i32
        %rem3A_197 = vector.broadcast %select_n3A_196 : i32 to vector<16xi32>
        %rem3A_198 = arith.remsi %iota3A_191, %rem3A_197 : vector<16xi32>
        %ne3A_199 = arith.constant 0 : i32
        %ne3A_200 = vector.broadcast %ne3A_199 : i32 to vector<16xi32>
        %ne3A_201 = arith.cmpi ne, %rem3A_198, %ne3A_200 : vector<16xi32>
        %lt3A_202 = arith.constant 0 : i32
        %lt3A_203 = vector.broadcast %lt3A_202 : i32 to vector<16xi32>
        %lt3A_204 = arith.cmpi slt, %rem3A_198, %lt3A_203 : vector<16xi32>
        %lt3A_205 = arith.constant 0 : i32
        %lt3A_206 = arith.cmpi slt, %select_n3A_196, %lt3A_205 : i32
        %ne3A_207 = vector.broadcast %lt3A_206 : i1 to vector<16xi1>
        %ne3A_208 = vector.broadcast %ne3A_207 : vector<16xi1> to vector<16xi1>
        %ne3A_209 = arith.xori %lt3A_204, %ne3A_208 : vector<16xi1>
        %and3A_210 = arith.andi %ne3A_209, %ne3A_201 : vector<16xi1>
        %add3A_211 = vector.broadcast %select_n3A_196 : i32 to vector<16xi32>
        %add3A_212 = arith.addi %rem3A_198, %add3A_211 : vector<16xi32>
        %select_n3A_213 = arith.select %and3A_210, %add3A_212, %rem3A_198 : vector<16xi1>, vector<16xi32>
        %eq3A_214 = arith.constant 0 : i32
        %eq3A_215 = vector.broadcast %eq3A_214 : i32 to vector<16xi32>
        %eq3A_216 = arith.cmpi eq, %select_n3A_213, %eq3A_215 : vector<16xi32>
        %not3A = arith.constant dense<true> : vector<16xi1>
        %not3A_217 = arith.xori %eq3A_216, %not3A : vector<16xi1>
        %iota3A_218 = tpu.iota {dimensions = array<i32: 0>} : vector<16xi32>
        %swap3A_219 = arith.constant 0 : index
        %swap3A_220 = tpu.vector_load %arg12[%swap3A_219] {strides = array<i32>} : memref<64xi32, #tpu.memory_space<vmem>>, vector<16xi32>,
        tpu.vector_store %arg12[%swap3A_219], %iota3A_218 {strides = array<i32>} : memref<64xi32, #tpu.memory_space<vmem>>, vector<16xi32>,
        %iota3A_221 = tpu.iota {dimensions = array<i32: 0>} : vector<16xi32>
        %swap3A_222 = arith.constant 48 : index
        %swap3A_223 = tpu.vector_load %arg12[%swap3A_222] {strides = array<i32>} : memref<64xi32, #tpu.memory_space<vmem>>, vector<16xi32>,
        tpu.vector_store %arg12[%swap3A_222], %iota3A_221 {strides = array<i32>} : memref<64xi32, #tpu.memory_space<vmem>>, vector<16xi32>,
        %not3A_224 = arith.constant dense<true> : vector<16xi1>
        %not3A_225 = arith.xori %eq3A_216, %not3A_224 : vector<16xi1>
        %swap3A_226 = arith.constant 16 : index
        %swap3A_227 = tpu.vector_load %arg12[%swap3A_226] {strides = array<i32>} : memref<64xi32, #tpu.memory_space<vmem>>, vector<16xi32>,
        tpu.vector_store %arg12[%swap3A_226], %while3A_167#2 {strides = array<i32>} : memref<64xi32, #tpu.memory_space<vmem>>, vector<16xi32>,
        %swap3A_228 = arith.constant 32 : index
        %swap3A_229 = tpu.vector_load %arg12[%swap3A_228] {strides = array<i32>} : memref<64xi32, #tpu.memory_space<vmem>>, vector<16xi32>,
        tpu.vector_store %arg12[%swap3A_228], %while3A_167#4 {strides = array<i32>} : memref<64xi32, #tpu.memory_space<vmem>>, vector<16xi32>,
        %get3A_230 = arith.constant 15 : index
        %get3A_231 = tpu.vector_load %arg12[%get3A_230] {strides = array<i32>} : memref<64xi32, #tpu.memory_space<vmem>>, vector<16xi32>,
        %get3A_232 = arith.constant 17 : index
        %get3A_233 = tpu.vector_load %arg12[%get3A_232] {strides = array<i32>} : memref<64xi32, #tpu.memory_space<vmem>>, vector<16xi32>,
        %get3A_234 = arith.constant 31 : index
        %get3A_235 = tpu.vector_load %arg12[%get3A_234] {strides = array<i32>} : memref<64xi32, #tpu.memory_space<vmem>>, vector<16xi32>,
        %get3A_236 = arith.constant 33 : index
        %get3A_237 = tpu.vector_load %arg12[%get3A_236] {strides = array<i32>} : memref<64xi32, #tpu.memory_space<vmem>>, vector<16xi32>,
        %and3A_238 = arith.andi %eq3A_216, %eq3A_188 : vector<16xi1>
        %gt3A = arith.cmpi sgt, %while3A_167#2, %get3A_233 : vector<16xi32>
        %and3A_239 = arith.andi %and3A_238, %gt3A : vector<16xi1>
        %and3A_240 = arith.andi %not3A_225, %eq3A : vector<16xi1>
        %gt3A_241 = arith.cmpi sgt, %get3A_231, %while3A_167#2 : vector<16xi32>
        %and3A_242 = arith.andi %and3A_240, %gt3A_241 : vector<16xi1>
        %select_n3A_243 = arith.select %and3A_242, %get3A_231, %while3A_167#2 : vector<16xi1>, vector<16xi32>
        %select_n3A_244 = arith.select %and3A_239, %get3A_233, %select_n3A_243 : vector<16xi1>, vector<16xi32>
        %and3A_245 = arith.andi %eq3A_216, %eq3A_190 : vector<16xi1>
        %gt3A_246 = arith.cmpi sgt, %while3A_167#4, %get3A_237 : vector<16xi32>
        %and3A_247 = arith.andi %and3A_245, %gt3A_246 : vector<16xi1>
        %and3A_248 = arith.andi %not3A_225, %eq3A_189 : vector<16xi1>
        %gt3A_249 = arith.cmpi sgt, %get3A_235, %while3A_167#4 : vector<16xi32>
        %and3A_250 = arith.andi %and3A_248, %gt3A_249 : vector<16xi1>
        %select_n3A_251 = arith.select %and3A_250, %get3A_235, %while3A_167#4 : vector<16xi1>, vector<16xi32>
        %select_n3A_252 = arith.select %and3A_247, %get3A_237, %select_n3A_251 : vector<16xi1>, vector<16xi32>
        %not3A_253 = arith.constant dense<true> : vector<16xi1>
        %not3A_254 = arith.xori %not3A_217, %not3A_253 : vector<16xi1>
        %swap3A_255 = arith.constant 16 : index
        %swap3A_256 = tpu.vector_load %arg12[%swap3A_255] {strides = array<i32>} : memref<64xi32, #tpu.memory_space<vmem>>, vector<16xi32>,
        tpu.vector_store %arg12[%swap3A_255], %select_n3A_244 {strides = array<i32>} : memref<64xi32, #tpu.memory_space<vmem>>, vector<16xi32>,
        %swap3A_257 = arith.constant 32 : index
        %swap3A_258 = tpu.vector_load %arg12[%swap3A_257] {strides = array<i32>} : memref<64xi32, #tpu.memory_space<vmem>>, vector<16xi32>,
        tpu.vector_store %arg12[%swap3A_257], %select_n3A_252 {strides = array<i32>} : memref<64xi32, #tpu.memory_space<vmem>>, vector<16xi32>,
        %get3A_259 = arith.constant 15 : index
        %get3A_260 = tpu.vector_load %arg12[%get3A_259] {strides = array<i32>} : memref<64xi32, #tpu.memory_space<vmem>>, vector<16xi32>,
        %get3A_261 = arith.constant 17 : index
        %get3A_262 = tpu.vector_load %arg12[%get3A_261] {strides = array<i32>} : memref<64xi32, #tpu.memory_space<vmem>>, vector<16xi32>,
        %get3A_263 = arith.constant 31 : index
        %get3A_264 = tpu.vector_load %arg12[%get3A_263] {strides = array<i32>} : memref<64xi32, #tpu.memory_space<vmem>>, vector<16xi32>,
        %get3A_265 = arith.constant 33 : index
        %get3A_266 = tpu.vector_load %arg12[%get3A_265] {strides = array<i32>} : memref<64xi32, #tpu.memory_space<vmem>>, vector<16xi32>,
        %and3A_267 = arith.andi %not3A_217, %eq3A_188 : vector<16xi1>
        %gt3A_268 = arith.cmpi sgt, %select_n3A_244, %get3A_262 : vector<16xi32>
        %and3A_269 = arith.andi %and3A_267, %gt3A_268 : vector<16xi1>
        %and3A_270 = arith.andi %not3A_254, %eq3A : vector<16xi1>
        %gt3A_271 = arith.cmpi sgt, %get3A_260, %select_n3A_244 : vector<16xi32>
        %and3A_272 = arith.andi %and3A_270, %gt3A_271 : vector<16xi1>
        %select_n3A_273 = arith.select %and3A_272, %get3A_260, %select_n3A_244 : vector<16xi1>, vector<16xi32>
        %select_n3A_274 = arith.select %and3A_269, %get3A_262, %select_n3A_273 : vector<16xi1>, vector<16xi32>
        %and3A_275 = arith.andi %not3A_217, %eq3A_190 : vector<16xi1>
        %gt3A_276 = arith.cmpi sgt, %select_n3A_252, %get3A_266 : vector<16xi32>
        %and3A_277 = arith.andi %and3A_275, %gt3A_276 : vector<16xi1>
        %and3A_278 = arith.andi %not3A_254, %eq3A_189 : vector<16xi1>
        %gt3A_279 = arith.cmpi sgt, %get3A_264, %select_n3A_252 : vector<16xi32>
        %and3A_280 = arith.andi %and3A_278, %gt3A_279 : vector<16xi1>
        %select_n3A_281 = arith.select %and3A_280, %get3A_264, %select_n3A_252 : vector<16xi1>, vector<16xi32>
        %select_n3A_282 = arith.select %and3A_277, %get3A_266, %select_n3A_281 : vector<16xi1>, vector<16xi32>
        %not3A_283 = arith.constant dense<true> : vector<16xi1>
        %not3A_284 = arith.xori %eq3A_216, %not3A_283 : vector<16xi1>
        %swap3A_285 = arith.constant 16 : index
        %swap3A_286 = tpu.vector_load %arg12[%swap3A_285] {strides = array<i32>} : memref<64xi32, #tpu.memory_space<vmem>>, vector<16xi32>,
        tpu.vector_store %arg12[%swap3A_285], %select_n3A_274 {strides = array<i32>} : memref<64xi32, #tpu.memory_space<vmem>>, vector<16xi32>,
        %swap3A_287 = arith.constant 32 : index
        %swap3A_288 = tpu.vector_load %arg12[%swap3A_287] {strides = array<i32>} : memref<64xi32, #tpu.memory_space<vmem>>, vector<16xi32>,
        tpu.vector_store %arg12[%swap3A_287], %select_n3A_282 {strides = array<i32>} : memref<64xi32, #tpu.memory_space<vmem>>, vector<16xi32>,
        %get3A_289 = arith.constant 15 : index
        %get3A_290 = tpu.vector_load %arg12[%get3A_289] {strides = array<i32>} : memref<64xi32, #tpu.memory_space<vmem>>, vector<16xi32>,
        %get3A_291 = arith.constant 17 : index
        %get3A_292 = tpu.vector_load %arg12[%get3A_291] {strides = array<i32>} : memref<64xi32, #tpu.memory_space<vmem>>, vector<16xi32>,
        %get3A_293 = arith.constant 31 : index
        %get3A_294 = tpu.vector_load %arg12[%get3A_293] {strides = array<i32>} : memref<64xi32, #tpu.memory_space<vmem>>, vector<16xi32>,
        %get3A_295 = arith.constant 33 : index
        %get3A_296 = tpu.vector_load %arg12[%get3A_295] {strides = array<i32>} : memref<64xi32, #tpu.memory_space<vmem>>, vector<16xi32>,
        %and3A_297 = arith.andi %eq3A_216, %eq3A_188 : vector<16xi1>
        %gt3A_298 = arith.cmpi sgt, %select_n3A_274, %get3A_292 : vector<16xi32>
        %and3A_299 = arith.andi %and3A_297, %gt3A_298 : vector<16xi1>
        %and3A_300 = arith.andi %not3A_284, %eq3A : vector<16xi1>
        %gt3A_301 = arith.cmpi sgt, %get3A_290, %select_n3A_274 : vector<16xi32>
        %and3A_302 = arith.andi %and3A_300, %gt3A_301 : vector<16xi1>
        %select_n3A_303 = arith.select %and3A_302, %get3A_290, %select_n3A_274 : vector<16xi1>, vector<16xi32>
        %select_n3A_304 = arith.select %and3A_299, %get3A_292, %select_n3A_303 : vector<16xi1>, vector<16xi32>
        %and3A_305 = arith.andi %eq3A_216, %eq3A_190 : vector<16xi1>
        %gt3A_306 = arith.cmpi sgt, %select_n3A_282, %get3A_296 : vector<16xi32>
        %and3A_307 = arith.andi %and3A_305, %gt3A_306 : vector<16xi1>
        %and3A_308 = arith.andi %not3A_284, %eq3A_189 : vector<16xi1>
        %gt3A_309 = arith.cmpi sgt, %get3A_294, %select_n3A_282 : vector<16xi32>
        %and3A_310 = arith.andi %and3A_308, %gt3A_309 : vector<16xi1>
        %select_n3A_311 = arith.select %and3A_310, %get3A_294, %select_n3A_282 : vector<16xi1>, vector<16xi32>
        %select_n3A_312 = arith.select %and3A_307, %get3A_296, %select_n3A_311 : vector<16xi1>, vector<16xi32>
        %reduce_max3A = arith.constant true
        %reduce_max3A_313 = vector.broadcast %reduce_max3A : i1 to vector<16xi1>
        %reduce_max3A_314 = tpu.scan <max>, %while3A_167#1 masked %reduce_max3A_313 : vector<16xf32>, vector<16xi1> -> vector<16xf32>
        %reduce_max3A_315 = vector.extract %reduce_max3A_314[15] : f32 from vector<16xf32>
        %sub3A_316 = vector.broadcast %reduce_max3A_315 : f32 to vector<16xf32>
        %sub3A_317 = arith.subf %while3A_167#1, %sub3A_316 : vector<16xf32>
        %exp3A = math.exp %sub3A_317 : vector<16xf32>
        %sub3A_318 = vector.broadcast %reduce_max3A_315 : f32 to vector<16xf32>
        %sub3A_319 = arith.subf %while3A_167#3, %sub3A_318 : vector<16xf32>
        %exp3A_320 = math.exp %sub3A_319 : vector<16xf32>
        %reduce_sum3A_321 = arith.constant true
        %reduce_sum3A_322 = vector.broadcast %reduce_sum3A_321 : i1 to vector<16xi1>
        %reduce_sum3A_323 = tpu.scan <sum>, %exp3A masked %reduce_sum3A_322 : vector<16xf32>, vector<16xi1> -> vector<16xf32>
        %reduce_sum3A_324 = vector.extract %reduce_sum3A_323[15] : f32 from vector<16xf32>
        %reduce_sum3A_325 = arith.constant true
        %reduce_sum3A_326 = vector.broadcast %reduce_sum3A_325 : i1 to vector<16xi1>
        %reduce_sum3A_327 = tpu.scan <sum>, %exp3A_320 masked %reduce_sum3A_326 : vector<16xf32>, vector<16xi1> -> vector<16xf32>
        %reduce_sum3A_328 = vector.extract %reduce_sum3A_327[15] : f32 from vector<16xf32>
        %add3A_329 = arith.addf %reduce_sum3A_324, %reduce_sum3A_328 : f32
        %div3A_330 = vector.broadcast %add3A_329 : f32 to vector<16xf32>
        %div3A_331 = arith.divf %exp3A, %div3A_330 : vector<16xf32>
        %swap3A_332 = arith.index_cast %scan3A_55 : i32 to index
        %swap3A_333 = arith.constant 0 : index
        %swap3A_334 = tpu.vector_load %arg9[%swap3A_332, %swap3A_333] {strides = array<i32>} : memref<8x32xf32, #tpu.memory_space<vmem>>, vector<16xf32>,
        tpu.vector_store %arg9[%swap3A_332, %swap3A_333], %div3A_331 {strides = array<i32>} : memref<8x32xf32, #tpu.memory_space<vmem>>, vector<16xf32>,
        %div3A_335 = vector.broadcast %add3A_329 : f32 to vector<16xf32>
        %div3A_336 = arith.divf %exp3A_320, %div3A_335 : vector<16xf32>
        %swap3A_337 = arith.index_cast %scan3A_55 : i32 to index
        %swap3A_338 = arith.constant 16 : index
        %swap3A_339 = tpu.vector_load %arg9[%swap3A_337, %swap3A_338] {strides = array<i32>} : memref<8x32xf32, #tpu.memory_space<vmem>>, vector<16xf32>,
        tpu.vector_store %arg9[%swap3A_337, %swap3A_338], %div3A_336 {strides = array<i32>} : memref<8x32xf32, #tpu.memory_space<vmem>>, vector<16xf32>,
        %swap3A_340 = arith.index_cast %scan3A_55 : i32 to index
        %swap3A_341 = arith.constant 0 : index
        %swap3A_342 = tpu.vector_load %arg10[%swap3A_340, %swap3A_341] {strides = array<i32>} : memref<8x32xi32, #tpu.memory_space<vmem>>, vector<16xi32>,
        tpu.vector_store %arg10[%swap3A_340, %swap3A_341], %select_n3A_304 {strides = array<i32>} : memref<8x32xi32, #tpu.memory_space<vmem>>, vector<16xi32>,
        %swap3A_343 = arith.index_cast %scan3A_55 : i32 to index
        %swap3A_344 = arith.constant 16 : index
        %swap3A_345 = tpu.vector_load %arg10[%swap3A_343, %swap3A_344] {strides = array<i32>} : memref<8x32xi32, #tpu.memory_space<vmem>>, vector<16xi32>,
        tpu.vector_store %arg10[%swap3A_343, %swap3A_344], %select_n3A_312 {strides = array<i32>} : memref<8x32xi32, #tpu.memory_space<vmem>>, vector<16xi32>,
      }
      %scan3A_54 = arith.constant 8 : i32
      "tpu.region"() ({
        %run_scoped3A = tpu.sem_alloc : memref<!tpu.dma_semaphore, #tpu.memory_space<semaphore_mem>>
        %dma_start3A_55 = arith.constant 0 : i32
        %dma_start3A_56 = tpu.memref_slice %arg3[%add3A_40, %dma_start3A_55] : memref<8192x32xf32, #tpu.memory_space<hbm>> -> memref<8x32xf32, #tpu.memory_space<hbm>>
        %dma_start3A_57 = arith.constant 0 : i32
        %dma_start3A_58 = tpu.memref_slice %arg3[%add3A_40, %dma_start3A_57] : memref<8192x32xf32, #tpu.memory_space<hbm>> -> memref<8x32xf32, #tpu.memory_space<hbm>>
        tpu.enqueue_dma source(%arg9 : memref<8x32xf32, #tpu.memory_space<vmem>>) target(%dma_start3A_58 : memref<8x32xf32, #tpu.memory_space<hbm>>) target_semaphore(%run_scoped3A : memref<!tpu.dma_semaphore, #tpu.memory_space<semaphore_mem>>)
        %dma_wait3A_59 = arith.constant 0 : i32
        %dma_wait3A_60 = tpu.memref_slice %arg3[%add3A_40, %dma_wait3A_59] : memref<8192x32xf32, #tpu.memory_space<hbm>> -> memref<8x32xf32, #tpu.memory_space<hbm>>
        %dma_wait3A_61 = arith.constant 0 : i32
        %dma_wait3A_62 = tpu.memref_slice %arg3[%add3A_40, %dma_wait3A_61] : memref<8192x32xf32, #tpu.memory_space<hbm>> -> memref<8x32xf32, #tpu.memory_space<hbm>>
        tpu.wait_dma2 semaphore(%run_scoped3A : memref<!tpu.dma_semaphore, #tpu.memory_space<semaphore_mem>>) src(%arg9 : memref<8x32xf32, #tpu.memory_space<vmem>>) dst(%dma_wait3A_62 : memref<8x32xf32, #tpu.memory_space<hbm>>)
        tpu.yield
      }) : () -> ()
      "tpu.region"() ({
        %run_scoped3A = tpu.sem_alloc : memref<!tpu.dma_semaphore, #tpu.memory_space<semaphore_mem>>
        %dma_start3A_55 = arith.constant 0 : i32
        %dma_start3A_56 = tpu.memref_slice %arg4[%add3A_40, %dma_start3A_55] : memref<8192x32xi32, #tpu.memory_space<hbm>> -> memref<8x32xi32, #tpu.memory_space<hbm>>
        %dma_start3A_57 = arith.constant 0 : i32
        %dma_start3A_58 = tpu.memref_slice %arg4[%add3A_40, %dma_start3A_57] : memref<8192x32xi32, #tpu.memory_space<hbm>> -> memref<8x32xi32, #tpu.memory_space<hbm>>
        tpu.enqueue_dma source(%arg10 : memref<8x32xi32, #tpu.memory_space<vmem>>) target(%dma_start3A_58 : memref<8x32xi32, #tpu.memory_space<hbm>>) target_semaphore(%run_scoped3A : memref<!tpu.dma_semaphore, #tpu.memory_space<semaphore_mem>>)
        %dma_wait3A_59 = arith.constant 0 : i32
        %dma_wait3A_60 = tpu.memref_slice %arg4[%add3A_40, %dma_wait3A_59] : memref<8192x32xi32, #tpu.memory_space<hbm>> -> memref<8x32xi32, #tpu.memory_space<hbm>>
        %dma_wait3A_61 = arith.constant 0 : i32
        %dma_wait3A_62 = tpu.memref_slice %arg4[%add3A_40, %dma_wait3A_61] : memref<8192x32xi32, #tpu.memory_space<hbm>> -> memref<8x32xi32, #tpu.memory_space<hbm>>
        tpu.wait_dma2 semaphore(%run_scoped3A : memref<!tpu.dma_semaphore, #tpu.memory_space<semaphore_mem>>) src(%arg10 : memref<8x32xi32, #tpu.memory_space<vmem>>) dst(%dma_wait3A_62 : memref<8x32xi32, #tpu.memory_space<hbm>>)
        tpu.yield
      }) : () -> ()
    }
    %scan3A_10 = arith.constant 16 : i32
    return
  }
}

#map = affine_map<(d0, d1) -> (0, 0)>
module attributes {stable_mosaic.version = 14 : i64} {
  func.func @topk_kernel(%arg0: i32, %arg1: i32, %arg2: memref<8192x1024xf32, #tpu.memory_space<hbm>>, %arg3: memref<8192x32xf32, #tpu.memory_space<hbm>>, %arg4: memref<8192x32xi32, #tpu.memory_space<hbm>>, %arg5: memref<8x1024xf32, #tpu.memory_space<vmem>>, %arg6: memref<8x1024xf32, #tpu.memory_space<vmem>>, %arg7: memref<1040xf32, #tpu.memory_space<vmem>>, %arg8: memref<1040xi32, #tpu.memory_space<vmem>>, %arg9: memref<8x32xf32, #tpu.memory_space<vmem>>, %arg10: memref<8x32xi32, #tpu.memory_space<vmem>>, %arg11: memref<64xf32, #tpu.memory_space<vmem>>, %arg12: memref<64xi32, #tpu.memory_space<vmem>>, %arg13: memref<!tpu.dma_semaphore, #tpu.memory_space<semaphore_mem>>, %arg14: memref<!tpu.dma_semaphore, #tpu.memory_space<semaphore_mem>>) attributes {dimension_semantics = [#tpu.dimension_semantics<core_parallel>, #tpu.dimension_semantics<subcore_parallel>], iteration_bounds = array<i64: 2, 16>, scalar_prefetch = 0 : i64, scratch_operands = 10 : i64, tpu.core_type = #tpu.core_type<sc_vector_subcore>, window_params = [{transform_indices = #map}, {transform_indices = #map}, {transform_indices = #map}]} {
    %mul3A = arith.constant 16 : i32
    %mul3A_0 = arith.muli %arg0, %mul3A : i32
    %add3A = arith.addi %mul3A_0, %arg1 : i32
    %mul3A_1 = arith.constant 256 : i32
    %mul3A_2 = arith.muli %add3A, %mul3A_1 : i32
    %dma_start3A = arith.constant 0 : i32
    %dma_start3A_3 = tpu.memref_slice %arg2[%mul3A_2, %dma_start3A] : memref<8192x1024xf32, #tpu.memory_space<hbm>> -> memref<8x1024xf32, #tpu.memory_space<hbm>>
    %dma_start3A_4 = arith.constant 0 : i32
    %dma_start3A_5 = tpu.memref_slice %arg2[%mul3A_2, %dma_start3A_4] : memref<8192x1024xf32, #tpu.memory_space<hbm>> -> memref<8x1024xf32, #tpu.memory_space<hbm>>
    tpu.enqueue_dma source(%dma_start3A_5 : memref<8x1024xf32, #tpu.memory_space<hbm>>) target(%arg5 : memref<8x1024xf32, #tpu.memory_space<vmem>>) target_semaphore(%arg13 : memref<!tpu.dma_semaphore, #tpu.memory_space<semaphore_mem>>)
    %scan3A = arith.constant 0 : i32
    %scan3A_6 = arith.constant 0 : i32
    %scan3A_7 = arith.constant 16 : i32
    %scan3A_8 = arith.addi %scan3A_6, %scan3A_7 : i32
    %scan3A_9 = arith.constant 1 : i32
    scf.for %scan3A_11 = %scan3A_6 to %scan3A_8 step %scan3A_9  : i32 {
      %mul3A_12 = arith.constant 2 : i32
      %mul3A_13 = arith.muli %scan3A_11, %mul3A_12 : i32
      %add3A_14 = arith.constant 0 : i32
      %add3A_15 = arith.addi %mul3A_13, %add3A_14 : i32
      %mul3A_16 = arith.constant 8 : i32
      %mul3A_17 = arith.muli %add3A_15, %mul3A_16 : i32
      %add3A_18 = arith.addi %mul3A_2, %mul3A_17 : i32
      %dma_wait3A = arith.constant 0 : i32
      %dma_wait3A_19 = tpu.memref_slice %arg2[%add3A_18, %dma_wait3A] : memref<8192x1024xf32, #tpu.memory_space<hbm>> -> memref<8x1024xf32, #tpu.memory_space<hbm>>
      %dma_wait3A_20 = arith.constant 0 : i32
      %dma_wait3A_21 = tpu.memref_slice %arg2[%add3A_18, %dma_wait3A_20] : memref<8192x1024xf32, #tpu.memory_space<hbm>> -> memref<8x1024xf32, #tpu.memory_space<hbm>>
      tpu.wait_dma2 semaphore(%arg13 : memref<!tpu.dma_semaphore, #tpu.memory_space<semaphore_mem>>) src(%dma_wait3A_21 : memref<8x1024xf32, #tpu.memory_space<hbm>>) dst(%arg5 : memref<8x1024xf32, #tpu.memory_space<vmem>>)
      %add3A_22 = arith.constant 8 : i32
      %add3A_23 = arith.addi %add3A_18, %add3A_22 : i32
      %dma_start3A_24 = arith.constant 0 : i32
      %dma_start3A_25 = tpu.memref_slice %arg2[%add3A_23, %dma_start3A_24] : memref<8192x1024xf32, #tpu.memory_space<hbm>> -> memref<8x1024xf32, #tpu.memory_space<hbm>>
      %dma_start3A_26 = arith.constant 0 : i32
      %dma_start3A_27 = tpu.memref_slice %arg2[%add3A_23, %dma_start3A_26] : memref<8192x1024xf32, #tpu.memory_space<hbm>> -> memref<8x1024xf32, #tpu.memory_space<hbm>>
      tpu.enqueue_dma source(%dma_start3A_27 : memref<8x1024xf32, #tpu.memory_space<hbm>>) target(%arg6 : memref<8x1024xf32, #tpu.memory_space<vmem>>) target_semaphore(%arg14 : memref<!tpu.dma_semaphore, #tpu.memory_space<semaphore_mem>>)
      %scan3A_28 = arith.constant 0 : i32
      %scan3A_29 = arith.constant 0 : i32
      %scan3A_30 = arith.constant 8 : i32
      %scan3A_31 = arith.addi %scan3A_29, %scan3A_30 : i32
      %scan3A_32 = arith.constant 1 : i32
      scf.for %scan3A_55 = %scan3A_29 to %scan3A_31 step %scan3A_32  : i32 {
        %broadcast_in_dim3A = arith.constant 0xFF800000 : f32
        %broadcast_in_dim3A_56 = vector.broadcast %broadcast_in_dim3A : f32 to vector<16xf32>
        %scan3A_57 = arith.constant 0 : i32
        %scan3A_58 = arith.constant 16 : i32
        %scan3A_59 = arith.addi %scan3A_57, %scan3A_58 : i32
        %scan3A_60 = arith.constant 1 : i32
        %scan3A_61:8 = scf.for %scan3A_346 = %scan3A_57 to %scan3A_59 step %scan3A_60 iter_args(%scan3A_347 = %broadcast_in_dim3A_56, %scan3A_348 = %broadcast_in_dim3A_56, %scan3A_349 = %broadcast_in_dim3A_56, %scan3A_350 = %broadcast_in_dim3A_56, %scan3A_351 = %broadcast_in_dim3A_56, %scan3A_352 = %broadcast_in_dim3A_56, %scan3A_353 = %broadcast_in_dim3A_56, %scan3A_354 = %broadcast_in_dim3A_56) -> (vector<16xf32>, vector<16xf32>, vector<16xf32>, vector<16xf32>, vector<16xf32>, vector<16xf32>, vector<16xf32>, vector<16xf32>)  : i32 {
          %mul3A_355 = arith.constant 4 : i32
          %mul3A_356 = arith.muli %mul3A_355, %scan3A_346 : i32
          %mul3A_357 = arith.constant 16 : i32
          %mul3A_358 = arith.muli %mul3A_356, %mul3A_357 : i32
          %get3A_359 = arith.index_cast %scan3A_55 : i32 to index
          %get3A_360 = arith.index_cast %mul3A_358 : i32 to index
          %get3A_361 = tpu.vector_load %arg5[%get3A_359, %get3A_360] {strides = array<i32>} : memref<8x1024xf32, #tpu.memory_space<vmem>>, vector<16xf32>,
          %mul3A_362 = arith.constant 4 : i32
          %mul3A_363 = arith.muli %mul3A_362, %scan3A_346 : i32
          %add3A_364 = arith.constant 1 : i32
          %add3A_365 = arith.addi %mul3A_363, %add3A_364 : i32
          %mul3A_366 = arith.constant 16 : i32
          %mul3A_367 = arith.muli %add3A_365, %mul3A_366 : i32
          %get3A_368 = arith.index_cast %scan3A_55 : i32 to index
          %get3A_369 = arith.index_cast %mul3A_367 : i32 to index
          %get3A_370 = tpu.vector_load %arg5[%get3A_368, %get3A_369] {strides = array<i32>} : memref<8x1024xf32, #tpu.memory_space<vmem>>, vector<16xf32>,
          %mul3A_371 = arith.constant 4 : i32
          %mul3A_372 = arith.muli %mul3A_371, %scan3A_346 : i32
          %add3A_373 = arith.constant 2 : i32
          %add3A_374 = arith.addi %mul3A_372, %add3A_373 : i32
          %mul3A_375 = arith.constant 16 : i32
          %mul3A_376 = arith.muli %add3A_374, %mul3A_375 : i32
          %get3A_377 = arith.index_cast %scan3A_55 : i32 to index
          %get3A_378 = arith.index_cast %mul3A_376 : i32 to index
          %get3A_379 = tpu.vector_load %arg5[%get3A_377, %get3A_378] {strides = array<i32>} : memref<8x1024xf32, #tpu.memory_space<vmem>>, vector<16xf32>,
          %mul3A_380 = arith.constant 4 : i32
          %mul3A_381 = arith.muli %mul3A_380, %scan3A_346 : i32
          %add3A_382 = arith.constant 3 : i32
          %add3A_383 = arith.addi %mul3A_381, %add3A_382 : i32
          %mul3A_384 = arith.constant 16 : i32
          %mul3A_385 = arith.muli %add3A_383, %mul3A_384 : i32
          %get3A_386 = arith.index_cast %scan3A_55 : i32 to index
          %get3A_387 = arith.index_cast %mul3A_385 : i32 to index
          %get3A_388 = tpu.vector_load %arg5[%get3A_386, %get3A_387] {strides = array<i32>} : memref<8x1024xf32, #tpu.memory_space<vmem>>, vector<16xf32>,
          %min3A_389 = arith.minimumf %scan3A_347, %get3A_361 : vector<16xf32>
          %max3A_390 = arith.maximumf %scan3A_348, %min3A_389 : vector<16xf32>
          %max3A_391 = arith.maximumf %scan3A_347, %get3A_361 : vector<16xf32>
          %min3A_392 = arith.minimumf %scan3A_349, %get3A_370 : vector<16xf32>
          %max3A_393 = arith.maximumf %scan3A_350, %min3A_392 : vector<16xf32>
          %max3A_394 = arith.maximumf %scan3A_349, %get3A_370 : vector<16xf32>
          %min3A_395 = arith.minimumf %scan3A_351, %get3A_379 : vector<16xf32>
          %max3A_396 = arith.maximumf %scan3A_352, %min3A_395 : vector<16xf32>
          %max3A_397 = arith.maximumf %scan3A_351, %get3A_379 : vector<16xf32>
          %min3A_398 = arith.minimumf %scan3A_353, %get3A_388 : vector<16xf32>
          %max3A_399 = arith.maximumf %scan3A_354, %min3A_398 : vector<16xf32>
          %max3A_400 = arith.maximumf %scan3A_353, %get3A_388 : vector<16xf32>
          scf.yield %max3A_391, %max3A_390, %max3A_394, %max3A_393, %max3A_397, %max3A_396, %max3A_400, %max3A_399 : vector<16xf32>, vector<16xf32>, vector<16xf32>, vector<16xf32>, vector<16xf32>, vector<16xf32>, vector<16xf32>, vector<16xf32>
        }
        %scan3A_62 = arith.constant 16 : i32
        %max3A = arith.maximumf %scan3A_61#0, %scan3A_61#2 : vector<16xf32>
        %min3A = arith.minimumf %scan3A_61#0, %scan3A_61#2 : vector<16xf32>
        %max3A_63 = arith.maximumf %scan3A_61#1, %scan3A_61#3 : vector<16xf32>
        %max3A_64 = arith.maximumf %min3A, %max3A_63 : vector<16xf32>
        %max3A_65 = arith.maximumf %scan3A_61#4, %scan3A_61#6 : vector<16xf32>
        %min3A_66 = arith.minimumf %scan3A_61#4, %scan3A_61#6 : vector<16xf32>
        %max3A_67 = arith.maximumf %scan3A_61#5, %scan3A_61#7 : vector<16xf32>
        %max3A_68 = arith.maximumf %min3A_66, %max3A_67 : vector<16xf32>
        %max3A_69 = arith.maximumf %max3A, %max3A_65 : vector<16xf32>
        %min3A_70 = arith.minimumf %max3A, %max3A_65 : vector<16xf32>
        %max3A_71 = arith.maximumf %max3A_64, %max3A_68 : vector<16xf32>
        %max3A_72 = arith.maximumf %min3A_70, %max3A_71 : vector<16xf32>
        %reduce_min3A = arith.constant true
        %reduce_min3A_73 = vector.broadcast %reduce_min3A : i1 to vector<16xi1>
        %reduce_min3A_74 = tpu.scan <min>, %max3A_72 masked %reduce_min3A_73 : vector<16xf32>, vector<16xi1> -> vector<16xf32>
        %reduce_min3A_75 = vector.extract %reduce_min3A_74[15] : f32 from vector<16xf32>
        %iota3A = tpu.iota {dimensions = array<i32: 0>} : vector<16xi32>
        %broadcast_in_dim3A_76 = arith.constant 0 : i32
        %broadcast_in_dim3A_77 = vector.broadcast %broadcast_in_dim3A_76 : i32 to vector<16xi32>
        %scan3A_78 = arith.constant 0 : i32
        %scan3A_79 = arith.constant 16 : i32
        %scan3A_80 = arith.addi %scan3A_78, %scan3A_79 : i32
        %scan3A_81 = arith.constant 1 : i32
        %scan3A_82 = scf.for %scan3A_346 = %scan3A_78 to %scan3A_80 step %scan3A_81 iter_args(%scan3A_347 = %broadcast_in_dim3A_77) -> (vector<16xi32>)  : i32 {
          %mul3A_348 = arith.constant 4 : i32
          %mul3A_349 = arith.muli %mul3A_348, %scan3A_346 : i32
          %mul3A_350 = arith.constant 4 : i32
          %mul3A_351 = arith.muli %mul3A_350, %scan3A_346 : i32
          %mul3A_352 = arith.constant 16 : i32
          %mul3A_353 = arith.muli %mul3A_351, %mul3A_352 : i32
          %get3A_354 = arith.index_cast %scan3A_55 : i32 to index
          %get3A_355 = arith.index_cast %mul3A_353 : i32 to index
          %get3A_356 = tpu.vector_load %arg5[%get3A_354, %get3A_355] {strides = array<i32>} : memref<8x1024xf32, #tpu.memory_space<vmem>>, vector<16xf32>,
          %ge3A_357 = vector.broadcast %reduce_min3A_75 : f32 to vector<16xf32>
          %ge3A_358 = arith.cmpf oge, %get3A_356, %ge3A_357 : vector<16xf32>
          %convert_element_type3A_359 = arith.extui %ge3A_358 : vector<16xi1> to vector<16xi32>
          %broadcast_in_dim3A_360 = arith.constant true
          %broadcast_in_dim3A_361 = vector.broadcast %broadcast_in_dim3A_360 : i1 to vector<16xi1>
          %masked_cumsum3A = tpu.scan <sum>, %convert_element_type3A_359 masked %broadcast_in_dim3A_361 : vector<16xi32>, vector<16xi1> -> vector<16xi32>
          %add3A_362 = arith.addi %scan3A_347, %masked_cumsum3A : vector<16xi32>
          %sub3A_363 = arith.subi %add3A_362, %convert_element_type3A_359 : vector<16xi32>
          tpu.vector_store_idx %arg7[%sub3A_363], %get3A_356 masked %ge3A_358 : memref<1040xf32, #tpu.memory_space<vmem>>[vector<16xi32>], vector<16xf32>, vector<16xi1>
          %mul3A_364 = arith.constant 16 : i32
          %mul3A_365 = arith.muli %mul3A_349, %mul3A_364 : i32
          %add3A_366 = vector.broadcast %mul3A_365 : i32 to vector<16xi32>
          %add3A_367 = arith.addi %iota3A, %add3A_366 : vector<16xi32>
          tpu.vector_store_idx %arg8[%sub3A_363], %add3A_367 masked %ge3A_358 : memref<1040xi32, #tpu.memory_space<vmem>>[vector<16xi32>], vector<16xi32>, vector<16xi1>
          %all_reduce_population_count3A = tpu.all_reduce %ge3A_358 {dim = 0 : i64, kind = #tpu.reduction_kind<sum>} : vector<16xi1> -> vector<16xi32>
          %add3A_368 = arith.addi %scan3A_347, %all_reduce_population_count3A : vector<16xi32>
          %mul3A_369 = arith.constant 4 : i32
          %mul3A_370 = arith.muli %mul3A_369, %scan3A_346 : i32
          %add3A_371 = arith.constant 1 : i32
          %add3A_372 = arith.addi %mul3A_370, %add3A_371 : i32
          %mul3A_373 = arith.constant 4 : i32
          %mul3A_374 = arith.muli %mul3A_373, %scan3A_346 : i32
          %add3A_375 = arith.constant 1 : i32
          %add3A_376 = arith.addi %mul3A_374, %add3A_375 : i32
          %mul3A_377 = arith.constant 16 : i32
          %mul3A_378 = arith.muli %add3A_376, %mul3A_377 : i32
          %get3A_379 = arith.index_cast %scan3A_55 : i32 to index
          %get3A_380 = arith.index_cast %mul3A_378 : i32 to index
          %get3A_381 = tpu.vector_load %arg5[%get3A_379, %get3A_380] {strides = array<i32>} : memref<8x1024xf32, #tpu.memory_space<vmem>>, vector<16xf32>,
          %ge3A_382 = vector.broadcast %reduce_min3A_75 : f32 to vector<16xf32>
          %ge3A_383 = arith.cmpf oge, %get3A_381, %ge3A_382 : vector<16xf32>
          %convert_element_type3A_384 = arith.extui %ge3A_383 : vector<16xi1> to vector<16xi32>
          %broadcast_in_dim3A_385 = arith.constant true
          %broadcast_in_dim3A_386 = vector.broadcast %broadcast_in_dim3A_385 : i1 to vector<16xi1>
          %masked_cumsum3A_387 = tpu.scan <sum>, %convert_element_type3A_384 masked %broadcast_in_dim3A_386 : vector<16xi32>, vector<16xi1> -> vector<16xi32>
          %add3A_388 = arith.addi %add3A_368, %masked_cumsum3A_387 : vector<16xi32>
          %sub3A_389 = arith.subi %add3A_388, %convert_element_type3A_384 : vector<16xi32>
          tpu.vector_store_idx %arg7[%sub3A_389], %get3A_381 masked %ge3A_383 : memref<1040xf32, #tpu.memory_space<vmem>>[vector<16xi32>], vector<16xf32>, vector<16xi1>
          %mul3A_390 = arith.constant 16 : i32
          %mul3A_391 = arith.muli %add3A_372, %mul3A_390 : i32
          %add3A_392 = vector.broadcast %mul3A_391 : i32 to vector<16xi32>
          %add3A_393 = arith.addi %iota3A, %add3A_392 : vector<16xi32>
          tpu.vector_store_idx %arg8[%sub3A_389], %add3A_393 masked %ge3A_383 : memref<1040xi32, #tpu.memory_space<vmem>>[vector<16xi32>], vector<16xi32>, vector<16xi1>
          %all_reduce_population_count3A_394 = tpu.all_reduce %ge3A_383 {dim = 0 : i64, kind = #tpu.reduction_kind<sum>} : vector<16xi1> -> vector<16xi32>
          %add3A_395 = arith.addi %add3A_368, %all_reduce_population_count3A_394 : vector<16xi32>
          %mul3A_396 = arith.constant 4 : i32
          %mul3A_397 = arith.muli %mul3A_396, %scan3A_346 : i32
          %add3A_398 = arith.constant 2 : i32
          %add3A_399 = arith.addi %mul3A_397, %add3A_398 : i32
          %mul3A_400 = arith.constant 4 : i32
          %mul3A_401 = arith.muli %mul3A_400, %scan3A_346 : i32
          %add3A_402 = arith.constant 2 : i32
          %add3A_403 = arith.addi %mul3A_401, %add3A_402 : i32
          %mul3A_404 = arith.constant 16 : i32
          %mul3A_405 = arith.muli %add3A_403, %mul3A_404 : i32
          %get3A_406 = arith.index_cast %scan3A_55 : i32 to index
          %get3A_407 = arith.index_cast %mul3A_405 : i32 to index
          %get3A_408 = tpu.vector_load %arg5[%get3A_406, %get3A_407] {strides = array<i32>} : memref<8x1024xf32, #tpu.memory_space<vmem>>, vector<16xf32>,
          %ge3A_409 = vector.broadcast %reduce_min3A_75 : f32 to vector<16xf32>
          %ge3A_410 = arith.cmpf oge, %get3A_408, %ge3A_409 : vector<16xf32>
          %convert_element_type3A_411 = arith.extui %ge3A_410 : vector<16xi1> to vector<16xi32>
          %broadcast_in_dim3A_412 = arith.constant true
          %broadcast_in_dim3A_413 = vector.broadcast %broadcast_in_dim3A_412 : i1 to vector<16xi1>
          %masked_cumsum3A_414 = tpu.scan <sum>, %convert_element_type3A_411 masked %broadcast_in_dim3A_413 : vector<16xi32>, vector<16xi1> -> vector<16xi32>
          %add3A_415 = arith.addi %add3A_395, %masked_cumsum3A_414 : vector<16xi32>
          %sub3A_416 = arith.subi %add3A_415, %convert_element_type3A_411 : vector<16xi32>
          tpu.vector_store_idx %arg7[%sub3A_416], %get3A_408 masked %ge3A_410 : memref<1040xf32, #tpu.memory_space<vmem>>[vector<16xi32>], vector<16xf32>, vector<16xi1>
          %mul3A_417 = arith.constant 16 : i32
          %mul3A_418 = arith.muli %add3A_399, %mul3A_417 : i32
          %add3A_419 = vector.broadcast %mul3A_418 : i32 to vector<16xi32>
          %add3A_420 = arith.addi %iota3A, %add3A_419 : vector<16xi32>
          tpu.vector_store_idx %arg8[%sub3A_416], %add3A_420 masked %ge3A_410 : memref<1040xi32, #tpu.memory_space<vmem>>[vector<16xi32>], vector<16xi32>, vector<16xi1>
          %all_reduce_population_count3A_421 = tpu.all_reduce %ge3A_410 {dim = 0 : i64, kind = #tpu.reduction_kind<sum>} : vector<16xi1> -> vector<16xi32>
          %add3A_422 = arith.addi %add3A_395, %all_reduce_population_count3A_421 : vector<16xi32>
          %mul3A_423 = arith.constant 4 : i32
          %mul3A_424 = arith.muli %mul3A_423, %scan3A_346 : i32
          %add3A_425 = arith.constant 3 : i32
          %add3A_426 = arith.addi %mul3A_424, %add3A_425 : i32
          %mul3A_427 = arith.constant 4 : i32
          %mul3A_428 = arith.muli %mul3A_427, %scan3A_346 : i32
          %add3A_429 = arith.constant 3 : i32
          %add3A_430 = arith.addi %mul3A_428, %add3A_429 : i32
          %mul3A_431 = arith.constant 16 : i32
          %mul3A_432 = arith.muli %add3A_430, %mul3A_431 : i32
          %get3A_433 = arith.index_cast %scan3A_55 : i32 to index
          %get3A_434 = arith.index_cast %mul3A_432 : i32 to index
          %get3A_435 = tpu.vector_load %arg5[%get3A_433, %get3A_434] {strides = array<i32>} : memref<8x1024xf32, #tpu.memory_space<vmem>>, vector<16xf32>,
          %ge3A_436 = vector.broadcast %reduce_min3A_75 : f32 to vector<16xf32>
          %ge3A_437 = arith.cmpf oge, %get3A_435, %ge3A_436 : vector<16xf32>
          %convert_element_type3A_438 = arith.extui %ge3A_437 : vector<16xi1> to vector<16xi32>
          %broadcast_in_dim3A_439 = arith.constant true
          %broadcast_in_dim3A_440 = vector.broadcast %broadcast_in_dim3A_439 : i1 to vector<16xi1>
          %masked_cumsum3A_441 = tpu.scan <sum>, %convert_element_type3A_438 masked %broadcast_in_dim3A_440 : vector<16xi32>, vector<16xi1> -> vector<16xi32>
          %add3A_442 = arith.addi %add3A_422, %masked_cumsum3A_441 : vector<16xi32>
          %sub3A_443 = arith.subi %add3A_442, %convert_element_type3A_438 : vector<16xi32>
          tpu.vector_store_idx %arg7[%sub3A_443], %get3A_435 masked %ge3A_437 : memref<1040xf32, #tpu.memory_space<vmem>>[vector<16xi32>], vector<16xf32>, vector<16xi1>
          %mul3A_444 = arith.constant 16 : i32
          %mul3A_445 = arith.muli %add3A_426, %mul3A_444 : i32
          %add3A_446 = vector.broadcast %mul3A_445 : i32 to vector<16xi32>
          %add3A_447 = arith.addi %iota3A, %add3A_446 : vector<16xi32>
          tpu.vector_store_idx %arg8[%sub3A_443], %add3A_447 masked %ge3A_437 : memref<1040xi32, #tpu.memory_space<vmem>>[vector<16xi32>], vector<16xi32>, vector<16xi1>
          %all_reduce_population_count3A_448 = tpu.all_reduce %ge3A_437 {dim = 0 : i64, kind = #tpu.reduction_kind<sum>} : vector<16xi1> -> vector<16xi32>
          %add3A_449 = arith.addi %add3A_422, %all_reduce_population_count3A_448 : vector<16xi32>
          scf.yield %add3A_449 : vector<16xi32>
        }
        %scan3A_83 = arith.constant 16 : i32
        %reduce_sum3A = arith.constant true
        %reduce_sum3A_84 = vector.broadcast %reduce_sum3A : i1 to vector<16xi1>
        %reduce_sum3A_85 = tpu.scan <sum>, %scan3A_82 masked %reduce_sum3A_84 : vector<16xi32>, vector<16xi1> -> vector<16xi32>
        %reduce_sum3A_86 = vector.extract %reduce_sum3A_85[15] : i32 from vector<16xi32>
        %jit3A = arith.constant 16 : i32
        %div3A = arith.divsi %reduce_sum3A_86, %jit3A : i32
        %sign3A = arith.constant 0 : i32
        %sign3A_87 = arith.cmpi sgt, %reduce_sum3A_86, %sign3A : i32
        %sign3A_88 = arith.extui %sign3A_87 : i1 to i32
        %sign3A_89 = arith.constant 0 : i32
        %sign3A_90 = arith.cmpi slt, %reduce_sum3A_86, %sign3A_89 : i32
        %sign3A_91 = arith.extui %sign3A_90 : i1 to i32
        %sign3A_92 = arith.subi %sign3A_88, %sign3A_91 : i32
        %sign3A_93 = arith.constant 0 : i32
        %sign3A_94 = arith.cmpi sgt, %jit3A, %sign3A_93 : i32
        %sign3A_95 = arith.extui %sign3A_94 : i1 to i32
        %sign3A_96 = arith.constant 0 : i32
        %sign3A_97 = arith.cmpi slt, %jit3A, %sign3A_96 : i32
        %sign3A_98 = arith.extui %sign3A_97 : i1 to i32
        %sign3A_99 = arith.subi %sign3A_95, %sign3A_98 : i32
        %ne3A = arith.cmpi ne, %sign3A_92, %sign3A_99 : i32
        %rem3A = arith.remsi %reduce_sum3A_86, %jit3A : i32
        %ne3A_100 = arith.constant 0 : i32
        %ne3A_101 = arith.cmpi ne, %rem3A, %ne3A_100 : i32
        %and3A = arith.andi %ne3A, %ne3A_101 : i1
        %sub3A = arith.constant 1 : i32
        %sub3A_102 = arith.subi %div3A, %sub3A : i32
        %select_n3A = arith.select %and3A, %sub3A_102, %div3A : i32
        %broadcast_in_dim3A_103 = arith.constant 0xFF800000 : f32
        %broadcast_in_dim3A_104 = vector.broadcast %broadcast_in_dim3A_103 : f32 to vector<16xf32>
        %swap3A = arith.index_cast %select_n3A : i32 to index
        %swap3A_105 = tpu.vector_load %arg7[%swap3A] {strides = array<i32>} : memref<1040xf32, #tpu.memory_space<vmem>>, vector<16xf32>,
        tpu.vector_store %arg7[%swap3A], %broadcast_in_dim3A_104 {strides = array<i32>} : memref<1040xf32, #tpu.memory_space<vmem>>, vector<16xf32>,
        %get3A = arith.constant 0 : index
        %get3A_106 = tpu.vector_load %arg7[%get3A] {strides = array<i32>} : memref<1040xf32, #tpu.memory_space<vmem>>, vector<16xf32>,
        %get3A_107 = arith.constant 0 : index
        %get3A_108 = tpu.vector_load %arg8[%get3A_107] {strides = array<i32>} : memref<1040xi32, #tpu.memory_space<vmem>>, vector<16xi32>,
        %masked_sort3A = arith.constant dense<true> : vector<16xi1>
        %masked_sort3A_109, %masked_sort3A_110, %masked_sort3A_111 = tpu.sort %get3A_106, %get3A_108 masked %masked_sort3A {descending = true} : (vector<16xf32>, vector<16xi32>, vector<16xi1>) -> (vector<16xi1>, vector<16xf32>, vector<16xi32>)
        %get3A_112 = arith.constant 16 : index
        %get3A_113 = tpu.vector_load %arg7[%get3A_112] {strides = array<i32>} : memref<1040xf32, #tpu.memory_space<vmem>>, vector<16xf32>,
        %get3A_114 = arith.constant 16 : index
        %get3A_115 = tpu.vector_load %arg8[%get3A_114] {strides = array<i32>} : memref<1040xi32, #tpu.memory_space<vmem>>, vector<16xi32>,
        %masked_sort3A_116 = arith.constant dense<true> : vector<16xi1>
        %masked_sort3A_117, %masked_sort3A_118, %masked_sort3A_119 = tpu.sort %get3A_113, %get3A_115 masked %masked_sort3A_116 {descending = true} : (vector<16xf32>, vector<16xi32>, vector<16xi1>) -> (vector<16xi1>, vector<16xf32>, vector<16xi32>)
        %rev3A = arith.constant 15 : i32
        %rev3A_120 = vector.broadcast %rev3A : i32 to vector<16xi32>
        %rev3A_121 = tpu.iota {dimensions = array<i32: 0>} : vector<16xi32>
        %rev3A_122 = arith.subi %rev3A_120, %rev3A_121 : vector<16xi32>
        %rev3A_123 = tpu.dynamic_gather %masked_sort3A_118[%rev3A_122] in [0] : vector<16xf32>, vector<16xi32> -> vector<16xf32>
        %rev3A_124 = arith.constant 15 : i32
        %rev3A_125 = vector.broadcast %rev3A_124 : i32 to vector<16xi32>
        %rev3A_126 = tpu.iota {dimensions = array<i32: 0>} : vector<16xi32>
        %rev3A_127 = arith.subi %rev3A_125, %rev3A_126 : vector<16xi32>
        %rev3A_128 = tpu.dynamic_gather %masked_sort3A_119[%rev3A_127] in [0] : vector<16xi32>, vector<16xi32> -> vector<16xi32>
        %ge3A = arith.cmpf oge, %masked_sort3A_110, %rev3A_123 : vector<16xf32>
        %select_n3A_129 = arith.select %ge3A, %masked_sort3A_110, %rev3A_123 : vector<16xi1>, vector<16xf32>
        %select_n3A_130 = arith.select %ge3A, %masked_sort3A_111, %rev3A_128 : vector<16xi1>, vector<16xi32>
        %select_n3A_131 = arith.select %ge3A, %rev3A_123, %masked_sort3A_110 : vector<16xi1>, vector<16xf32>
        %select_n3A_132 = arith.select %ge3A, %rev3A_128, %masked_sort3A_111 : vector<16xi1>, vector<16xi32>
        %masked_sort3A_133 = arith.constant dense<true> : vector<16xi1>
        %masked_sort3A_134, %masked_sort3A_135, %masked_sort3A_136 = tpu.sort %select_n3A_129, %select_n3A_130 masked %masked_sort3A_133 {descending = true} : (vector<16xf32>, vector<16xi32>, vector<16xi1>) -> (vector<16xi1>, vector<16xf32>, vector<16xi32>)
        %masked_sort3A_137 = arith.constant dense<true> : vector<16xi1>
        %masked_sort3A_138, %masked_sort3A_139, %masked_sort3A_140 = tpu.sort %select_n3A_131, %select_n3A_132 masked %masked_sort3A_137 {descending = true} : (vector<16xf32>, vector<16xi32>, vector<16xi1>) -> (vector<16xi1>, vector<16xf32>, vector<16xi32>)
        %add3A_141 = arith.constant 15 : i32
        %add3A_142 = arith.addi %select_n3A, %add3A_141 : i32
        %jit3A_143 = arith.constant 16 : i32
        %div3A_144 = arith.divsi %add3A_142, %jit3A_143 : i32
        %sign3A_145 = arith.constant 0 : i32
        %sign3A_146 = arith.cmpi sgt, %add3A_142, %sign3A_145 : i32
        %sign3A_147 = arith.extui %sign3A_146 : i1 to i32
        %sign3A_148 = arith.constant 0 : i32
        %sign3A_149 = arith.cmpi slt, %add3A_142, %sign3A_148 : i32
        %sign3A_150 = arith.extui %sign3A_149 : i1 to i32
        %sign3A_151 = arith.subi %sign3A_147, %sign3A_150 : i32
        %sign3A_152 = arith.constant 0 : i32
        %sign3A_153 = arith.cmpi sgt, %jit3A_143, %sign3A_152 : i32
        %sign3A_154 = arith.extui %sign3A_153 : i1 to i32
        %sign3A_155 = arith.constant 0 : i32
        %sign3A_156 = arith.cmpi slt, %jit3A_143, %sign3A_155 : i32
        %sign3A_157 = arith.extui %sign3A_156 : i1 to i32
        %sign3A_158 = arith.subi %sign3A_154, %sign3A_157 : i32
        %ne3A_159 = arith.cmpi ne, %sign3A_151, %sign3A_158 : i32
        %rem3A_160 = arith.remsi %add3A_142, %jit3A_143 : i32
        %ne3A_161 = arith.constant 0 : i32
        %ne3A_162 = arith.cmpi ne, %rem3A_160, %ne3A_161 : i32
        %and3A_163 = arith.andi %ne3A_159, %ne3A_162 : i1
        %sub3A_164 = arith.constant 1 : i32
        %sub3A_165 = arith.subi %div3A_144, %sub3A_164 : i32
        %select_n3A_166 = arith.select %and3A_163, %sub3A_165, %div3A_144 : i32
        %while3A = arith.constant 2 : i32
        %while3A_167:5 = scf.while (%while3A_346 = %while3A, %while3A_347 = %masked_sort3A_135, %while3A_348 = %masked_sort3A_136, %while3A_349 = %masked_sort3A_139, %while3A_350 = %masked_sort3A_140) : (i32, vector<16xf32>, vector<16xi32>, vector<16xf32>, vector<16xi32>) -> (i32, vector<16xf32>, vector<16xi32>, vector<16xf32>, vector<16xi32>) {
          %lt3A_351 = arith.cmpi slt, %while3A_346, %select_n3A_166 : i32
          scf.condition(%lt3A_351) %while3A_346, %while3A_347, %while3A_348, %while3A_349, %while3A_350 : i32, vector<16xf32>, vector<16xi32>, vector<16xf32>, vector<16xi32>
        } do {
        ^bb0(%while3A_346: i32, %while3A_347: vector<16xf32>, %while3A_348: vector<16xi32>, %while3A_349: vector<16xf32>, %while3A_350: vector<16xi32>):
          %mul3A_351 = arith.constant 16 : i32
          %mul3A_352 = arith.muli %while3A_346, %mul3A_351 : i32
          %get3A_353 = arith.index_cast %mul3A_352 : i32 to index
          %get3A_354 = tpu.vector_load %arg7[%get3A_353] {strides = array<i32>} : memref<1040xf32, #tpu.memory_space<vmem>>, vector<16xf32>,
          %mul3A_355 = arith.constant 16 : i32
          %mul3A_356 = arith.muli %while3A_346, %mul3A_355 : i32
          %get3A_357 = arith.index_cast %mul3A_356 : i32 to index
          %get3A_358 = tpu.vector_load %arg8[%get3A_357] {strides = array<i32>} : memref<1040xi32, #tpu.memory_space<vmem>>, vector<16xi32>,
          %masked_sort3A_359 = arith.constant dense<true> : vector<16xi1>
          %masked_sort3A_360, %masked_sort3A_361, %masked_sort3A_362 = tpu.sort %get3A_354, %get3A_358 masked %masked_sort3A_359 {descending = true} : (vector<16xf32>, vector<16xi32>, vector<16xi1>) -> (vector<16xi1>, vector<16xf32>, vector<16xi32>)
          %rev3A_363 = arith.constant 15 : i32
          %rev3A_364 = vector.broadcast %rev3A_363 : i32 to vector<16xi32>
          %rev3A_365 = tpu.iota {dimensions = array<i32: 0>} : vector<16xi32>
          %rev3A_366 = arith.subi %rev3A_364, %rev3A_365 : vector<16xi32>
          %rev3A_367 = tpu.dynamic_gather %masked_sort3A_361[%rev3A_366] in [0] : vector<16xf32>, vector<16xi32> -> vector<16xf32>
          %rev3A_368 = arith.constant 15 : i32
          %rev3A_369 = vector.broadcast %rev3A_368 : i32 to vector<16xi32>
          %rev3A_370 = tpu.iota {dimensions = array<i32: 0>} : vector<16xi32>
          %rev3A_371 = arith.subi %rev3A_369, %rev3A_370 : vector<16xi32>
          %rev3A_372 = tpu.dynamic_gather %masked_sort3A_362[%rev3A_371] in [0] : vector<16xi32>, vector<16xi32> -> vector<16xi32>
          %ge3A_373 = arith.cmpf oge, %while3A_349, %rev3A_367 : vector<16xf32>
          %select_n3A_374 = arith.select %ge3A_373, %while3A_349, %rev3A_367 : vector<16xi1>, vector<16xf32>
          %select_n3A_375 = arith.select %ge3A_373, %while3A_350, %rev3A_372 : vector<16xi1>, vector<16xi32>
          %select_n3A_376 = arith.select %ge3A_373, %rev3A_367, %while3A_349 : vector<16xi1>, vector<16xf32>
          %select_n3A_377 = arith.select %ge3A_373, %rev3A_372, %while3A_350 : vector<16xi1>, vector<16xi32>
          %masked_sort3A_378 = arith.constant dense<true> : vector<16xi1>
          %masked_sort3A_379, %masked_sort3A_380, %masked_sort3A_381 = tpu.sort %select_n3A_374, %select_n3A_375 masked %masked_sort3A_378 {descending = true} : (vector<16xf32>, vector<16xi32>, vector<16xi1>) -> (vector<16xi1>, vector<16xf32>, vector<16xi32>)
          %masked_sort3A_382 = arith.constant dense<true> : vector<16xi1>
          %masked_sort3A_383, %masked_sort3A_384, %masked_sort3A_385 = tpu.sort %select_n3A_376, %select_n3A_377 masked %masked_sort3A_382 {descending = true} : (vector<16xf32>, vector<16xi32>, vector<16xi1>) -> (vector<16xi1>, vector<16xf32>, vector<16xi32>)
          %rev3A_386 = arith.constant 15 : i32
          %rev3A_387 = vector.broadcast %rev3A_386 : i32 to vector<16xi32>
          %rev3A_388 = tpu.iota {dimensions = array<i32: 0>} : vector<16xi32>
          %rev3A_389 = arith.subi %rev3A_387, %rev3A_388 : vector<16xi32>
          %rev3A_390 = tpu.dynamic_gather %masked_sort3A_380[%rev3A_389] in [0] : vector<16xf32>, vector<16xi32> -> vector<16xf32>
          %rev3A_391 = arith.constant 15 : i32
          %rev3A_392 = vector.broadcast %rev3A_391 : i32 to vector<16xi32>
          %rev3A_393 = tpu.iota {dimensions = array<i32: 0>} : vector<16xi32>
          %rev3A_394 = arith.subi %rev3A_392, %rev3A_393 : vector<16xi32>
          %rev3A_395 = tpu.dynamic_gather %masked_sort3A_381[%rev3A_394] in [0] : vector<16xi32>, vector<16xi32> -> vector<16xi32>
          %ge3A_396 = arith.cmpf oge, %while3A_347, %rev3A_390 : vector<16xf32>
          %select_n3A_397 = arith.select %ge3A_396, %while3A_347, %rev3A_390 : vector<16xi1>, vector<16xf32>
          %select_n3A_398 = arith.select %ge3A_396, %while3A_348, %rev3A_395 : vector<16xi1>, vector<16xi32>
          %select_n3A_399 = arith.select %ge3A_396, %rev3A_390, %while3A_347 : vector<16xi1>, vector<16xf32>
          %select_n3A_400 = arith.select %ge3A_396, %rev3A_395, %while3A_348 : vector<16xi1>, vector<16xi32>
          %masked_sort3A_401 = arith.constant dense<true> : vector<16xi1>
          %masked_sort3A_402, %masked_sort3A_403, %masked_sort3A_404 = tpu.sort %select_n3A_397, %select_n3A_398 masked %masked_sort3A_401 {descending = true} : (vector<16xf32>, vector<16xi32>, vector<16xi1>) -> (vector<16xi1>, vector<16xf32>, vector<16xi32>)
          %masked_sort3A_405 = arith.constant dense<true> : vector<16xi1>
          %masked_sort3A_406, %masked_sort3A_407, %masked_sort3A_408 = tpu.sort %select_n3A_399, %select_n3A_400 masked %masked_sort3A_405 {descending = true} : (vector<16xf32>, vector<16xi32>, vector<16xi1>) -> (vector<16xi1>, vector<16xf32>, vector<16xi32>)
          %add3A_409 = arith.constant 1 : i32
          %add3A_410 = arith.addi %while3A_346, %add3A_409 : i32
          scf.yield %add3A_410, %masked_sort3A_403, %masked_sort3A_404, %masked_sort3A_407, %masked_sort3A_408 : i32, vector<16xf32>, vector<16xi32>, vector<16xf32>, vector<16xi32>
        }
        %broadcast_in_dim3A_168 = arith.constant 0x7F800000 : f32
        %broadcast_in_dim3A_169 = vector.broadcast %broadcast_in_dim3A_168 : f32 to vector<16xf32>
        %swap3A_170 = arith.constant 0 : index
        %swap3A_171 = tpu.vector_load %arg11[%swap3A_170] {strides = array<i32>} : memref<64xf32, #tpu.memory_space<vmem>>, vector<16xf32>,
        tpu.vector_store %arg11[%swap3A_170], %broadcast_in_dim3A_169 {strides = array<i32>} : memref<64xf32, #tpu.memory_space<vmem>>, vector<16xf32>,
        %swap3A_172 = arith.constant 16 : index
        %swap3A_173 = tpu.vector_load %arg11[%swap3A_172] {strides = array<i32>} : memref<64xf32, #tpu.memory_space<vmem>>, vector<16xf32>,
        tpu.vector_store %arg11[%swap3A_172], %while3A_167#1 {strides = array<i32>} : memref<64xf32, #tpu.memory_space<vmem>>, vector<16xf32>,
        %swap3A_174 = arith.constant 32 : index
        %swap3A_175 = tpu.vector_load %arg11[%swap3A_174] {strides = array<i32>} : memref<64xf32, #tpu.memory_space<vmem>>, vector<16xf32>,
        tpu.vector_store %arg11[%swap3A_174], %while3A_167#3 {strides = array<i32>} : memref<64xf32, #tpu.memory_space<vmem>>, vector<16xf32>,
        %broadcast_in_dim3A_176 = arith.constant 0xFF800000 : f32
        %broadcast_in_dim3A_177 = vector.broadcast %broadcast_in_dim3A_176 : f32 to vector<16xf32>
        %swap3A_178 = arith.constant 48 : index
        %swap3A_179 = tpu.vector_load %arg11[%swap3A_178] {strides = array<i32>} : memref<64xf32, #tpu.memory_space<vmem>>, vector<16xf32>,
        tpu.vector_store %arg11[%swap3A_178], %broadcast_in_dim3A_177 {strides = array<i32>} : memref<64xf32, #tpu.memory_space<vmem>>, vector<16xf32>,
        %get3A_180 = arith.constant 15 : index
        %get3A_181 = tpu.vector_load %arg11[%get3A_180] {strides = array<i32>} : memref<64xf32, #tpu.memory_space<vmem>>, vector<16xf32>,
        %get3A_182 = arith.constant 17 : index
        %get3A_183 = tpu.vector_load %arg11[%get3A_182] {strides = array<i32>} : memref<64xf32, #tpu.memory_space<vmem>>, vector<16xf32>,
        %get3A_184 = arith.constant 31 : index
        %get3A_185 = tpu.vector_load %arg11[%get3A_184] {strides = array<i32>} : memref<64xf32, #tpu.memory_space<vmem>>, vector<16xf32>,
        %get3A_186 = arith.constant 33 : index
        %get3A_187 = tpu.vector_load %arg11[%get3A_186] {strides = array<i32>} : memref<64xf32, #tpu.memory_space<vmem>>, vector<16xf32>,
        %eq3A = arith.cmpf oeq, %while3A_167#1, %get3A_181 : vector<16xf32>
        %eq3A_188 = arith.cmpf oeq, %while3A_167#1, %get3A_183 : vector<16xf32>
        %eq3A_189 = arith.cmpf oeq, %while3A_167#3, %get3A_185 : vector<16xf32>
        %eq3A_190 = arith.cmpf oeq, %while3A_167#3, %get3A_187 : vector<16xf32>
        %iota3A_191 = tpu.iota {dimensions = array<i32: 0>} : vector<16xi32>
        %jit3A_192 = arith.constant 2 : i32
        %eq3A_193 = arith.constant 0 : i32
        %eq3A_194 = arith.cmpi eq, %jit3A_192, %eq3A_193 : i32
        %jit3A_195 = arith.constant 1 : i32
        %select_n3A_196 = arith.select %eq3A_194, %jit3A_195, %jit3A_192 : i32
        %rem3A_197 = vector.broadcast %select_n3A_196 : i32 to vector<16xi32>
        %rem3A_198 = arith.remsi %iota3A_191, %rem3A_197 : vector<16xi32>
        %ne3A_199 = arith.constant 0 : i32
        %ne3A_200 = vector.broadcast %ne3A_199 : i32 to vector<16xi32>
        %ne3A_201 = arith.cmpi ne, %rem3A_198, %ne3A_200 : vector<16xi32>
        %lt3A_202 = arith.constant 0 : i32
        %lt3A_203 = vector.broadcast %lt3A_202 : i32 to vector<16xi32>
        %lt3A_204 = arith.cmpi slt, %rem3A_198, %lt3A_203 : vector<16xi32>
        %lt3A_205 = arith.constant 0 : i32
        %lt3A_206 = arith.cmpi slt, %select_n3A_196, %lt3A_205 : i32
        %ne3A_207 = vector.broadcast %lt3A_206 : i1 to vector<16xi1>
        %ne3A_208 = vector.broadcast %ne3A_207 : vector<16xi1> to vector<16xi1>
        %ne3A_209 = arith.xori %lt3A_204, %ne3A_208 : vector<16xi1>
        %and3A_210 = arith.andi %ne3A_209, %ne3A_201 : vector<16xi1>
        %add3A_211 = vector.broadcast %select_n3A_196 : i32 to vector<16xi32>
        %add3A_212 = arith.addi %rem3A_198, %add3A_211 : vector<16xi32>
        %select_n3A_213 = arith.select %and3A_210, %add3A_212, %rem3A_198 : vector<16xi1>, vector<16xi32>
        %eq3A_214 = arith.constant 0 : i32
        %eq3A_215 = vector.broadcast %eq3A_214 : i32 to vector<16xi32>
        %eq3A_216 = arith.cmpi eq, %select_n3A_213, %eq3A_215 : vector<16xi32>
        %not3A = arith.constant dense<true> : vector<16xi1>
        %not3A_217 = arith.xori %eq3A_216, %not3A : vector<16xi1>
        %iota3A_218 = tpu.iota {dimensions = array<i32: 0>} : vector<16xi32>
        %swap3A_219 = arith.constant 0 : index
        %swap3A_220 = tpu.vector_load %arg12[%swap3A_219] {strides = array<i32>} : memref<64xi32, #tpu.memory_space<vmem>>, vector<16xi32>,
        tpu.vector_store %arg12[%swap3A_219], %iota3A_218 {strides = array<i32>} : memref<64xi32, #tpu.memory_space<vmem>>, vector<16xi32>,
        %iota3A_221 = tpu.iota {dimensions = array<i32: 0>} : vector<16xi32>
        %swap3A_222 = arith.constant 48 : index
        %swap3A_223 = tpu.vector_load %arg12[%swap3A_222] {strides = array<i32>} : memref<64xi32, #tpu.memory_space<vmem>>, vector<16xi32>,
        tpu.vector_store %arg12[%swap3A_222], %iota3A_221 {strides = array<i32>} : memref<64xi32, #tpu.memory_space<vmem>>, vector<16xi32>,
        %not3A_224 = arith.constant dense<true> : vector<16xi1>
        %not3A_225 = arith.xori %eq3A_216, %not3A_224 : vector<16xi1>
        %swap3A_226 = arith.constant 16 : index
        %swap3A_227 = tpu.vector_load %arg12[%swap3A_226] {strides = array<i32>} : memref<64xi32, #tpu.memory_space<vmem>>, vector<16xi32>,
        tpu.vector_store %arg12[%swap3A_226], %while3A_167#2 {strides = array<i32>} : memref<64xi32, #tpu.memory_space<vmem>>, vector<16xi32>,
        %swap3A_228 = arith.constant 32 : index
        %swap3A_229 = tpu.vector_load %arg12[%swap3A_228] {strides = array<i32>} : memref<64xi32, #tpu.memory_space<vmem>>, vector<16xi32>,
        tpu.vector_store %arg12[%swap3A_228], %while3A_167#4 {strides = array<i32>} : memref<64xi32, #tpu.memory_space<vmem>>, vector<16xi32>,
        %get3A_230 = arith.constant 15 : index
        %get3A_231 = tpu.vector_load %arg12[%get3A_230] {strides = array<i32>} : memref<64xi32, #tpu.memory_space<vmem>>, vector<16xi32>,
        %get3A_232 = arith.constant 17 : index
        %get3A_233 = tpu.vector_load %arg12[%get3A_232] {strides = array<i32>} : memref<64xi32, #tpu.memory_space<vmem>>, vector<16xi32>,
        %get3A_234 = arith.constant 31 : index
        %get3A_235 = tpu.vector_load %arg12[%get3A_234] {strides = array<i32>} : memref<64xi32, #tpu.memory_space<vmem>>, vector<16xi32>,
        %get3A_236 = arith.constant 33 : index
        %get3A_237 = tpu.vector_load %arg12[%get3A_236] {strides = array<i32>} : memref<64xi32, #tpu.memory_space<vmem>>, vector<16xi32>,
        %and3A_238 = arith.andi %eq3A_216, %eq3A_188 : vector<16xi1>
        %gt3A = arith.cmpi sgt, %while3A_167#2, %get3A_233 : vector<16xi32>
        %and3A_239 = arith.andi %and3A_238, %gt3A : vector<16xi1>
        %and3A_240 = arith.andi %not3A_225, %eq3A : vector<16xi1>
        %gt3A_241 = arith.cmpi sgt, %get3A_231, %while3A_167#2 : vector<16xi32>
        %and3A_242 = arith.andi %and3A_240, %gt3A_241 : vector<16xi1>
        %select_n3A_243 = arith.select %and3A_242, %get3A_231, %while3A_167#2 : vector<16xi1>, vector<16xi32>
        %select_n3A_244 = arith.select %and3A_239, %get3A_233, %select_n3A_243 : vector<16xi1>, vector<16xi32>
        %and3A_245 = arith.andi %eq3A_216, %eq3A_190 : vector<16xi1>
        %gt3A_246 = arith.cmpi sgt, %while3A_167#4, %get3A_237 : vector<16xi32>
        %and3A_247 = arith.andi %and3A_245, %gt3A_246 : vector<16xi1>
        %and3A_248 = arith.andi %not3A_225, %eq3A_189 : vector<16xi1>
        %gt3A_249 = arith.cmpi sgt, %get3A_235, %while3A_167#4 : vector<16xi32>
        %and3A_250 = arith.andi %and3A_248, %gt3A_249 : vector<16xi1>
        %select_n3A_251 = arith.select %and3A_250, %get3A_235, %while3A_167#4 : vector<16xi1>, vector<16xi32>
        %select_n3A_252 = arith.select %and3A_247, %get3A_237, %select_n3A_251 : vector<16xi1>, vector<16xi32>
        %not3A_253 = arith.constant dense<true> : vector<16xi1>
        %not3A_254 = arith.xori %not3A_217, %not3A_253 : vector<16xi1>
        %swap3A_255 = arith.constant 16 : index
        %swap3A_256 = tpu.vector_load %arg12[%swap3A_255] {strides = array<i32>} : memref<64xi32, #tpu.memory_space<vmem>>, vector<16xi32>,
        tpu.vector_store %arg12[%swap3A_255], %select_n3A_244 {strides = array<i32>} : memref<64xi32, #tpu.memory_space<vmem>>, vector<16xi32>,
        %swap3A_257 = arith.constant 32 : index
        %swap3A_258 = tpu.vector_load %arg12[%swap3A_257] {strides = array<i32>} : memref<64xi32, #tpu.memory_space<vmem>>, vector<16xi32>,
        tpu.vector_store %arg12[%swap3A_257], %select_n3A_252 {strides = array<i32>} : memref<64xi32, #tpu.memory_space<vmem>>, vector<16xi32>,
        %get3A_259 = arith.constant 15 : index
        %get3A_260 = tpu.vector_load %arg12[%get3A_259] {strides = array<i32>} : memref<64xi32, #tpu.memory_space<vmem>>, vector<16xi32>,
        %get3A_261 = arith.constant 17 : index
        %get3A_262 = tpu.vector_load %arg12[%get3A_261] {strides = array<i32>} : memref<64xi32, #tpu.memory_space<vmem>>, vector<16xi32>,
        %get3A_263 = arith.constant 31 : index
        %get3A_264 = tpu.vector_load %arg12[%get3A_263] {strides = array<i32>} : memref<64xi32, #tpu.memory_space<vmem>>, vector<16xi32>,
        %get3A_265 = arith.constant 33 : index
        %get3A_266 = tpu.vector_load %arg12[%get3A_265] {strides = array<i32>} : memref<64xi32, #tpu.memory_space<vmem>>, vector<16xi32>,
        %and3A_267 = arith.andi %not3A_217, %eq3A_188 : vector<16xi1>
        %gt3A_268 = arith.cmpi sgt, %select_n3A_244, %get3A_262 : vector<16xi32>
        %and3A_269 = arith.andi %and3A_267, %gt3A_268 : vector<16xi1>
        %and3A_270 = arith.andi %not3A_254, %eq3A : vector<16xi1>
        %gt3A_271 = arith.cmpi sgt, %get3A_260, %select_n3A_244 : vector<16xi32>
        %and3A_272 = arith.andi %and3A_270, %gt3A_271 : vector<16xi1>
        %select_n3A_273 = arith.select %and3A_272, %get3A_260, %select_n3A_244 : vector<16xi1>, vector<16xi32>
        %select_n3A_274 = arith.select %and3A_269, %get3A_262, %select_n3A_273 : vector<16xi1>, vector<16xi32>
        %and3A_275 = arith.andi %not3A_217, %eq3A_190 : vector<16xi1>
        %gt3A_276 = arith.cmpi sgt, %select_n3A_252, %get3A_266 : vector<16xi32>
        %and3A_277 = arith.andi %and3A_275, %gt3A_276 : vector<16xi1>
        %and3A_278 = arith.andi %not3A_254, %eq3A_189 : vector<16xi1>
        %gt3A_279 = arith.cmpi sgt, %get3A_264, %select_n3A_252 : vector<16xi32>
        %and3A_280 = arith.andi %and3A_278, %gt3A_279 : vector<16xi1>
        %select_n3A_281 = arith.select %and3A_280, %get3A_264, %select_n3A_252 : vector<16xi1>, vector<16xi32>
        %select_n3A_282 = arith.select %and3A_277, %get3A_266, %select_n3A_281 : vector<16xi1>, vector<16xi32>
        %not3A_283 = arith.constant dense<true> : vector<16xi1>
        %not3A_284 = arith.xori %eq3A_216, %not3A_283 : vector<16xi1>
        %swap3A_285 = arith.constant 16 : index
        %swap3A_286 = tpu.vector_load %arg12[%swap3A_285] {strides = array<i32>} : memref<64xi32, #tpu.memory_space<vmem>>, vector<16xi32>,
        tpu.vector_store %arg12[%swap3A_285], %select_n3A_274 {strides = array<i32>} : memref<64xi32, #tpu.memory_space<vmem>>, vector<16xi32>,
        %swap3A_287 = arith.constant 32 : index
        %swap3A_288 = tpu.vector_load %arg12[%swap3A_287] {strides = array<i32>} : memref<64xi32, #tpu.memory_space<vmem>>, vector<16xi32>,
        tpu.vector_store %arg12[%swap3A_287], %select_n3A_282 {strides = array<i32>} : memref<64xi32, #tpu.memory_space<vmem>>, vector<16xi32>,
        %get3A_289 = arith.constant 15 : index
        %get3A_290 = tpu.vector_load %arg12[%get3A_289] {strides = array<i32>} : memref<64xi32, #tpu.memory_space<vmem>>, vector<16xi32>,
        %get3A_291 = arith.constant 17 : index
        %get3A_292 = tpu.vector_load %arg12[%get3A_291] {strides = array<i32>} : memref<64xi32, #tpu.memory_space<vmem>>, vector<16xi32>,
        %get3A_293 = arith.constant 31 : index
        %get3A_294 = tpu.vector_load %arg12[%get3A_293] {strides = array<i32>} : memref<64xi32, #tpu.memory_space<vmem>>, vector<16xi32>,
        %get3A_295 = arith.constant 33 : index
        %get3A_296 = tpu.vector_load %arg12[%get3A_295] {strides = array<i32>} : memref<64xi32, #tpu.memory_space<vmem>>, vector<16xi32>,
        %and3A_297 = arith.andi %eq3A_216, %eq3A_188 : vector<16xi1>
        %gt3A_298 = arith.cmpi sgt, %select_n3A_274, %get3A_292 : vector<16xi32>
        %and3A_299 = arith.andi %and3A_297, %gt3A_298 : vector<16xi1>
        %and3A_300 = arith.andi %not3A_284, %eq3A : vector<16xi1>
        %gt3A_301 = arith.cmpi sgt, %get3A_290, %select_n3A_274 : vector<16xi32>
        %and3A_302 = arith.andi %and3A_300, %gt3A_301 : vector<16xi1>
        %select_n3A_303 = arith.select %and3A_302, %get3A_290, %select_n3A_274 : vector<16xi1>, vector<16xi32>
        %select_n3A_304 = arith.select %and3A_299, %get3A_292, %select_n3A_303 : vector<16xi1>, vector<16xi32>
        %and3A_305 = arith.andi %eq3A_216, %eq3A_190 : vector<16xi1>
        %gt3A_306 = arith.cmpi sgt, %select_n3A_282, %get3A_296 : vector<16xi32>
        %and3A_307 = arith.andi %and3A_305, %gt3A_306 : vector<16xi1>
        %and3A_308 = arith.andi %not3A_284, %eq3A_189 : vector<16xi1>
        %gt3A_309 = arith.cmpi sgt, %get3A_294, %select_n3A_282 : vector<16xi32>
        %and3A_310 = arith.andi %and3A_308, %gt3A_309 : vector<16xi1>
        %select_n3A_311 = arith.select %and3A_310, %get3A_294, %select_n3A_282 : vector<16xi1>, vector<16xi32>
        %select_n3A_312 = arith.select %and3A_307, %get3A_296, %select_n3A_311 : vector<16xi1>, vector<16xi32>
        %reduce_max3A = arith.constant true
        %reduce_max3A_313 = vector.broadcast %reduce_max3A : i1 to vector<16xi1>
        %reduce_max3A_314 = tpu.scan <max>, %while3A_167#1 masked %reduce_max3A_313 : vector<16xf32>, vector<16xi1> -> vector<16xf32>
        %reduce_max3A_315 = vector.extract %reduce_max3A_314[15] : f32 from vector<16xf32>
        %sub3A_316 = vector.broadcast %reduce_max3A_315 : f32 to vector<16xf32>
        %sub3A_317 = arith.subf %while3A_167#1, %sub3A_316 : vector<16xf32>
        %exp3A = math.exp %sub3A_317 : vector<16xf32>
        %sub3A_318 = vector.broadcast %reduce_max3A_315 : f32 to vector<16xf32>
        %sub3A_319 = arith.subf %while3A_167#3, %sub3A_318 : vector<16xf32>
        %exp3A_320 = math.exp %sub3A_319 : vector<16xf32>
        %reduce_sum3A_321 = arith.constant true
        %reduce_sum3A_322 = vector.broadcast %reduce_sum3A_321 : i1 to vector<16xi1>
        %reduce_sum3A_323 = tpu.scan <sum>, %exp3A masked %reduce_sum3A_322 : vector<16xf32>, vector<16xi1> -> vector<16xf32>
        %reduce_sum3A_324 = vector.extract %reduce_sum3A_323[15] : f32 from vector<16xf32>
        %reduce_sum3A_325 = arith.constant true
        %reduce_sum3A_326 = vector.broadcast %reduce_sum3A_325 : i1 to vector<16xi1>
        %reduce_sum3A_327 = tpu.scan <sum>, %exp3A_320 masked %reduce_sum3A_326 : vector<16xf32>, vector<16xi1> -> vector<16xf32>
        %reduce_sum3A_328 = vector.extract %reduce_sum3A_327[15] : f32 from vector<16xf32>
        %add3A_329 = arith.addf %reduce_sum3A_324, %reduce_sum3A_328 : f32
        %div3A_330 = vector.broadcast %add3A_329 : f32 to vector<16xf32>
        %div3A_331 = arith.divf %exp3A, %div3A_330 : vector<16xf32>
        %swap3A_332 = arith.index_cast %scan3A_55 : i32 to index
        %swap3A_333 = arith.constant 0 : index
        %swap3A_334 = tpu.vector_load %arg9[%swap3A_332, %swap3A_333] {strides = array<i32>} : memref<8x32xf32, #tpu.memory_space<vmem>>, vector<16xf32>,
        tpu.vector_store %arg9[%swap3A_332, %swap3A_333], %div3A_331 {strides = array<i32>} : memref<8x32xf32, #tpu.memory_space<vmem>>, vector<16xf32>,
        %div3A_335 = vector.broadcast %add3A_329 : f32 to vector<16xf32>
        %div3A_336 = arith.divf %exp3A_320, %div3A_335 : vector<16xf32>
        %swap3A_337 = arith.index_cast %scan3A_55 : i32 to index
        %swap3A_338 = arith.constant 16 : index
        %swap3A_339 = tpu.vector_load %arg9[%swap3A_337, %swap3A_338] {strides = array<i32>} : memref<8x32xf32, #tpu.memory_space<vmem>>, vector<16xf32>,
        tpu.vector_store %arg9[%swap3A_337, %swap3A_338], %div3A_336 {strides = array<i32>} : memref<8x32xf32, #tpu.memory_space<vmem>>, vector<16xf32>,
        %swap3A_340 = arith.index_cast %scan3A_55 : i32 to index
        %swap3A_341 = arith.constant 0 : index
        %swap3A_342 = tpu.vector_load %arg10[%swap3A_340, %swap3A_341] {strides = array<i32>} : memref<8x32xi32, #tpu.memory_space<vmem>>, vector<16xi32>,
        tpu.vector_store %arg10[%swap3A_340, %swap3A_341], %select_n3A_304 {strides = array<i32>} : memref<8x32xi32, #tpu.memory_space<vmem>>, vector<16xi32>,
        %swap3A_343 = arith.index_cast %scan3A_55 : i32 to index
        %swap3A_344 = arith.constant 16 : index
        %swap3A_345 = tpu.vector_load %arg10[%swap3A_343, %swap3A_344] {strides = array<i32>} : memref<8x32xi32, #tpu.memory_space<vmem>>, vector<16xi32>,
        tpu.vector_store %arg10[%swap3A_343, %swap3A_344], %select_n3A_312 {strides = array<i32>} : memref<8x32xi32, #tpu.memory_space<vmem>>, vector<16xi32>,
      }
      %scan3A_33 = arith.constant 8 : i32
      "tpu.region"() ({
        %run_scoped3A = tpu.sem_alloc : memref<!tpu.dma_semaphore, #tpu.memory_space<semaphore_mem>>
        %dma_start3A_55 = arith.constant 0 : i32
        %dma_start3A_56 = tpu.memref_slice %arg3[%add3A_18, %dma_start3A_55] : memref<8192x32xf32, #tpu.memory_space<hbm>> -> memref<8x32xf32, #tpu.memory_space<hbm>>
        %dma_start3A_57 = arith.constant 0 : i32
        %dma_start3A_58 = tpu.memref_slice %arg3[%add3A_18, %dma_start3A_57] : memref<8192x32xf32, #tpu.memory_space<hbm>> -> memref<8x32xf32, #tpu.memory_space<hbm>>
        tpu.enqueue_dma source(%arg9 : memref<8x32xf32, #tpu.memory_space<vmem>>) target(%dma_start3A_58 : memref<8x32xf32, #tpu.memory_space<hbm>>) target_semaphore(%run_scoped3A : memref<!tpu.dma_semaphore, #tpu.memory_space<semaphore_mem>>)
        %dma_wait3A_59 = arith.constant 0 : i32
        %dma_wait3A_60 = tpu.memref_slice %arg3[%add3A_18, %dma_wait3A_59] : memref<8192x32xf32, #tpu.memory_space<hbm>> -> memref<8x32xf32, #tpu.memory_space<hbm>>
        %dma_wait3A_61 = arith.constant 0 : i32
        %dma_wait3A_62 = tpu.memref_slice %arg3[%add3A_18, %dma_wait3A_61] : memref<8192x32xf32, #tpu.memory_space<hbm>> -> memref<8x32xf32, #tpu.memory_space<hbm>>
        tpu.wait_dma2 semaphore(%run_scoped3A : memref<!tpu.dma_semaphore, #tpu.memory_space<semaphore_mem>>) src(%arg9 : memref<8x32xf32, #tpu.memory_space<vmem>>) dst(%dma_wait3A_62 : memref<8x32xf32, #tpu.memory_space<hbm>>)
        tpu.yield
      }) : () -> ()
      "tpu.region"() ({
        %run_scoped3A = tpu.sem_alloc : memref<!tpu.dma_semaphore, #tpu.memory_space<semaphore_mem>>
        %dma_start3A_55 = arith.constant 0 : i32
        %dma_start3A_56 = tpu.memref_slice %arg4[%add3A_18, %dma_start3A_55] : memref<8192x32xi32, #tpu.memory_space<hbm>> -> memref<8x32xi32, #tpu.memory_space<hbm>>
        %dma_start3A_57 = arith.constant 0 : i32
        %dma_start3A_58 = tpu.memref_slice %arg4[%add3A_18, %dma_start3A_57] : memref<8192x32xi32, #tpu.memory_space<hbm>> -> memref<8x32xi32, #tpu.memory_space<hbm>>
        tpu.enqueue_dma source(%arg10 : memref<8x32xi32, #tpu.memory_space<vmem>>) target(%dma_start3A_58 : memref<8x32xi32, #tpu.memory_space<hbm>>) target_semaphore(%run_scoped3A : memref<!tpu.dma_semaphore, #tpu.memory_space<semaphore_mem>>)
        %dma_wait3A_59 = arith.constant 0 : i32
        %dma_wait3A_60 = tpu.memref_slice %arg4[%add3A_18, %dma_wait3A_59] : memref<8192x32xi32, #tpu.memory_space<hbm>> -> memref<8x32xi32, #tpu.memory_space<hbm>>
        %dma_wait3A_61 = arith.constant 0 : i32
        %dma_wait3A_62 = tpu.memref_slice %arg4[%add3A_18, %dma_wait3A_61] : memref<8192x32xi32, #tpu.memory_space<hbm>> -> memref<8x32xi32, #tpu.memory_space<hbm>>
        tpu.wait_dma2 semaphore(%run_scoped3A : memref<!tpu.dma_semaphore, #tpu.memory_space<semaphore_mem>>) src(%arg10 : memref<8x32xi32, #tpu.memory_space<vmem>>) dst(%dma_wait3A_62 : memref<8x32xi32, #tpu.memory_space<hbm>>)
        tpu.yield
      }) : () -> ()
      %mul3A_34 = arith.constant 2 : i32
      %mul3A_35 = arith.muli %scan3A_11, %mul3A_34 : i32
      %add3A_36 = arith.constant 1 : i32
      %add3A_37 = arith.addi %mul3A_35, %add3A_36 : i32
      %mul3A_38 = arith.constant 8 : i32
      %mul3A_39 = arith.muli %add3A_37, %mul3A_38 : i32
      %add3A_40 = arith.addi %mul3A_2, %mul3A_39 : i32
      %dma_wait3A_41 = arith.constant 0 : i32
      %dma_wait3A_42 = tpu.memref_slice %arg2[%add3A_40, %dma_wait3A_41] : memref<8192x1024xf32, #tpu.memory_space<hbm>> -> memref<8x1024xf32, #tpu.memory_space<hbm>>
      %dma_wait3A_43 = arith.constant 0 : i32
      %dma_wait3A_44 = tpu.memref_slice %arg2[%add3A_40, %dma_wait3A_43] : memref<8192x1024xf32, #tpu.memory_space<hbm>> -> memref<8x1024xf32, #tpu.memory_space<hbm>>
      tpu.wait_dma2 semaphore(%arg14 : memref<!tpu.dma_semaphore, #tpu.memory_space<semaphore_mem>>) src(%dma_wait3A_44 : memref<8x1024xf32, #tpu.memory_space<hbm>>) dst(%arg6 : memref<8x1024xf32, #tpu.memory_space<vmem>>)
      %add3A_45 = arith.constant 1 : i32
      %add3A_46 = arith.addi %add3A_37, %add3A_45 : i32
      %lt3A = arith.constant 32 : i32
      %lt3A_47 = arith.cmpi slt, %add3A_46, %lt3A : i32
      %convert_element_type3A = arith.extui %lt3A_47 : i1 to i32
      %cond3A = arith.constant 0 : i32
      %cond3A_48 = arith.cmpi ne, %convert_element_type3A, %cond3A : i32
      scf.if %cond3A_48 {
        %add3A_55 = arith.constant 8 : i32
        %add3A_56 = arith.addi %add3A_40, %add3A_55 : i32
        %dma_start3A_57 = arith.constant 0 : i32
        %dma_start3A_58 = tpu.memref_slice %arg2[%add3A_56, %dma_start3A_57] : memref<8192x1024xf32, #tpu.memory_space<hbm>> -> memref<8x1024xf32, #tpu.memory_space<hbm>>
        %dma_start3A_59 = arith.constant 0 : i32
        %dma_start3A_60 = tpu.memref_slice %arg2[%add3A_56, %dma_start3A_59] : memref<8192x1024xf32, #tpu.memory_space<hbm>> -> memref<8x1024xf32, #tpu.memory_space<hbm>>
        tpu.enqueue_dma source(%dma_start3A_60 : memref<8x1024xf32, #tpu.memory_space<hbm>>) target(%arg5 : memref<8x1024xf32, #tpu.memory_space<vmem>>) target_semaphore(%arg13 : memref<!tpu.dma_semaphore, #tpu.memory_space<semaphore_mem>>)
      } else {
      }
      %scan3A_49 = arith.constant 0 : i32
      %scan3A_50 = arith.constant 0 : i32
      %scan3A_51 = arith.constant 8 : i32
      %scan3A_52 = arith.addi %scan3A_50, %scan3A_51 : i32
      %scan3A_53 = arith.constant 1 : i32
      scf.for %scan3A_55 = %scan3A_50 to %scan3A_52 step %scan3A_53  : i32 {
        %broadcast_in_dim3A = arith.constant 0xFF800000 : f32
        %broadcast_in_dim3A_56 = vector.broadcast %broadcast_in_dim3A : f32 to vector<16xf32>
        %scan3A_57 = arith.constant 0 : i32
        %scan3A_58 = arith.constant 16 : i32
        %scan3A_59 = arith.addi %scan3A_57, %scan3A_58 : i32
        %scan3A_60 = arith.constant 1 : i32
        %scan3A_61:8 = scf.for %scan3A_346 = %scan3A_57 to %scan3A_59 step %scan3A_60 iter_args(%scan3A_347 = %broadcast_in_dim3A_56, %scan3A_348 = %broadcast_in_dim3A_56, %scan3A_349 = %broadcast_in_dim3A_56, %scan3A_350 = %broadcast_in_dim3A_56, %scan3A_351 = %broadcast_in_dim3A_56, %scan3A_352 = %broadcast_in_dim3A_56, %scan3A_353 = %broadcast_in_dim3A_56, %scan3A_354 = %broadcast_in_dim3A_56) -> (vector<16xf32>, vector<16xf32>, vector<16xf32>, vector<16xf32>, vector<16xf32>, vector<16xf32>, vector<16xf32>, vector<16xf32>)  : i32 {
          %mul3A_355 = arith.constant 4 : i32
          %mul3A_356 = arith.muli %mul3A_355, %scan3A_346 : i32
          %mul3A_357 = arith.constant 16 : i32
          %mul3A_358 = arith.muli %mul3A_356, %mul3A_357 : i32
          %get3A_359 = arith.index_cast %scan3A_55 : i32 to index
          %get3A_360 = arith.index_cast %mul3A_358 : i32 to index
          %get3A_361 = tpu.vector_load %arg6[%get3A_359, %get3A_360] {strides = array<i32>} : memref<8x1024xf32, #tpu.memory_space<vmem>>, vector<16xf32>,
          %mul3A_362 = arith.constant 4 : i32
          %mul3A_363 = arith.muli %mul3A_362, %scan3A_346 : i32
          %add3A_364 = arith.constant 1 : i32
          %add3A_365 = arith.addi %mul3A_363, %add3A_364 : i32
          %mul3A_366 = arith.constant 16 : i32
          %mul3A_367 = arith.muli %add3A_365, %mul3A_366 : i32
          %get3A_368 = arith.index_cast %scan3A_55 : i32 to index
          %get3A_369 = arith.index_cast %mul3A_367 : i32 to index
          %get3A_370 = tpu.vector_load %arg6[%get3A_368, %get3A_369] {strides = array<i32>} : memref<8x1024xf32, #tpu.memory_space<vmem>>, vector<16xf32>,
          %mul3A_371 = arith.constant 4 : i32
          %mul3A_372 = arith.muli %mul3A_371, %scan3A_346 : i32
          %add3A_373 = arith.constant 2 : i32
          %add3A_374 = arith.addi %mul3A_372, %add3A_373 : i32
          %mul3A_375 = arith.constant 16 : i32
          %mul3A_376 = arith.muli %add3A_374, %mul3A_375 : i32
          %get3A_377 = arith.index_cast %scan3A_55 : i32 to index
          %get3A_378 = arith.index_cast %mul3A_376 : i32 to index
          %get3A_379 = tpu.vector_load %arg6[%get3A_377, %get3A_378] {strides = array<i32>} : memref<8x1024xf32, #tpu.memory_space<vmem>>, vector<16xf32>,
          %mul3A_380 = arith.constant 4 : i32
          %mul3A_381 = arith.muli %mul3A_380, %scan3A_346 : i32
          %add3A_382 = arith.constant 3 : i32
          %add3A_383 = arith.addi %mul3A_381, %add3A_382 : i32
          %mul3A_384 = arith.constant 16 : i32
          %mul3A_385 = arith.muli %add3A_383, %mul3A_384 : i32
          %get3A_386 = arith.index_cast %scan3A_55 : i32 to index
          %get3A_387 = arith.index_cast %mul3A_385 : i32 to index
          %get3A_388 = tpu.vector_load %arg6[%get3A_386, %get3A_387] {strides = array<i32>} : memref<8x1024xf32, #tpu.memory_space<vmem>>, vector<16xf32>,
          %min3A_389 = arith.minimumf %scan3A_347, %get3A_361 : vector<16xf32>
          %max3A_390 = arith.maximumf %scan3A_348, %min3A_389 : vector<16xf32>
          %max3A_391 = arith.maximumf %scan3A_347, %get3A_361 : vector<16xf32>
          %min3A_392 = arith.minimumf %scan3A_349, %get3A_370 : vector<16xf32>
          %max3A_393 = arith.maximumf %scan3A_350, %min3A_392 : vector<16xf32>
          %max3A_394 = arith.maximumf %scan3A_349, %get3A_370 : vector<16xf32>
          %min3A_395 = arith.minimumf %scan3A_351, %get3A_379 : vector<16xf32>
          %max3A_396 = arith.maximumf %scan3A_352, %min3A_395 : vector<16xf32>
          %max3A_397 = arith.maximumf %scan3A_351, %get3A_379 : vector<16xf32>
          %min3A_398 = arith.minimumf %scan3A_353, %get3A_388 : vector<16xf32>
          %max3A_399 = arith.maximumf %scan3A_354, %min3A_398 : vector<16xf32>
          %max3A_400 = arith.maximumf %scan3A_353, %get3A_388 : vector<16xf32>
          scf.yield %max3A_391, %max3A_390, %max3A_394, %max3A_393, %max3A_397, %max3A_396, %max3A_400, %max3A_399 : vector<16xf32>, vector<16xf32>, vector<16xf32>, vector<16xf32>, vector<16xf32>, vector<16xf32>, vector<16xf32>, vector<16xf32>
        }
        %scan3A_62 = arith.constant 16 : i32
        %max3A = arith.maximumf %scan3A_61#0, %scan3A_61#2 : vector<16xf32>
        %min3A = arith.minimumf %scan3A_61#0, %scan3A_61#2 : vector<16xf32>
        %max3A_63 = arith.maximumf %scan3A_61#1, %scan3A_61#3 : vector<16xf32>
        %max3A_64 = arith.maximumf %min3A, %max3A_63 : vector<16xf32>
        %max3A_65 = arith.maximumf %scan3A_61#4, %scan3A_61#6 : vector<16xf32>
        %min3A_66 = arith.minimumf %scan3A_61#4, %scan3A_61#6 : vector<16xf32>
        %max3A_67 = arith.maximumf %scan3A_61#5, %scan3A_61#7 : vector<16xf32>
        %max3A_68 = arith.maximumf %min3A_66, %max3A_67 : vector<16xf32>
        %max3A_69 = arith.maximumf %max3A, %max3A_65 : vector<16xf32>
        %min3A_70 = arith.minimumf %max3A, %max3A_65 : vector<16xf32>
        %max3A_71 = arith.maximumf %max3A_64, %max3A_68 : vector<16xf32>
        %max3A_72 = arith.maximumf %min3A_70, %max3A_71 : vector<16xf32>
        %reduce_min3A = arith.constant true
        %reduce_min3A_73 = vector.broadcast %reduce_min3A : i1 to vector<16xi1>
        %reduce_min3A_74 = tpu.scan <min>, %max3A_72 masked %reduce_min3A_73 : vector<16xf32>, vector<16xi1> -> vector<16xf32>
        %reduce_min3A_75 = vector.extract %reduce_min3A_74[15] : f32 from vector<16xf32>
        %iota3A = tpu.iota {dimensions = array<i32: 0>} : vector<16xi32>
        %broadcast_in_dim3A_76 = arith.constant 0 : i32
        %broadcast_in_dim3A_77 = vector.broadcast %broadcast_in_dim3A_76 : i32 to vector<16xi32>
        %scan3A_78 = arith.constant 0 : i32
        %scan3A_79 = arith.constant 16 : i32
        %scan3A_80 = arith.addi %scan3A_78, %scan3A_79 : i32
        %scan3A_81 = arith.constant 1 : i32
        %scan3A_82 = scf.for %scan3A_346 = %scan3A_78 to %scan3A_80 step %scan3A_81 iter_args(%scan3A_347 = %broadcast_in_dim3A_77) -> (vector<16xi32>)  : i32 {
          %mul3A_348 = arith.constant 4 : i32
          %mul3A_349 = arith.muli %mul3A_348, %scan3A_346 : i32
          %mul3A_350 = arith.constant 4 : i32
          %mul3A_351 = arith.muli %mul3A_350, %scan3A_346 : i32
          %mul3A_352 = arith.constant 16 : i32
          %mul3A_353 = arith.muli %mul3A_351, %mul3A_352 : i32
          %get3A_354 = arith.index_cast %scan3A_55 : i32 to index
          %get3A_355 = arith.index_cast %mul3A_353 : i32 to index
          %get3A_356 = tpu.vector_load %arg6[%get3A_354, %get3A_355] {strides = array<i32>} : memref<8x1024xf32, #tpu.memory_space<vmem>>, vector<16xf32>,
          %ge3A_357 = vector.broadcast %reduce_min3A_75 : f32 to vector<16xf32>
          %ge3A_358 = arith.cmpf oge, %get3A_356, %ge3A_357 : vector<16xf32>
          %convert_element_type3A_359 = arith.extui %ge3A_358 : vector<16xi1> to vector<16xi32>
          %broadcast_in_dim3A_360 = arith.constant true
          %broadcast_in_dim3A_361 = vector.broadcast %broadcast_in_dim3A_360 : i1 to vector<16xi1>
          %masked_cumsum3A = tpu.scan <sum>, %convert_element_type3A_359 masked %broadcast_in_dim3A_361 : vector<16xi32>, vector<16xi1> -> vector<16xi32>
          %add3A_362 = arith.addi %scan3A_347, %masked_cumsum3A : vector<16xi32>
          %sub3A_363 = arith.subi %add3A_362, %convert_element_type3A_359 : vector<16xi32>
          tpu.vector_store_idx %arg7[%sub3A_363], %get3A_356 masked %ge3A_358 : memref<1040xf32, #tpu.memory_space<vmem>>[vector<16xi32>], vector<16xf32>, vector<16xi1>
          %mul3A_364 = arith.constant 16 : i32
          %mul3A_365 = arith.muli %mul3A_349, %mul3A_364 : i32
          %add3A_366 = vector.broadcast %mul3A_365 : i32 to vector<16xi32>
          %add3A_367 = arith.addi %iota3A, %add3A_366 : vector<16xi32>
          tpu.vector_store_idx %arg8[%sub3A_363], %add3A_367 masked %ge3A_358 : memref<1040xi32, #tpu.memory_space<vmem>>[vector<16xi32>], vector<16xi32>, vector<16xi1>
          %all_reduce_population_count3A = tpu.all_reduce %ge3A_358 {dim = 0 : i64, kind = #tpu.reduction_kind<sum>} : vector<16xi1> -> vector<16xi32>
          %add3A_368 = arith.addi %scan3A_347, %all_reduce_population_count3A : vector<16xi32>
          %mul3A_369 = arith.constant 4 : i32
          %mul3A_370 = arith.muli %mul3A_369, %scan3A_346 : i32
          %add3A_371 = arith.constant 1 : i32
          %add3A_372 = arith.addi %mul3A_370, %add3A_371 : i32
          %mul3A_373 = arith.constant 4 : i32
          %mul3A_374 = arith.muli %mul3A_373, %scan3A_346 : i32
          %add3A_375 = arith.constant 1 : i32
          %add3A_376 = arith.addi %mul3A_374, %add3A_375 : i32
          %mul3A_377 = arith.constant 16 : i32
          %mul3A_378 = arith.muli %add3A_376, %mul3A_377 : i32
          %get3A_379 = arith.index_cast %scan3A_55 : i32 to index
          %get3A_380 = arith.index_cast %mul3A_378 : i32 to index
          %get3A_381 = tpu.vector_load %arg6[%get3A_379, %get3A_380] {strides = array<i32>} : memref<8x1024xf32, #tpu.memory_space<vmem>>, vector<16xf32>,
          %ge3A_382 = vector.broadcast %reduce_min3A_75 : f32 to vector<16xf32>
          %ge3A_383 = arith.cmpf oge, %get3A_381, %ge3A_382 : vector<16xf32>
          %convert_element_type3A_384 = arith.extui %ge3A_383 : vector<16xi1> to vector<16xi32>
          %broadcast_in_dim3A_385 = arith.constant true
          %broadcast_in_dim3A_386 = vector.broadcast %broadcast_in_dim3A_385 : i1 to vector<16xi1>
          %masked_cumsum3A_387 = tpu.scan <sum>, %convert_element_type3A_384 masked %broadcast_in_dim3A_386 : vector<16xi32>, vector<16xi1> -> vector<16xi32>
          %add3A_388 = arith.addi %add3A_368, %masked_cumsum3A_387 : vector<16xi32>
          %sub3A_389 = arith.subi %add3A_388, %convert_element_type3A_384 : vector<16xi32>
          tpu.vector_store_idx %arg7[%sub3A_389], %get3A_381 masked %ge3A_383 : memref<1040xf32, #tpu.memory_space<vmem>>[vector<16xi32>], vector<16xf32>, vector<16xi1>
          %mul3A_390 = arith.constant 16 : i32
          %mul3A_391 = arith.muli %add3A_372, %mul3A_390 : i32
          %add3A_392 = vector.broadcast %mul3A_391 : i32 to vector<16xi32>
          %add3A_393 = arith.addi %iota3A, %add3A_392 : vector<16xi32>
          tpu.vector_store_idx %arg8[%sub3A_389], %add3A_393 masked %ge3A_383 : memref<1040xi32, #tpu.memory_space<vmem>>[vector<16xi32>], vector<16xi32>, vector<16xi1>
          %all_reduce_population_count3A_394 = tpu.all_reduce %ge3A_383 {dim = 0 : i64, kind = #tpu.reduction_kind<sum>} : vector<16xi1> -> vector<16xi32>
          %add3A_395 = arith.addi %add3A_368, %all_reduce_population_count3A_394 : vector<16xi32>
          %mul3A_396 = arith.constant 4 : i32
          %mul3A_397 = arith.muli %mul3A_396, %scan3A_346 : i32
          %add3A_398 = arith.constant 2 : i32
          %add3A_399 = arith.addi %mul3A_397, %add3A_398 : i32
          %mul3A_400 = arith.constant 4 : i32
          %mul3A_401 = arith.muli %mul3A_400, %scan3A_346 : i32
          %add3A_402 = arith.constant 2 : i32
          %add3A_403 = arith.addi %mul3A_401, %add3A_402 : i32
          %mul3A_404 = arith.constant 16 : i32
          %mul3A_405 = arith.muli %add3A_403, %mul3A_404 : i32
          %get3A_406 = arith.index_cast %scan3A_55 : i32 to index
          %get3A_407 = arith.index_cast %mul3A_405 : i32 to index
          %get3A_408 = tpu.vector_load %arg6[%get3A_406, %get3A_407] {strides = array<i32>} : memref<8x1024xf32, #tpu.memory_space<vmem>>, vector<16xf32>,
          %ge3A_409 = vector.broadcast %reduce_min3A_75 : f32 to vector<16xf32>
          %ge3A_410 = arith.cmpf oge, %get3A_408, %ge3A_409 : vector<16xf32>
          %convert_element_type3A_411 = arith.extui %ge3A_410 : vector<16xi1> to vector<16xi32>
          %broadcast_in_dim3A_412 = arith.constant true
          %broadcast_in_dim3A_413 = vector.broadcast %broadcast_in_dim3A_412 : i1 to vector<16xi1>
          %masked_cumsum3A_414 = tpu.scan <sum>, %convert_element_type3A_411 masked %broadcast_in_dim3A_413 : vector<16xi32>, vector<16xi1> -> vector<16xi32>
          %add3A_415 = arith.addi %add3A_395, %masked_cumsum3A_414 : vector<16xi32>
          %sub3A_416 = arith.subi %add3A_415, %convert_element_type3A_411 : vector<16xi32>
          tpu.vector_store_idx %arg7[%sub3A_416], %get3A_408 masked %ge3A_410 : memref<1040xf32, #tpu.memory_space<vmem>>[vector<16xi32>], vector<16xf32>, vector<16xi1>
          %mul3A_417 = arith.constant 16 : i32
          %mul3A_418 = arith.muli %add3A_399, %mul3A_417 : i32
          %add3A_419 = vector.broadcast %mul3A_418 : i32 to vector<16xi32>
          %add3A_420 = arith.addi %iota3A, %add3A_419 : vector<16xi32>
          tpu.vector_store_idx %arg8[%sub3A_416], %add3A_420 masked %ge3A_410 : memref<1040xi32, #tpu.memory_space<vmem>>[vector<16xi32>], vector<16xi32>, vector<16xi1>
          %all_reduce_population_count3A_421 = tpu.all_reduce %ge3A_410 {dim = 0 : i64, kind = #tpu.reduction_kind<sum>} : vector<16xi1> -> vector<16xi32>
          %add3A_422 = arith.addi %add3A_395, %all_reduce_population_count3A_421 : vector<16xi32>
          %mul3A_423 = arith.constant 4 : i32
          %mul3A_424 = arith.muli %mul3A_423, %scan3A_346 : i32
          %add3A_425 = arith.constant 3 : i32
          %add3A_426 = arith.addi %mul3A_424, %add3A_425 : i32
          %mul3A_427 = arith.constant 4 : i32
          %mul3A_428 = arith.muli %mul3A_427, %scan3A_346 : i32
          %add3A_429 = arith.constant 3 : i32
          %add3A_430 = arith.addi %mul3A_428, %add3A_429 : i32
          %mul3A_431 = arith.constant 16 : i32
          %mul3A_432 = arith.muli %add3A_430, %mul3A_431 : i32
          %get3A_433 = arith.index_cast %scan3A_55 : i32 to index
          %get3A_434 = arith.index_cast %mul3A_432 : i32 to index
          %get3A_435 = tpu.vector_load %arg6[%get3A_433, %get3A_434] {strides = array<i32>} : memref<8x1024xf32, #tpu.memory_space<vmem>>, vector<16xf32>,
          %ge3A_436 = vector.broadcast %reduce_min3A_75 : f32 to vector<16xf32>
          %ge3A_437 = arith.cmpf oge, %get3A_435, %ge3A_436 : vector<16xf32>
          %convert_element_type3A_438 = arith.extui %ge3A_437 : vector<16xi1> to vector<16xi32>
          %broadcast_in_dim3A_439 = arith.constant true
          %broadcast_in_dim3A_440 = vector.broadcast %broadcast_in_dim3A_439 : i1 to vector<16xi1>
          %masked_cumsum3A_441 = tpu.scan <sum>, %convert_element_type3A_438 masked %broadcast_in_dim3A_440 : vector<16xi32>, vector<16xi1> -> vector<16xi32>
          %add3A_442 = arith.addi %add3A_422, %masked_cumsum3A_441 : vector<16xi32>
          %sub3A_443 = arith.subi %add3A_442, %convert_element_type3A_438 : vector<16xi32>
          tpu.vector_store_idx %arg7[%sub3A_443], %get3A_435 masked %ge3A_437 : memref<1040xf32, #tpu.memory_space<vmem>>[vector<16xi32>], vector<16xf32>, vector<16xi1>
          %mul3A_444 = arith.constant 16 : i32
          %mul3A_445 = arith.muli %add3A_426, %mul3A_444 : i32
          %add3A_446 = vector.broadcast %mul3A_445 : i32 to vector<16xi32>
          %add3A_447 = arith.addi %iota3A, %add3A_446 : vector<16xi32>
          tpu.vector_store_idx %arg8[%sub3A_443], %add3A_447 masked %ge3A_437 : memref<1040xi32, #tpu.memory_space<vmem>>[vector<16xi32>], vector<16xi32>, vector<16xi1>
          %all_reduce_population_count3A_448 = tpu.all_reduce %ge3A_437 {dim = 0 : i64, kind = #tpu.reduction_kind<sum>} : vector<16xi1> -> vector<16xi32>
          %add3A_449 = arith.addi %add3A_422, %all_reduce_population_count3A_448 : vector<16xi32>
          scf.yield %add3A_449 : vector<16xi32>
        }
        %scan3A_83 = arith.constant 16 : i32
        %reduce_sum3A = arith.constant true
        %reduce_sum3A_84 = vector.broadcast %reduce_sum3A : i1 to vector<16xi1>
        %reduce_sum3A_85 = tpu.scan <sum>, %scan3A_82 masked %reduce_sum3A_84 : vector<16xi32>, vector<16xi1> -> vector<16xi32>
        %reduce_sum3A_86 = vector.extract %reduce_sum3A_85[15] : i32 from vector<16xi32>
        %jit3A = arith.constant 16 : i32
        %div3A = arith.divsi %reduce_sum3A_86, %jit3A : i32
        %sign3A = arith.constant 0 : i32
        %sign3A_87 = arith.cmpi sgt, %reduce_sum3A_86, %sign3A : i32
        %sign3A_88 = arith.extui %sign3A_87 : i1 to i32
        %sign3A_89 = arith.constant 0 : i32
        %sign3A_90 = arith.cmpi slt, %reduce_sum3A_86, %sign3A_89 : i32
        %sign3A_91 = arith.extui %sign3A_90 : i1 to i32
        %sign3A_92 = arith.subi %sign3A_88, %sign3A_91 : i32
        %sign3A_93 = arith.constant 0 : i32
        %sign3A_94 = arith.cmpi sgt, %jit3A, %sign3A_93 : i32
        %sign3A_95 = arith.extui %sign3A_94 : i1 to i32
        %sign3A_96 = arith.constant 0 : i32
        %sign3A_97 = arith.cmpi slt, %jit3A, %sign3A_96 : i32
        %sign3A_98 = arith.extui %sign3A_97 : i1 to i32
        %sign3A_99 = arith.subi %sign3A_95, %sign3A_98 : i32
        %ne3A = arith.cmpi ne, %sign3A_92, %sign3A_99 : i32
        %rem3A = arith.remsi %reduce_sum3A_86, %jit3A : i32
        %ne3A_100 = arith.constant 0 : i32
        %ne3A_101 = arith.cmpi ne, %rem3A, %ne3A_100 : i32
        %and3A = arith.andi %ne3A, %ne3A_101 : i1
        %sub3A = arith.constant 1 : i32
        %sub3A_102 = arith.subi %div3A, %sub3A : i32
        %select_n3A = arith.select %and3A, %sub3A_102, %div3A : i32
        %broadcast_in_dim3A_103 = arith.constant 0xFF800000 : f32
        %broadcast_in_dim3A_104 = vector.broadcast %broadcast_in_dim3A_103 : f32 to vector<16xf32>
        %swap3A = arith.index_cast %select_n3A : i32 to index
        %swap3A_105 = tpu.vector_load %arg7[%swap3A] {strides = array<i32>} : memref<1040xf32, #tpu.memory_space<vmem>>, vector<16xf32>,
        tpu.vector_store %arg7[%swap3A], %broadcast_in_dim3A_104 {strides = array<i32>} : memref<1040xf32, #tpu.memory_space<vmem>>, vector<16xf32>,
        %get3A = arith.constant 0 : index
        %get3A_106 = tpu.vector_load %arg7[%get3A] {strides = array<i32>} : memref<1040xf32, #tpu.memory_space<vmem>>, vector<16xf32>,
        %get3A_107 = arith.constant 0 : index
        %get3A_108 = tpu.vector_load %arg8[%get3A_107] {strides = array<i32>} : memref<1040xi32, #tpu.memory_space<vmem>>, vector<16xi32>,
        %masked_sort3A = arith.constant dense<true> : vector<16xi1>
        %masked_sort3A_109, %masked_sort3A_110, %masked_sort3A_111 = tpu.sort %get3A_106, %get3A_108 masked %masked_sort3A {descending = true} : (vector<16xf32>, vector<16xi32>, vector<16xi1>) -> (vector<16xi1>, vector<16xf32>, vector<16xi32>)
        %get3A_112 = arith.constant 16 : index
        %get3A_113 = tpu.vector_load %arg7[%get3A_112] {strides = array<i32>} : memref<1040xf32, #tpu.memory_space<vmem>>, vector<16xf32>,
        %get3A_114 = arith.constant 16 : index
        %get3A_115 = tpu.vector_load %arg8[%get3A_114] {strides = array<i32>} : memref<1040xi32, #tpu.memory_space<vmem>>, vector<16xi32>,
        %masked_sort3A_116 = arith.constant dense<true> : vector<16xi1>
        %masked_sort3A_117, %masked_sort3A_118, %masked_sort3A_119 = tpu.sort %get3A_113, %get3A_115 masked %masked_sort3A_116 {descending = true} : (vector<16xf32>, vector<16xi32>, vector<16xi1>) -> (vector<16xi1>, vector<16xf32>, vector<16xi32>)
        %rev3A = arith.constant 15 : i32
        %rev3A_120 = vector.broadcast %rev3A : i32 to vector<16xi32>
        %rev3A_121 = tpu.iota {dimensions = array<i32: 0>} : vector<16xi32>
        %rev3A_122 = arith.subi %rev3A_120, %rev3A_121 : vector<16xi32>
        %rev3A_123 = tpu.dynamic_gather %masked_sort3A_118[%rev3A_122] in [0] : vector<16xf32>, vector<16xi32> -> vector<16xf32>
        %rev3A_124 = arith.constant 15 : i32
        %rev3A_125 = vector.broadcast %rev3A_124 : i32 to vector<16xi32>
        %rev3A_126 = tpu.iota {dimensions = array<i32: 0>} : vector<16xi32>
        %rev3A_127 = arith.subi %rev3A_125, %rev3A_126 : vector<16xi32>
        %rev3A_128 = tpu.dynamic_gather %masked_sort3A_119[%rev3A_127] in [0] : vector<16xi32>, vector<16xi32> -> vector<16xi32>
        %ge3A = arith.cmpf oge, %masked_sort3A_110, %rev3A_123 : vector<16xf32>
        %select_n3A_129 = arith.select %ge3A, %masked_sort3A_110, %rev3A_123 : vector<16xi1>, vector<16xf32>
        %select_n3A_130 = arith.select %ge3A, %masked_sort3A_111, %rev3A_128 : vector<16xi1>, vector<16xi32>
        %select_n3A_131 = arith.select %ge3A, %rev3A_123, %masked_sort3A_110 : vector<16xi1>, vector<16xf32>
        %select_n3A_132 = arith.select %ge3A, %rev3A_128, %masked_sort3A_111 : vector<16xi1>, vector<16xi32>
        %masked_sort3A_133 = arith.constant dense<true> : vector<16xi1>
        %masked_sort3A_134, %masked_sort3A_135, %masked_sort3A_136 = tpu.sort %select_n3A_129, %select_n3A_130 masked %masked_sort3A_133 {descending = true} : (vector<16xf32>, vector<16xi32>, vector<16xi1>) -> (vector<16xi1>, vector<16xf32>, vector<16xi32>)
        %masked_sort3A_137 = arith.constant dense<true> : vector<16xi1>
        %masked_sort3A_138, %masked_sort3A_139, %masked_sort3A_140 = tpu.sort %select_n3A_131, %select_n3A_132 masked %masked_sort3A_137 {descending = true} : (vector<16xf32>, vector<16xi32>, vector<16xi1>) -> (vector<16xi1>, vector<16xf32>, vector<16xi32>)
        %add3A_141 = arith.constant 15 : i32
        %add3A_142 = arith.addi %select_n3A, %add3A_141 : i32
        %jit3A_143 = arith.constant 16 : i32
        %div3A_144 = arith.divsi %add3A_142, %jit3A_143 : i32
        %sign3A_145 = arith.constant 0 : i32
        %sign3A_146 = arith.cmpi sgt, %add3A_142, %sign3A_145 : i32
        %sign3A_147 = arith.extui %sign3A_146 : i1 to i32
        %sign3A_148 = arith.constant 0 : i32
        %sign3A_149 = arith.cmpi slt, %add3A_142, %sign3A_148 : i32
        %sign3A_150 = arith.extui %sign3A_149 : i1 to i32
        %sign3A_151 = arith.subi %sign3A_147, %sign3A_150 : i32
        %sign3A_152 = arith.constant 0 : i32
        %sign3A_153 = arith.cmpi sgt, %jit3A_143, %sign3A_152 : i32
        %sign3A_154 = arith.extui %sign3A_153 : i1 to i32
        %sign3A_155 = arith.constant 0 : i32
        %sign3A_156 = arith.cmpi slt, %jit3A_143, %sign3A_155 : i32
        %sign3A_157 = arith.extui %sign3A_156 : i1 to i32
        %sign3A_158 = arith.subi %sign3A_154, %sign3A_157 : i32
        %ne3A_159 = arith.cmpi ne, %sign3A_151, %sign3A_158 : i32
        %rem3A_160 = arith.remsi %add3A_142, %jit3A_143 : i32
        %ne3A_161 = arith.constant 0 : i32
        %ne3A_162 = arith.cmpi ne, %rem3A_160, %ne3A_161 : i32
        %and3A_163 = arith.andi %ne3A_159, %ne3A_162 : i1
        %sub3A_164 = arith.constant 1 : i32
        %sub3A_165 = arith.subi %div3A_144, %sub3A_164 : i32
        %select_n3A_166 = arith.select %and3A_163, %sub3A_165, %div3A_144 : i32
        %while3A = arith.constant 2 : i32
        %while3A_167:5 = scf.while (%while3A_346 = %while3A, %while3A_347 = %masked_sort3A_135, %while3A_348 = %masked_sort3A_136, %while3A_349 = %masked_sort3A_139, %while3A_350 = %masked_sort3A_140) : (i32, vector<16xf32>, vector<16xi32>, vector<16xf32>, vector<16xi32>) -> (i32, vector<16xf32>, vector<16xi32>, vector<16xf32>, vector<16xi32>) {
          %lt3A_351 = arith.cmpi slt, %while3A_346, %select_n3A_166 : i32
          scf.condition(%lt3A_351) %while3A_346, %while3A_347, %while3A_348, %while3A_349, %while3A_350 : i32, vector<16xf32>, vector<16xi32>, vector<16xf32>, vector<16xi32>
        } do {
        ^bb0(%while3A_346: i32, %while3A_347: vector<16xf32>, %while3A_348: vector<16xi32>, %while3A_349: vector<16xf32>, %while3A_350: vector<16xi32>):
          %mul3A_351 = arith.constant 16 : i32
          %mul3A_352 = arith.muli %while3A_346, %mul3A_351 : i32
          %get3A_353 = arith.index_cast %mul3A_352 : i32 to index
          %get3A_354 = tpu.vector_load %arg7[%get3A_353] {strides = array<i32>} : memref<1040xf32, #tpu.memory_space<vmem>>, vector<16xf32>,
          %mul3A_355 = arith.constant 16 : i32
          %mul3A_356 = arith.muli %while3A_346, %mul3A_355 : i32
          %get3A_357 = arith.index_cast %mul3A_356 : i32 to index
          %get3A_358 = tpu.vector_load %arg8[%get3A_357] {strides = array<i32>} : memref<1040xi32, #tpu.memory_space<vmem>>, vector<16xi32>,
          %masked_sort3A_359 = arith.constant dense<true> : vector<16xi1>
          %masked_sort3A_360, %masked_sort3A_361, %masked_sort3A_362 = tpu.sort %get3A_354, %get3A_358 masked %masked_sort3A_359 {descending = true} : (vector<16xf32>, vector<16xi32>, vector<16xi1>) -> (vector<16xi1>, vector<16xf32>, vector<16xi32>)
          %rev3A_363 = arith.constant 15 : i32
          %rev3A_364 = vector.broadcast %rev3A_363 : i32 to vector<16xi32>
          %rev3A_365 = tpu.iota {dimensions = array<i32: 0>} : vector<16xi32>
          %rev3A_366 = arith.subi %rev3A_364, %rev3A_365 : vector<16xi32>
          %rev3A_367 = tpu.dynamic_gather %masked_sort3A_361[%rev3A_366] in [0] : vector<16xf32>, vector<16xi32> -> vector<16xf32>
          %rev3A_368 = arith.constant 15 : i32
          %rev3A_369 = vector.broadcast %rev3A_368 : i32 to vector<16xi32>
          %rev3A_370 = tpu.iota {dimensions = array<i32: 0>} : vector<16xi32>
          %rev3A_371 = arith.subi %rev3A_369, %rev3A_370 : vector<16xi32>
          %rev3A_372 = tpu.dynamic_gather %masked_sort3A_362[%rev3A_371] in [0] : vector<16xi32>, vector<16xi32> -> vector<16xi32>
          %ge3A_373 = arith.cmpf oge, %while3A_349, %rev3A_367 : vector<16xf32>
          %select_n3A_374 = arith.select %ge3A_373, %while3A_349, %rev3A_367 : vector<16xi1>, vector<16xf32>
          %select_n3A_375 = arith.select %ge3A_373, %while3A_350, %rev3A_372 : vector<16xi1>, vector<16xi32>
          %select_n3A_376 = arith.select %ge3A_373, %rev3A_367, %while3A_349 : vector<16xi1>, vector<16xf32>
          %select_n3A_377 = arith.select %ge3A_373, %rev3A_372, %while3A_350 : vector<16xi1>, vector<16xi32>
          %masked_sort3A_378 = arith.constant dense<true> : vector<16xi1>
          %masked_sort3A_379, %masked_sort3A_380, %masked_sort3A_381 = tpu.sort %select_n3A_374, %select_n3A_375 masked %masked_sort3A_378 {descending = true} : (vector<16xf32>, vector<16xi32>, vector<16xi1>) -> (vector<16xi1>, vector<16xf32>, vector<16xi32>)
          %masked_sort3A_382 = arith.constant dense<true> : vector<16xi1>
          %masked_sort3A_383, %masked_sort3A_384, %masked_sort3A_385 = tpu.sort %select_n3A_376, %select_n3A_377 masked %masked_sort3A_382 {descending = true} : (vector<16xf32>, vector<16xi32>, vector<16xi1>) -> (vector<16xi1>, vector<16xf32>, vector<16xi32>)
          %rev3A_386 = arith.constant 15 : i32
          %rev3A_387 = vector.broadcast %rev3A_386 : i32 to vector<16xi32>
          %rev3A_388 = tpu.iota {dimensions = array<i32: 0>} : vector<16xi32>
          %rev3A_389 = arith.subi %rev3A_387, %rev3A_388 : vector<16xi32>
          %rev3A_390 = tpu.dynamic_gather %masked_sort3A_380[%rev3A_389] in [0] : vector<16xf32>, vector<16xi32> -> vector<16xf32>
          %rev3A_391 = arith.constant 15 : i32
          %rev3A_392 = vector.broadcast %rev3A_391 : i32 to vector<16xi32>
          %rev3A_393 = tpu.iota {dimensions = array<i32: 0>} : vector<16xi32>
          %rev3A_394 = arith.subi %rev3A_392, %rev3A_393 : vector<16xi32>
          %rev3A_395 = tpu.dynamic_gather %masked_sort3A_381[%rev3A_394] in [0] : vector<16xi32>, vector<16xi32> -> vector<16xi32>
          %ge3A_396 = arith.cmpf oge, %while3A_347, %rev3A_390 : vector<16xf32>
          %select_n3A_397 = arith.select %ge3A_396, %while3A_347, %rev3A_390 : vector<16xi1>, vector<16xf32>
          %select_n3A_398 = arith.select %ge3A_396, %while3A_348, %rev3A_395 : vector<16xi1>, vector<16xi32>
          %select_n3A_399 = arith.select %ge3A_396, %rev3A_390, %while3A_347 : vector<16xi1>, vector<16xf32>
          %select_n3A_400 = arith.select %ge3A_396, %rev3A_395, %while3A_348 : vector<16xi1>, vector<16xi32>
          %masked_sort3A_401 = arith.constant dense<true> : vector<16xi1>
          %masked_sort3A_402, %masked_sort3A_403, %masked_sort3A_404 = tpu.sort %select_n3A_397, %select_n3A_398 masked %masked_sort3A_401 {descending = true} : (vector<16xf32>, vector<16xi32>, vector<16xi1>) -> (vector<16xi1>, vector<16xf32>, vector<16xi32>)
          %masked_sort3A_405 = arith.constant dense<true> : vector<16xi1>
          %masked_sort3A_406, %masked_sort3A_407, %masked_sort3A_408 = tpu.sort %select_n3A_399, %select_n3A_400 masked %masked_sort3A_405 {descending = true} : (vector<16xf32>, vector<16xi32>, vector<16xi1>) -> (vector<16xi1>, vector<16xf32>, vector<16xi32>)
          %add3A_409 = arith.constant 1 : i32
          %add3A_410 = arith.addi %while3A_346, %add3A_409 : i32
          scf.yield %add3A_410, %masked_sort3A_403, %masked_sort3A_404, %masked_sort3A_407, %masked_sort3A_408 : i32, vector<16xf32>, vector<16xi32>, vector<16xf32>, vector<16xi32>
        }
        %broadcast_in_dim3A_168 = arith.constant 0x7F800000 : f32
        %broadcast_in_dim3A_169 = vector.broadcast %broadcast_in_dim3A_168 : f32 to vector<16xf32>
        %swap3A_170 = arith.constant 0 : index
        %swap3A_171 = tpu.vector_load %arg11[%swap3A_170] {strides = array<i32>} : memref<64xf32, #tpu.memory_space<vmem>>, vector<16xf32>,
        tpu.vector_store %arg11[%swap3A_170], %broadcast_in_dim3A_169 {strides = array<i32>} : memref<64xf32, #tpu.memory_space<vmem>>, vector<16xf32>,
        %swap3A_172 = arith.constant 16 : index
        %swap3A_173 = tpu.vector_load %arg11[%swap3A_172] {strides = array<i32>} : memref<64xf32, #tpu.memory_space<vmem>>, vector<16xf32>,
        tpu.vector_store %arg11[%swap3A_172], %while3A_167#1 {strides = array<i32>} : memref<64xf32, #tpu.memory_space<vmem>>, vector<16xf32>,
        %swap3A_174 = arith.constant 32 : index
        %swap3A_175 = tpu.vector_load %arg11[%swap3A_174] {strides = array<i32>} : memref<64xf32, #tpu.memory_space<vmem>>, vector<16xf32>,
        tpu.vector_store %arg11[%swap3A_174], %while3A_167#3 {strides = array<i32>} : memref<64xf32, #tpu.memory_space<vmem>>, vector<16xf32>,
        %broadcast_in_dim3A_176 = arith.constant 0xFF800000 : f32
        %broadcast_in_dim3A_177 = vector.broadcast %broadcast_in_dim3A_176 : f32 to vector<16xf32>
        %swap3A_178 = arith.constant 48 : index
        %swap3A_179 = tpu.vector_load %arg11[%swap3A_178] {strides = array<i32>} : memref<64xf32, #tpu.memory_space<vmem>>, vector<16xf32>,
        tpu.vector_store %arg11[%swap3A_178], %broadcast_in_dim3A_177 {strides = array<i32>} : memref<64xf32, #tpu.memory_space<vmem>>, vector<16xf32>,
        %get3A_180 = arith.constant 15 : index
        %get3A_181 = tpu.vector_load %arg11[%get3A_180] {strides = array<i32>} : memref<64xf32, #tpu.memory_space<vmem>>, vector<16xf32>,
        %get3A_182 = arith.constant 17 : index
        %get3A_183 = tpu.vector_load %arg11[%get3A_182] {strides = array<i32>} : memref<64xf32, #tpu.memory_space<vmem>>, vector<16xf32>,
        %get3A_184 = arith.constant 31 : index
        %get3A_185 = tpu.vector_load %arg11[%get3A_184] {strides = array<i32>} : memref<64xf32, #tpu.memory_space<vmem>>, vector<16xf32>,
        %get3A_186 = arith.constant 33 : index
        %get3A_187 = tpu.vector_load %arg11[%get3A_186] {strides = array<i32>} : memref<64xf32, #tpu.memory_space<vmem>>, vector<16xf32>,
        %eq3A = arith.cmpf oeq, %while3A_167#1, %get3A_181 : vector<16xf32>
        %eq3A_188 = arith.cmpf oeq, %while3A_167#1, %get3A_183 : vector<16xf32>
        %eq3A_189 = arith.cmpf oeq, %while3A_167#3, %get3A_185 : vector<16xf32>
        %eq3A_190 = arith.cmpf oeq, %while3A_167#3, %get3A_187 : vector<16xf32>
        %iota3A_191 = tpu.iota {dimensions = array<i32: 0>} : vector<16xi32>
        %jit3A_192 = arith.constant 2 : i32
        %eq3A_193 = arith.constant 0 : i32
        %eq3A_194 = arith.cmpi eq, %jit3A_192, %eq3A_193 : i32
        %jit3A_195 = arith.constant 1 : i32
        %select_n3A_196 = arith.select %eq3A_194, %jit3A_195, %jit3A_192 : i32
        %rem3A_197 = vector.broadcast %select_n3A_196 : i32 to vector<16xi32>
        %rem3A_198 = arith.remsi %iota3A_191, %rem3A_197 : vector<16xi32>
        %ne3A_199 = arith.constant 0 : i32
        %ne3A_200 = vector.broadcast %ne3A_199 : i32 to vector<16xi32>
        %ne3A_201 = arith.cmpi ne, %rem3A_198, %ne3A_200 : vector<16xi32>
        %lt3A_202 = arith.constant 0 : i32
        %lt3A_203 = vector.broadcast %lt3A_202 : i32 to vector<16xi32>
        %lt3A_204 = arith.cmpi slt, %rem3A_198, %lt3A_203 : vector<16xi32>
        %lt3A_205 = arith.constant 0 : i32
        %lt3A_206 = arith.cmpi slt, %select_n3A_196, %lt3A_205 : i32
        %ne3A_207 = vector.broadcast %lt3A_206 : i1 to vector<16xi1>
        %ne3A_208 = vector.broadcast %ne3A_207 : vector<16xi1> to vector<16xi1>
        %ne3A_209 = arith.xori %lt3A_204, %ne3A_208 : vector<16xi1>
        %and3A_210 = arith.andi %ne3A_209, %ne3A_201 : vector<16xi1>
        %add3A_211 = vector.broadcast %select_n3A_196 : i32 to vector<16xi32>
        %add3A_212 = arith.addi %rem3A_198, %add3A_211 : vector<16xi32>
        %select_n3A_213 = arith.select %and3A_210, %add3A_212, %rem3A_198 : vector<16xi1>, vector<16xi32>
        %eq3A_214 = arith.constant 0 : i32
        %eq3A_215 = vector.broadcast %eq3A_214 : i32 to vector<16xi32>
        %eq3A_216 = arith.cmpi eq, %select_n3A_213, %eq3A_215 : vector<16xi32>
        %not3A = arith.constant dense<true> : vector<16xi1>
        %not3A_217 = arith.xori %eq3A_216, %not3A : vector<16xi1>
        %iota3A_218 = tpu.iota {dimensions = array<i32: 0>} : vector<16xi32>
        %swap3A_219 = arith.constant 0 : index
        %swap3A_220 = tpu.vector_load %arg12[%swap3A_219] {strides = array<i32>} : memref<64xi32, #tpu.memory_space<vmem>>, vector<16xi32>,
        tpu.vector_store %arg12[%swap3A_219], %iota3A_218 {strides = array<i32>} : memref<64xi32, #tpu.memory_space<vmem>>, vector<16xi32>,
        %iota3A_221 = tpu.iota {dimensions = array<i32: 0>} : vector<16xi32>
        %swap3A_222 = arith.constant 48 : index
        %swap3A_223 = tpu.vector_load %arg12[%swap3A_222] {strides = array<i32>} : memref<64xi32, #tpu.memory_space<vmem>>, vector<16xi32>,
        tpu.vector_store %arg12[%swap3A_222], %iota3A_221 {strides = array<i32>} : memref<64xi32, #tpu.memory_space<vmem>>, vector<16xi32>,
        %not3A_224 = arith.constant dense<true> : vector<16xi1>
        %not3A_225 = arith.xori %eq3A_216, %not3A_224 : vector<16xi1>
        %swap3A_226 = arith.constant 16 : index
        %swap3A_227 = tpu.vector_load %arg12[%swap3A_226] {strides = array<i32>} : memref<64xi32, #tpu.memory_space<vmem>>, vector<16xi32>,
        tpu.vector_store %arg12[%swap3A_226], %while3A_167#2 {strides = array<i32>} : memref<64xi32, #tpu.memory_space<vmem>>, vector<16xi32>,
        %swap3A_228 = arith.constant 32 : index
        %swap3A_229 = tpu.vector_load %arg12[%swap3A_228] {strides = array<i32>} : memref<64xi32, #tpu.memory_space<vmem>>, vector<16xi32>,
        tpu.vector_store %arg12[%swap3A_228], %while3A_167#4 {strides = array<i32>} : memref<64xi32, #tpu.memory_space<vmem>>, vector<16xi32>,
        %get3A_230 = arith.constant 15 : index
        %get3A_231 = tpu.vector_load %arg12[%get3A_230] {strides = array<i32>} : memref<64xi32, #tpu.memory_space<vmem>>, vector<16xi32>,
        %get3A_232 = arith.constant 17 : index
        %get3A_233 = tpu.vector_load %arg12[%get3A_232] {strides = array<i32>} : memref<64xi32, #tpu.memory_space<vmem>>, vector<16xi32>,
        %get3A_234 = arith.constant 31 : index
        %get3A_235 = tpu.vector_load %arg12[%get3A_234] {strides = array<i32>} : memref<64xi32, #tpu.memory_space<vmem>>, vector<16xi32>,
        %get3A_236 = arith.constant 33 : index
        %get3A_237 = tpu.vector_load %arg12[%get3A_236] {strides = array<i32>} : memref<64xi32, #tpu.memory_space<vmem>>, vector<16xi32>,
        %and3A_238 = arith.andi %eq3A_216, %eq3A_188 : vector<16xi1>
        %gt3A = arith.cmpi sgt, %while3A_167#2, %get3A_233 : vector<16xi32>
        %and3A_239 = arith.andi %and3A_238, %gt3A : vector<16xi1>
        %and3A_240 = arith.andi %not3A_225, %eq3A : vector<16xi1>
        %gt3A_241 = arith.cmpi sgt, %get3A_231, %while3A_167#2 : vector<16xi32>
        %and3A_242 = arith.andi %and3A_240, %gt3A_241 : vector<16xi1>
        %select_n3A_243 = arith.select %and3A_242, %get3A_231, %while3A_167#2 : vector<16xi1>, vector<16xi32>
        %select_n3A_244 = arith.select %and3A_239, %get3A_233, %select_n3A_243 : vector<16xi1>, vector<16xi32>
        %and3A_245 = arith.andi %eq3A_216, %eq3A_190 : vector<16xi1>
        %gt3A_246 = arith.cmpi sgt, %while3A_167#4, %get3A_237 : vector<16xi32>
        %and3A_247 = arith.andi %and3A_245, %gt3A_246 : vector<16xi1>
        %and3A_248 = arith.andi %not3A_225, %eq3A_189 : vector<16xi1>
        %gt3A_249 = arith.cmpi sgt, %get3A_235, %while3A_167#4 : vector<16xi32>
        %and3A_250 = arith.andi %and3A_248, %gt3A_249 : vector<16xi1>
        %select_n3A_251 = arith.select %and3A_250, %get3A_235, %while3A_167#4 : vector<16xi1>, vector<16xi32>
        %select_n3A_252 = arith.select %and3A_247, %get3A_237, %select_n3A_251 : vector<16xi1>, vector<16xi32>
        %not3A_253 = arith.constant dense<true> : vector<16xi1>
        %not3A_254 = arith.xori %not3A_217, %not3A_253 : vector<16xi1>
        %swap3A_255 = arith.constant 16 : index
        %swap3A_256 = tpu.vector_load %arg12[%swap3A_255] {strides = array<i32>} : memref<64xi32, #tpu.memory_space<vmem>>, vector<16xi32>,
        tpu.vector_store %arg12[%swap3A_255], %select_n3A_244 {strides = array<i32>} : memref<64xi32, #tpu.memory_space<vmem>>, vector<16xi32>,
        %swap3A_257 = arith.constant 32 : index
        %swap3A_258 = tpu.vector_load %arg12[%swap3A_257] {strides = array<i32>} : memref<64xi32, #tpu.memory_space<vmem>>, vector<16xi32>,
        tpu.vector_store %arg12[%swap3A_257], %select_n3A_252 {strides = array<i32>} : memref<64xi32, #tpu.memory_space<vmem>>, vector<16xi32>,
        %get3A_259 = arith.constant 15 : index
        %get3A_260 = tpu.vector_load %arg12[%get3A_259] {strides = array<i32>} : memref<64xi32, #tpu.memory_space<vmem>>, vector<16xi32>,
        %get3A_261 = arith.constant 17 : index
        %get3A_262 = tpu.vector_load %arg12[%get3A_261] {strides = array<i32>} : memref<64xi32, #tpu.memory_space<vmem>>, vector<16xi32>,
        %get3A_263 = arith.constant 31 : index
        %get3A_264 = tpu.vector_load %arg12[%get3A_263] {strides = array<i32>} : memref<64xi32, #tpu.memory_space<vmem>>, vector<16xi32>,
        %get3A_265 = arith.constant 33 : index
        %get3A_266 = tpu.vector_load %arg12[%get3A_265] {strides = array<i32>} : memref<64xi32, #tpu.memory_space<vmem>>, vector<16xi32>,
        %and3A_267 = arith.andi %not3A_217, %eq3A_188 : vector<16xi1>
        %gt3A_268 = arith.cmpi sgt, %select_n3A_244, %get3A_262 : vector<16xi32>
        %and3A_269 = arith.andi %and3A_267, %gt3A_268 : vector<16xi1>
        %and3A_270 = arith.andi %not3A_254, %eq3A : vector<16xi1>
        %gt3A_271 = arith.cmpi sgt, %get3A_260, %select_n3A_244 : vector<16xi32>
        %and3A_272 = arith.andi %and3A_270, %gt3A_271 : vector<16xi1>
        %select_n3A_273 = arith.select %and3A_272, %get3A_260, %select_n3A_244 : vector<16xi1>, vector<16xi32>
        %select_n3A_274 = arith.select %and3A_269, %get3A_262, %select_n3A_273 : vector<16xi1>, vector<16xi32>
        %and3A_275 = arith.andi %not3A_217, %eq3A_190 : vector<16xi1>
        %gt3A_276 = arith.cmpi sgt, %select_n3A_252, %get3A_266 : vector<16xi32>
        %and3A_277 = arith.andi %and3A_275, %gt3A_276 : vector<16xi1>
        %and3A_278 = arith.andi %not3A_254, %eq3A_189 : vector<16xi1>
        %gt3A_279 = arith.cmpi sgt, %get3A_264, %select_n3A_252 : vector<16xi32>
        %and3A_280 = arith.andi %and3A_278, %gt3A_279 : vector<16xi1>
        %select_n3A_281 = arith.select %and3A_280, %get3A_264, %select_n3A_252 : vector<16xi1>, vector<16xi32>
        %select_n3A_282 = arith.select %and3A_277, %get3A_266, %select_n3A_281 : vector<16xi1>, vector<16xi32>
        %not3A_283 = arith.constant dense<true> : vector<16xi1>
        %not3A_284 = arith.xori %eq3A_216, %not3A_283 : vector<16xi1>
        %swap3A_285 = arith.constant 16 : index
        %swap3A_286 = tpu.vector_load %arg12[%swap3A_285] {strides = array<i32>} : memref<64xi32, #tpu.memory_space<vmem>>, vector<16xi32>,
        tpu.vector_store %arg12[%swap3A_285], %select_n3A_274 {strides = array<i32>} : memref<64xi32, #tpu.memory_space<vmem>>, vector<16xi32>,
        %swap3A_287 = arith.constant 32 : index
        %swap3A_288 = tpu.vector_load %arg12[%swap3A_287] {strides = array<i32>} : memref<64xi32, #tpu.memory_space<vmem>>, vector<16xi32>,
        tpu.vector_store %arg12[%swap3A_287], %select_n3A_282 {strides = array<i32>} : memref<64xi32, #tpu.memory_space<vmem>>, vector<16xi32>,
        %get3A_289 = arith.constant 15 : index
        %get3A_290 = tpu.vector_load %arg12[%get3A_289] {strides = array<i32>} : memref<64xi32, #tpu.memory_space<vmem>>, vector<16xi32>,
        %get3A_291 = arith.constant 17 : index
        %get3A_292 = tpu.vector_load %arg12[%get3A_291] {strides = array<i32>} : memref<64xi32, #tpu.memory_space<vmem>>, vector<16xi32>,
        %get3A_293 = arith.constant 31 : index
        %get3A_294 = tpu.vector_load %arg12[%get3A_293] {strides = array<i32>} : memref<64xi32, #tpu.memory_space<vmem>>, vector<16xi32>,
        %get3A_295 = arith.constant 33 : index
        %get3A_296 = tpu.vector_load %arg12[%get3A_295] {strides = array<i32>} : memref<64xi32, #tpu.memory_space<vmem>>, vector<16xi32>,
        %and3A_297 = arith.andi %eq3A_216, %eq3A_188 : vector<16xi1>
        %gt3A_298 = arith.cmpi sgt, %select_n3A_274, %get3A_292 : vector<16xi32>
        %and3A_299 = arith.andi %and3A_297, %gt3A_298 : vector<16xi1>
        %and3A_300 = arith.andi %not3A_284, %eq3A : vector<16xi1>
        %gt3A_301 = arith.cmpi sgt, %get3A_290, %select_n3A_274 : vector<16xi32>
        %and3A_302 = arith.andi %and3A_300, %gt3A_301 : vector<16xi1>
        %select_n3A_303 = arith.select %and3A_302, %get3A_290, %select_n3A_274 : vector<16xi1>, vector<16xi32>
        %select_n3A_304 = arith.select %and3A_299, %get3A_292, %select_n3A_303 : vector<16xi1>, vector<16xi32>
        %and3A_305 = arith.andi %eq3A_216, %eq3A_190 : vector<16xi1>
        %gt3A_306 = arith.cmpi sgt, %select_n3A_282, %get3A_296 : vector<16xi32>
        %and3A_307 = arith.andi %and3A_305, %gt3A_306 : vector<16xi1>
        %and3A_308 = arith.andi %not3A_284, %eq3A_189 : vector<16xi1>
        %gt3A_309 = arith.cmpi sgt, %get3A_294, %select_n3A_282 : vector<16xi32>
        %and3A_310 = arith.andi %and3A_308, %gt3A_309 : vector<16xi1>
        %select_n3A_311 = arith.select %and3A_310, %get3A_294, %select_n3A_282 : vector<16xi1>, vector<16xi32>
        %select_n3A_312 = arith.select %and3A_307, %get3A_296, %select_n3A_311 : vector<16xi1>, vector<16xi32>
        %reduce_max3A = arith.constant true
        %reduce_max3A_313 = vector.broadcast %reduce_max3A : i1 to vector<16xi1>
        %reduce_max3A_314 = tpu.scan <max>, %while3A_167#1 masked %reduce_max3A_313 : vector<16xf32>, vector<16xi1> -> vector<16xf32>
        %reduce_max3A_315 = vector.extract %reduce_max3A_314[15] : f32 from vector<16xf32>
        %sub3A_316 = vector.broadcast %reduce_max3A_315 : f32 to vector<16xf32>
        %sub3A_317 = arith.subf %while3A_167#1, %sub3A_316 : vector<16xf32>
        %exp3A = math.exp %sub3A_317 : vector<16xf32>
        %sub3A_318 = vector.broadcast %reduce_max3A_315 : f32 to vector<16xf32>
        %sub3A_319 = arith.subf %while3A_167#3, %sub3A_318 : vector<16xf32>
        %exp3A_320 = math.exp %sub3A_319 : vector<16xf32>
        %reduce_sum3A_321 = arith.constant true
        %reduce_sum3A_322 = vector.broadcast %reduce_sum3A_321 : i1 to vector<16xi1>
        %reduce_sum3A_323 = tpu.scan <sum>, %exp3A masked %reduce_sum3A_322 : vector<16xf32>, vector<16xi1> -> vector<16xf32>
        %reduce_sum3A_324 = vector.extract %reduce_sum3A_323[15] : f32 from vector<16xf32>
        %reduce_sum3A_325 = arith.constant true
        %reduce_sum3A_326 = vector.broadcast %reduce_sum3A_325 : i1 to vector<16xi1>
        %reduce_sum3A_327 = tpu.scan <sum>, %exp3A_320 masked %reduce_sum3A_326 : vector<16xf32>, vector<16xi1> -> vector<16xf32>
        %reduce_sum3A_328 = vector.extract %reduce_sum3A_327[15] : f32 from vector<16xf32>
        %add3A_329 = arith.addf %reduce_sum3A_324, %reduce_sum3A_328 : f32
        %div3A_330 = vector.broadcast %add3A_329 : f32 to vector<16xf32>
        %div3A_331 = arith.divf %exp3A, %div3A_330 : vector<16xf32>
        %swap3A_332 = arith.index_cast %scan3A_55 : i32 to index
        %swap3A_333 = arith.constant 0 : index
        %swap3A_334 = tpu.vector_load %arg9[%swap3A_332, %swap3A_333] {strides = array<i32>} : memref<8x32xf32, #tpu.memory_space<vmem>>, vector<16xf32>,
        tpu.vector_store %arg9[%swap3A_332, %swap3A_333], %div3A_331 {strides = array<i32>} : memref<8x32xf32, #tpu.memory_space<vmem>>, vector<16xf32>,
        %div3A_335 = vector.broadcast %add3A_329 : f32 to vector<16xf32>
        %div3A_336 = arith.divf %exp3A_320, %div3A_335 : vector<16xf32>
        %swap3A_337 = arith.index_cast %scan3A_55 : i32 to index
        %swap3A_338 = arith.constant 16 : index
        %swap3A_339 = tpu.vector_load %arg9[%swap3A_337, %swap3A_338] {strides = array<i32>} : memref<8x32xf32, #tpu.memory_space<vmem>>, vector<16xf32>,
        tpu.vector_store %arg9[%swap3A_337, %swap3A_338], %div3A_336 {strides = array<i32>} : memref<8x32xf32, #tpu.memory_space<vmem>>, vector<16xf32>,
        %swap3A_340 = arith.index_cast %scan3A_55 : i32 to index
        %swap3A_341 = arith.constant 0 : index
        %swap3A_342 = tpu.vector_load %arg10[%swap3A_340, %swap3A_341] {strides = array<i32>} : memref<8x32xi32, #tpu.memory_space<vmem>>, vector<16xi32>,
        tpu.vector_store %arg10[%swap3A_340, %swap3A_341], %select_n3A_304 {strides = array<i32>} : memref<8x32xi32, #tpu.memory_space<vmem>>, vector<16xi32>,
        %swap3A_343 = arith.index_cast %scan3A_55 : i32 to index
        %swap3A_344 = arith.constant 16 : index
        %swap3A_345 = tpu.vector_load %arg10[%swap3A_343, %swap3A_344] {strides = array<i32>} : memref<8x32xi32, #tpu.memory_space<vmem>>, vector<16xi32>,
        tpu.vector_store %arg10[%swap3A_343, %swap3A_344], %select_n3A_312 {strides = array<i32>} : memref<8x32xi32, #tpu.memory_space<vmem>>, vector<16xi32>,
      }
      %scan3A_54 = arith.constant 8 : i32
      "tpu.region"() ({
        %run_scoped3A = tpu.sem_alloc : memref<!tpu.dma_semaphore, #tpu.memory_space<semaphore_mem>>
        %dma_start3A_55 = arith.constant 0 : i32
        %dma_start3A_56 = tpu.memref_slice %arg3[%add3A_40, %dma_start3A_55] : memref<8192x32xf32, #tpu.memory_space<hbm>> -> memref<8x32xf32, #tpu.memory_space<hbm>>
        %dma_start3A_57 = arith.constant 0 : i32
        %dma_start3A_58 = tpu.memref_slice %arg3[%add3A_40, %dma_start3A_57] : memref<8192x32xf32, #tpu.memory_space<hbm>> -> memref<8x32xf32, #tpu.memory_space<hbm>>
        tpu.enqueue_dma source(%arg9 : memref<8x32xf32, #tpu.memory_space<vmem>>) target(%dma_start3A_58 : memref<8x32xf32, #tpu.memory_space<hbm>>) target_semaphore(%run_scoped3A : memref<!tpu.dma_semaphore, #tpu.memory_space<semaphore_mem>>)
        %dma_wait3A_59 = arith.constant 0 : i32
        %dma_wait3A_60 = tpu.memref_slice %arg3[%add3A_40, %dma_wait3A_59] : memref<8192x32xf32, #tpu.memory_space<hbm>> -> memref<8x32xf32, #tpu.memory_space<hbm>>
        %dma_wait3A_61 = arith.constant 0 : i32
        %dma_wait3A_62 = tpu.memref_slice %arg3[%add3A_40, %dma_wait3A_61] : memref<8192x32xf32, #tpu.memory_space<hbm>> -> memref<8x32xf32, #tpu.memory_space<hbm>>
        tpu.wait_dma2 semaphore(%run_scoped3A : memref<!tpu.dma_semaphore, #tpu.memory_space<semaphore_mem>>) src(%arg9 : memref<8x32xf32, #tpu.memory_space<vmem>>) dst(%dma_wait3A_62 : memref<8x32xf32, #tpu.memory_space<hbm>>)
        tpu.yield
      }) : () -> ()
      "tpu.region"() ({
        %run_scoped3A = tpu.sem_alloc : memref<!tpu.dma_semaphore, #tpu.memory_space<semaphore_mem>>
        %dma_start3A_55 = arith.constant 0 : i32
        %dma_start3A_56 = tpu.memref_slice %arg4[%add3A_40, %dma_start3A_55] : memref<8192x32xi32, #tpu.memory_space<hbm>> -> memref<8x32xi32, #tpu.memory_space<hbm>>
        %dma_start3A_57 = arith.constant 0 : i32
        %dma_start3A_58 = tpu.memref_slice %arg4[%add3A_40, %dma_start3A_57] : memref<8192x32xi32, #tpu.memory_space<hbm>> -> memref<8x32xi32, #tpu.memory_space<hbm>>
        tpu.enqueue_dma source(%arg10 : memref<8x32xi32, #tpu.memory_space<vmem>>) target(%dma_start3A_58 : memref<8x32xi32, #tpu.memory_space<hbm>>) target_semaphore(%run_scoped3A : memref<!tpu.dma_semaphore, #tpu.memory_space<semaphore_mem>>)
        %dma_wait3A_59 = arith.constant 0 : i32
        %dma_wait3A_60 = tpu.memref_slice %arg4[%add3A_40, %dma_wait3A_59] : memref<8192x32xi32, #tpu.memory_space<hbm>> -> memref<8x32xi32, #tpu.memory_space<hbm>>
        %dma_wait3A_61 = arith.constant 0 : i32
        %dma_wait3A_62 = tpu.memref_slice %arg4[%add3A_40, %dma_wait3A_61] : memref<8192x32xi32, #tpu.memory_space<hbm>> -> memref<8x32xi32, #tpu.memory_space<hbm>>
        tpu.wait_dma2 semaphore(%run_scoped3A : memref<!tpu.dma_semaphore, #tpu.memory_space<semaphore_mem>>) src(%arg10 : memref<8x32xi32, #tpu.memory_space<vmem>>) dst(%dma_wait3A_62 : memref<8x32xi32, #tpu.memory_space<hbm>>)
        tpu.yield
      }) : () -> ()
    }
    %scan3A_10 = arith.constant 16 : i32
    return
  }
}

module attributes {stable_mosaic.version = 14 : i64} {
  func.func @_fused_body(%arg0: i32, %arg1: memref<1x1024x256xf32, #tpu.memory_space<vmem>>, %arg2: memref<8x512xf32, #tpu.memory_space<vmem>>, %arg3: memref<512x768xf32, #tpu.memory_space<vmem>>, %arg4: memref<512xf32, #tpu.memory_space<vmem>>, %arg5: memref<512x512xf32, #tpu.memory_space<vmem>>, %arg6: memref<512xf32, #tpu.memory_space<vmem>>, %arg7: memref<1x1024x1024xf32, #tpu.memory_space<vmem>>) attributes {dimension_semantics = [#tpu.dimension_semantics<arbitrary>], iteration_bounds = array<i64: 8>, scalar_prefetch = 0 : i64, scratch_operands = 0 : i64, tpu.core_type = #tpu.core_type<tc>, window_params = [{transform_indices = @transform_0, window_bounds = array<i64: 1, 1024, 256>}, {pipeline_mode = #tpu.pipeline_mode<synchronous>, transform_indices = @transform_1, window_bounds = array<i64: 8, 512>}, {pipeline_mode = #tpu.pipeline_mode<synchronous>, transform_indices = @transform_2, window_bounds = array<i64: 512, 768>}, {pipeline_mode = #tpu.pipeline_mode<synchronous>, transform_indices = @transform_3, window_bounds = array<i64: 512>}, {pipeline_mode = #tpu.pipeline_mode<synchronous>, transform_indices = @transform_4, window_bounds = array<i64: 512, 512>}, {pipeline_mode = #tpu.pipeline_mode<synchronous>, transform_indices = @transform_5, window_bounds = array<i64: 512>}, {transform_indices = @transform_6, window_bounds = array<i64: 1, 1024, 1024>}]} {
    %get3A = arith.constant 0 : index
    %get3A_0 = arith.constant 0 : index
    %get3A_1 = arith.constant 0 : index
    %get3A_2 = vector.load %arg1[%get3A, %get3A_0, %get3A_1] : memref<1x1024x256xf32, #tpu.memory_space<vmem>>, vector<1x1024x256xf32>
    %get3A_3 = vector.shape_cast %get3A_2 : vector<1x1024x256xf32> to vector<1024x256xf32>
    %get3A_4 = arith.index_cast %arg0 : i32 to index
    %get3A_5 = arith.constant 0 : index
    %get3A_6 = vector.load %arg2[%get3A_4, %get3A_5] : memref<8x512xf32, #tpu.memory_space<vmem>>, vector<1x512xf32>
    %broadcast_in_dim3A = vector.shape_cast %get3A_6 : vector<1x512xf32> to vector<1x512xf32>
    %broadcast_in_dim3A_7 = vector.broadcast %broadcast_in_dim3A : vector<1x512xf32> to vector<1024x512xf32>
    %concatenate3A = tpu.concatenate %get3A_3, %broadcast_in_dim3A_7 in 1 : vector<1024x256xf32>, vector<1024x512xf32> -> vector<1024x768xf32>
    %get3A_8 = arith.constant 0 : index
    %get3A_9 = arith.constant 0 : index
    %get3A_10 = vector.load %arg3[%get3A_8, %get3A_9] : memref<512x768xf32, #tpu.memory_space<vmem>>, vector<512x768xf32>
    %dot_general3A = arith.constant dense<0.000000e+00> : vector<1024x512xf32>
    %dot_general3A_11 = tpu.matmul %concatenate3A, %get3A_10, %dot_general3A {dimension_numbers = #tpu.dot_dimension_numbers<[1], [1], [0], [0], [0, 0, 1, 0], [], []>, transpose_lhs_hint = false} : vector<1024x768xf32>, vector<512x768xf32>, vector<1024x512xf32> -> vector<1024x512xf32>
    %get3A_12 = arith.constant 0 : index
    %get3A_13 = vector.load %arg4[%get3A_12] : memref<512xf32, #tpu.memory_space<vmem>>, vector<512xf32>
    %broadcast_in_dim3A_14 = vector.shape_cast %get3A_13 : vector<512xf32> to vector<1x512xf32>
    %add3A = vector.broadcast %broadcast_in_dim3A_14 : vector<1x512xf32> to vector<1024x512xf32>
    %add3A_15 = arith.addf %dot_general3A_11, %add3A : vector<1024x512xf32>
    %max3A = arith.constant 0.000000e+00 : f32
    %max3A_16 = vector.broadcast %max3A : f32 to vector<1024x512xf32>
    %max3A_17 = arith.maximumf %add3A_15, %max3A_16 : vector<1024x512xf32>
    %get3A_18 = arith.constant 0 : index
    %get3A_19 = arith.constant 0 : index
    %get3A_20 = vector.load %arg5[%get3A_18, %get3A_19] : memref<512x512xf32, #tpu.memory_space<vmem>>, vector<512x512xf32>
    %dot_general3A_21 = arith.constant dense<0.000000e+00> : vector<1024x512xf32>
    %dot_general3A_22 = tpu.matmul %max3A_17, %get3A_20, %dot_general3A_21 {dimension_numbers = #tpu.dot_dimension_numbers<[1], [1], [0], [0], [0, 0, 1, 0], [], []>, transpose_lhs_hint = false} : vector<1024x512xf32>, vector<512x512xf32>, vector<1024x512xf32> -> vector<1024x512xf32>
    %get3A_23 = arith.constant 0 : index
    %get3A_24 = vector.load %arg6[%get3A_23] : memref<512xf32, #tpu.memory_space<vmem>>, vector<512xf32>
    %broadcast_in_dim3A_25 = vector.shape_cast %get3A_24 : vector<512xf32> to vector<1x512xf32>
    %add3A_26 = vector.broadcast %broadcast_in_dim3A_25 : vector<1x512xf32> to vector<1024x512xf32>
    %add3A_27 = arith.addf %dot_general3A_22, %add3A_26 : vector<1024x512xf32>
    %max3A_28 = arith.constant 0.000000e+00 : f32
    %max3A_29 = vector.broadcast %max3A_28 : f32 to vector<1024x512xf32>
    %max3A_30 = arith.maximumf %add3A_27, %max3A_29 : vector<1024x512xf32>
    %dot_general3A_31 = arith.constant dense<0.000000e+00> : vector<1024x1024xf32>
    %dot_general3A_32 = tpu.matmul %max3A_30, %max3A_30, %dot_general3A_31 {dimension_numbers = #tpu.dot_dimension_numbers<[1], [1], [0], [0], [0, 0, 1, 0], [], []>, transpose_lhs_hint = false} : vector<1024x512xf32>, vector<1024x512xf32>, vector<1024x1024xf32> -> vector<1024x1024xf32>
    %swap3A = arith.constant 0 : index
    %swap3A_33 = arith.constant 0 : index
    %swap3A_34 = arith.constant 0 : index
    %swap3A_35 = vector.load %arg7[%swap3A, %swap3A_33, %swap3A_34] : memref<1x1024x1024xf32, #tpu.memory_space<vmem>>, vector<1x1024x1024xf32>
    %swap3A_36 = vector.shape_cast %swap3A_35 : vector<1x1024x1024xf32> to vector<1024x1024xf32>
    %swap3A_37 = vector.shape_cast %dot_general3A_32 : vector<1024x1024xf32> to vector<1x1024x1024xf32>
    tpu.vector_store %arg7[%swap3A, %swap3A_33, %swap3A_34], %swap3A_37 {strides = array<i32>} : memref<1x1024x1024xf32, #tpu.memory_space<vmem>>, vector<1x1024x1024xf32>,
    return
  }
  func.func @transform_0(%arg0: i32) -> (i32, i32, i32) {
    %c0_i32 = arith.constant 0 : i32
    %c0_i32_0 = arith.constant 0 : i32
    %c0_i32_1 = arith.constant 0 : i32
    return %arg0, %c0_i32, %c0_i32_0 : i32, i32, i32
  }
  func.func @transform_1(%arg0: i32) -> (i32, i32) {
    %c0_i32 = arith.constant 0 : i32
    %c0_i32_0 = arith.constant 0 : i32
    %c0_i32_1 = arith.constant 0 : i32
    return %c0_i32, %c0_i32_0 : i32, i32
  }
  func.func @transform_2(%arg0: i32) -> (i32, i32) {
    %c0_i32 = arith.constant 0 : i32
    %c0_i32_0 = arith.constant 0 : i32
    %c0_i32_1 = arith.constant 0 : i32
    return %c0_i32, %c0_i32_0 : i32, i32
  }
  func.func @transform_3(%arg0: i32) -> i32 {
    %c0_i32 = arith.constant 0 : i32
    %c0_i32_0 = arith.constant 0 : i32
    return %c0_i32 : i32
  }
  func.func @transform_4(%arg0: i32) -> (i32, i32) {
    %c0_i32 = arith.constant 0 : i32
    %c0_i32_0 = arith.constant 0 : i32
    %c0_i32_1 = arith.constant 0 : i32
    return %c0_i32, %c0_i32_0 : i32, i32
  }
  func.func @transform_5(%arg0: i32) -> i32 {
    %c0_i32 = arith.constant 0 : i32
    %c0_i32_0 = arith.constant 0 : i32
    return %c0_i32 : i32
  }
  func.func @transform_6(%arg0: i32) -> (i32, i32, i32) {
    %c0_i32 = arith.constant 0 : i32
    %c0_i32_0 = arith.constant 0 : i32
    %c0_i32_1 = arith.constant 0 : i32
    return %arg0, %c0_i32, %c0_i32_0 : i32, i32, i32
  }
}

</mosaic_0001>

<sc_bundles>
// kernel: kernel.6.cloned.1.call-start
scs
__scs_entry_jumppad:
0x0: {  	(pc) =	sbr.rel $0x88, $3  }
0x1: {  	(tag) =	ssettag $0x0;
	lr =	simm.s32 $0x1  }
0x2: {  	[smem:$0x3F98] =	sst lr;
	_ =	strace $0xD0000000  }
0x3: {  	_ = 	snop  }
0x4: {  	_ = 	snop  }
0x5: {  	_ = 	snop  }
0x6: {  	_ = 	snop  }
0x7: {  	_ = 	snop  }
__scs_overlays_trampoline_lowered:
0x8: {  	[smem:$0x3FA7] =	sst s0  }
0x9: {  	[smem:$0x3FA8] =	sst s1  }
0xa: {  	[smem:$0x3FA9] =	sst s2  }
0xb: {  	[smem:$0x3FAA] =	sst s3  }
0xc: {  	[smem:$0x3FAB] =	sst s4  }
0xd: {  	[smem:$0x3FAC] =	sst s5  }
0xe: {  	[smem:$0x3FAD] =	sst s6  }
0xf: {  	[smem:$0x3FAE] =	sst s7  }
0x10: {  	[smem:$0x3FAF] =	sst s8  }
0x11: {  	[smem:$0x3FB0] =	sst s9;
	s0 =	simm.s32 @!p0 $0x0  }
0x12: {  	s1 =	sld [smem:$0x3F96];
	s0 =	simm.s32 @p0 $0x1  }
0x13: {  	[smem:$0x3FB1] =	sst s0;
	s0 =	simm.s32 @!p1 $0x0  }
0x14: {  	s2 =	sld [smem:$0x3F95];
	s0 =	simm.s32 @p1 $0x1  }
0x15: {  	[smem:$0x3FB2] =	sst s0;
	s0 =	simm.s32 @!p2 $0x0  }
0x16: {  	s3 =	sld [smem:$0x3FDB];
	s0 =	simm.s32 @p2 $0x1  }
0x17: {  	s4 =	simm.s32 $0x1BF5;
	[smem:$0x3FB4] =	sst s0  }
0x18: {  	s0 =	sld [smem:$0x3F97];
	_ =	swait.ge [sflag:s4], $0x0  }
0x19: {  	s7 =	sld [smem:$0x3F98]  }
0x1a: {  	s8 =	sadd.s32 $0xFFFFE003, lr  }
0x1b: {  	s9 =	sadd.s32 $0xFFFFFEF7, lr;
	s5 =	simm.s32 $0xFFFFFFFF;
	p2 =	slt.u32 s8, $0xFFFFF086  }
0x1c: {  	p1 =	slt.u32 s9, $0xF7A;
	s5 =	simm.s32 @!p2 $0x0  }
0x1d: {  	s5 =	simm.s32 @p1 $0x1;
	p0 =	seq.s32 s7, s2  }
0x1e: {  	s7 =	smul.u32 @!p0 $0xF7A, s2;
	p2 =	seq.s32 @!p0 s5, $0x0  }
0x1f: {  	s9 =	smul.u32 $0xF7A, s1;
	s8 =	simm.s32 @!p0 $0x1BF5;
	p2 =	por !p2, p0  }
0x20: {  	[sflag:s8] =	ssyncset.s32 @!p0 $0xFFFFF086;
	s6 =	sadd.s32 @!p0 s3, s7;
	s7 =	simm.s32 @!p0 $0x108  }
0x21: {  	s3 =	sadd.s32 s3, s9;
	s6 =	sadd.s32 @!p0 $0x88, s6;
	s7 =	simm.s32 @p2 $0x1082  }
0x22: {  	[simem:s7], [sflag:s8] =	dma.local @!p0 [hbm:s6], $0xF7A  }
0x23: {  	s9 =	sor.u32 $0xD0000000, s2;
	s6 =	simm.s32 $0x108;
	_ =	swait.ge @!p0 [sflag:s8], $0x0  }
0x24: {  	s3 =	sadd.s32 $0x88, s3;
	s6 =	simm.s32 @!p1 $0x1082;
	[sflag:s4] =	ssyncset.s32 $0xFFFFF086  }
0x25: {  	[simem:s6], [sflag:s4] =	dma.local [hbm:s3], $0xF7A  }
0x26: {  	[smem:$0x3F98] =	sst s1;
	(tag) =	ssettag s2;
	_ =	strace s9  }
0x27: {  	s1 =	sld [smem:$0x3FA8]  }
0x28: {  	s2 =	sld [smem:$0x3FA9]  }
0x29: {  	s4 =	sld [smem:$0x3FAB]  }
0x2a: {  	p0 =	seq.s32 s5, $0x0;
	s5 =	sld [smem:$0x3FAC]  }
0x2b: {  	s6 =	sld [smem:$0x3FAD]  }
0x2c: {  	s7 =	sld [smem:$0x3FAE]  }
0x2d: {  	s3 =	simm.s32 $0x108;
	s8 =	sld [smem:$0x3FAF]  }
0x2e: {  	s3 =	simm.s32 @!p0 $0x1082;
	s9 =	sld [smem:$0x3FB0]  }
0x2f: {  	lr =	sadd.s32 s0, s3;
	s0 =	sld [smem:$0x3FA7]  }
0x30: {  	s3 =	sld [smem:$0x3FAA]  }
0x31: {  	[smem:$0x3FB3] =	sst s10  }
0x32: {  	s10 =	sld [smem:$0x3FB1];
	_ =	sdelay $0x3  }
0x33: {  	p0 =	seq.s32 s10, $0x1;
	s10 =	sld [smem:$0x3FB3];
	_ =	sdelay $0x3  }
0x34: {  	[smem:$0x3FB3] =	sst s10  }
0x35: {  	s10 =	sld [smem:$0x3FB2];
	_ =	sdelay $0x3  }
0x36: {  	p1 =	seq.s32 s10, $0x1;
	s10 =	sld [smem:$0x3FB3];
	_ =	sdelay $0x3  }
0x37: {  	[smem:$0x3FB3] =	sst s10  }
0x38: {  	s10 =	sld [smem:$0x3FB4]  }
0x39: {  	_ = 	snop;
	(pc) =	sbr.ind lr, $3  }
0x3a: {  	_ = 	snop  }
0x3b: {  	_ = 	snop  }
0x3c: {  	p2 =	seq.s32 s10, $0x1;
	s10 =	sld [smem:$0x3FB3]  }
0x3d: {  	_ =	shalt  }
0x3e: {  	_ =	shalt  }
0x3f: {  	_ =	shalt  }
0x40: {  	_ =	shalt  }
0x41: {  	_ =	shalt  }
0x42: {  	_ =	shalt  }
0x43: {  	_ =	shalt  }
0x44: {  	_ =	shalt  }
0x45: {  	_ =	shalt  }
0x46: {  	_ =	shalt  }
0x47: {  	_ =	shalt  }
0x48: {  	_ =	shalt  }
0x49: {  	_ =	shalt  }
0x4a: {  	_ =	shalt  }
0x4b: {  	_ =	shalt  }
0x4c: {  	_ =	shalt  }
0x4d: {  	_ =	shalt  }
0x4e: {  	_ =	shalt  }
0x4f: {  	_ =	shalt  }
0x50: {  	_ =	shalt  }
0x51: {  	_ =	shalt  }
0x52: {  	_ =	shalt  }
0x53: {  	_ =	shalt  }
0x54: {  	_ =	shalt  }
0x55: {  	_ =	shalt  }
0x56: {  	_ =	shalt  }
0x57: {  	_ =	shalt  }
0x58: {  	_ =	shalt  }
0x59: {  	_ =	shalt  }
0x5a: {  	_ =	shalt  }
0x5b: {  	_ =	shalt  }
0x5c: {  	_ =	shalt  }
0x5d: {  	_ =	shalt  }
0x5e: {  	_ =	shalt  }
0x5f: {  	_ =	shalt  }
0x60: {  	_ =	shalt  }
0x61: {  	_ =	shalt  }
0x62: {  	_ =	shalt  }
0x63: {  	_ =	shalt  }
0x64: {  	_ =	shalt  }
0x65: {  	_ =	shalt  }
0x66: {  	_ =	shalt  }
0x67: {  	_ =	shalt  }
0x68: {  	_ =	shalt  }
0x69: {  	_ =	shalt  }
0x6a: {  	_ =	shalt  }
0x6b: {  	_ =	shalt  }
0x6c: {  	_ =	shalt  }
0x6d: {  	_ =	shalt  }
0x6e: {  	_ =	shalt  }
0x6f: {  	_ =	shalt  }
0x70: {  	_ =	shalt  }
0x71: {  	_ =	shalt  }
0x72: {  	_ =	shalt  }
0x73: {  	_ =	shalt  }
0x74: {  	_ =	shalt  }
0x75: {  	_ =	shalt  }
0x76: {  	_ =	shalt  }
0x77: {  	_ =	shalt  }
0x78: {  	_ =	shalt  }
0x79: {  	_ =	shalt  }
0x7a: {  	_ =	shalt  }
0x7b: {  	_ =	shalt  }
0x7c: {  	_ =	shalt  }
0x7d: {  	_ =	shalt  }
0x7e: {  	_ =	shalt  }
0x7f: {  	_ =	shalt  }
0x80: {  	_ =	shalt  }
0x81: {  	_ =	shalt  }
0x82: {  	_ =	shalt  }
0x83: {  	_ =	shalt  }
0x84: {  	_ =	shalt  }
0x85: {  	_ =	shalt  }
0x86: {  	_ =	shalt  }
0x87: {  	_ =	shalt  }
.Lfunc_end0:
.L_simem_size_0:
called_computation_lowered:
.L_overlay_start_0:
0x88: {  	s2 =	sld [smem:$0x3FD9]  }
0x89: {  	s3 =	sld [smem:$0x3FFE];
	_ =	sdelay $0x1  }
0x8a: {  	s1 =	srdreg.scid  }
0x8b: {  	s0 =	sand.u32 $0x1, s1  }
0x8c: {  	s16 =	sshll.u32 s0, $0xA;
	s2 =	sadd.s32 s3, s2  }
0x8d: {  	s2 =	sadd.s32 s2, s16  }
0x8e: {  	[smem:$0x3FBF] =	sst s2  }
0x8f: {  	_ = 	snop  }
0x90: {  	(tm) =	ssettm $0x1  }
0x91: {  	s17 =	sld [smem:$0x3FFB];
	_ =	sdelay $0x3  }
0x92: {  	_ =	strace s17  }
0x93: {  	s2 =	sld [smem:$0x3FFC];
	_ =	sdelay $0x3  }
0x94: {  	_ =	strace s2  }
0x95: {  	s2 =	sld [smem:$0x3FFD];
	_ =	sdelay $0x3  }
0x96: {  	_ =	strace s2  }
0x97: {  	_ =	strace $0x8FFFFFFF  }
0x98: {  	s18 =	sld [smem:$0x3FDB];
	_ =	sdelay $0x1  }
0x99: {  	s19 =	simm.s32 $_scs_section_size  }
0x9a: {  	s4 =	simm.s32 $_size__tile_overlayer_lowered;
	s5 =	simm.s32 $_tile_overlayer_lowered  }
0x9b: {  	s22 =	simm.s32 $0x1BFF;
	s21 =	sshll.u32 s5, $0x1;
	s2 =	sadd.s32 s19, s18  }
0x9c: {  	s6 =	simm.s32 $0x0;
	s20 =	sshll.u32 s4, $0x1;
	s4 =	sadd.s32 s21, s2  }
0x9d: {  	[timem:s6], [sflag:s22] =	dma.local [hbm:s4], s20  }
0x9e: {  	_ =	swait.ge [sflag:s22], s20  }
0x9f: {  	s3 =	ssub.s32 $0x0, s20;
	[sflag:s22] =	ssyncset.done $0x0  }
0xa0: {  	[sflag:s22] =	ssyncadd.s32 s3;
	_ =	sdelay $0x1  }
0xa1: {  	s23 =	simm.s32 $0x1B8B  }
0xa2: {  	_ =	swait.ge [sflag:s23], $0x1  }
0xa3: {  	[sflag:s23] =	ssyncset.done $0x0  }
0xa4: {  	s25 =	simm.s32 $0x1B8E;
	s24 =	sld [smem:$0x3FFE];
	[sflag:s23] =	ssyncadd.s32 $0xFFFFFFFF  }
0xa5: {  	s26 =	simm.s32 $execute0_lowered;
	[smem:$0x3FD2] =	sst s25  }
0xa6: {  	s4 =	sshll.u32 s26, $0x1;
	_ =	strace $0x80000046;
	[dreg:$0x1] =	wrdreg $0xFFFFFFFF  }
0xa7: {  	s28 =	simm.s32 $_size_execute0_lowered;
	s2 =	sadd.s32 s2, s4;
	[dreg:$0x0] =	wrdreg $0x0  }
0xa8: {  	s4 =	sshll.u32 s28, $0x1;
	[dreg:$0x2] =	wrdreg s2  }
0xa9: {  	[dreg:$0x3] =	wrdreg s4  }
0xaa: {  	[dreg:$0x4] =	wrdreg $0xC0  }
0xab: {  	_ =	task [dreg:s6], $0x5FFFF  }
0xac: {  	[dreg:$0x1] =	wrdreg $0xFFFFFFFF  }
0xad: {  	[dreg:$0x0] =	wrdreg $0x60  }
0xae: {  	[dreg:$0x2] =	wrdreg s24  }
0xaf: {  	[dreg:$0x3] =	wrdreg $0x9  }
0xb0: {  	_ =	task.clear_ibuf [dreg:s6], $0x4FFFF;
	_ =	strace $0x90000046  }
0xb1: {  	s29 =	simm.s32 $0x9;
	_ =	strace $0x80000048  }
0xb2: {  	_ =	swait.ge [sflag:s29], $0x1  }
0xb3: {  	[sflag:s29] =	ssyncadd.s32 $0xFFFFFFFF  }
0xb4: {  	_ =	strace $0x90000048  }
0xb5: {  	_ =	sfence  }
0xb6: {  	s30 =	sld [smem:$0x0];
	_ =	sdelay $0x2  }
0xb7: {  	s31 =	sshll.u32 s1, $0xD;
	s1 =	sshrl.u32 s1, $0x2  }
0xb8: {  	s3 =	sand.u32 $0x4000, s31;
	s1 =	sadd.s32 s1, s30  }
0xb9: {  	s0 =	sor.u32 s3, s0;
	s1 =	sshll.u32 s1, $0x11  }
0xba: {  	s0 =	sor.u32 s1, s0  }
0xbb: {  	s0 =	sadd.s32 $0x8F2B, s0  }
0xbc: {  	[sflag:s0] =	ssyncadd.remote.s32 $0x1  }
0xbd: {  	_ =	sfence.sel $0xFFFF  }
0xbe: {  	[dreg:$0x0] =	wrdreg $0xFFFFFFFF;
	(pc) =	sbr.abs _section_cstart, $3  }
0xbf: {  	[dreg:$0x1] =	wrdreg $0xFFFFFFFF  }
0xc0: {  	_ =	task.clear_ibuf [dreg:s6], $0x2FFFF;
	_ =	strace $0x9FFFFFFF  }
0xc1: {  	(tm) =	ssettm $0x7FFFFFFF  }
tec
execute0_lowered:
.L_overlay_start_1:
0x0: {  	(tag) =	ssettag $0x1  }
0x1: {  	vm0 =	vcmask $0xB08;
	vm1 =	vcmask $0x300  }
0x2: {  	vm0 =	vmor vm1, vm0;
	vm1 =	vcmask $0x1310  }
0x3: {  	vm0 =	vmor vm0, vm1;
	vm1 =	vcmask $0x1B18  }
0x4: {  	s1 =	srdreg.scid;
	vm0 =	vmor vm0, vm1;
	vm1 =	vcmask $0x2320  }
0x5: {  	s0 =	stileid.u32;
	s7 =	rddreg [dreg:$0x0];
	s2 =	simm.s32 $0x0;
	vm0 =	vmor vm0, vm1;
	vm1 =	vcmask $0x2B28  }
0x6: {  	s10 =	simm.s32 $0x2000;
	s11 =	simm.s32 $0x4000;
	s12 =	simm.s32 $0x4480;
	vm0 =	vmor vm0, vm1;
	vm1 =	vcmask $0x3330  }
0x7: {  	vm2 =	vcmask $0x704;
	s13 =	simm.s32 $0x4900;
	s14 =	simm.s32 $0x3;
	s15 =	simm.s32 $0x4D00;
	vm0 =	vmor vm0, vm1;
	vm1 =	vcmask $0xF0C  }
0x8: {  	vm3 =	vcmask $0x3B38;
	s16 =	simm.s32 $0x2;
	s4 =	sand.u32 $0x1, s1;
	s1 =	rddreg [dreg:$0x1];
	vm1 =	vmor vm2, vm1;
	vm2 =	vcmask $0x1714  }
0x9: {  	v0 =	vimm.s32 $0x0;
	s17 =	simm.s32 $0x0;
	s5 =	sshll.u32 s0, $0x8;
	[smem:$0x7FF] =	sst s2;
	vm1 =	vmor vm1, vm2;
	vm2 =	vcmask $0x1F1C  }
.Ltmp0:
0xa: {  	v1 =	vlaneseq.u32;
	s3 =	sshll.u32 s4, $0xC;
	s6 =	ssub.s32 $0x2, s4;
	vm1 =	vmor vm1, vm2;
	vm2 =	vcmask $0x2724;
	(pc) =	sbr.rel .LBB2_1-.Ltmp0, $4  }
0xb: {  	v2 =	vimm.f32 $-Inf;
	_ =	strace $0x80000047;
	s3 =	sor.u32 s5, s3;
	s9 =	sshrl.u32 s6, $0x1;
	vm1 =	vmor vm1, vm2;
	vm2 =	vcmask $0x2F2C  }
0xc: {  	v3 =	vmul.u32 $0xFFFFFFFF, v1;
	s4 =	sadd.s32 $0x101A00, s7;
	s5 =	sshll.u32 s3, $0x7;
	s9 =	ssub.s32 s6, s9;
	vm1 =	vmor vm1, vm2;
	vm2 =	vcmask $0x3734  }
0xd: {  	v4 =	vimm.f32 $+Inf;
	s8 =	sadd.s32 s5, s7;
	s5 =	sadd.s32 $0x121A00, s7;
	s7 =	sadd.s32 $0x1E00, s7;
	vm1 =	vmor vm1, vm2;
	vm2 =	vcmask $0x3F3C  }
0xe: {  	v3 =	vadd.s32 $0xF, v3;
	s6 =	sadd.s32 $0x1A00, s8;
	s8 =	smax.u32 s9, $0x1;
	s9 =	simm.s32 $0x1;
	vm0 =	vmor vm0, vm3;
	vm1 =	vmor vm1, vm2  }
.LBB2_29:
0xf: {  	s17 =	sadd.s32 $0x1, s17  }
0x10: {  	p0 =	sne.s32 s17, s8  }
.Ltmp1:
0x11: {  	_ = 	snop;
	(pc) =	sbr.rel @!p0 .LBB2_30-.Ltmp1, $1  }
0x12: {  	_ =	sdelay $0x3  }
.LBB2_1:
.Ltmp2:
0x13: {  	(pc) =	sbr.rel .LBB2_2-.Ltmp2, $3  }
0x14: {  	_ =	sdelay $0x1  }
0x15: {  	[tilespmem:s2], [sflag:$0x1] =	stream.linear.gather [hbm4b:s6+s2], $0x2000, $0x38;
	[tilespmem:$0x5200] =	vst v63  }
0x16: {  	s18 =	simm.s32 $0x0  }
.LBB2_28:
0x17: {  	s19 =	sshll.u32 s19, $0x4  }
0x18: {  	s20 =	sadd.s32 s4, s19  }
0x19: {  	[hbm4b:s20+s2] =	stream.linear.scatter [tilespmem:s13], [sflag:$0x3], $0x400, $0x38;
	[tilespmem:$0x5200] =	vst v63  }
0x1a: {  	s18 =	sadd.s32 $0x1, s18;
	_ =	swait.ge [sflag:s14], $0x400  }
0x1b: {  	p0 =	sne.s32 s18, $0x10;
	[sflag:s14] =	ssyncset.done $0x0  }
.Ltmp3:
0x1c: {  	s19 =	sadd.s32 s5, s19;
	[sflag:s14] =	ssyncadd.s32 $0xFFFFFC00;
	(pc) =	sbr.rel @!p0 .LBB2_29-.Ltmp3, $4  }
0x1d: {  	[hbm4b:s19+s2] =	stream.linear.scatter [tilespmem:s15], [sflag:$0x3], $0x400, $0x38;
	[tilespmem:$0x5200] =	vst v63  }
0x1e: {  	_ =	swait.ge [sflag:s14], $0x400  }
0x1f: {  	[sflag:s14] =	ssyncset.done $0x0  }
0x20: {  	[sflag:s14] =	ssyncadd.s32 $0xFFFFFC00  }
.LBB2_2:
0x21: {  	s19 =	sshll.u32 s18, $0x4  }
.Ltmp4:
0x22: {  	_ =	swait.ge [sflag:s9], $0x2000;
	s19 =	sor.u32 s3, s19;
	(pc) =	sbr.rel .LBB2_3-.Ltmp4, $4  }
0x23: {  	[sflag:s9] =	ssyncset.done $0x0;
	s20 =	sshll.u32 s19, $0x7  }
0x24: {  	[sflag:s9] =	ssyncadd.s32 $0xFFFFE000;
	s21 =	sadd.s32 s20, s7;
	s20 =	simm.s32 $0x0  }
0x25: {  	[tilespmem:s10], [sflag:$0x2] =	stream.linear.gather [hbm4b:s21+s20], $0x2000, $0x38;
	[tilespmem:$0x5200] =	vst v63  }
0x26: {  	s21 =	simm.s32 $0x0  }
.LBB2_9:
0x27: {  	v10 =	vmov v7;
	v9 =	vmov v5  }
.LBB2_13:
0x28: {  	_ =	sdelay $0x4  }
0x29: {  	v11, v12, _ =	vpop @p0 (xrf1)  }
0x2a: {  	v11 =	vperm.xlane @p0 v11, v3  }
0x2b: {  	v12 =	vperm.xlane @p0 v12, v3  }
0x2c: {  	vm2 =	vge.f32 @p0 v10, v11  }
0x2d: {  	v13 =	vsel @p0 vm2, v11, v10;
	v14 =	vsel @p0 vm2, v12, v9  }
0x2e: {  	(xrf1) =	vsort.dscd.msk.f32 @p0 $0xffff, v13, v14;
	_ =	sdelay $0xc  }
0x2f: {  	v13, v14, _ =	vpop (xrf1)  }
0x30: {  	v13 =	vperm.xlane v13, v3;
	v15, v16, _ =	vpop @p0 (xrf1)  }
0x31: {  	v10 =	vsel @p0 vm2, v10, v11;
	v11 =	vperm.xlane v14, v3;
	v8 =	vpsel p0, v15, v8  }
0x32: {  	v9 =	vsel @p0 vm2, v9, v12;
	v6 =	vpsel p0, v16, v6;
	vm2 =	vge.f32 v8, v13  }
0x33: {  	(xrf1) =	vsort.dscd.msk.f32 @p0 $0xffff, v10, v9;
	v8 =	vsel vm2, v8, v13;
	v6 =	vsel vm2, v6, v11  }
0x34: {  	(xrf1) =	vsort.dscd.msk.f32 $0xffff, v8, v6;
	_ =	sdelay $0xc  }
0x35: {  	v6, v8, _ =	vpop @p0 (xrf1)  }
0x36: {  	v9, v10, _ =	vpop (xrf1)  }
0x37: {  	v9 =	vperm.xlane v9, v3  }
0x38: {  	v6 =	vpsel p0, v6, v7;
	v7 =	vperm.xlane v10, v3  }
0x39: {  	v5 =	vpsel p0, v8, v5;
	vm2 =	vge.f32 v6, v9  }
0x3a: {  	v8 =	vsel vm2, v9, v6;
	v10 =	vsel vm2, v7, v5  }
0x3b: {  	v6 =	vsel vm2, v6, v9;
	v5 =	vsel vm2, v5, v7;
	(xrf1) =	vsort.dscd.msk.f32 $0xffff, v8, v10  }
0x3c: {  	(xrf1) =	vsort.dscd.msk.f32 $0xffff, v6, v5;
	_ =	sdelay $0xc  }
0x3d: {  	v8, v6, _ =	vpop (xrf1)  }
0x3e: {  	v7, v5, _ =	vpop (xrf1)  }
.LBB2_14:
0x3f: {  	(xrf0) =	vmax.scan.msk.f32 $0xffff, v7;
	_ =	sdelay $0x5  }
0x40: {  	v9, _, _ =	vpop (xrf0)  }
0x41: {  	v9 =	vbroadcast v9, $0xF;
	_ =	sdelay $0x1  }
0x42: {  	v10 =	vsub.f32 v7, v9  }
0x43: {  	v9 =	vsub.f32 v8, v9  }
0x44: {  	v10 =	vmul.f32 $1.442695020e+00, v10  }
0x45: {  	v9 =	vmul.f32 $1.442695020e+00, v9  }
0x46: {  	(erf) = vpow2.f32 v10  }
0x47: {  	(erf) = vpow2.f32 v9;
	_ =	sdelay $0x7  }
0x48: {  	[tilespmem:$0x5100] =	vst v4;
	v52 =	vpop (erf)  }
0x49: {  	[tilespmem:$0x5110] =	vst v7;
	v53 =	vpop (erf);
	(xrf2) =	vadd.scan.msk.f32 $0xffff, v52  }
0x4a: {  	[tilespmem:$0x5120] =	vst v8;
	v11 =	vld [tilespmem:$0x510F];
	(xrf2) =	vadd.scan.msk.f32 $0xffff, v53  }
0x4b: {  	[tilespmem:$0x5130] =	vst v2;
	v12 =	vld [tilespmem:$0x5111]  }
0x4c: {  	[tilespmem:$0x5180] =	vst v1;
	v13 =	vld [tilespmem:$0x511F]  }
0x4d: {  	[tilespmem:$0x5190] =	vst v5;
	v15 =	vld [tilespmem:$0x5121]  }
0x4e: {  	[tilespmem:$0x51A0] =	vst v6;
	v16 =	vld [tilespmem:$0x518F]  }
0x4f: {  	v17 =	vld [tilespmem:$0x5191]  }
0x50: {  	[tilespmem:$0x51B0] =	vst v1;
	v55 =	vld [tilespmem:$0x519F]  }
0x51: {  	v56 =	vld [tilespmem:$0x51A1];
	_ =	sdelay $0x1  }
0x52: {  	vm8 =	veq.f32 v7, v11;
	vm9 =	veq.f32 v7, v12;
	vm6 =	veq.f32 v8, v13;
	v14, _, _ =	vpop (xrf2)  }
0x53: {  	vm7 =	veq.f32 v8, v15;
	vm2 =	vgt.s32 v5, v17;
	(v2sf) =	vpush v14, $0xF;
	v54, _, _ =	vpop (xrf2)  }
0x54: {  	vm5 =	vgt.s32 v16, v5;
	vm14 =	vgt.s32 v55, v6;
	(v2sf) =	vpush v54, $0xF  }
0x55: {  	vm11 =	vgt.s32 v6, v56;
	vm3 =	vmand vm9, vm0;
	vm4 =	vmand vm8, vm1  }
0x56: {  	vm10 =	vmand vm3, vm2;
	vm2 =	vmand vm7, vm0;
	v7 =	vsel vm5, v16, v5  }
0x57: {  	vm5 =	vmand vm6, vm1;
	v5 =	vsel vm4, v7, v5;
	v7 =	vsel vm14, v55, v6  }
0x58: {  	vm15 =	vmand vm2, vm11;
	v5 =	vsel vm10, v17, v5;
	v6 =	vsel vm5, v7, v6  }
0x59: {  	v6 =	vsel vm15, v56, v6;
	[tilespmem:$0x5190] =	vst v5  }
0x5a: {  	[tilespmem:$0x51A0] =	vst v6;
	v7 =	vld [tilespmem:$0x518F]  }
0x5b: {  	v57 =	vld [tilespmem:$0x5191]  }
0x5c: {  	v59 =	vld [tilespmem:$0x51A1]  }
0x5d: {  	v58 =	vld [tilespmem:$0x519F];
	_ =	sdelay $0x2  }
0x5e: {  	vm8 =	vmand vm8, vm0;
	vm6 =	vmand vm6, vm0;
	vm13 =	vgt.s32 v7, v5  }
0x5f: {  	vm12 =	vgt.s32 v5, v57;
	v7 =	vsel vm13, v7, v5;
	vm14 =	vgt.s32 v6, v59  }
0x60: {  	vm15 =	vgt.s32 v58, v6;
	vm9 =	vmand vm9, vm12;
	v5 =	vsel vm8, v7, v5;
	s23 =	spop (v2sf)  }
0x61: {  	vm7 =	vmand vm7, vm14;
	v7 =	vsel vm15, v58, v6;
	vm9 =	vmand vm9, vm1;
	s24 =	spop (v2sf)  }
0x62: {  	vm7 =	vmand vm7, vm1;
	v6 =	vsel vm6, v7, v6;
	v5 =	vsel vm9, v57, v5;
	s23 =	sadd.f32 s24, s23  }
0x63: {  	v6 =	vsel vm7, v59, v6;
	[tilespmem:$0x5190] =	vst v5  }
0x64: {  	[tilespmem:$0x51A0] =	vst v6;
	v7 =	vld [tilespmem:$0x518F];
	v60 =	vmov s23  }
0x65: {  	v61 =	vld [tilespmem:$0x5191];
	(erf) = vrcp.f32 v60  }
0x66: {  	v62 =	vld [tilespmem:$0x519F]  }
0x67: {  	v63 =	vld [tilespmem:$0x51A1];
	_ =	sdelay $0x3  }
0x68: {  	vm12 =	vgt.s32 v5, v61;
	vm13 =	vgt.s32 v7, v5  }
0x69: {  	s21 =	sadd.s32 $0x1, s21;
	vm14 =	vgt.s32 v62, v6;
	vm15 =	vgt.s32 v6, v63;
	v7 =	vsel vm13, v7, v5  }
0x6a: {  	p0 =	sne.s32 s21, $0x8;
	vm3 =	vmand vm3, vm12;
	v5 =	vsel vm4, v7, v5;
	v7 =	vsel vm14, v62, v6  }
.Ltmp5:
0x6b: {  	vm2 =	vmand vm2, vm15;
	v5 =	vsel vm3, v61, v5;
	v6 =	vsel vm5, v7, v6;
	v13 =	vpop (erf);
	(pc) =	sbr.rel @!p0 .LBB2_15-.Ltmp5, $4  }
0x6c: {  	v6 =	vsel vm2, v63, v6;
	[tilespmem:s22+$0x4D00] =	vst v5;
	v9 =	vmul.f32 v13, v52  }
0x6d: {  	[tilespmem:s22+$0x4D10] =	vst v6;
	v10 =	vmul.f32 v13, v53  }
0x6e: {  	[tilespmem:s22+$0x4900] =	vst v9  }
0x6f: {  	[tilespmem:s22+$0x4910] =	vst v10  }
.LBB2_3:
0x70: {  	s22 =	sshll.u32 s21, $0x7  }
0x71: {  	v5 =	vmov s22;
	_ =	sdelay $0x2  }
0x72: {  	s23 =	sand.u32 $0x40, s20;
	s24 =	sand.u32 $0x1C00, s20  }
0x73: {  	s24 =	sor.u32 s23, s24  }
0x74: {  	v7 =	vld.idx.msk [tilespmem:v5+s24+$0x30 ss:$0x1], $0xffff  }
0x75: {  	v9 =	vld.idx.msk [tilespmem:v5+s24+$0x0 ss:$0x1], $0xffff  }
0x76: {  	v13 =	vld.idx.msk [tilespmem:v5+s24+$0x10 ss:$0x1], $0xffff  }
0x77: {  	s25 =	simm.s32 $0x40;
	s23 =	simm.s32 $0x200  }
0x78: {  	s25 =	sand.u32 $0x40, s25;
	s26 =	sand.u32 $0x1C00, s23;
	v11 =	vld.idx.msk [tilespmem:v5+s24+$0x20 ss:$0x1], $0xffff  }
0x79: {  	v8 =	vimm.f32 $-Inf;
	v17 =	vimm.f32 $-Inf;
	s24 =	sor.u32 s25, s26  }
0x7a: {  	v16 =	vimm.f32 $-Inf;
	v18 =	vimm.f32 $-Inf;
	v6 =	vld.idx.msk [tilespmem:v5+s24+$0x30 ss:$0x1], $0xffff;
	v10 =	vmin.f32 v8, v7  }
0x7b: {  	v14 =	vld.idx.msk [tilespmem:v5+s24+$0x0 ss:$0x1], $0xffff;
	v12 =	vmin.f32 v8, v9;
	v9 =	vmax.f32 v8, v9;
	v19 =	vmin.f32 v8, v13  }
0x7c: {  	s25 =	simm.s32 $0x80;
	v15 =	vld.idx.msk [tilespmem:v5+s24+$0x10 ss:$0x1], $0xffff;
	v13 =	vmax.f32 v8, v13;
	v10 =	vmax.f32 v8, v10;
	v12 =	vmax.f32 v8, v12  }
.LBB2_4:
0x7d: {  	s26 =	sand.u32 $0x40, s25;
	s23 =	sadd.s32 $0x200, s23;
	v8 =	vmax.f32 v8, v19;
	v19 =	vmin.f32 v17, v11;
	v17 =	vmax.f32 v17, v11;
	v11 =	vld.idx.msk [tilespmem:v5+s24+$0x20 ss:$0x1], $0xffff;
	p0 =	sne.s32 s25, $0x3C0  }
.Ltmp6:
0x7e: {  	s25 =	sadd.s32 $0x40, s25;
	s24 =	sand.u32 $0x1C00, s23;
	v16 =	vmax.f32 v16, v19;
	(pc) =	sbr.rel @p0 .LBB2_4-.Ltmp6, $4  }
0x7f: {  	v18 =	vmax.f32 v18, v7;
	s24 =	sor.u32 s26, s24  }
0x80: {  	v19 =	vmin.f32 v18, v6;
	v7 =	vmov v6;
	v6 =	vld.idx.msk [tilespmem:v5+s24+$0x30 ss:$0x1], $0xffff  }
0x81: {  	v20 =	vmin.f32 v9, v14;
	v9 =	vmax.f32 v9, v14;
	v10 =	vmax.f32 v10, v19;
	v14 =	vld.idx.msk [tilespmem:v5+s24+$0x0 ss:$0x1], $0xffff  }
0x82: {  	v12 =	vmax.f32 v12, v20;
	v19 =	vmin.f32 v13, v15;
	v13 =	vmax.f32 v13, v15;
	v15 =	vld.idx.msk [tilespmem:v5+s24+$0x10 ss:$0x1], $0xffff  }
0x83: {  	_ =	sdelay $0x3  }
0x84: {  	v20 =	vld.idx.msk [tilespmem:v5+s24+$0x20 ss:$0x1], $0xffff;
	v8 =	vmax.f32 v8, v19  }
0x85: {  	v53 =	vmin.f32 v17, v11;
	v54 =	vmax.f32 v17, v11;
	v7 =	vmax.f32 v18, v7  }
0x86: {  	v16 =	vmax.f32 v16, v53;
	v55 =	vmin.f32 v7, v6;
	v6 =	vmax.f32 v7, v6  }
0x87: {  	v56 =	vmin.f32 v9, v14;
	v57 =	vmax.f32 v9, v14;
	v10 =	vmax.f32 v10, v55  }
0x88: {  	v12 =	vmax.f32 v12, v56;
	v58 =	vmin.f32 v13, v15;
	v59 =	vmax.f32 v13, v15  }
0x89: {  	v60 =	vmin.f32 v54, v20;
	v8 =	vmax.f32 v8, v58;
	v11 =	vmax.f32 v54, v20  }
0x8a: {  	v7 =	vmax.f32 v57, v59;
	v9 =	vmin.f32 v57, v59;
	v61 =	vmax.f32 v16, v60  }
0x8b: {  	v8 =	vmax.f32 v12, v8;
	v62 =	vmin.f32 v11, v6;
	v10 =	vmax.f32 v61, v10  }
0x8c: {  	v6 =	vmax.f32 v11, v6;
	v8 =	vmax.f32 v9, v8;
	v63 =	vmax.f32 v62, v10  }
0x8d: {  	v6 =	vmin.f32 v7, v6;
	v7 =	vmax.f32 v8, v63  }
0x8e: {  	v6 =	vmax.f32 v6, v7  }
0x8f: {  	(xrf0) =	vmin.scan.msk.f32 $0xffff, v6;
	_ =	sdelay $0x5  }
0x90: {  	v6, _, _ =	vpop (xrf0)  }
0x91: {  	s23 =	simm.s32 $0x0;
	s24 =	simm.s32 $0x0;
	v7 =	vimm.s32 $0x0;
	v6 =	vbroadcast v6, $0xF  }
.LBB2_6:
0x92: {  	s25 =	sand.u32 $0x40, s24;
	s26 =	sand.u32 $0x1C00, s23  }
0x93: {  	s25 =	sor.u32 s25, s26  }
0x94: {  	v8 =	vld.idx.msk [tilespmem:v5+s25+$0x0 ss:$0x1], $0xffff;
	_ =	sdelay $0x4  }
0x95: {  	vm2 =	vge.f32 v8, v6  }
0x96: {  	v9 =	vsel vm2, $0x1, v0  }
0x97: {  	(xrf0) =	vadd.scan.msk.s32 $0xffff, v9;
	_ =	sdelay $0x4  }
0x98: {  	v50 =	vsel vm2, $0xFFFFFFFF, v0  }
0x99: {  	v9 =	vadd.s32 v50, v7;
	v10, _, _ =	vpop (xrf0)  }
0x9a: {  	v9 =	vadd.s32 v10, v9;
	_ =	sdelay $0x3  }
0x9b: {  	s30 =	sadd.s32 $0x10, s24  }
0x9c: {  	s28 =	sand.u32 $0x50, s30;
	[tilespmem:v9+s11+$0x0] =	vst.idx.msk vm2, v8;
	v8 =	vor.u32 s24, v1  }
0x9d: {  	s28 =	sor.u32 s28, s26;
	[tilespmem:v9+s12+$0x0] =	vst.idx.msk vm2, v8  }
0x9e: {  	v8 =	vld.idx.msk [tilespmem:v5+s28+$0x0 ss:$0x1], $0xffff;
	_ =	sdelay $0x4  }
0x9f: {  	vm3 =	vge.f32 v8, v6  }
0xa0: {  	v51 =	vsel vm3, $0x1, v0  }
0xa1: {  	(xrf0) =	vadd.scan.msk.s32 $0xffff, v51;
	_ =	sdelay $0x2  }
0xa2: {  	v52 =	vmpcnt.ones.xlane vm2;
	_ =	sdelay $0x1  }
0xa3: {  	v7 =	vadd.s32 v7, v52;
	v53 =	vsel vm3, $0xFFFFFFFF, v0  }
0xa4: {  	v9 =	vadd.s32 v53, v7;
	v54, _, _ =	vpop (xrf0)  }
0xa5: {  	v9 =	vadd.s32 v54, v9;
	_ =	sdelay $0x3  }
0xa6: {  	s31 =	sadd.s32 $0x20, s24  }
0xa7: {  	s29 =	sand.u32 $0x60, s31;
	[tilespmem:v9+s11+$0x0] =	vst.idx.msk vm3, v8;
	v8 =	vor.u32 s30, v1  }
0xa8: {  	s25 =	sor.u32 s29, s26;
	[tilespmem:v9+s12+$0x0] =	vst.idx.msk vm3, v8  }
0xa9: {  	v8 =	vld.idx.msk [tilespmem:v5+s25+$0x0 ss:$0x1], $0xffff;
	_ =	sdelay $0x4  }
0xaa: {  	vm2 =	vge.f32 v8, v6  }
0xab: {  	v55 =	vsel vm2, $0x1, v0  }
0xac: {  	(xrf0) =	vadd.scan.msk.s32 $0xffff, v55;
	_ =	sdelay $0x2  }
0xad: {  	v56 =	vmpcnt.ones.xlane vm3;
	_ =	sdelay $0x1  }
0xae: {  	v7 =	vadd.s32 v7, v56;
	v57 =	vsel vm2, $0xFFFFFFFF, v0  }
0xaf: {  	v9 =	vadd.s32 v57, v7;
	v58, _, _ =	vpop (xrf0)  }
0xb0: {  	v9 =	vadd.s32 v58, v9;
	_ =	sdelay $0x3  }
0xb1: {  	s30 =	sadd.s32 $0x30, s24  }
0xb2: {  	[tilespmem:v9+s11+$0x0] =	vst.idx.msk vm2, v8;
	v8 =	vor.u32 s31, v1;
	s31 =	sand.u32 $0x70, s30  }
0xb3: {  	[tilespmem:v9+s12+$0x0] =	vst.idx.msk vm2, v8;
	s26 =	sor.u32 s31, s26  }
0xb4: {  	v8 =	vld.idx.msk [tilespmem:v5+s26+$0x0 ss:$0x1], $0xffff;
	_ =	sdelay $0x4  }
0xb5: {  	vm3 =	vge.f32 v8, v6  }
0xb6: {  	v59 =	vsel vm3, $0x1, v0  }
0xb7: {  	(xrf0) =	vadd.scan.msk.s32 $0xffff, v59;
	_ =	sdelay $0x2  }
0xb8: {  	v60 =	vmpcnt.ones.xlane vm2;
	_ =	sdelay $0x1  }
0xb9: {  	v7 =	vadd.s32 v7, v60;
	v61 =	vsel vm3, $0xFFFFFFFF, v0  }
0xba: {  	v9 =	vadd.s32 v61, v7;
	v62, _, _ =	vpop (xrf0)  }
0xbb: {  	v9 =	vadd.s32 v62, v9  }
0xbc: {  	p0 =	sne.s32 s24, $0x3C0  }
.Ltmp7:
0xbd: {  	_ = 	snop;
	(pc) =	sbr.rel @p0 .LBB2_6-.Ltmp7, $4  }
0xbe: {  	_ = 	snop  }
0xbf: {  	v63 =	vmpcnt.ones.xlane vm3  }
0xc0: {  	[tilespmem:v9+s11+$0x0] =	vst.idx.msk vm3, v8;
	v8 =	vor.u32 s30, v1  }
0xc1: {  	s23 =	sadd.s32 $0x200, s23;
	s24 =	sadd.s32 $0x40, s24;
	v7 =	vadd.s32 v7, v63;
	[tilespmem:v9+s12+$0x0] =	vst.idx.msk vm3, v8  }
0xc2: {  	(xrf0) =	vadd.scan.msk.s32 $0xffff, v7;
	_ =	sdelay $0x5  }
0xc3: {  	v5, _, _ =	vpop (xrf0)  }
0xc4: {  	(v2sf) =	vpush v5, $0xF;
	_ =	sdelay $0xe  }
0xc5: {  	s23 =	spop (v2sf)  }
0xc6: {  	s24 =	sand.u32 $0xF, s23  }
0xc7: {  	s25 =	sshra.s32 s23, $0x1F;
	p0 =	slt.s32 s23, $0x1;
	p1 =	sne.s32 s24, $0x0  }
0xc8: {  	s29 =	sshrl.u32 s25, $0x1C;
	p0 =	por !p0, !p1  }
0xc9: {  	s24 =	simm.s32 $0x1;
	s23 =	sadd.s32 s29, s23;
	p0 =	por !p0, !p0  }
0xca: {  	s23 =	sshra.s32 s23, $0x4;
	s24 =	simm.s32 @!p0 $0x0  }
0xcb: {  	s23 =	ssub.s32 s23, s24  }
0xcc: {  	[tilespmem:s23+$0x4000] =	vst v2  }
0xcd: {  	v5 =	vld [tilespmem:$0x4000]  }
0xce: {  	v6 =	vld [tilespmem:$0x4480]  }
0xcf: {  	v7 =	vld [tilespmem:$0x4010]  }
0xd0: {  	v8 =	vld [tilespmem:$0x4490];
	_ =	sdelay $0x3  }
0xd1: {  	(xrf1) =	vsort.dscd.msk.f32 $0xffff, v5, v6  }
0xd2: {  	(xrf1) =	vsort.dscd.msk.f32 $0xffff, v7, v8;
	_ =	sdelay $0xc  }
0xd3: {  	v5, v6, _ =	vpop (xrf1)  }
0xd4: {  	v7, v8, _ =	vpop (xrf1)  }
0xd5: {  	v7 =	vperm.xlane v7, v3  }
0xd6: {  	v8 =	vperm.xlane v8, v3  }
0xd7: {  	vm2 =	vge.f32 v5, v7  }
0xd8: {  	v9 =	vsel vm2, v5, v7;
	v10 =	vsel vm2, v6, v8  }
0xd9: {  	v5 =	vsel vm2, v7, v5;
	v6 =	vsel vm2, v8, v6;
	(xrf1) =	vsort.dscd.msk.f32 $0xffff, v9, v10  }
0xda: {  	(xrf1) =	vsort.dscd.msk.f32 $0xffff, v5, v6;
	_ =	sdelay $0x1  }
0xdb: {  	s24 =	sadd.s32 $0xF, s23  }
0xdc: {  	s30 =	sand.u32 $0xF, s24  }
0xdd: {  	p5 =	slt.s32 s23, $0xFFFFFFF2;
	s31 =	sshra.s32 s24, $0x1F;
	p6 =	sne.s32 s30, $0x0  }
0xde: {  	s23 =	sshrl.u32 s31, $0x1C;
	p0 =	por !p5, !p6  }
0xdf: {  	s23 =	sadd.s32 s23, s24;
	s24 =	simm.s32 $0x1;
	p0 =	por !p0, !p0  }
0xe0: {  	s23 =	sshra.s32 s23, $0x4;
	s24 =	simm.s32 @!p0 $0x0  }
0xe1: {  	s24 =	ssub.s32 s23, s24  }
0xe2: {  	p1 =	slt.s32 s24, $0x3  }
.Ltmp8:
0xe3: {  	_ = 	snop;
	(pc) =	sbr.rel @p1 .LBB2_14-.Ltmp8, $3  }
0xe4: {  	_ =	sdelay $0x1  }
0xe5: {  	v7, v5, _ =	vpop (xrf1)  }
0xe6: {  	v8, v6, _ =	vpop (xrf1)  }
0xe7: {  	s24 =	simm.s32 $0x4020  }
0xe8: {  	v9 =	vld [tilespmem:s24+$0x0];
	s24 =	simm.s32 $0xFFFFFFFF  }
0xe9: {  	s24 =	simm.s32 @!p0 $0x0  }
0xea: {  	s23 =	sadd.s32 s24, s23  }
0xeb: {  	s25 =	simm.s32 $0x44A0;
	s23 =	sadd.s32 $0xFFFFFFFE, s23  }
0xec: {  	v10 =	vld [tilespmem:s25+$0x0];
	p1 =	sne.s32 s23, $0x1  }
.Ltmp9:
0xed: {  	_ = 	snop;
	(pc) =	sbr.rel @!p1 .LBB2_9-.Ltmp9, $2  }
0xee: {  	_ =	sdelay $0x2  }
0xef: {  	p0 =	por $0x0, $0x0;
	s25 =	sadd.s32 $0xFFFFFFFF, s23;
	(xrf1) =	vsort.dscd.msk.f32 $0xffff, v9, v10  }
0xf0: {  	_ =	sdelay $0xc  }
0xf1: {  	v9, v10, _ =	vpop (xrf1)  }
0xf2: {  	v9 =	vperm.xlane v9, v3  }
0xf3: {  	v10 =	vperm.xlane v10, v3  }
0xf4: {  	vm2 =	vge.f32 v8, v9  }
0xf5: {  	v9 =	vsel vm2, v8, v9;
	v10 =	vsel vm2, v6, v10  }
0xf6: {  	s23 =	simm.s32 $0x4030;
	(xrf1) =	vsort.dscd.msk.f32 $0xffff, v9, v10  }
0xf7: {  	s24 =	simm.s32 $0x44B0;
	v11 =	vld [tilespmem:s23+$0x0]  }
0xf8: {  	v12 =	vld [tilespmem:s24+$0x0]  }
0xf9: {  	p1 =	sne.s32 s25, $0x1  }
.Ltmp10:
0xfa: {  	_ = 	snop;
	(pc) =	sbr.rel @!p1 .LBB2_11-.Ltmp10, $3  }
0xfb: {  	_ =	sdelay $0x1  }
0xfc: {  	(xrf1) =	vsort.dscd.msk.f32 $0xffff, v11, v12  }
0xfd: {  	s25 =	sadd.s32 $0xFFFFFFFF, s25;
	p0 =	por $0x1, $0x1;
	v10 =	vmov v7;
	v9 =	vmov v5  }
.LBB2_12:
0xfe: {  	p1 =	sne.s32 s25, $0x1;
	s25 =	sadd.s32 $0xFFFFFFFF, s25;
	_ =	sdelay $0x8  }
0xff: {  	v11, v12, _ =	vpop (xrf1)  }
0x100: {  	v11 =	vperm.xlane v11, v3  }
0x101: {  	v12 =	vperm.xlane v12, v3  }
0x102: {  	v13, v14, _ =	vpop (xrf1);
	vm2 =	vge.f32 v10, v11  }
0x103: {  	v13 =	vperm.xlane v13, v3;
	v15 =	vsel vm2, v11, v10;
	v16 =	vsel vm2, v12, v9  }
0x104: {  	v10 =	vsel vm2, v10, v11;
	v9 =	vsel vm2, v9, v12;
	(xrf1) =	vsort.dscd.msk.f32 $0xffff, v15, v16  }
0x105: {  	(xrf1) =	vsort.dscd.msk.f32 $0xffff, v10, v9;
	_ =	sdelay $0xb  }
0x106: {  	s23 =	sadd.s32 $0x10, s23  }
0x107: {  	s24 =	sadd.s32 $0x10, s24;
	v12 =	vperm.xlane v14, v3;
	v11 =	vld [tilespmem:s23+$0x0];
	v15, v14, _ =	vpop (xrf1)  }
0x108: {  	v16 =	vld [tilespmem:s24+$0x0];
	vm2 =	vge.f32 v15, v13;
	v10, v9, _ =	vpop (xrf1)  }
.Ltmp11:
0x109: {  	v13 =	vsel vm2, v15, v13;
	v12 =	vsel vm2, v14, v12;
	(pc) =	sbr.rel @p1 .LBB2_12-.Ltmp11, $2  }
0x10a: {  	(xrf1) =	vsort.dscd.msk.f32 $0xffff, v13, v12;
	_ =	sdelay $0x2  }
0x10b: {  	(xrf1) =	vsort.dscd.msk.f32 $0xffff, v11, v16  }
.Ltmp12:
0x10c: {  	_ = 	snop;
	(pc) =	sbr.rel .LBB2_13-.Ltmp12, $1  }
0x10d: {  	_ =	sdelay $0x3  }
.LBB2_11:
.Ltmp13:
0x10e: {  	(pc) =	sbr.rel .LBB2_13-.Ltmp13, $2  }
0x10f: {  	_ =	sdelay $0x2  }
0x110: {  	v10 =	vmov v7;
	v9 =	vmov v5  }
.LBB2_15:
0x111: {  	s20 =	sshll.u32 s19, $0x4  }
0x112: {  	s21 =	sadd.s32 s4, s20  }
0x113: {  	[hbm4b:s21+s2] =	stream.linear.scatter [tilespmem:s13], [sflag:$0x3], $0x400, $0x38;
	[tilespmem:$0x5200] =	vst v63  }
0x114: {  	_ =	swait.ge [sflag:s14], $0x400  }
0x115: {  	[sflag:s14] =	ssyncset.done $0x0  }
0x116: {  	s20 =	sadd.s32 s5, s20;
	[sflag:s14] =	ssyncadd.s32 $0xFFFFFC00  }
0x117: {  	[hbm4b:s20+s2] =	stream.linear.scatter [tilespmem:s15], [sflag:$0x3], $0x400, $0x38;
	[tilespmem:$0x5200] =	vst v63  }
0x118: {  	_ =	swait.ge [sflag:s14], $0x400  }
0x119: {  	[sflag:s14] =	ssyncset.done $0x0  }
0x11a: {  	s19 =	sor.u32 $0x8, s19;
	[sflag:s14] =	ssyncadd.s32 $0xFFFFFC00  }
.Ltmp14:
0x11b: {  	p0 =	seq.s32 s18, $0xF;
	_ =	swait.ge [sflag:s16], $0x2000;
	(pc) =	sbr.rel .LBB2_16-.Ltmp14, $4  }
0x11c: {  	s20 =	sshll.u32 @!p0 s19, $0x7;
	[sflag:s16] =	ssyncset.done $0x0  }
0x11d: {  	s21 =	simm.s32 @!p0 $0x0;
	s20 =	sadd.s32 @!p0 s20, s7;
	[sflag:s16] =	ssyncadd.s32 $0xFFFFE000  }
0x11e: {  	[tilespmem:s21], [sflag:$0x1] =	stream.linear.gather @!p0 [hbm4b:s20+s21], $0x2000, $0x38;
	[tilespmem:$0x5200] =	vst v63  }
0x11f: {  	s20 =	simm.s32 $0x0;
	s21 =	simm.s32 $0x0  }
.LBB2_22:
0x120: {  	v10 =	vmov v7;
	v9 =	vmov v5  }
.LBB2_26:
0x121: {  	_ =	sdelay $0x4  }
0x122: {  	v11, v12, _ =	vpop @p0 (xrf1)  }
0x123: {  	v11 =	vperm.xlane @p0 v11, v3  }
0x124: {  	v12 =	vperm.xlane @p0 v12, v3  }
0x125: {  	vm2 =	vge.f32 @p0 v10, v11  }
0x126: {  	v13 =	vsel @p0 vm2, v11, v10;
	v14 =	vsel @p0 vm2, v12, v9  }
0x127: {  	(xrf1) =	vsort.dscd.msk.f32 @p0 $0xffff, v13, v14;
	_ =	sdelay $0xc  }
0x128: {  	v13, v14, _ =	vpop (xrf1)  }
0x129: {  	v13 =	vperm.xlane v13, v3;
	v15, v16, _ =	vpop @p0 (xrf1)  }
0x12a: {  	v10 =	vsel @p0 vm2, v10, v11;
	v11 =	vperm.xlane v14, v3;
	v8 =	vpsel p0, v15, v8  }
0x12b: {  	v9 =	vsel @p0 vm2, v9, v12;
	v6 =	vpsel p0, v16, v6;
	vm2 =	vge.f32 v8, v13  }
0x12c: {  	(xrf1) =	vsort.dscd.msk.f32 @p0 $0xffff, v10, v9;
	v8 =	vsel vm2, v8, v13;
	v6 =	vsel vm2, v6, v11  }
0x12d: {  	(xrf1) =	vsort.dscd.msk.f32 $0xffff, v8, v6;
	_ =	sdelay $0xc  }
0x12e: {  	v6, v8, _ =	vpop @p0 (xrf1)  }
0x12f: {  	v9, v10, _ =	vpop (xrf1)  }
0x130: {  	v9 =	vperm.xlane v9, v3  }
0x131: {  	v6 =	vpsel p0, v6, v7;
	v7 =	vperm.xlane v10, v3  }
0x132: {  	v5 =	vpsel p0, v8, v5;
	vm2 =	vge.f32 v6, v9  }
0x133: {  	v8 =	vsel vm2, v9, v6;
	v10 =	vsel vm2, v7, v5  }
0x134: {  	v6 =	vsel vm2, v6, v9;
	v5 =	vsel vm2, v5, v7;
	(xrf1) =	vsort.dscd.msk.f32 $0xffff, v8, v10  }
0x135: {  	(xrf1) =	vsort.dscd.msk.f32 $0xffff, v6, v5;
	_ =	sdelay $0xc  }
0x136: {  	v8, v6, _ =	vpop (xrf1)  }
0x137: {  	v7, v5, _ =	vpop (xrf1)  }
.LBB2_27:
0x138: {  	(xrf0) =	vmax.scan.msk.f32 $0xffff, v7;
	_ =	sdelay $0x5  }
0x139: {  	v9, _, _ =	vpop (xrf0)  }
0x13a: {  	v9 =	vbroadcast v9, $0xF;
	_ =	sdelay $0x1  }
0x13b: {  	v10 =	vsub.f32 v7, v9  }
0x13c: {  	v9 =	vsub.f32 v8, v9  }
0x13d: {  	v10 =	vmul.f32 $1.442695020e+00, v10  }
0x13e: {  	v9 =	vmul.f32 $1.442695020e+00, v9  }
0x13f: {  	(erf) = vpow2.f32 v10  }
0x140: {  	(erf) = vpow2.f32 v9;
	_ =	sdelay $0x7  }
0x141: {  	[tilespmem:$0x5100] =	vst v4;
	v52 =	vpop (erf)  }
0x142: {  	[tilespmem:$0x5110] =	vst v7;
	v53 =	vpop (erf);
	(xrf2) =	vadd.scan.msk.f32 $0xffff, v52  }
0x143: {  	[tilespmem:$0x5120] =	vst v8;
	v11 =	vld [tilespmem:$0x510F];
	(xrf2) =	vadd.scan.msk.f32 $0xffff, v53  }
0x144: {  	[tilespmem:$0x5130] =	vst v2;
	v12 =	vld [tilespmem:$0x5111]  }
0x145: {  	[tilespmem:$0x5180] =	vst v1;
	v13 =	vld [tilespmem:$0x511F]  }
0x146: {  	[tilespmem:$0x5190] =	vst v5;
	v15 =	vld [tilespmem:$0x5121]  }
0x147: {  	[tilespmem:$0x51A0] =	vst v6;
	v16 =	vld [tilespmem:$0x518F]  }
0x148: {  	v17 =	vld [tilespmem:$0x5191]  }
0x149: {  	[tilespmem:$0x51B0] =	vst v1;
	v55 =	vld [tilespmem:$0x519F]  }
0x14a: {  	v56 =	vld [tilespmem:$0x51A1];
	_ =	sdelay $0x1  }
0x14b: {  	vm8 =	veq.f32 v7, v11;
	vm9 =	veq.f32 v7, v12;
	vm6 =	veq.f32 v8, v13;
	v14, _, _ =	vpop (xrf2)  }
0x14c: {  	vm7 =	veq.f32 v8, v15;
	vm2 =	vgt.s32 v5, v17;
	(v2sf) =	vpush v14, $0xF;
	v54, _, _ =	vpop (xrf2)  }
0x14d: {  	vm5 =	vgt.s32 v16, v5;
	vm14 =	vgt.s32 v55, v6;
	(v2sf) =	vpush v54, $0xF  }
0x14e: {  	vm11 =	vgt.s32 v6, v56;
	vm3 =	vmand vm9, vm0;
	vm4 =	vmand vm8, vm1  }
0x14f: {  	vm10 =	vmand vm3, vm2;
	vm2 =	vmand vm7, vm0;
	v7 =	vsel vm5, v16, v5  }
0x150: {  	vm5 =	vmand vm6, vm1;
	v5 =	vsel vm4, v7, v5;
	v7 =	vsel vm14, v55, v6  }
0x151: {  	vm15 =	vmand vm2, vm11;
	v5 =	vsel vm10, v17, v5;
	v6 =	vsel vm5, v7, v6  }
0x152: {  	v6 =	vsel vm15, v56, v6;
	[tilespmem:$0x5190] =	vst v5  }
0x153: {  	[tilespmem:$0x51A0] =	vst v6;
	v7 =	vld [tilespmem:$0x518F]  }
0x154: {  	v57 =	vld [tilespmem:$0x5191]  }
0x155: {  	v59 =	vld [tilespmem:$0x51A1]  }
0x156: {  	v58 =	vld [tilespmem:$0x519F];
	_ =	sdelay $0x2  }
0x157: {  	vm8 =	vmand vm8, vm0;
	vm6 =	vmand vm6, vm0;
	vm13 =	vgt.s32 v7, v5  }
0x158: {  	vm12 =	vgt.s32 v5, v57;
	v7 =	vsel vm13, v7, v5;
	vm14 =	vgt.s32 v6, v59  }
0x159: {  	vm15 =	vgt.s32 v58, v6;
	vm9 =	vmand vm9, vm12;
	v5 =	vsel vm8, v7, v5;
	s23 =	spop (v2sf)  }
0x15a: {  	vm7 =	vmand vm7, vm14;
	v7 =	vsel vm15, v58, v6;
	vm9 =	vmand vm9, vm1;
	s24 =	spop (v2sf)  }
0x15b: {  	vm7 =	vmand vm7, vm1;
	v6 =	vsel vm6, v7, v6;
	v5 =	vsel vm9, v57, v5;
	s23 =	sadd.f32 s24, s23  }
0x15c: {  	v6 =	vsel vm7, v59, v6;
	[tilespmem:$0x5190] =	vst v5  }
0x15d: {  	[tilespmem:$0x51A0] =	vst v6;
	v7 =	vld [tilespmem:$0x518F];
	v60 =	vmov s23  }
0x15e: {  	v61 =	vld [tilespmem:$0x5191];
	(erf) = vrcp.f32 v60  }
0x15f: {  	v62 =	vld [tilespmem:$0x519F]  }
0x160: {  	v63 =	vld [tilespmem:$0x51A1];
	_ =	sdelay $0x3  }
0x161: {  	vm12 =	vgt.s32 v5, v61;
	vm13 =	vgt.s32 v7, v5  }
0x162: {  	s21 =	sadd.s32 $0x1, s21;
	vm14 =	vgt.s32 v62, v6;
	vm15 =	vgt.s32 v6, v63;
	v7 =	vsel vm13, v7, v5  }
0x163: {  	p0 =	sne.s32 s21, $0x8;
	vm3 =	vmand vm3, vm12;
	v5 =	vsel vm4, v7, v5;
	v7 =	vsel vm14, v62, v6  }
.Ltmp15:
0x164: {  	vm2 =	vmand vm2, vm15;
	v5 =	vsel vm3, v61, v5;
	v6 =	vsel vm5, v7, v6;
	v13 =	vpop (erf);
	(pc) =	sbr.rel @!p0 .LBB2_28-.Ltmp15, $4  }
0x165: {  	v6 =	vsel vm2, v63, v6;
	[tilespmem:s22+$0x4D00] =	vst v5;
	v9 =	vmul.f32 v13, v52  }
0x166: {  	[tilespmem:s22+$0x4D10] =	vst v6;
	v10 =	vmul.f32 v13, v53  }
0x167: {  	[tilespmem:s22+$0x4900] =	vst v9  }
0x168: {  	[tilespmem:s22+$0x4910] =	vst v10  }
.LBB2_16:
0x169: {  	s22 =	sshll.u32 s21, $0x7  }
0x16a: {  	v5 =	vmov s22;
	_ =	sdelay $0x2  }
0x16b: {  	s23 =	sand.u32 $0x40, s20;
	s24 =	sand.u32 $0x1C00, s20  }
0x16c: {  	s24 =	sor.u32 s23, s24  }
0x16d: {  	v7 =	vld.idx.msk [tilespmem:v5+s24+$0x2030 ss:$0x1], $0xffff  }
0x16e: {  	v9 =	vld.idx.msk [tilespmem:v5+s24+$0x2000 ss:$0x1], $0xffff  }
0x16f: {  	v13 =	vld.idx.msk [tilespmem:v5+s24+$0x2010 ss:$0x1], $0xffff  }
0x170: {  	s25 =	simm.s32 $0x40;
	s23 =	simm.s32 $0x200  }
0x171: {  	s25 =	sand.u32 $0x40, s25;
	s26 =	sand.u32 $0x1C00, s23;
	v11 =	vld.idx.msk [tilespmem:v5+s24+$0x2020 ss:$0x1], $0xffff  }
0x172: {  	v8 =	vimm.f32 $-Inf;
	v17 =	vimm.f32 $-Inf;
	s24 =	sor.u32 s25, s26  }
0x173: {  	v16 =	vimm.f32 $-Inf;
	v18 =	vimm.f32 $-Inf;
	v6 =	vld.idx.msk [tilespmem:v5+s24+$0x2030 ss:$0x1], $0xffff;
	v10 =	vmin.f32 v8, v7  }
0x174: {  	v14 =	vld.idx.msk [tilespmem:v5+s24+$0x2000 ss:$0x1], $0xffff;
	v12 =	vmin.f32 v8, v9;
	v9 =	vmax.f32 v8, v9;
	v19 =	vmin.f32 v8, v13  }
0x175: {  	s25 =	simm.s32 $0x80;
	v15 =	vld.idx.msk [tilespmem:v5+s24+$0x2010 ss:$0x1], $0xffff;
	v13 =	vmax.f32 v8, v13;
	v10 =	vmax.f32 v8, v10;
	v12 =	vmax.f32 v8, v12  }
.LBB2_17:
0x176: {  	s26 =	sand.u32 $0x40, s25;
	s23 =	sadd.s32 $0x200, s23;
	v8 =	vmax.f32 v8, v19;
	v19 =	vmin.f32 v17, v11;
	v17 =	vmax.f32 v17, v11;
	v11 =	vld.idx.msk [tilespmem:v5+s24+$0x2020 ss:$0x1], $0xffff;
	p0 =	sne.s32 s25, $0x3C0  }
.Ltmp16:
0x177: {  	s25 =	sadd.s32 $0x40, s25;
	s24 =	sand.u32 $0x1C00, s23;
	v16 =	vmax.f32 v16, v19;
	(pc) =	sbr.rel @p0 .LBB2_17-.Ltmp16, $4  }
0x178: {  	v18 =	vmax.f32 v18, v7;
	s24 =	sor.u32 s26, s24  }
0x179: {  	v19 =	vmin.f32 v18, v6;
	v7 =	vmov v6;
	v6 =	vld.idx.msk [tilespmem:v5+s24+$0x2030 ss:$0x1], $0xffff  }
0x17a: {  	v20 =	vmin.f32 v9, v14;
	v9 =	vmax.f32 v9, v14;
	v10 =	vmax.f32 v10, v19;
	v14 =	vld.idx.msk [tilespmem:v5+s24+$0x2000 ss:$0x1], $0xffff  }
0x17b: {  	v12 =	vmax.f32 v12, v20;
	v19 =	vmin.f32 v13, v15;
	v13 =	vmax.f32 v13, v15;
	v15 =	vld.idx.msk [tilespmem:v5+s24+$0x2010 ss:$0x1], $0xffff  }
0x17c: {  	_ =	sdelay $0x3  }
0x17d: {  	v20 =	vld.idx.msk [tilespmem:v5+s24+$0x2020 ss:$0x1], $0xffff;
	v8 =	vmax.f32 v8, v19  }
0x17e: {  	v53 =	vmin.f32 v17, v11;
	v54 =	vmax.f32 v17, v11;
	v7 =	vmax.f32 v18, v7  }
0x17f: {  	v16 =	vmax.f32 v16, v53;
	v55 =	vmin.f32 v7, v6;
	v6 =	vmax.f32 v7, v6  }
0x180: {  	v56 =	vmin.f32 v9, v14;
	v57 =	vmax.f32 v9, v14;
	v10 =	vmax.f32 v10, v55  }
0x181: {  	v12 =	vmax.f32 v12, v56;
	v58 =	vmin.f32 v13, v15;
	v59 =	vmax.f32 v13, v15  }
0x182: {  	v60 =	vmin.f32 v54, v20;
	v8 =	vmax.f32 v8, v58;
	v11 =	vmax.f32 v54, v20  }
0x183: {  	v7 =	vmax.f32 v57, v59;
	v9 =	vmin.f32 v57, v59;
	v61 =	vmax.f32 v16, v60  }
0x184: {  	v8 =	vmax.f32 v12, v8;
	v62 =	vmin.f32 v11, v6;
	v10 =	vmax.f32 v61, v10  }
0x185: {  	v6 =	vmax.f32 v11, v6;
	v8 =	vmax.f32 v9, v8;
	v63 =	vmax.f32 v62, v10  }
0x186: {  	v6 =	vmin.f32 v7, v6;
	v7 =	vmax.f32 v8, v63  }
0x187: {  	v6 =	vmax.f32 v6, v7  }
0x188: {  	(xrf0) =	vmin.scan.msk.f32 $0xffff, v6;
	_ =	sdelay $0x5  }
0x189: {  	v6, _, _ =	vpop (xrf0)  }
0x18a: {  	s23 =	simm.s32 $0x0;
	s24 =	simm.s32 $0x0;
	v7 =	vimm.s32 $0x0;
	v6 =	vbroadcast v6, $0xF  }
.LBB2_19:
0x18b: {  	s25 =	sand.u32 $0x1C00, s23  }
0x18c: {  	s26 =	sand.u32 $0x40, s24;
	s25 =	sor.u32 $0x2000, s25  }
0x18d: {  	s26 =	sor.u32 s26, s25  }
0x18e: {  	v8 =	vld.idx.msk [tilespmem:v5+s26+$0x0 ss:$0x1], $0xffff;
	_ =	sdelay $0x4  }
0x18f: {  	vm2 =	vge.f32 v8, v6  }
0x190: {  	v9 =	vsel vm2, $0x1, v0  }
0x191: {  	(xrf0) =	vadd.scan.msk.s32 $0xffff, v9;
	_ =	sdelay $0x4  }
0x192: {  	v50 =	vsel vm2, $0xFFFFFFFF, v0  }
0x193: {  	v9 =	vadd.s32 v50, v7;
	v10, _, _ =	vpop (xrf0)  }
0x194: {  	v9 =	vadd.s32 v10, v9;
	_ =	sdelay $0x3  }
0x195: {  	s30 =	sadd.s32 $0x10, s24  }
0x196: {  	s28 =	sand.u32 $0x50, s30;
	[tilespmem:v9+s11+$0x0] =	vst.idx.msk vm2, v8;
	v8 =	vor.u32 s24, v1  }
0x197: {  	s28 =	sor.u32 s28, s25;
	[tilespmem:v9+s12+$0x0] =	vst.idx.msk vm2, v8  }
0x198: {  	v8 =	vld.idx.msk [tilespmem:v5+s28+$0x0 ss:$0x1], $0xffff;
	_ =	sdelay $0x4  }
0x199: {  	vm3 =	vge.f32 v8, v6  }
0x19a: {  	v51 =	vsel vm3, $0x1, v0  }
0x19b: {  	(xrf0) =	vadd.scan.msk.s32 $0xffff, v51;
	_ =	sdelay $0x2  }
0x19c: {  	v52 =	vmpcnt.ones.xlane vm2;
	_ =	sdelay $0x1  }
0x19d: {  	v7 =	vadd.s32 v7, v52;
	v53 =	vsel vm3, $0xFFFFFFFF, v0  }
0x19e: {  	v9 =	vadd.s32 v53, v7;
	v54, _, _ =	vpop (xrf0)  }
0x19f: {  	v9 =	vadd.s32 v54, v9;
	_ =	sdelay $0x3  }
0x1a0: {  	s31 =	sadd.s32 $0x20, s24  }
0x1a1: {  	s29 =	sand.u32 $0x60, s31;
	[tilespmem:v9+s11+$0x0] =	vst.idx.msk vm3, v8;
	v8 =	vor.u32 s30, v1  }
0x1a2: {  	s26 =	sor.u32 s29, s25;
	[tilespmem:v9+s12+$0x0] =	vst.idx.msk vm3, v8  }
0x1a3: {  	v8 =	vld.idx.msk [tilespmem:v5+s26+$0x0 ss:$0x1], $0xffff;
	_ =	sdelay $0x4  }
0x1a4: {  	vm2 =	vge.f32 v8, v6  }
0x1a5: {  	v55 =	vsel vm2, $0x1, v0  }
0x1a6: {  	(xrf0) =	vadd.scan.msk.s32 $0xffff, v55;
	_ =	sdelay $0x2  }
0x1a7: {  	v56 =	vmpcnt.ones.xlane vm3;
	_ =	sdelay $0x1  }
0x1a8: {  	v7 =	vadd.s32 v7, v56;
	v57 =	vsel vm2, $0xFFFFFFFF, v0  }
0x1a9: {  	v9 =	vadd.s32 v57, v7;
	v58, _, _ =	vpop (xrf0)  }
0x1aa: {  	v9 =	vadd.s32 v58, v9;
	_ =	sdelay $0x3  }
0x1ab: {  	s30 =	sadd.s32 $0x30, s24  }
0x1ac: {  	[tilespmem:v9+s11+$0x0] =	vst.idx.msk vm2, v8;
	v8 =	vor.u32 s31, v1;
	s31 =	sand.u32 $0x70, s30  }
0x1ad: {  	[tilespmem:v9+s12+$0x0] =	vst.idx.msk vm2, v8;
	s25 =	sor.u32 s31, s25  }
0x1ae: {  	v8 =	vld.idx.msk [tilespmem:v5+s25+$0x0 ss:$0x1], $0xffff;
	_ =	sdelay $0x4  }
0x1af: {  	vm3 =	vge.f32 v8, v6  }
0x1b0: {  	v59 =	vsel vm3, $0x1, v0  }
0x1b1: {  	(xrf0) =	vadd.scan.msk.s32 $0xffff, v59;
	_ =	sdelay $0x2  }
0x1b2: {  	v60 =	vmpcnt.ones.xlane vm2;
	_ =	sdelay $0x1  }
0x1b3: {  	v7 =	vadd.s32 v7, v60;
	v61 =	vsel vm3, $0xFFFFFFFF, v0  }
0x1b4: {  	v9 =	vadd.s32 v61, v7;
	v62, _, _ =	vpop (xrf0)  }
0x1b5: {  	v9 =	vadd.s32 v62, v9  }
0x1b6: {  	p0 =	sne.s32 s24, $0x3C0  }
.Ltmp17:
0x1b7: {  	_ = 	snop;
	(pc) =	sbr.rel @p0 .LBB2_19-.Ltmp17, $4  }
0x1b8: {  	_ = 	snop  }
0x1b9: {  	v63 =	vmpcnt.ones.xlane vm3  }
0x1ba: {  	[tilespmem:v9+s11+$0x0] =	vst.idx.msk vm3, v8;
	v8 =	vor.u32 s30, v1  }
0x1bb: {  	s23 =	sadd.s32 $0x200, s23;
	s24 =	sadd.s32 $0x40, s24;
	v7 =	vadd.s32 v7, v63;
	[tilespmem:v9+s12+$0x0] =	vst.idx.msk vm3, v8  }
0x1bc: {  	(xrf0) =	vadd.scan.msk.s32 $0xffff, v7;
	_ =	sdelay $0x5  }
0x1bd: {  	v5, _, _ =	vpop (xrf0)  }
0x1be: {  	(v2sf) =	vpush v5, $0xF;
	_ =	sdelay $0xe  }
0x1bf: {  	s23 =	spop (v2sf)  }
0x1c0: {  	s24 =	sand.u32 $0xF, s23  }
0x1c1: {  	s25 =	sshra.s32 s23, $0x1F;
	p0 =	slt.s32 s23, $0x1;
	p1 =	sne.s32 s24, $0x0  }
0x1c2: {  	s29 =	sshrl.u32 s25, $0x1C;
	p0 =	por !p0, !p1  }
0x1c3: {  	s24 =	simm.s32 $0x1;
	s23 =	sadd.s32 s29, s23;
	p0 =	por !p0, !p0  }
0x1c4: {  	s23 =	sshra.s32 s23, $0x4;
	s24 =	simm.s32 @!p0 $0x0  }
0x1c5: {  	s23 =	ssub.s32 s23, s24  }
0x1c6: {  	[tilespmem:s23+$0x4000] =	vst v2  }
0x1c7: {  	v5 =	vld [tilespmem:$0x4000]  }
0x1c8: {  	v6 =	vld [tilespmem:$0x4480]  }
0x1c9: {  	v7 =	vld [tilespmem:$0x4010]  }
0x1ca: {  	v8 =	vld [tilespmem:$0x4490];
	_ =	sdelay $0x3  }
0x1cb: {  	(xrf1) =	vsort.dscd.msk.f32 $0xffff, v5, v6  }
0x1cc: {  	(xrf1) =	vsort.dscd.msk.f32 $0xffff, v7, v8;
	_ =	sdelay $0xc  }
0x1cd: {  	v5, v6, _ =	vpop (xrf1)  }
0x1ce: {  	v7, v8, _ =	vpop (xrf1)  }
0x1cf: {  	v7 =	vperm.xlane v7, v3  }
0x1d0: {  	v8 =	vperm.xlane v8, v3  }
0x1d1: {  	vm2 =	vge.f32 v5, v7  }
0x1d2: {  	v9 =	vsel vm2, v5, v7;
	v10 =	vsel vm2, v6, v8  }
0x1d3: {  	v5 =	vsel vm2, v7, v5;
	v6 =	vsel vm2, v8, v6;
	(xrf1) =	vsort.dscd.msk.f32 $0xffff, v9, v10  }
0x1d4: {  	(xrf1) =	vsort.dscd.msk.f32 $0xffff, v5, v6;
	_ =	sdelay $0x1  }
0x1d5: {  	s24 =	sadd.s32 $0xF, s23  }
0x1d6: {  	s30 =	sand.u32 $0xF, s24  }
0x1d7: {  	p5 =	slt.s32 s23, $0xFFFFFFF2;
	s31 =	sshra.s32 s24, $0x1F;
	p6 =	sne.s32 s30, $0x0  }
0x1d8: {  	s23 =	sshrl.u32 s31, $0x1C;
	p0 =	por !p5, !p6  }
0x1d9: {  	s23 =	sadd.s32 s23, s24;
	s24 =	simm.s32 $0x1;
	p0 =	por !p0, !p0  }
0x1da: {  	s23 =	sshra.s32 s23, $0x4;
	s24 =	simm.s32 @!p0 $0x0  }
0x1db: {  	s24 =	ssub.s32 s23, s24  }
0x1dc: {  	p1 =	slt.s32 s24, $0x3  }
.Ltmp18:
0x1dd: {  	_ = 	snop;
	(pc) =	sbr.rel @p1 .LBB2_27-.Ltmp18, $3  }
0x1de: {  	_ =	sdelay $0x1  }
0x1df: {  	v7, v5, _ =	vpop (xrf1)  }
0x1e0: {  	v8, v6, _ =	vpop (xrf1)  }
0x1e1: {  	s24 =	simm.s32 $0x4020  }
0x1e2: {  	v9 =	vld [tilespmem:s24+$0x0];
	s24 =	simm.s32 $0xFFFFFFFF  }
0x1e3: {  	s24 =	simm.s32 @!p0 $0x0  }
0x1e4: {  	s23 =	sadd.s32 s24, s23  }
0x1e5: {  	s25 =	simm.s32 $0x44A0;
	s23 =	sadd.s32 $0xFFFFFFFE, s23  }
0x1e6: {  	v10 =	vld [tilespmem:s25+$0x0];
	p1 =	sne.s32 s23, $0x1  }
.Ltmp19:
0x1e7: {  	_ = 	snop;
	(pc) =	sbr.rel @!p1 .LBB2_22-.Ltmp19, $2  }
0x1e8: {  	_ =	sdelay $0x2  }
0x1e9: {  	p0 =	por $0x0, $0x0;
	s25 =	sadd.s32 $0xFFFFFFFF, s23;
	(xrf1) =	vsort.dscd.msk.f32 $0xffff, v9, v10  }
0x1ea: {  	_ =	sdelay $0xc  }
0x1eb: {  	v9, v10, _ =	vpop (xrf1)  }
0x1ec: {  	v9 =	vperm.xlane v9, v3  }
0x1ed: {  	v10 =	vperm.xlane v10, v3  }
0x1ee: {  	vm2 =	vge.f32 v8, v9  }
0x1ef: {  	v9 =	vsel vm2, v8, v9;
	v10 =	vsel vm2, v6, v10  }
0x1f0: {  	s23 =	simm.s32 $0x4030;
	(xrf1) =	vsort.dscd.msk.f32 $0xffff, v9, v10  }
0x1f1: {  	s24 =	simm.s32 $0x44B0;
	v11 =	vld [tilespmem:s23+$0x0]  }
0x1f2: {  	v12 =	vld [tilespmem:s24+$0x0]  }
0x1f3: {  	p1 =	sne.s32 s25, $0x1  }
.Ltmp20:
0x1f4: {  	_ = 	snop;
	(pc) =	sbr.rel @!p1 .LBB2_24-.Ltmp20, $3  }
0x1f5: {  	_ =	sdelay $0x1  }
0x1f6: {  	(xrf1) =	vsort.dscd.msk.f32 $0xffff, v11, v12  }
0x1f7: {  	s25 =	sadd.s32 $0xFFFFFFFF, s25;
	p0 =	por $0x1, $0x1;
	v10 =	vmov v7;
	v9 =	vmov v5  }
.LBB2_25:
0x1f8: {  	p1 =	sne.s32 s25, $0x1;
	s25 =	sadd.s32 $0xFFFFFFFF, s25;
	_ =	sdelay $0x8  }
0x1f9: {  	v11, v12, _ =	vpop (xrf1)  }
0x1fa: {  	v11 =	vperm.xlane v11, v3  }
0x1fb: {  	v12 =	vperm.xlane v12, v3  }
0x1fc: {  	v13, v14, _ =	vpop (xrf1);
	vm2 =	vge.f32 v10, v11  }
0x1fd: {  	v13 =	vperm.xlane v13, v3;
	v15 =	vsel vm2, v11, v10;
	v16 =	vsel vm2, v12, v9  }
0x1fe: {  	v10 =	vsel vm2, v10, v11;
	v9 =	vsel vm2, v9, v12;
	(xrf1) =	vsort.dscd.msk.f32 $0xffff, v15, v16  }
0x1ff: {  	(xrf1) =	vsort.dscd.msk.f32 $0xffff, v10, v9;
	_ =	sdelay $0xb  }
0x200: {  	s23 =	sadd.s32 $0x10, s23  }
0x201: {  	s24 =	sadd.s32 $0x10, s24;
	v12 =	vperm.xlane v14, v3;
	v11 =	vld [tilespmem:s23+$0x0];
	v15, v14, _ =	vpop (xrf1)  }
0x202: {  	v16 =	vld [tilespmem:s24+$0x0];
	vm2 =	vge.f32 v15, v13;
	v10, v9, _ =	vpop (xrf1)  }
.Ltmp21:
0x203: {  	v13 =	vsel vm2, v15, v13;
	v12 =	vsel vm2, v14, v12;
	(pc) =	sbr.rel @p1 .LBB2_25-.Ltmp21, $2  }
0x204: {  	(xrf1) =	vsort.dscd.msk.f32 $0xffff, v13, v12;
	_ =	sdelay $0x2  }
0x205: {  	(xrf1) =	vsort.dscd.msk.f32 $0xffff, v11, v16  }
.Ltmp22:
0x206: {  	_ = 	snop;
	(pc) =	sbr.rel .LBB2_26-.Ltmp22, $1  }
0x207: {  	_ =	sdelay $0x3  }
.LBB2_24:
.Ltmp23:
0x208: {  	(pc) =	sbr.rel .LBB2_26-.Ltmp23, $2  }
0x209: {  	_ =	sdelay $0x2  }
0x20a: {  	v10 =	vmov v7;
	v9 =	vmov v5  }
.LBB2_30:
0x20b: {  	_ =	sfence.sel $0x180000  }
0x20c: {  	[bflag:$0x0] =	sbarrier.arrive $0xFFFF  }
0x20d: {  	p0 =	sne.s32 s0, $0x0;
	_ =	strace $0x90000047  }
0x20e: {  	s0 =	sadd.s32 @!p0 $0x100000, s1;
	[bflag:$0x2] =	sbarrier.arrive $0xFFFF  }
0x20f: {  	[sflag:s0] =	ssyncadd.tile.s32 @!p0 $0x1;
	_ =	shalt  }
.Lfunc_end2:
_tile_overlayer_lowered:
.L_overlay_start_2:
0x210: {  	(tag) =	ssettag $0x2  }
0x211: {  	s0 =	rddreg [dreg:$0x0];
	s2 =	stileid.u32  }
0x212: {  	s1 =	rddreg [dreg:$0x1];
	p0 =	sne.s32 s2, $0x0  }
0x213: {  	s3 =	rddreg [dreg:$0x2];
	[bflag:$0x3] =	sbarrier.arrive $0xFFFF;
	s2 =	simm.s32 @!p0 $0x1C03  }
0x214: {  	[timem:s3], [sflag:s2] =	dma.local @!p0 [hbm:s0], s1  }
0x215: {  	s0 =	simm.s32 @!p0 $0x3  }
0x216: {  	_ =	swait.ge @!p0 [sflag:s0], s1  }
0x217: {  	s1 =	ssub.s32 @!p0 $0x0, s1;
	[sflag:s0] =	ssyncset.done @!p0 $0x0  }
0x218: {  	[sflag:s0] =	ssyncadd.s32 @!p0 s1  }
0x219: {  	[bflag:$0x3] =	sbarrier.arrive $0xFFFF  }
0x21a: {  	_ =	shalt  }

// kernel: kernel.9.cloned.1.call-start
scs
__scs_entry_jumppad:
0x0: {  	(pc) =	sbr.rel $0x88, $3  }
0x1: {  	(tag) =	ssettag $0x0;
	lr =	simm.s32 $0x1  }
0x2: {  	[smem:$0x3F98] =	sst lr;
	_ =	strace $0xD0000000  }
0x3: {  	_ = 	snop  }
0x4: {  	_ = 	snop  }
0x5: {  	_ = 	snop  }
0x6: {  	_ = 	snop  }
0x7: {  	_ = 	snop  }
__scs_overlays_trampoline_lowered:
0x8: {  	[smem:$0x3FA7] =	sst s0  }
0x9: {  	[smem:$0x3FA8] =	sst s1  }
0xa: {  	[smem:$0x3FA9] =	sst s2  }
0xb: {  	[smem:$0x3FAA] =	sst s3  }
0xc: {  	[smem:$0x3FAB] =	sst s4  }
0xd: {  	[smem:$0x3FAC] =	sst s5  }
0xe: {  	[smem:$0x3FAD] =	sst s6  }
0xf: {  	[smem:$0x3FAE] =	sst s7  }
0x10: {  	[smem:$0x3FAF] =	sst s8  }
0x11: {  	[smem:$0x3FB0] =	sst s9;
	s0 =	simm.s32 @!p0 $0x0  }
0x12: {  	s1 =	sld [smem:$0x3F96];
	s0 =	simm.s32 @p0 $0x1  }
0x13: {  	[smem:$0x3FB1] =	sst s0;
	s0 =	simm.s32 @!p1 $0x0  }
0x14: {  	s2 =	sld [smem:$0x3F95];
	s0 =	simm.s32 @p1 $0x1  }
0x15: {  	[smem:$0x3FB2] =	sst s0;
	s0 =	simm.s32 @!p2 $0x0  }
0x16: {  	s3 =	sld [smem:$0x3FDB];
	s0 =	simm.s32 @p2 $0x1  }
0x17: {  	s4 =	simm.s32 $0x1BF5;
	[smem:$0x3FB4] =	sst s0  }
0x18: {  	s0 =	sld [smem:$0x3F97];
	_ =	swait.ge [sflag:s4], $0x0  }
0x19: {  	s7 =	sld [smem:$0x3F98]  }
0x1a: {  	s8 =	sadd.s32 $0xFFFFE003, lr  }
0x1b: {  	s9 =	sadd.s32 $0xFFFFFEF7, lr;
	s5 =	simm.s32 $0xFFFFFFFF;
	p2 =	slt.u32 s8, $0xFFFFF086  }
0x1c: {  	p1 =	slt.u32 s9, $0xF7A;
	s5 =	simm.s32 @!p2 $0x0  }
0x1d: {  	s5 =	simm.s32 @p1 $0x1;
	p0 =	seq.s32 s7, s2  }
0x1e: {  	s7 =	smul.u32 @!p0 $0xF7A, s2;
	p2 =	seq.s32 @!p0 s5, $0x0  }
0x1f: {  	s9 =	smul.u32 $0xF7A, s1;
	s8 =	simm.s32 @!p0 $0x1BF5;
	p2 =	por !p2, p0  }
0x20: {  	[sflag:s8] =	ssyncset.s32 @!p0 $0xFFFFF086;
	s6 =	sadd.s32 @!p0 s3, s7;
	s7 =	simm.s32 @!p0 $0x108  }
0x21: {  	s3 =	sadd.s32 s3, s9;
	s6 =	sadd.s32 @!p0 $0x88, s6;
	s7 =	simm.s32 @p2 $0x1082  }
0x22: {  	[simem:s7], [sflag:s8] =	dma.local @!p0 [hbm:s6], $0xF7A  }
0x23: {  	s9 =	sor.u32 $0xD0000000, s2;
	s6 =	simm.s32 $0x108;
	_ =	swait.ge @!p0 [sflag:s8], $0x0  }
0x24: {  	s3 =	sadd.s32 $0x88, s3;
	s6 =	simm.s32 @!p1 $0x1082;
	[sflag:s4] =	ssyncset.s32 $0xFFFFF086  }
0x25: {  	[simem:s6], [sflag:s4] =	dma.local [hbm:s3], $0xF7A  }
0x26: {  	[smem:$0x3F98] =	sst s1;
	(tag) =	ssettag s2;
	_ =	strace s9  }
0x27: {  	s1 =	sld [smem:$0x3FA8]  }
0x28: {  	s2 =	sld [smem:$0x3FA9]  }
0x29: {  	s4 =	sld [smem:$0x3FAB]  }
0x2a: {  	p0 =	seq.s32 s5, $0x0;
	s5 =	sld [smem:$0x3FAC]  }
0x2b: {  	s6 =	sld [smem:$0x3FAD]  }
0x2c: {  	s7 =	sld [smem:$0x3FAE]  }
0x2d: {  	s3 =	simm.s32 $0x108;
	s8 =	sld [smem:$0x3FAF]  }
0x2e: {  	s3 =	simm.s32 @!p0 $0x1082;
	s9 =	sld [smem:$0x3FB0]  }
0x2f: {  	lr =	sadd.s32 s0, s3;
	s0 =	sld [smem:$0x3FA7]  }
0x30: {  	s3 =	sld [smem:$0x3FAA]  }
0x31: {  	[smem:$0x3FB3] =	sst s10  }
0x32: {  	s10 =	sld [smem:$0x3FB1];
	_ =	sdelay $0x3  }
0x33: {  	p0 =	seq.s32 s10, $0x1;
	s10 =	sld [smem:$0x3FB3];
	_ =	sdelay $0x3  }
0x34: {  	[smem:$0x3FB3] =	sst s10  }
0x35: {  	s10 =	sld [smem:$0x3FB2];
	_ =	sdelay $0x3  }
0x36: {  	p1 =	seq.s32 s10, $0x1;
	s10 =	sld [smem:$0x3FB3];
	_ =	sdelay $0x3  }
0x37: {  	[smem:$0x3FB3] =	sst s10  }
0x38: {  	s10 =	sld [smem:$0x3FB4]  }
0x39: {  	_ = 	snop;
	(pc) =	sbr.ind lr, $3  }
0x3a: {  	_ = 	snop  }
0x3b: {  	_ = 	snop  }
0x3c: {  	p2 =	seq.s32 s10, $0x1;
	s10 =	sld [smem:$0x3FB3]  }
0x3d: {  	_ =	shalt  }
0x3e: {  	_ =	shalt  }
0x3f: {  	_ =	shalt  }
0x40: {  	_ =	shalt  }
0x41: {  	_ =	shalt  }
0x42: {  	_ =	shalt  }
0x43: {  	_ =	shalt  }
0x44: {  	_ =	shalt  }
0x45: {  	_ =	shalt  }
0x46: {  	_ =	shalt  }
0x47: {  	_ =	shalt  }
0x48: {  	_ =	shalt  }
0x49: {  	_ =	shalt  }
0x4a: {  	_ =	shalt  }
0x4b: {  	_ =	shalt  }
0x4c: {  	_ =	shalt  }
0x4d: {  	_ =	shalt  }
0x4e: {  	_ =	shalt  }
0x4f: {  	_ =	shalt  }
0x50: {  	_ =	shalt  }
0x51: {  	_ =	shalt  }
0x52: {  	_ =	shalt  }
0x53: {  	_ =	shalt  }
0x54: {  	_ =	shalt  }
0x55: {  	_ =	shalt  }
0x56: {  	_ =	shalt  }
0x57: {  	_ =	shalt  }
0x58: {  	_ =	shalt  }
0x59: {  	_ =	shalt  }
0x5a: {  	_ =	shalt  }
0x5b: {  	_ =	shalt  }
0x5c: {  	_ =	shalt  }
0x5d: {  	_ =	shalt  }
0x5e: {  	_ =	shalt  }
0x5f: {  	_ =	shalt  }
0x60: {  	_ =	shalt  }
0x61: {  	_ =	shalt  }
0x62: {  	_ =	shalt  }
0x63: {  	_ =	shalt  }
0x64: {  	_ =	shalt  }
0x65: {  	_ =	shalt  }
0x66: {  	_ =	shalt  }
0x67: {  	_ =	shalt  }
0x68: {  	_ =	shalt  }
0x69: {  	_ =	shalt  }
0x6a: {  	_ =	shalt  }
0x6b: {  	_ =	shalt  }
0x6c: {  	_ =	shalt  }
0x6d: {  	_ =	shalt  }
0x6e: {  	_ =	shalt  }
0x6f: {  	_ =	shalt  }
0x70: {  	_ =	shalt  }
0x71: {  	_ =	shalt  }
0x72: {  	_ =	shalt  }
0x73: {  	_ =	shalt  }
0x74: {  	_ =	shalt  }
0x75: {  	_ =	shalt  }
0x76: {  	_ =	shalt  }
0x77: {  	_ =	shalt  }
0x78: {  	_ =	shalt  }
0x79: {  	_ =	shalt  }
0x7a: {  	_ =	shalt  }
0x7b: {  	_ =	shalt  }
0x7c: {  	_ =	shalt  }
0x7d: {  	_ =	shalt  }
0x7e: {  	_ =	shalt  }
0x7f: {  	_ =	shalt  }
0x80: {  	_ =	shalt  }
0x81: {  	_ =	shalt  }
0x82: {  	_ =	shalt  }
0x83: {  	_ =	shalt  }
0x84: {  	_ =	shalt  }
0x85: {  	_ =	shalt  }
0x86: {  	_ =	shalt  }
0x87: {  	_ =	shalt  }
.Lfunc_end0:
.L_simem_size_0:
called_computation.1_lowered:
.L_overlay_start_0:
0x88: {  	s2 =	sld [smem:$0x3FD9]  }
0x89: {  	s3 =	sld [smem:$0x3FFE];
	_ =	sdelay $0x1  }
0x8a: {  	s1 =	srdreg.scid  }
0x8b: {  	s0 =	sand.u32 $0x1, s1  }
0x8c: {  	s17 =	sshll.u32 s0, $0xA;
	s2 =	sadd.s32 s3, s2  }
0x8d: {  	s2 =	sadd.s32 s2, s17  }
0x8e: {  	[smem:$0x3FBF] =	sst s2  }
0x8f: {  	_ = 	snop  }
0x90: {  	(tm) =	ssettm $0x1  }
0x91: {  	s18 =	sld [smem:$0x3FFB];
	_ =	sdelay $0x3  }
0x92: {  	_ =	strace s18  }
0x93: {  	s2 =	sld [smem:$0x3FFC];
	_ =	sdelay $0x3  }
0x94: {  	_ =	strace s2  }
0x95: {  	s2 =	sld [smem:$0x3FFD];
	_ =	sdelay $0x3  }
0x96: {  	_ =	strace s2  }
0x97: {  	_ =	strace $0x8FFFFFFF  }
0x98: {  	s19 =	sld [smem:$0x3FDB];
	_ =	sdelay $0x1  }
0x99: {  	s20 =	simm.s32 $_scs_section_size  }
0x9a: {  	s4 =	simm.s32 $_size__tile_overlayer_lowered;
	s5 =	simm.s32 $_tile_overlayer_lowered  }
0x9b: {  	s6 =	simm.s32 $0x1BFF;
	s21 =	sshll.u32 s5, $0x1;
	s3 =	sadd.s32 s20, s19  }
0x9c: {  	s22 =	simm.s32 $0x0;
	s4 =	sshll.u32 s4, $0x1;
	s5 =	sadd.s32 s21, s3  }
0x9d: {  	[timem:s22], [sflag:s6] =	dma.local [hbm:s5], s4  }
0x9e: {  	_ =	swait.ge [sflag:s6], s4  }
0x9f: {  	s4 =	ssub.s32 $0x0, s4;
	[sflag:s6] =	ssyncset.done $0x0  }
0xa0: {  	[sflag:s6] =	ssyncadd.s32 s4;
	_ =	sdelay $0x1  }
0xa1: {  	s23 =	simm.s32 $0x1B8B  }
0xa2: {  	_ =	swait.ge [sflag:s23], $0x1  }
0xa3: {  	[sflag:s23] =	ssyncset.done $0x0  }
0xa4: {  	[sflag:s23] =	ssyncadd.s32 $0xFFFFFFFF  }
0xa5: {  	s4 =	sld [smem:$0x0]  }
0xa6: {  	s5 =	sand.u32 $0xFFFFFFFE, s1  }
0xa7: {  	p0 =	sne.s32 s1, s5  }
0xa8: {  	s5 =	sshll.u32 @p0 s5, $0xE  }
0xa9: {  	s5 =	sadd.s32 @p0 $0x11B8D, s5;
	s6 =	sshll.u32 @p0 s4, $0x11  }
0xaa: {  	s5 =	sor.u32 @p0 s6, s5  }
0xab: {  	[sflag:s5] =	ssyncadd.remote.s32 @p0 $0x1;
	_ =	sdelay $0x1  }
0xac: {  	s5 =	simm.s32 @p0 $0x1B8D  }
0xad: {  	_ =	swait.eq @p0 [sflag:s5], $0x1  }
0xae: {  	[sflag:s5] =	ssyncadd.s32 @p0 $0xFFFFFFFF  }
0xaf: {  	s6 =	sshll.u32 @!p0 s1, $0xE  }
0xb0: {  	s6 =	sor.u32 @!p0 $0x4000, s6;
	s5 =	simm.s32 @!p0 $0x1B8D  }
0xb1: {  	s4 =	sshll.u32 @!p0 s4, $0x11;
	s6 =	sadd.s32 @!p0 $0x11B8D, s6;
	_ =	swait.eq @!p0 [sflag:s5], $0x1  }
0xb2: {  	s4 =	sor.u32 @!p0 s4, s6;
	[sflag:s5] =	ssyncadd.s32 @!p0 $0xFFFFFFFF  }
0xb3: {  	s25 =	simm.s32 $0x1B8E;
	s24 =	sld [smem:$0x3FFE];
	[sflag:s4] =	ssyncadd.remote.s32 @!p0 $0x1  }
0xb4: {  	s26 =	simm.s32 $execute0_lowered;
	[smem:$0x3FD2] =	sst s25  }
0xb5: {  	s5 =	sshll.u32 s26, $0x1;
	_ =	strace $0x80000049;
	[dreg:$0x1] =	wrdreg $0xFFFFFFFF  }
0xb6: {  	s28 =	simm.s32 $_size_execute0_lowered;
	s3 =	sadd.s32 s3, s5;
	[dreg:$0x0] =	wrdreg $0x0  }
0xb7: {  	s5 =	sshll.u32 s28, $0x1;
	[dreg:$0x2] =	wrdreg s3  }
0xb8: {  	[dreg:$0x3] =	wrdreg s5  }
0xb9: {  	[dreg:$0x4] =	wrdreg $0xC0  }
0xba: {  	_ =	task [dreg:s22], $0x5FFFF  }
0xbb: {  	[dreg:$0x1] =	wrdreg $0xFFFFFFFF  }
0xbc: {  	[dreg:$0x0] =	wrdreg $0x60  }
0xbd: {  	[dreg:$0x2] =	wrdreg s24  }
0xbe: {  	[dreg:$0x3] =	wrdreg $0xA  }
0xbf: {  	_ =	task.clear_ibuf [dreg:s22], $0x4FFFF;
	_ =	strace $0x90000049  }
0xc0: {  	s29 =	simm.s32 $0xA;
	_ =	strace $0x8000004B  }
0xc1: {  	_ =	swait.ge [sflag:s29], $0x1  }
0xc2: {  	[sflag:s29] =	ssyncadd.s32 $0xFFFFFFFF  }
0xc3: {  	_ =	strace $0x9000004B  }
0xc4: {  	_ =	sfence  }
0xc5: {  	s30 =	sld [smem:$0x0];
	_ =	sdelay $0x2  }
0xc6: {  	s31 =	sshll.u32 s1, $0xD;
	s1 =	sshrl.u32 s1, $0x2  }
0xc7: {  	s4 =	sand.u32 $0x4000, s31;
	s1 =	sadd.s32 s1, s30  }
0xc8: {  	s0 =	sor.u32 s4, s0;
	s1 =	sshll.u32 s1, $0x11  }
0xc9: {  	s0 =	sor.u32 s1, s0  }
0xca: {  	s0 =	sadd.s32 $0x8F2B, s0  }
0xcb: {  	[sflag:s0] =	ssyncadd.remote.s32 $0x1  }
0xcc: {  	_ =	sfence.sel $0xFFFF  }
0xcd: {  	[dreg:$0x0] =	wrdreg $0xFFFFFFFF;
	(pc) =	sbr.abs _section_cstart, $3  }
0xce: {  	[dreg:$0x1] =	wrdreg $0xFFFFFFFF  }
0xcf: {  	_ =	task.clear_ibuf [dreg:s22], $0x2FFFF;
	_ =	strace $0x9FFFFFFF  }
0xd0: {  	(tm) =	ssettm $0x7FFFFFFF  }
0xd1: {  	_ =	shalt  }
tec
execute0_lowered:
.L_overlay_start_1:
0x0: {  	(tag) =	ssettag $0x1  }
0x1: {  	vm0 =	vcmask $0xB08;
	vm1 =	vcmask $0x300  }
0x2: {  	vm0 =	vmor vm1, vm0;
	vm1 =	vcmask $0x1310  }
0x3: {  	vm0 =	vmor vm0, vm1;
	vm1 =	vcmask $0x1B18  }
0x4: {  	s1 =	srdreg.scid;
	vm0 =	vmor vm0, vm1;
	vm1 =	vcmask $0x2320  }
0x5: {  	s0 =	stileid.u32;
	s7 =	rddreg [dreg:$0x0];
	s2 =	simm.s32 $0x0;
	vm0 =	vmor vm0, vm1;
	vm1 =	vcmask $0x2B28  }
0x6: {  	s10 =	simm.s32 $0x2000;
	s11 =	simm.s32 $0x4000;
	s12 =	simm.s32 $0x4480;
	vm0 =	vmor vm0, vm1;
	vm1 =	vcmask $0x3330  }
0x7: {  	vm2 =	vcmask $0x704;
	s13 =	simm.s32 $0x4900;
	s14 =	simm.s32 $0x3;
	s15 =	simm.s32 $0x4D00;
	vm0 =	vmor vm0, vm1;
	vm1 =	vcmask $0xF0C  }
0x8: {  	vm3 =	vcmask $0x3B38;
	s16 =	simm.s32 $0x2;
	s4 =	sand.u32 $0x1, s1;
	s1 =	rddreg [dreg:$0x1];
	vm1 =	vmor vm2, vm1;
	vm2 =	vcmask $0x1714  }
0x9: {  	v0 =	vimm.s32 $0x0;
	s17 =	simm.s32 $0x0;
	s5 =	sshll.u32 s0, $0x8;
	[smem:$0x7FF] =	sst s2;
	vm1 =	vmor vm1, vm2;
	vm2 =	vcmask $0x1F1C  }
.Ltmp0:
0xa: {  	v1 =	vlaneseq.u32;
	s3 =	sshll.u32 s4, $0xC;
	s6 =	ssub.s32 $0x2, s4;
	vm1 =	vmor vm1, vm2;
	vm2 =	vcmask $0x2724;
	(pc) =	sbr.rel .LBB2_1-.Ltmp0, $4  }
0xb: {  	v2 =	vimm.f32 $-Inf;
	_ =	strace $0x8000004A;
	s3 =	sor.u32 s5, s3;
	s9 =	sshrl.u32 s6, $0x1;
	vm1 =	vmor vm1, vm2;
	vm2 =	vcmask $0x2F2C  }
0xc: {  	v3 =	vmul.u32 $0xFFFFFFFF, v1;
	s4 =	sadd.s32 $0x241A00, s7;
	s5 =	sshll.u32 s3, $0x7;
	s9 =	ssub.s32 s6, s9;
	vm1 =	vmor vm1, vm2;
	vm2 =	vcmask $0x3734  }
0xd: {  	v4 =	vimm.f32 $+Inf;
	s8 =	sadd.s32 s5, s7;
	s5 =	sadd.s32 $0x261A00, s7;
	s7 =	sadd.s32 $0x141E00, s7;
	vm1 =	vmor vm1, vm2;
	vm2 =	vcmask $0x3F3C  }
0xe: {  	v3 =	vadd.s32 $0xF, v3;
	s6 =	sadd.s32 $0x141A00, s8;
	s8 =	smax.u32 s9, $0x1;
	s9 =	simm.s32 $0x1;
	vm0 =	vmor vm0, vm3;
	vm1 =	vmor vm1, vm2  }
.LBB2_29:
0xf: {  	s17 =	sadd.s32 $0x1, s17  }
0x10: {  	p0 =	sne.s32 s17, s8  }
.Ltmp1:
0x11: {  	_ = 	snop;
	(pc) =	sbr.rel @!p0 .LBB2_30-.Ltmp1, $1  }
0x12: {  	_ =	sdelay $0x3  }
.LBB2_1:
.Ltmp2:
0x13: {  	(pc) =	sbr.rel .LBB2_2-.Ltmp2, $3  }
0x14: {  	_ =	sdelay $0x1  }
0x15: {  	[tilespmem:s2], [sflag:$0x1] =	stream.linear.gather [hbm4b:s6+s2], $0x2000, $0x38;
	[tilespmem:$0x5200] =	vst v63  }
0x16: {  	s18 =	simm.s32 $0x0  }
.LBB2_28:
0x17: {  	s19 =	sshll.u32 s19, $0x4  }
0x18: {  	s20 =	sadd.s32 s4, s19  }
0x19: {  	[hbm4b:s20+s2] =	stream.linear.scatter [tilespmem:s13], [sflag:$0x3], $0x400, $0x38;
	[tilespmem:$0x5200] =	vst v63  }
0x1a: {  	s18 =	sadd.s32 $0x1, s18;
	_ =	swait.ge [sflag:s14], $0x400  }
0x1b: {  	p0 =	sne.s32 s18, $0x10;
	[sflag:s14] =	ssyncset.done $0x0  }
.Ltmp3:
0x1c: {  	s19 =	sadd.s32 s5, s19;
	[sflag:s14] =	ssyncadd.s32 $0xFFFFFC00;
	(pc) =	sbr.rel @!p0 .LBB2_29-.Ltmp3, $4  }
0x1d: {  	[hbm4b:s19+s2] =	stream.linear.scatter [tilespmem:s15], [sflag:$0x3], $0x400, $0x38;
	[tilespmem:$0x5200] =	vst v63  }
0x1e: {  	_ =	swait.ge [sflag:s14], $0x400  }
0x1f: {  	[sflag:s14] =	ssyncset.done $0x0  }
0x20: {  	[sflag:s14] =	ssyncadd.s32 $0xFFFFFC00  }
.LBB2_2:
0x21: {  	s19 =	sshll.u32 s18, $0x4  }
.Ltmp4:
0x22: {  	_ =	swait.ge [sflag:s9], $0x2000;
	s19 =	sor.u32 s3, s19;
	(pc) =	sbr.rel .LBB2_3-.Ltmp4, $4  }
0x23: {  	[sflag:s9] =	ssyncset.done $0x0;
	s20 =	sshll.u32 s19, $0x7  }
0x24: {  	[sflag:s9] =	ssyncadd.s32 $0xFFFFE000;
	s21 =	sadd.s32 s20, s7;
	s20 =	simm.s32 $0x0  }
0x25: {  	[tilespmem:s10], [sflag:$0x2] =	stream.linear.gather [hbm4b:s21+s20], $0x2000, $0x38;
	[tilespmem:$0x5200] =	vst v63  }
0x26: {  	s21 =	simm.s32 $0x0  }
.LBB2_9:
0x27: {  	v10 =	vmov v7;
	v9 =	vmov v5  }
.LBB2_13:
0x28: {  	_ =	sdelay $0x4  }
0x29: {  	v11, v12, _ =	vpop @p0 (xrf1)  }
0x2a: {  	v11 =	vperm.xlane @p0 v11, v3  }
0x2b: {  	v12 =	vperm.xlane @p0 v12, v3  }
0x2c: {  	vm2 =	vge.f32 @p0 v10, v11  }
0x2d: {  	v13 =	vsel @p0 vm2, v11, v10;
	v14 =	vsel @p0 vm2, v12, v9  }
0x2e: {  	(xrf1) =	vsort.dscd.msk.f32 @p0 $0xffff, v13, v14;
	_ =	sdelay $0xc  }
0x2f: {  	v13, v14, _ =	vpop (xrf1)  }
0x30: {  	v13 =	vperm.xlane v13, v3;
	v15, v16, _ =	vpop @p0 (xrf1)  }
0x31: {  	v10 =	vsel @p0 vm2, v10, v11;
	v11 =	vperm.xlane v14, v3;
	v8 =	vpsel p0, v15, v8  }
0x32: {  	v9 =	vsel @p0 vm2, v9, v12;
	v6 =	vpsel p0, v16, v6;
	vm2 =	vge.f32 v8, v13  }
0x33: {  	(xrf1) =	vsort.dscd.msk.f32 @p0 $0xffff, v10, v9;
	v8 =	vsel vm2, v8, v13;
	v6 =	vsel vm2, v6, v11  }
0x34: {  	(xrf1) =	vsort.dscd.msk.f32 $0xffff, v8, v6;
	_ =	sdelay $0xc  }
0x35: {  	v6, v8, _ =	vpop @p0 (xrf1)  }
0x36: {  	v9, v10, _ =	vpop (xrf1)  }
0x37: {  	v9 =	vperm.xlane v9, v3  }
0x38: {  	v6 =	vpsel p0, v6, v7;
	v7 =	vperm.xlane v10, v3  }
0x39: {  	v5 =	vpsel p0, v8, v5;
	vm2 =	vge.f32 v6, v9  }
0x3a: {  	v8 =	vsel vm2, v9, v6;
	v10 =	vsel vm2, v7, v5  }
0x3b: {  	v6 =	vsel vm2, v6, v9;
	v5 =	vsel vm2, v5, v7;
	(xrf1) =	vsort.dscd.msk.f32 $0xffff, v8, v10  }
0x3c: {  	(xrf1) =	vsort.dscd.msk.f32 $0xffff, v6, v5;
	_ =	sdelay $0xc  }
0x3d: {  	v8, v6, _ =	vpop (xrf1)  }
0x3e: {  	v7, v5, _ =	vpop (xrf1)  }
.LBB2_14:
0x3f: {  	(xrf0) =	vmax.scan.msk.f32 $0xffff, v7;
	_ =	sdelay $0x5  }
0x40: {  	v9, _, _ =	vpop (xrf0)  }
0x41: {  	v9 =	vbroadcast v9, $0xF;
	_ =	sdelay $0x1  }
0x42: {  	v10 =	vsub.f32 v7, v9  }
0x43: {  	v9 =	vsub.f32 v8, v9  }
0x44: {  	v10 =	vmul.f32 $1.442695020e+00, v10  }
0x45: {  	v9 =	vmul.f32 $1.442695020e+00, v9  }
0x46: {  	(erf) = vpow2.f32 v10  }
0x47: {  	(erf) = vpow2.f32 v9;
	_ =	sdelay $0x7  }
0x48: {  	[tilespmem:$0x5100] =	vst v4;
	v52 =	vpop (erf)  }
0x49: {  	[tilespmem:$0x5110] =	vst v7;
	v53 =	vpop (erf);
	(xrf2) =	vadd.scan.msk.f32 $0xffff, v52  }
0x4a: {  	[tilespmem:$0x5120] =	vst v8;
	v11 =	vld [tilespmem:$0x510F];
	(xrf2) =	vadd.scan.msk.f32 $0xffff, v53  }
0x4b: {  	[tilespmem:$0x5130] =	vst v2;
	v12 =	vld [tilespmem:$0x5111]  }
0x4c: {  	[tilespmem:$0x5180] =	vst v1;
	v13 =	vld [tilespmem:$0x511F]  }
0x4d: {  	[tilespmem:$0x5190] =	vst v5;
	v15 =	vld [tilespmem:$0x5121]  }
0x4e: {  	[tilespmem:$0x51A0] =	vst v6;
	v16 =	vld [tilespmem:$0x518F]  }
0x4f: {  	v17 =	vld [tilespmem:$0x5191]  }
0x50: {  	[tilespmem:$0x51B0] =	vst v1;
	v55 =	vld [tilespmem:$0x519F]  }
0x51: {  	v56 =	vld [tilespmem:$0x51A1];
	_ =	sdelay $0x1  }
0x52: {  	vm8 =	veq.f32 v7, v11;
	vm9 =	veq.f32 v7, v12;
	vm6 =	veq.f32 v8, v13;
	v14, _, _ =	vpop (xrf2)  }
0x53: {  	vm7 =	veq.f32 v8, v15;
	vm2 =	vgt.s32 v5, v17;
	(v2sf) =	vpush v14, $0xF;
	v54, _, _ =	vpop (xrf2)  }
0x54: {  	vm5 =	vgt.s32 v16, v5;
	vm14 =	vgt.s32 v55, v6;
	(v2sf) =	vpush v54, $0xF  }
0x55: {  	vm11 =	vgt.s32 v6, v56;
	vm3 =	vmand vm9, vm0;
	vm4 =	vmand vm8, vm1  }
0x56: {  	vm10 =	vmand vm3, vm2;
	vm2 =	vmand vm7, vm0;
	v7 =	vsel vm5, v16, v5  }
0x57: {  	vm5 =	vmand vm6, vm1;
	v5 =	vsel vm4, v7, v5;
	v7 =	vsel vm14, v55, v6  }
0x58: {  	vm15 =	vmand vm2, vm11;
	v5 =	vsel vm10, v17, v5;
	v6 =	vsel vm5, v7, v6  }
0x59: {  	v6 =	vsel vm15, v56, v6;
	[tilespmem:$0x5190] =	vst v5  }
0x5a: {  	[tilespmem:$0x51A0] =	vst v6;
	v7 =	vld [tilespmem:$0x518F]  }
0x5b: {  	v57 =	vld [tilespmem:$0x5191]  }
0x5c: {  	v59 =	vld [tilespmem:$0x51A1]  }
0x5d: {  	v58 =	vld [tilespmem:$0x519F];
	_ =	sdelay $0x2  }
0x5e: {  	vm8 =	vmand vm8, vm0;
	vm6 =	vmand vm6, vm0;
	vm13 =	vgt.s32 v7, v5  }
0x5f: {  	vm12 =	vgt.s32 v5, v57;
	v7 =	vsel vm13, v7, v5;
	vm14 =	vgt.s32 v6, v59  }
0x60: {  	vm15 =	vgt.s32 v58, v6;
	vm9 =	vmand vm9, vm12;
	v5 =	vsel vm8, v7, v5;
	s23 =	spop (v2sf)  }
0x61: {  	vm7 =	vmand vm7, vm14;
	v7 =	vsel vm15, v58, v6;
	vm9 =	vmand vm9, vm1;
	s24 =	spop (v2sf)  }
0x62: {  	vm7 =	vmand vm7, vm1;
	v6 =	vsel vm6, v7, v6;
	v5 =	vsel vm9, v57, v5;
	s23 =	sadd.f32 s24, s23  }
0x63: {  	v6 =	vsel vm7, v59, v6;
	[tilespmem:$0x5190] =	vst v5  }
0x64: {  	[tilespmem:$0x51A0] =	vst v6;
	v7 =	vld [tilespmem:$0x518F];
	v60 =	vmov s23  }
0x65: {  	v61 =	vld [tilespmem:$0x5191];
	(erf) = vrcp.f32 v60  }
0x66: {  	v62 =	vld [tilespmem:$0x519F]  }
0x67: {  	v63 =	vld [tilespmem:$0x51A1];
	_ =	sdelay $0x3  }
0x68: {  	vm12 =	vgt.s32 v5, v61;
	vm13 =	vgt.s32 v7, v5  }
0x69: {  	s21 =	sadd.s32 $0x1, s21;
	vm14 =	vgt.s32 v62, v6;
	vm15 =	vgt.s32 v6, v63;
	v7 =	vsel vm13, v7, v5  }
0x6a: {  	p0 =	sne.s32 s21, $0x8;
	vm3 =	vmand vm3, vm12;
	v5 =	vsel vm4, v7, v5;
	v7 =	vsel vm14, v62, v6  }
.Ltmp5:
0x6b: {  	vm2 =	vmand vm2, vm15;
	v5 =	vsel vm3, v61, v5;
	v6 =	vsel vm5, v7, v6;
	v13 =	vpop (erf);
	(pc) =	sbr.rel @!p0 .LBB2_15-.Ltmp5, $4  }
0x6c: {  	v6 =	vsel vm2, v63, v6;
	[tilespmem:s22+$0x4D00] =	vst v5;
	v9 =	vmul.f32 v13, v52  }
0x6d: {  	[tilespmem:s22+$0x4D10] =	vst v6;
	v10 =	vmul.f32 v13, v53  }
0x6e: {  	[tilespmem:s22+$0x4900] =	vst v9  }
0x6f: {  	[tilespmem:s22+$0x4910] =	vst v10  }
.LBB2_3:
0x70: {  	s22 =	sshll.u32 s21, $0x7  }
0x71: {  	v5 =	vmov s22;
	_ =	sdelay $0x2  }
0x72: {  	s23 =	sand.u32 $0x40, s20;
	s24 =	sand.u32 $0x1C00, s20  }
0x73: {  	s24 =	sor.u32 s23, s24  }
0x74: {  	v7 =	vld.idx.msk [tilespmem:v5+s24+$0x30 ss:$0x1], $0xffff  }
0x75: {  	v9 =	vld.idx.msk [tilespmem:v5+s24+$0x0 ss:$0x1], $0xffff  }
0x76: {  	v13 =	vld.idx.msk [tilespmem:v5+s24+$0x10 ss:$0x1], $0xffff  }
0x77: {  	s25 =	simm.s32 $0x40;
	s23 =	simm.s32 $0x200  }
0x78: {  	s25 =	sand.u32 $0x40, s25;
	s26 =	sand.u32 $0x1C00, s23;
	v11 =	vld.idx.msk [tilespmem:v5+s24+$0x20 ss:$0x1], $0xffff  }
0x79: {  	v8 =	vimm.f32 $-Inf;
	v17 =	vimm.f32 $-Inf;
	s24 =	sor.u32 s25, s26  }
0x7a: {  	v16 =	vimm.f32 $-Inf;
	v18 =	vimm.f32 $-Inf;
	v6 =	vld.idx.msk [tilespmem:v5+s24+$0x30 ss:$0x1], $0xffff;
	v10 =	vmin.f32 v8, v7  }
0x7b: {  	v14 =	vld.idx.msk [tilespmem:v5+s24+$0x0 ss:$0x1], $0xffff;
	v12 =	vmin.f32 v8, v9;
	v9 =	vmax.f32 v8, v9;
	v19 =	vmin.f32 v8, v13  }
0x7c: {  	s25 =	simm.s32 $0x80;
	v15 =	vld.idx.msk [tilespmem:v5+s24+$0x10 ss:$0x1], $0xffff;
	v13 =	vmax.f32 v8, v13;
	v10 =	vmax.f32 v8, v10;
	v12 =	vmax.f32 v8, v12  }
.LBB2_4:
0x7d: {  	s26 =	sand.u32 $0x40, s25;
	s23 =	sadd.s32 $0x200, s23;
	v8 =	vmax.f32 v8, v19;
	v19 =	vmin.f32 v17, v11;
	v17 =	vmax.f32 v17, v11;
	v11 =	vld.idx.msk [tilespmem:v5+s24+$0x20 ss:$0x1], $0xffff;
	p0 =	sne.s32 s25, $0x3C0  }
.Ltmp6:
0x7e: {  	s25 =	sadd.s32 $0x40, s25;
	s24 =	sand.u32 $0x1C00, s23;
	v16 =	vmax.f32 v16, v19;
	(pc) =	sbr.rel @p0 .LBB2_4-.Ltmp6, $4  }
0x7f: {  	v18 =	vmax.f32 v18, v7;
	s24 =	sor.u32 s26, s24  }
0x80: {  	v19 =	vmin.f32 v18, v6;
	v7 =	vmov v6;
	v6 =	vld.idx.msk [tilespmem:v5+s24+$0x30 ss:$0x1], $0xffff  }
0x81: {  	v20 =	vmin.f32 v9, v14;
	v9 =	vmax.f32 v9, v14;
	v10 =	vmax.f32 v10, v19;
	v14 =	vld.idx.msk [tilespmem:v5+s24+$0x0 ss:$0x1], $0xffff  }
0x82: {  	v12 =	vmax.f32 v12, v20;
	v19 =	vmin.f32 v13, v15;
	v13 =	vmax.f32 v13, v15;
	v15 =	vld.idx.msk [tilespmem:v5+s24+$0x10 ss:$0x1], $0xffff  }
0x83: {  	_ =	sdelay $0x3  }
0x84: {  	v20 =	vld.idx.msk [tilespmem:v5+s24+$0x20 ss:$0x1], $0xffff;
	v8 =	vmax.f32 v8, v19  }
0x85: {  	v53 =	vmin.f32 v17, v11;
	v54 =	vmax.f32 v17, v11;
	v7 =	vmax.f32 v18, v7  }
0x86: {  	v16 =	vmax.f32 v16, v53;
	v55 =	vmin.f32 v7, v6;
	v6 =	vmax.f32 v7, v6  }
0x87: {  	v56 =	vmin.f32 v9, v14;
	v57 =	vmax.f32 v9, v14;
	v10 =	vmax.f32 v10, v55  }
0x88: {  	v12 =	vmax.f32 v12, v56;
	v58 =	vmin.f32 v13, v15;
	v59 =	vmax.f32 v13, v15  }
0x89: {  	v60 =	vmin.f32 v54, v20;
	v8 =	vmax.f32 v8, v58;
	v11 =	vmax.f32 v54, v20  }
0x8a: {  	v7 =	vmax.f32 v57, v59;
	v9 =	vmin.f32 v57, v59;
	v61 =	vmax.f32 v16, v60  }
0x8b: {  	v8 =	vmax.f32 v12, v8;
	v62 =	vmin.f32 v11, v6;
	v10 =	vmax.f32 v61, v10  }
0x8c: {  	v6 =	vmax.f32 v11, v6;
	v8 =	vmax.f32 v9, v8;
	v63 =	vmax.f32 v62, v10  }
0x8d: {  	v6 =	vmin.f32 v7, v6;
	v7 =	vmax.f32 v8, v63  }
0x8e: {  	v6 =	vmax.f32 v6, v7  }
0x8f: {  	(xrf0) =	vmin.scan.msk.f32 $0xffff, v6;
	_ =	sdelay $0x5  }
0x90: {  	v6, _, _ =	vpop (xrf0)  }
0x91: {  	s23 =	simm.s32 $0x0;
	s24 =	simm.s32 $0x0;
	v7 =	vimm.s32 $0x0;
	v6 =	vbroadcast v6, $0xF  }
.LBB2_6:
0x92: {  	s25 =	sand.u32 $0x40, s24;
	s26 =	sand.u32 $0x1C00, s23  }
0x93: {  	s25 =	sor.u32 s25, s26  }
0x94: {  	v8 =	vld.idx.msk [tilespmem:v5+s25+$0x0 ss:$0x1], $0xffff;
	_ =	sdelay $0x4  }
0x95: {  	vm2 =	vge.f32 v8, v6  }
0x96: {  	v9 =	vsel vm2, $0x1, v0  }
0x97: {  	(xrf0) =	vadd.scan.msk.s32 $0xffff, v9;
	_ =	sdelay $0x4  }
0x98: {  	v50 =	vsel vm2, $0xFFFFFFFF, v0  }
0x99: {  	v9 =	vadd.s32 v50, v7;
	v10, _, _ =	vpop (xrf0)  }
0x9a: {  	v9 =	vadd.s32 v10, v9;
	_ =	sdelay $0x3  }
0x9b: {  	s30 =	sadd.s32 $0x10, s24  }
0x9c: {  	s28 =	sand.u32 $0x50, s30;
	[tilespmem:v9+s11+$0x0] =	vst.idx.msk vm2, v8;
	v8 =	vor.u32 s24, v1  }
0x9d: {  	s28 =	sor.u32 s28, s26;
	[tilespmem:v9+s12+$0x0] =	vst.idx.msk vm2, v8  }
0x9e: {  	v8 =	vld.idx.msk [tilespmem:v5+s28+$0x0 ss:$0x1], $0xffff;
	_ =	sdelay $0x4  }
0x9f: {  	vm3 =	vge.f32 v8, v6  }
0xa0: {  	v51 =	vsel vm3, $0x1, v0  }
0xa1: {  	(xrf0) =	vadd.scan.msk.s32 $0xffff, v51;
	_ =	sdelay $0x2  }
0xa2: {  	v52 =	vmpcnt.ones.xlane vm2;
	_ =	sdelay $0x1  }
0xa3: {  	v7 =	vadd.s32 v7, v52;
	v53 =	vsel vm3, $0xFFFFFFFF, v0  }
0xa4: {  	v9 =	vadd.s32 v53, v7;
	v54, _, _ =	vpop (xrf0)  }
0xa5: {  	v9 =	vadd.s32 v54, v9;
	_ =	sdelay $0x3  }
0xa6: {  	s31 =	sadd.s32 $0x20, s24  }
0xa7: {  	s29 =	sand.u32 $0x60, s31;
	[tilespmem:v9+s11+$0x0] =	vst.idx.msk vm3, v8;
	v8 =	vor.u32 s30, v1  }
0xa8: {  	s25 =	sor.u32 s29, s26;
	[tilespmem:v9+s12+$0x0] =	vst.idx.msk vm3, v8  }
0xa9: {  	v8 =	vld.idx.msk [tilespmem:v5+s25+$0x0 ss:$0x1], $0xffff;
	_ =	sdelay $0x4  }
0xaa: {  	vm2 =	vge.f32 v8, v6  }
0xab: {  	v55 =	vsel vm2, $0x1, v0  }
0xac: {  	(xrf0) =	vadd.scan.msk.s32 $0xffff, v55;
	_ =	sdelay $0x2  }
0xad: {  	v56 =	vmpcnt.ones.xlane vm3;
	_ =	sdelay $0x1  }
0xae: {  	v7 =	vadd.s32 v7, v56;
	v57 =	vsel vm2, $0xFFFFFFFF, v0  }
0xaf: {  	v9 =	vadd.s32 v57, v7;
	v58, _, _ =	vpop (xrf0)  }
0xb0: {  	v9 =	vadd.s32 v58, v9;
	_ =	sdelay $0x3  }
0xb1: {  	s30 =	sadd.s32 $0x30, s24  }
0xb2: {  	[tilespmem:v9+s11+$0x0] =	vst.idx.msk vm2, v8;
	v8 =	vor.u32 s31, v1;
	s31 =	sand.u32 $0x70, s30  }
0xb3: {  	[tilespmem:v9+s12+$0x0] =	vst.idx.msk vm2, v8;
	s26 =	sor.u32 s31, s26  }
0xb4: {  	v8 =	vld.idx.msk [tilespmem:v5+s26+$0x0 ss:$0x1], $0xffff;
	_ =	sdelay $0x4  }
0xb5: {  	vm3 =	vge.f32 v8, v6  }
0xb6: {  	v59 =	vsel vm3, $0x1, v0  }
0xb7: {  	(xrf0) =	vadd.scan.msk.s32 $0xffff, v59;
	_ =	sdelay $0x2  }
0xb8: {  	v60 =	vmpcnt.ones.xlane vm2;
	_ =	sdelay $0x1  }
0xb9: {  	v7 =	vadd.s32 v7, v60;
	v61 =	vsel vm3, $0xFFFFFFFF, v0  }
0xba: {  	v9 =	vadd.s32 v61, v7;
	v62, _, _ =	vpop (xrf0)  }
0xbb: {  	v9 =	vadd.s32 v62, v9  }
0xbc: {  	p0 =	sne.s32 s24, $0x3C0  }
.Ltmp7:
0xbd: {  	_ = 	snop;
	(pc) =	sbr.rel @p0 .LBB2_6-.Ltmp7, $4  }
0xbe: {  	_ = 	snop  }
0xbf: {  	v63 =	vmpcnt.ones.xlane vm3  }
0xc0: {  	[tilespmem:v9+s11+$0x0] =	vst.idx.msk vm3, v8;
	v8 =	vor.u32 s30, v1  }
0xc1: {  	s23 =	sadd.s32 $0x200, s23;
	s24 =	sadd.s32 $0x40, s24;
	v7 =	vadd.s32 v7, v63;
	[tilespmem:v9+s12+$0x0] =	vst.idx.msk vm3, v8  }
0xc2: {  	(xrf0) =	vadd.scan.msk.s32 $0xffff, v7;
	_ =	sdelay $0x5  }
0xc3: {  	v5, _, _ =	vpop (xrf0)  }
0xc4: {  	(v2sf) =	vpush v5, $0xF;
	_ =	sdelay $0xe  }
0xc5: {  	s23 =	spop (v2sf)  }
0xc6: {  	s24 =	sand.u32 $0xF, s23  }
0xc7: {  	s25 =	sshra.s32 s23, $0x1F;
	p0 =	slt.s32 s23, $0x1;
	p1 =	sne.s32 s24, $0x0  }
0xc8: {  	s29 =	sshrl.u32 s25, $0x1C;
	p0 =	por !p0, !p1  }
0xc9: {  	s24 =	simm.s32 $0x1;
	s23 =	sadd.s32 s29, s23;
	p0 =	por !p0, !p0  }
0xca: {  	s23 =	sshra.s32 s23, $0x4;
	s24 =	simm.s32 @!p0 $0x0  }
0xcb: {  	s23 =	ssub.s32 s23, s24  }
0xcc: {  	[tilespmem:s23+$0x4000] =	vst v2  }
0xcd: {  	v5 =	vld [tilespmem:$0x4000]  }
0xce: {  	v6 =	vld [tilespmem:$0x4480]  }
0xcf: {  	v7 =	vld [tilespmem:$0x4010]  }
0xd0: {  	v8 =	vld [tilespmem:$0x4490];
	_ =	sdelay $0x3  }
0xd1: {  	(xrf1) =	vsort.dscd.msk.f32 $0xffff, v5, v6  }
0xd2: {  	(xrf1) =	vsort.dscd.msk.f32 $0xffff, v7, v8;
	_ =	sdelay $0xc  }
0xd3: {  	v5, v6, _ =	vpop (xrf1)  }
0xd4: {  	v7, v8, _ =	vpop (xrf1)  }
0xd5: {  	v7 =	vperm.xlane v7, v3  }
0xd6: {  	v8 =	vperm.xlane v8, v3  }
0xd7: {  	vm2 =	vge.f32 v5, v7  }
0xd8: {  	v9 =	vsel vm2, v5, v7;
	v10 =	vsel vm2, v6, v8  }
0xd9: {  	v5 =	vsel vm2, v7, v5;
	v6 =	vsel vm2, v8, v6;
	(xrf1) =	vsort.dscd.msk.f32 $0xffff, v9, v10  }
0xda: {  	(xrf1) =	vsort.dscd.msk.f32 $0xffff, v5, v6;
	_ =	sdelay $0x1  }
0xdb: {  	s24 =	sadd.s32 $0xF, s23  }
0xdc: {  	s30 =	sand.u32 $0xF, s24  }
0xdd: {  	p5 =	slt.s32 s23, $0xFFFFFFF2;
	s31 =	sshra.s32 s24, $0x1F;
	p6 =	sne.s32 s30, $0x0  }
0xde: {  	s23 =	sshrl.u32 s31, $0x1C;
	p0 =	por !p5, !p6  }
0xdf: {  	s23 =	sadd.s32 s23, s24;
	s24 =	simm.s32 $0x1;
	p0 =	por !p0, !p0  }
0xe0: {  	s23 =	sshra.s32 s23, $0x4;
	s24 =	simm.s32 @!p0 $0x0  }
0xe1: {  	s24 =	ssub.s32 s23, s24  }
0xe2: {  	p1 =	slt.s32 s24, $0x3  }
.Ltmp8:
0xe3: {  	_ = 	snop;
	(pc) =	sbr.rel @p1 .LBB2_14-.Ltmp8, $3  }
0xe4: {  	_ =	sdelay $0x1  }
0xe5: {  	v7, v5, _ =	vpop (xrf1)  }
0xe6: {  	v8, v6, _ =	vpop (xrf1)  }
0xe7: {  	s24 =	simm.s32 $0x4020  }
0xe8: {  	v9 =	vld [tilespmem:s24+$0x0];
	s24 =	simm.s32 $0xFFFFFFFF  }
0xe9: {  	s24 =	simm.s32 @!p0 $0x0  }
0xea: {  	s23 =	sadd.s32 s24, s23  }
0xeb: {  	s25 =	simm.s32 $0x44A0;
	s23 =	sadd.s32 $0xFFFFFFFE, s23  }
0xec: {  	v10 =	vld [tilespmem:s25+$0x0];
	p1 =	sne.s32 s23, $0x1  }
.Ltmp9:
0xed: {  	_ = 	snop;
	(pc) =	sbr.rel @!p1 .LBB2_9-.Ltmp9, $2  }
0xee: {  	_ =	sdelay $0x2  }
0xef: {  	p0 =	por $0x0, $0x0;
	s25 =	sadd.s32 $0xFFFFFFFF, s23;
	(xrf1) =	vsort.dscd.msk.f32 $0xffff, v9, v10  }
0xf0: {  	_ =	sdelay $0xc  }
0xf1: {  	v9, v10, _ =	vpop (xrf1)  }
0xf2: {  	v9 =	vperm.xlane v9, v3  }
0xf3: {  	v10 =	vperm.xlane v10, v3  }
0xf4: {  	vm2 =	vge.f32 v8, v9  }
0xf5: {  	v9 =	vsel vm2, v8, v9;
	v10 =	vsel vm2, v6, v10  }
0xf6: {  	s23 =	simm.s32 $0x4030;
	(xrf1) =	vsort.dscd.msk.f32 $0xffff, v9, v10  }
0xf7: {  	s24 =	simm.s32 $0x44B0;
	v11 =	vld [tilespmem:s23+$0x0]  }
0xf8: {  	v12 =	vld [tilespmem:s24+$0x0]  }
0xf9: {  	p1 =	sne.s32 s25, $0x1  }
.Ltmp10:
0xfa: {  	_ = 	snop;
	(pc) =	sbr.rel @!p1 .LBB2_11-.Ltmp10, $3  }
0xfb: {  	_ =	sdelay $0x1  }
0xfc: {  	(xrf1) =	vsort.dscd.msk.f32 $0xffff, v11, v12  }
0xfd: {  	s25 =	sadd.s32 $0xFFFFFFFF, s25;
	p0 =	por $0x1, $0x1;
	v10 =	vmov v7;
	v9 =	vmov v5  }
.LBB2_12:
0xfe: {  	p1 =	sne.s32 s25, $0x1;
	s25 =	sadd.s32 $0xFFFFFFFF, s25;
	_ =	sdelay $0x8  }
0xff: {  	v11, v12, _ =	vpop (xrf1)  }
0x100: {  	v11 =	vperm.xlane v11, v3  }
0x101: {  	v12 =	vperm.xlane v12, v3  }
0x102: {  	v13, v14, _ =	vpop (xrf1);
	vm2 =	vge.f32 v10, v11  }
0x103: {  	v13 =	vperm.xlane v13, v3;
	v15 =	vsel vm2, v11, v10;
	v16 =	vsel vm2, v12, v9  }
0x104: {  	v10 =	vsel vm2, v10, v11;
	v9 =	vsel vm2, v9, v12;
	(xrf1) =	vsort.dscd.msk.f32 $0xffff, v15, v16  }
0x105: {  	(xrf1) =	vsort.dscd.msk.f32 $0xffff, v10, v9;
	_ =	sdelay $0xb  }
0x106: {  	s23 =	sadd.s32 $0x10, s23  }
0x107: {  	s24 =	sadd.s32 $0x10, s24;
	v12 =	vperm.xlane v14, v3;
	v11 =	vld [tilespmem:s23+$0x0];
	v15, v14, _ =	vpop (xrf1)  }
0x108: {  	v16 =	vld [tilespmem:s24+$0x0];
	vm2 =	vge.f32 v15, v13;
	v10, v9, _ =	vpop (xrf1)  }
.Ltmp11:
0x109: {  	v13 =	vsel vm2, v15, v13;
	v12 =	vsel vm2, v14, v12;
	(pc) =	sbr.rel @p1 .LBB2_12-.Ltmp11, $2  }
0x10a: {  	(xrf1) =	vsort.dscd.msk.f32 $0xffff, v13, v12;
	_ =	sdelay $0x2  }
0x10b: {  	(xrf1) =	vsort.dscd.msk.f32 $0xffff, v11, v16  }
.Ltmp12:
0x10c: {  	_ = 	snop;
	(pc) =	sbr.rel .LBB2_13-.Ltmp12, $1  }
0x10d: {  	_ =	sdelay $0x3  }
.LBB2_11:
.Ltmp13:
0x10e: {  	(pc) =	sbr.rel .LBB2_13-.Ltmp13, $2  }
0x10f: {  	_ =	sdelay $0x2  }
0x110: {  	v10 =	vmov v7;
	v9 =	vmov v5  }
.LBB2_15:
0x111: {  	s20 =	sshll.u32 s19, $0x4  }
0x112: {  	s21 =	sadd.s32 s4, s20  }
0x113: {  	[hbm4b:s21+s2] =	stream.linear.scatter [tilespmem:s13], [sflag:$0x3], $0x400, $0x38;
	[tilespmem:$0x5200] =	vst v63  }
0x114: {  	_ =	swait.ge [sflag:s14], $0x400  }
0x115: {  	[sflag:s14] =	ssyncset.done $0x0  }
0x116: {  	s20 =	sadd.s32 s5, s20;
	[sflag:s14] =	ssyncadd.s32 $0xFFFFFC00  }
0x117: {  	[hbm4b:s20+s2] =	stream.linear.scatter [tilespmem:s15], [sflag:$0x3], $0x400, $0x38;
	[tilespmem:$0x5200] =	vst v63  }
0x118: {  	_ =	swait.ge [sflag:s14], $0x400  }
0x119: {  	[sflag:s14] =	ssyncset.done $0x0  }
0x11a: {  	s19 =	sor.u32 $0x8, s19;
	[sflag:s14] =	ssyncadd.s32 $0xFFFFFC00  }
.Ltmp14:
0x11b: {  	p0 =	seq.s32 s18, $0xF;
	_ =	swait.ge [sflag:s16], $0x2000;
	(pc) =	sbr.rel .LBB2_16-.Ltmp14, $4  }
0x11c: {  	s20 =	sshll.u32 @!p0 s19, $0x7;
	[sflag:s16] =	ssyncset.done $0x0  }
0x11d: {  	s21 =	simm.s32 @!p0 $0x0;
	s20 =	sadd.s32 @!p0 s20, s7;
	[sflag:s16] =	ssyncadd.s32 $0xFFFFE000  }
0x11e: {  	[tilespmem:s21], [sflag:$0x1] =	stream.linear.gather @!p0 [hbm4b:s20+s21], $0x2000, $0x38;
	[tilespmem:$0x5200] =	vst v63  }
0x11f: {  	s20 =	simm.s32 $0x0;
	s21 =	simm.s32 $0x0  }
.LBB2_22:
0x120: {  	v10 =	vmov v7;
	v9 =	vmov v5  }
.LBB2_26:
0x121: {  	_ =	sdelay $0x4  }
0x122: {  	v11, v12, _ =	vpop @p0 (xrf1)  }
0x123: {  	v11 =	vperm.xlane @p0 v11, v3  }
0x124: {  	v12 =	vperm.xlane @p0 v12, v3  }
0x125: {  	vm2 =	vge.f32 @p0 v10, v11  }
0x126: {  	v13 =	vsel @p0 vm2, v11, v10;
	v14 =	vsel @p0 vm2, v12, v9  }
0x127: {  	(xrf1) =	vsort.dscd.msk.f32 @p0 $0xffff, v13, v14;
	_ =	sdelay $0xc  }
0x128: {  	v13, v14, _ =	vpop (xrf1)  }
0x129: {  	v13 =	vperm.xlane v13, v3;
	v15, v16, _ =	vpop @p0 (xrf1)  }
0x12a: {  	v10 =	vsel @p0 vm2, v10, v11;
	v11 =	vperm.xlane v14, v3;
	v8 =	vpsel p0, v15, v8  }
0x12b: {  	v9 =	vsel @p0 vm2, v9, v12;
	v6 =	vpsel p0, v16, v6;
	vm2 =	vge.f32 v8, v13  }
0x12c: {  	(xrf1) =	vsort.dscd.msk.f32 @p0 $0xffff, v10, v9;
	v8 =	vsel vm2, v8, v13;
	v6 =	vsel vm2, v6, v11  }
0x12d: {  	(xrf1) =	vsort.dscd.msk.f32 $0xffff, v8, v6;
	_ =	sdelay $0xc  }
0x12e: {  	v6, v8, _ =	vpop @p0 (xrf1)  }
0x12f: {  	v9, v10, _ =	vpop (xrf1)  }
0x130: {  	v9 =	vperm.xlane v9, v3  }
0x131: {  	v6 =	vpsel p0, v6, v7;
	v7 =	vperm.xlane v10, v3  }
0x132: {  	v5 =	vpsel p0, v8, v5;
	vm2 =	vge.f32 v6, v9  }
0x133: {  	v8 =	vsel vm2, v9, v6;
	v10 =	vsel vm2, v7, v5  }
0x134: {  	v6 =	vsel vm2, v6, v9;
	v5 =	vsel vm2, v5, v7;
	(xrf1) =	vsort.dscd.msk.f32 $0xffff, v8, v10  }
0x135: {  	(xrf1) =	vsort.dscd.msk.f32 $0xffff, v6, v5;
	_ =	sdelay $0xc  }
0x136: {  	v8, v6, _ =	vpop (xrf1)  }
0x137: {  	v7, v5, _ =	vpop (xrf1)  }
.LBB2_27:
0x138: {  	(xrf0) =	vmax.scan.msk.f32 $0xffff, v7;
	_ =	sdelay $0x5  }
0x139: {  	v9, _, _ =	vpop (xrf0)  }
0x13a: {  	v9 =	vbroadcast v9, $0xF;
	_ =	sdelay $0x1  }
0x13b: {  	v10 =	vsub.f32 v7, v9  }
0x13c: {  	v9 =	vsub.f32 v8, v9  }
0x13d: {  	v10 =	vmul.f32 $1.442695020e+00, v10  }
0x13e: {  	v9 =	vmul.f32 $1.442695020e+00, v9  }
0x13f: {  	(erf) = vpow2.f32 v10  }
0x140: {  	(erf) = vpow2.f32 v9;
	_ =	sdelay $0x7  }
0x141: {  	[tilespmem:$0x5100] =	vst v4;
	v52 =	vpop (erf)  }
0x142: {  	[tilespmem:$0x5110] =	vst v7;
	v53 =	vpop (erf);
	(xrf2) =	vadd.scan.msk.f32 $0xffff, v52  }
0x143: {  	[tilespmem:$0x5120] =	vst v8;
	v11 =	vld [tilespmem:$0x510F];
	(xrf2) =	vadd.scan.msk.f32 $0xffff, v53  }
0x144: {  	[tilespmem:$0x5130] =	vst v2;
	v12 =	vld [tilespmem:$0x5111]  }
0x145: {  	[tilespmem:$0x5180] =	vst v1;
	v13 =	vld [tilespmem:$0x511F]  }
0x146: {  	[tilespmem:$0x5190] =	vst v5;
	v15 =	vld [tilespmem:$0x5121]  }
0x147: {  	[tilespmem:$0x51A0] =	vst v6;
	v16 =	vld [tilespmem:$0x518F]  }
0x148: {  	v17 =	vld [tilespmem:$0x5191]  }
0x149: {  	[tilespmem:$0x51B0] =	vst v1;
	v55 =	vld [tilespmem:$0x519F]  }
0x14a: {  	v56 =	vld [tilespmem:$0x51A1];
	_ =	sdelay $0x1  }
0x14b: {  	vm8 =	veq.f32 v7, v11;
	vm9 =	veq.f32 v7, v12;
	vm6 =	veq.f32 v8, v13;
	v14, _, _ =	vpop (xrf2)  }
0x14c: {  	vm7 =	veq.f32 v8, v15;
	vm2 =	vgt.s32 v5, v17;
	(v2sf) =	vpush v14, $0xF;
	v54, _, _ =	vpop (xrf2)  }
0x14d: {  	vm5 =	vgt.s32 v16, v5;
	vm14 =	vgt.s32 v55, v6;
	(v2sf) =	vpush v54, $0xF  }
0x14e: {  	vm11 =	vgt.s32 v6, v56;
	vm3 =	vmand vm9, vm0;
	vm4 =	vmand vm8, vm1  }
0x14f: {  	vm10 =	vmand vm3, vm2;
	vm2 =	vmand vm7, vm0;
	v7 =	vsel vm5, v16, v5  }
0x150: {  	vm5 =	vmand vm6, vm1;
	v5 =	vsel vm4, v7, v5;
	v7 =	vsel vm14, v55, v6  }
0x151: {  	vm15 =	vmand vm2, vm11;
	v5 =	vsel vm10, v17, v5;
	v6 =	vsel vm5, v7, v6  }
0x152: {  	v6 =	vsel vm15, v56, v6;
	[tilespmem:$0x5190] =	vst v5  }
0x153: {  	[tilespmem:$0x51A0] =	vst v6;
	v7 =	vld [tilespmem:$0x518F]  }
0x154: {  	v57 =	vld [tilespmem:$0x5191]  }
0x155: {  	v59 =	vld [tilespmem:$0x51A1]  }
0x156: {  	v58 =	vld [tilespmem:$0x519F];
	_ =	sdelay $0x2  }
0x157: {  	vm8 =	vmand vm8, vm0;
	vm6 =	vmand vm6, vm0;
	vm13 =	vgt.s32 v7, v5  }
0x158: {  	vm12 =	vgt.s32 v5, v57;
	v7 =	vsel vm13, v7, v5;
	vm14 =	vgt.s32 v6, v59  }
0x159: {  	vm15 =	vgt.s32 v58, v6;
	vm9 =	vmand vm9, vm12;
	v5 =	vsel vm8, v7, v5;
	s23 =	spop (v2sf)  }
0x15a: {  	vm7 =	vmand vm7, vm14;
	v7 =	vsel vm15, v58, v6;
	vm9 =	vmand vm9, vm1;
	s24 =	spop (v2sf)  }
0x15b: {  	vm7 =	vmand vm7, vm1;
	v6 =	vsel vm6, v7, v6;
	v5 =	vsel vm9, v57, v5;
	s23 =	sadd.f32 s24, s23  }
0x15c: {  	v6 =	vsel vm7, v59, v6;
	[tilespmem:$0x5190] =	vst v5  }
0x15d: {  	[tilespmem:$0x51A0] =	vst v6;
	v7 =	vld [tilespmem:$0x518F];
	v60 =	vmov s23  }
0x15e: {  	v61 =	vld [tilespmem:$0x5191];
	(erf) = vrcp.f32 v60  }
0x15f: {  	v62 =	vld [tilespmem:$0x519F]  }
0x160: {  	v63 =	vld [tilespmem:$0x51A1];
	_ =	sdelay $0x3  }
0x161: {  	vm12 =	vgt.s32 v5, v61;
	vm13 =	vgt.s32 v7, v5  }
0x162: {  	s21 =	sadd.s32 $0x1, s21;
	vm14 =	vgt.s32 v62, v6;
	vm15 =	vgt.s32 v6, v63;
	v7 =	vsel vm13, v7, v5  }
0x163: {  	p0 =	sne.s32 s21, $0x8;
	vm3 =	vmand vm3, vm12;
	v5 =	vsel vm4, v7, v5;
	v7 =	vsel vm14, v62, v6  }
.Ltmp15:
0x164: {  	vm2 =	vmand vm2, vm15;
	v5 =	vsel vm3, v61, v5;
	v6 =	vsel vm5, v7, v6;
	v13 =	vpop (erf);
	(pc) =	sbr.rel @!p0 .LBB2_28-.Ltmp15, $4  }
0x165: {  	v6 =	vsel vm2, v63, v6;
	[tilespmem:s22+$0x4D00] =	vst v5;
	v9 =	vmul.f32 v13, v52  }
0x166: {  	[tilespmem:s22+$0x4D10] =	vst v6;
	v10 =	vmul.f32 v13, v53  }
0x167: {  	[tilespmem:s22+$0x4900] =	vst v9  }
0x168: {  	[tilespmem:s22+$0x4910] =	vst v10  }
.LBB2_16:
0x169: {  	s22 =	sshll.u32 s21, $0x7  }
0x16a: {  	v5 =	vmov s22;
	_ =	sdelay $0x2  }
0x16b: {  	s23 =	sand.u32 $0x40, s20;
	s24 =	sand.u32 $0x1C00, s20  }
0x16c: {  	s24 =	sor.u32 s23, s24  }
0x16d: {  	v7 =	vld.idx.msk [tilespmem:v5+s24+$0x2030 ss:$0x1], $0xffff  }
0x16e: {  	v9 =	vld.idx.msk [tilespmem:v5+s24+$0x2000 ss:$0x1], $0xffff  }
0x16f: {  	v13 =	vld.idx.msk [tilespmem:v5+s24+$0x2010 ss:$0x1], $0xffff  }
0x170: {  	s25 =	simm.s32 $0x40;
	s23 =	simm.s32 $0x200  }
0x171: {  	s25 =	sand.u32 $0x40, s25;
	s26 =	sand.u32 $0x1C00, s23;
	v11 =	vld.idx.msk [tilespmem:v5+s24+$0x2020 ss:$0x1], $0xffff  }
0x172: {  	v8 =	vimm.f32 $-Inf;
	v17 =	vimm.f32 $-Inf;
	s24 =	sor.u32 s25, s26  }
0x173: {  	v16 =	vimm.f32 $-Inf;
	v18 =	vimm.f32 $-Inf;
	v6 =	vld.idx.msk [tilespmem:v5+s24+$0x2030 ss:$0x1], $0xffff;
	v10 =	vmin.f32 v8, v7  }
0x174: {  	v14 =	vld.idx.msk [tilespmem:v5+s24+$0x2000 ss:$0x1], $0xffff;
	v12 =	vmin.f32 v8, v9;
	v9 =	vmax.f32 v8, v9;
	v19 =	vmin.f32 v8, v13  }
0x175: {  	s25 =	simm.s32 $0x80;
	v15 =	vld.idx.msk [tilespmem:v5+s24+$0x2010 ss:$0x1], $0xffff;
	v13 =	vmax.f32 v8, v13;
	v10 =	vmax.f32 v8, v10;
	v12 =	vmax.f32 v8, v12  }
.LBB2_17:
0x176: {  	s26 =	sand.u32 $0x40, s25;
	s23 =	sadd.s32 $0x200, s23;
	v8 =	vmax.f32 v8, v19;
	v19 =	vmin.f32 v17, v11;
	v17 =	vmax.f32 v17, v11;
	v11 =	vld.idx.msk [tilespmem:v5+s24+$0x2020 ss:$0x1], $0xffff;
	p0 =	sne.s32 s25, $0x3C0  }
.Ltmp16:
0x177: {  	s25 =	sadd.s32 $0x40, s25;
	s24 =	sand.u32 $0x1C00, s23;
	v16 =	vmax.f32 v16, v19;
	(pc) =	sbr.rel @p0 .LBB2_17-.Ltmp16, $4  }
0x178: {  	v18 =	vmax.f32 v18, v7;
	s24 =	sor.u32 s26, s24  }
0x179: {  	v19 =	vmin.f32 v18, v6;
	v7 =	vmov v6;
	v6 =	vld.idx.msk [tilespmem:v5+s24+$0x2030 ss:$0x1], $0xffff  }
0x17a: {  	v20 =	vmin.f32 v9, v14;
	v9 =	vmax.f32 v9, v14;
	v10 =	vmax.f32 v10, v19;
	v14 =	vld.idx.msk [tilespmem:v5+s24+$0x2000 ss:$0x1], $0xffff  }
0x17b: {  	v12 =	vmax.f32 v12, v20;
	v19 =	vmin.f32 v13, v15;
	v13 =	vmax.f32 v13, v15;
	v15 =	vld.idx.msk [tilespmem:v5+s24+$0x2010 ss:$0x1], $0xffff  }
0x17c: {  	_ =	sdelay $0x3  }
0x17d: {  	v20 =	vld.idx.msk [tilespmem:v5+s24+$0x2020 ss:$0x1], $0xffff;
	v8 =	vmax.f32 v8, v19  }
0x17e: {  	v53 =	vmin.f32 v17, v11;
	v54 =	vmax.f32 v17, v11;
	v7 =	vmax.f32 v18, v7  }
0x17f: {  	v16 =	vmax.f32 v16, v53;
	v55 =	vmin.f32 v7, v6;
	v6 =	vmax.f32 v7, v6  }
0x180: {  	v56 =	vmin.f32 v9, v14;
	v57 =	vmax.f32 v9, v14;
	v10 =	vmax.f32 v10, v55  }
0x181: {  	v12 =	vmax.f32 v12, v56;
	v58 =	vmin.f32 v13, v15;
	v59 =	vmax.f32 v13, v15  }
0x182: {  	v60 =	vmin.f32 v54, v20;
	v8 =	vmax.f32 v8, v58;
	v11 =	vmax.f32 v54, v20  }
0x183: {  	v7 =	vmax.f32 v57, v59;
	v9 =	vmin.f32 v57, v59;
	v61 =	vmax.f32 v16, v60  }
0x184: {  	v8 =	vmax.f32 v12, v8;
	v62 =	vmin.f32 v11, v6;
	v10 =	vmax.f32 v61, v10  }
0x185: {  	v6 =	vmax.f32 v11, v6;
	v8 =	vmax.f32 v9, v8;
	v63 =	vmax.f32 v62, v10  }
0x186: {  	v6 =	vmin.f32 v7, v6;
	v7 =	vmax.f32 v8, v63  }
0x187: {  	v6 =	vmax.f32 v6, v7  }
0x188: {  	(xrf0) =	vmin.scan.msk.f32 $0xffff, v6;
	_ =	sdelay $0x5  }
0x189: {  	v6, _, _ =	vpop (xrf0)  }
0x18a: {  	s23 =	simm.s32 $0x0;
	s24 =	simm.s32 $0x0;
	v7 =	vimm.s32 $0x0;
	v6 =	vbroadcast v6, $0xF  }
.LBB2_19:
0x18b: {  	s25 =	sand.u32 $0x1C00, s23  }
0x18c: {  	s26 =	sand.u32 $0x40, s24;
	s25 =	sor.u32 $0x2000, s25  }
0x18d: {  	s26 =	sor.u32 s26, s25  }
0x18e: {  	v8 =	vld.idx.msk [tilespmem:v5+s26+$0x0 ss:$0x1], $0xffff;
	_ =	sdelay $0x4  }
0x18f: {  	vm2 =	vge.f32 v8, v6  }
0x190: {  	v9 =	vsel vm2, $0x1, v0  }
0x191: {  	(xrf0) =	vadd.scan.msk.s32 $0xffff, v9;
	_ =	sdelay $0x4  }
0x192: {  	v50 =	vsel vm2, $0xFFFFFFFF, v0  }
0x193: {  	v9 =	vadd.s32 v50, v7;
	v10, _, _ =	vpop (xrf0)  }
0x194: {  	v9 =	vadd.s32 v10, v9;
	_ =	sdelay $0x3  }
0x195: {  	s30 =	sadd.s32 $0x10, s24  }
0x196: {  	s28 =	sand.u32 $0x50, s30;
	[tilespmem:v9+s11+$0x0] =	vst.idx.msk vm2, v8;
	v8 =	vor.u32 s24, v1  }
0x197: {  	s28 =	sor.u32 s28, s25;
	[tilespmem:v9+s12+$0x0] =	vst.idx.msk vm2, v8  }
0x198: {  	v8 =	vld.idx.msk [tilespmem:v5+s28+$0x0 ss:$0x1], $0xffff;
	_ =	sdelay $0x4  }
0x199: {  	vm3 =	vge.f32 v8, v6  }
0x19a: {  	v51 =	vsel vm3, $0x1, v0  }
0x19b: {  	(xrf0) =	vadd.scan.msk.s32 $0xffff, v51;
	_ =	sdelay $0x2  }
0x19c: {  	v52 =	vmpcnt.ones.xlane vm2;
	_ =	sdelay $0x1  }
0x19d: {  	v7 =	vadd.s32 v7, v52;
	v53 =	vsel vm3, $0xFFFFFFFF, v0  }
0x19e: {  	v9 =	vadd.s32 v53, v7;
	v54, _, _ =	vpop (xrf0)  }
0x19f: {  	v9 =	vadd.s32 v54, v9;
	_ =	sdelay $0x3  }
0x1a0: {  	s31 =	sadd.s32 $0x20, s24  }
0x1a1: {  	s29 =	sand.u32 $0x60, s31;
	[tilespmem:v9+s11+$0x0] =	vst.idx.msk vm3, v8;
	v8 =	vor.u32 s30, v1  }
0x1a2: {  	s26 =	sor.u32 s29, s25;
	[tilespmem:v9+s12+$0x0] =	vst.idx.msk vm3, v8  }
0x1a3: {  	v8 =	vld.idx.msk [tilespmem:v5+s26+$0x0 ss:$0x1], $0xffff;
	_ =	sdelay $0x4  }
0x1a4: {  	vm2 =	vge.f32 v8, v6  }
0x1a5: {  	v55 =	vsel vm2, $0x1, v0  }
0x1a6: {  	(xrf0) =	vadd.scan.msk.s32 $0xffff, v55;
	_ =	sdelay $0x2  }
0x1a7: {  	v56 =	vmpcnt.ones.xlane vm3;
	_ =	sdelay $0x1  }
0x1a8: {  	v7 =	vadd.s32 v7, v56;
	v57 =	vsel vm2, $0xFFFFFFFF, v0  }
0x1a9: {  	v9 =	vadd.s32 v57, v7;
	v58, _, _ =	vpop (xrf0)  }
0x1aa: {  	v9 =	vadd.s32 v58, v9;
	_ =	sdelay $0x3  }
0x1ab: {  	s30 =	sadd.s32 $0x30, s24  }
0x1ac: {  	[tilespmem:v9+s11+$0x0] =	vst.idx.msk vm2, v8;
	v8 =	vor.u32 s31, v1;
	s31 =	sand.u32 $0x70, s30  }
0x1ad: {  	[tilespmem:v9+s12+$0x0] =	vst.idx.msk vm2, v8;
	s25 =	sor.u32 s31, s25  }
0x1ae: {  	v8 =	vld.idx.msk [tilespmem:v5+s25+$0x0 ss:$0x1], $0xffff;
	_ =	sdelay $0x4  }
0x1af: {  	vm3 =	vge.f32 v8, v6  }
0x1b0: {  	v59 =	vsel vm3, $0x1, v0  }
0x1b1: {  	(xrf0) =	vadd.scan.msk.s32 $0xffff, v59;
	_ =	sdelay $0x2  }
0x1b2: {  	v60 =	vmpcnt.ones.xlane vm2;
	_ =	sdelay $0x1  }
0x1b3: {  	v7 =	vadd.s32 v7, v60;
	v61 =	vsel vm3, $0xFFFFFFFF, v0  }
0x1b4: {  	v9 =	vadd.s32 v61, v7;
	v62, _, _ =	vpop (xrf0)  }
0x1b5: {  	v9 =	vadd.s32 v62, v9  }
0x1b6: {  	p0 =	sne.s32 s24, $0x3C0  }
.Ltmp17:
0x1b7: {  	_ = 	snop;
	(pc) =	sbr.rel @p0 .LBB2_19-.Ltmp17, $4  }
0x1b8: {  	_ = 	snop  }
0x1b9: {  	v63 =	vmpcnt.ones.xlane vm3  }
0x1ba: {  	[tilespmem:v9+s11+$0x0] =	vst.idx.msk vm3, v8;
	v8 =	vor.u32 s30, v1  }
0x1bb: {  	s23 =	sadd.s32 $0x200, s23;
	s24 =	sadd.s32 $0x40, s24;
	v7 =	vadd.s32 v7, v63;
	[tilespmem:v9+s12+$0x0] =	vst.idx.msk vm3, v8  }
0x1bc: {  	(xrf0) =	vadd.scan.msk.s32 $0xffff, v7;
	_ =	sdelay $0x5  }
0x1bd: {  	v5, _, _ =	vpop (xrf0)  }
0x1be: {  	(v2sf) =	vpush v5, $0xF;
	_ =	sdelay $0xe  }
0x1bf: {  	s23 =	spop (v2sf)  }
0x1c0: {  	s24 =	sand.u32 $0xF, s23  }
0x1c1: {  	s25 =	sshra.s32 s23, $0x1F;
	p0 =	slt.s32 s23, $0x1;
	p1 =	sne.s32 s24, $0x0  }
0x1c2: {  	s29 =	sshrl.u32 s25, $0x1C;
	p0 =	por !p0, !p1  }
0x1c3: {  	s24 =	simm.s32 $0x1;
	s23 =	sadd.s32 s29, s23;
	p0 =	por !p0, !p0  }
0x1c4: {  	s23 =	sshra.s32 s23, $0x4;
	s24 =	simm.s32 @!p0 $0x0  }
0x1c5: {  	s23 =	ssub.s32 s23, s24  }
0x1c6: {  	[tilespmem:s23+$0x4000] =	vst v2  }
0x1c7: {  	v5 =	vld [tilespmem:$0x4000]  }
0x1c8: {  	v6 =	vld [tilespmem:$0x4480]  }
0x1c9: {  	v7 =	vld [tilespmem:$0x4010]  }
0x1ca: {  	v8 =	vld [tilespmem:$0x4490];
	_ =	sdelay $0x3  }
0x1cb: {  	(xrf1) =	vsort.dscd.msk.f32 $0xffff, v5, v6  }
0x1cc: {  	(xrf1) =	vsort.dscd.msk.f32 $0xffff, v7, v8;
	_ =	sdelay $0xc  }
0x1cd: {  	v5, v6, _ =	vpop (xrf1)  }
0x1ce: {  	v7, v8, _ =	vpop (xrf1)  }
0x1cf: {  	v7 =	vperm.xlane v7, v3  }
0x1d0: {  	v8 =	vperm.xlane v8, v3  }
0x1d1: {  	vm2 =	vge.f32 v5, v7  }
0x1d2: {  	v9 =	vsel vm2, v5, v7;
	v10 =	vsel vm2, v6, v8  }
0x1d3: {  	v5 =	vsel vm2, v7, v5;
	v6 =	vsel vm2, v8, v6;
	(xrf1) =	vsort.dscd.msk.f32 $0xffff, v9, v10  }
0x1d4: {  	(xrf1) =	vsort.dscd.msk.f32 $0xffff, v5, v6;
	_ =	sdelay $0x1  }
0x1d5: {  	s24 =	sadd.s32 $0xF, s23  }
0x1d6: {  	s30 =	sand.u32 $0xF, s24  }
0x1d7: {  	p5 =	slt.s32 s23, $0xFFFFFFF2;
	s31 =	sshra.s32 s24, $0x1F;
	p6 =	sne.s32 s30, $0x0  }
0x1d8: {  	s23 =	sshrl.u32 s31, $0x1C;
	p0 =	por !p5, !p6  }
0x1d9: {  	s23 =	sadd.s32 s23, s24;
	s24 =	simm.s32 $0x1;
	p0 =	por !p0, !p0  }
0x1da: {  	s23 =	sshra.s32 s23, $0x4;
	s24 =	simm.s32 @!p0 $0x0  }
0x1db: {  	s24 =	ssub.s32 s23, s24  }
0x1dc: {  	p1 =	slt.s32 s24, $0x3  }
.Ltmp18:
0x1dd: {  	_ = 	snop;
	(pc) =	sbr.rel @p1 .LBB2_27-.Ltmp18, $3  }
0x1de: {  	_ =	sdelay $0x1  }
0x1df: {  	v7, v5, _ =	vpop (xrf1)  }
0x1e0: {  	v8, v6, _ =	vpop (xrf1)  }
0x1e1: {  	s24 =	simm.s32 $0x4020  }
0x1e2: {  	v9 =	vld [tilespmem:s24+$0x0];
	s24 =	simm.s32 $0xFFFFFFFF  }
0x1e3: {  	s24 =	simm.s32 @!p0 $0x0  }
0x1e4: {  	s23 =	sadd.s32 s24, s23  }
0x1e5: {  	s25 =	simm.s32 $0x44A0;
	s23 =	sadd.s32 $0xFFFFFFFE, s23  }
0x1e6: {  	v10 =	vld [tilespmem:s25+$0x0];
	p1 =	sne.s32 s23, $0x1  }
.Ltmp19:
0x1e7: {  	_ = 	snop;
	(pc) =	sbr.rel @!p1 .LBB2_22-.Ltmp19, $2  }
0x1e8: {  	_ =	sdelay $0x2  }
0x1e9: {  	p0 =	por $0x0, $0x0;
	s25 =	sadd.s32 $0xFFFFFFFF, s23;
	(xrf1) =	vsort.dscd.msk.f32 $0xffff, v9, v10  }
0x1ea: {  	_ =	sdelay $0xc  }
0x1eb: {  	v9, v10, _ =	vpop (xrf1)  }
0x1ec: {  	v9 =	vperm.xlane v9, v3  }
0x1ed: {  	v10 =	vperm.xlane v10, v3  }
0x1ee: {  	vm2 =	vge.f32 v8, v9  }
0x1ef: {  	v9 =	vsel vm2, v8, v9;
	v10 =	vsel vm2, v6, v10  }
0x1f0: {  	s23 =	simm.s32 $0x4030;
	(xrf1) =	vsort.dscd.msk.f32 $0xffff, v9, v10  }
0x1f1: {  	s24 =	simm.s32 $0x44B0;
	v11 =	vld [tilespmem:s23+$0x0]  }
0x1f2: {  	v12 =	vld [tilespmem:s24+$0x0]  }
0x1f3: {  	p1 =	sne.s32 s25, $0x1  }
.Ltmp20:
0x1f4: {  	_ = 	snop;
	(pc) =	sbr.rel @!p1 .LBB2_24-.Ltmp20, $3  }
0x1f5: {  	_ =	sdelay $0x1  }
0x1f6: {  	(xrf1) =	vsort.dscd.msk.f32 $0xffff, v11, v12  }
0x1f7: {  	s25 =	sadd.s32 $0xFFFFFFFF, s25;
	p0 =	por $0x1, $0x1;
	v10 =	vmov v7;
	v9 =	vmov v5  }
.LBB2_25:
0x1f8: {  	p1 =	sne.s32 s25, $0x1;
	s25 =	sadd.s32 $0xFFFFFFFF, s25;
	_ =	sdelay $0x8  }
0x1f9: {  	v11, v12, _ =	vpop (xrf1)  }
0x1fa: {  	v11 =	vperm.xlane v11, v3  }
0x1fb: {  	v12 =	vperm.xlane v12, v3  }
0x1fc: {  	v13, v14, _ =	vpop (xrf1);
	vm2 =	vge.f32 v10, v11  }
0x1fd: {  	v13 =	vperm.xlane v13, v3;
	v15 =	vsel vm2, v11, v10;
	v16 =	vsel vm2, v12, v9  }
0x1fe: {  	v10 =	vsel vm2, v10, v11;
	v9 =	vsel vm2, v9, v12;
	(xrf1) =	vsort.dscd.msk.f32 $0xffff, v15, v16  }
0x1ff: {  	(xrf1) =	vsort.dscd.msk.f32 $0xffff, v10, v9;
	_ =	sdelay $0xb  }
0x200: {  	s23 =	sadd.s32 $0x10, s23  }
0x201: {  	s24 =	sadd.s32 $0x10, s24;
	v12 =	vperm.xlane v14, v3;
	v11 =	vld [tilespmem:s23+$0x0];
	v15, v14, _ =	vpop (xrf1)  }
0x202: {  	v16 =	vld [tilespmem:s24+$0x0];
	vm2 =	vge.f32 v15, v13;
	v10, v9, _ =	vpop (xrf1)  }
.Ltmp21:
0x203: {  	v13 =	vsel vm2, v15, v13;
	v12 =	vsel vm2, v14, v12;
	(pc) =	sbr.rel @p1 .LBB2_25-.Ltmp21, $2  }
0x204: {  	(xrf1) =	vsort.dscd.msk.f32 $0xffff, v13, v12;
	_ =	sdelay $0x2  }
0x205: {  	(xrf1) =	vsort.dscd.msk.f32 $0xffff, v11, v16  }
.Ltmp22:
0x206: {  	_ = 	snop;
	(pc) =	sbr.rel .LBB2_26-.Ltmp22, $1  }
0x207: {  	_ =	sdelay $0x3  }
.LBB2_24:
.Ltmp23:
0x208: {  	(pc) =	sbr.rel .LBB2_26-.Ltmp23, $2  }
0x209: {  	_ =	sdelay $0x2  }
0x20a: {  	v10 =	vmov v7;
	v9 =	vmov v5  }
.LBB2_30:
0x20b: {  	_ =	sfence.sel $0x180000  }
0x20c: {  	[bflag:$0x0] =	sbarrier.arrive $0xFFFF  }
0x20d: {  	p0 =	sne.s32 s0, $0x0;
	_ =	strace $0x9000004A  }
0x20e: {  	s0 =	sadd.s32 @!p0 $0x100000, s1;
	[bflag:$0x2] =	sbarrier.arrive $0xFFFF  }
0x20f: {  	[sflag:s0] =	ssyncadd.tile.s32 @!p0 $0x1;
	_ =	shalt  }
.Lfunc_end2:
_tile_overlayer_lowered:
.L_overlay_start_2:
0x210: {  	(tag) =	ssettag $0x2  }
0x211: {  	s0 =	rddreg [dreg:$0x0];
	s2 =	stileid.u32  }
0x212: {  	s1 =	rddreg [dreg:$0x1];
	p0 =	sne.s32 s2, $0x0  }
0x213: {  	s3 =	rddreg [dreg:$0x2];
	[bflag:$0x3] =	sbarrier.arrive $0xFFFF;
	s2 =	simm.s32 @!p0 $0x1C03  }
0x214: {  	[timem:s3], [sflag:s2] =	dma.local @!p0 [hbm:s0], s1  }
0x215: {  	s0 =	simm.s32 @!p0 $0x3  }
0x216: {  	_ =	swait.ge @!p0 [sflag:s0], s1  }
0x217: {  	s1 =	ssub.s32 @!p0 $0x0, s1;
	[sflag:s0] =	ssyncset.done @!p0 $0x0  }
0x218: {  	[sflag:s0] =	ssyncadd.s32 @!p0 s1  }
0x219: {  	[bflag:$0x3] =	sbarrier.arrive $0xFFFF  }
0x21a: {  	_ =	shalt  }

</sc_bundles>
